<compile_context>
chip_gen: v7x
topology: tpu7x:2x2x1
jax: 0.10.2.dev20260603
libtpu: 0.0.44.dev20260713+nightly
codegen_flags: <defaults>
</compile_context>

<pallas_src>
import functools

import jax
import jax.numpy as jnp
from jax import lax
from jax.experimental import pallas as pl
from jax.experimental.pallas import tpu as pltpu
from jax.experimental.pallas import tpu_sc as plsc

NN = 10000
EE = 320000
HH = 128
LL = 4
NROWS = 10112
DUMMY = NN
NC = 2
NT = 16
CH = 128
NP = 2
CPP = 40
CPT = NP * CPP
EPT = CPT * CH
ROWS_PT = NROWS // NT

_sc_mesh = plsc.VectorSubcoreMesh(core_axis_name="c", subcore_axis_name="s")



@functools.partial(
    pl.kernel,
    out_type=jax.ShapeDtypeStruct((NC, NROWS), jnp.float32),
    mesh=_sc_mesh,
    scratch_types=[
        pltpu.VMEM((CPT, CH), jnp.int32),
        pltpu.VMEM((CH,), jnp.float32),
        pltpu.VMEM((NROWS,), jnp.float32),
        pltpu.VMEM_SHARED((NROWS,), jnp.float32),
    ],
)
def _sc_degrees(srcp_hbm, dstp_hbm, out_hbm, idxv, onesv, zb, deg):
    c = lax.axis_index("c")
    s = lax.axis_index("s")
    one16 = jnp.full((16,), 1.0, jnp.float32)
    for k in range(CH // 16):
        onesv[pl.ds(k * 16, 16)] = one16

    @pl.when(s == 0)
    def _zero():
        zero16 = jnp.zeros((16,), jnp.float32)

        def zbody(i, carry):
            zb[pl.ds(i * 16, 16)] = zero16
            return carry

        lax.fori_loop(0, NROWS // 16, zbody, 0)
        pltpu.sync_copy(zb, deg)

    plsc.subcore_barrier()

    def hist(idx_hbm):
        for half in range(NC):
            pltpu.sync_copy(idx_hbm.at[half * NT + s], idxv)

            def body(j, carry):
                pltpu.sync_copy(onesv, deg.at[idxv.at[j]], add=True)
                return carry

            lax.fori_loop(0, CPT, body, 0)

    @pl.when(c == 0)
    def _src():
        hist(srcp_hbm)

    @pl.when(c == 1)
    def _dst():
        hist(dstp_hbm)

    plsc.subcore_barrier()

    @pl.when(s == 0)
    def _out():
        pltpu.sync_copy(deg, out_hbm.at[c])


@functools.partial(
    pl.kernel,
    out_type=jax.ShapeDtypeStruct((NC, NROWS, HH), jnp.float32),
    mesh=_sc_mesh,
    scratch_types=[
        pltpu.VMEM((CPP, CH), jnp.int32),
        pltpu.VMEM((CPP, CH), jnp.int32),
        pltpu.VMEM((2, CH, HH), jnp.float32),
        pltpu.VMEM_SHARED((NROWS, HH), jnp.float32),
        pltpu.SemaphoreType.DMA,
    ],
)
def _sc_spmm(xs_hbm, srcp_hbm, dstp_hbm, out_hbm, sidx, didx, gbuf, agg, sem):
    c = lax.axis_index("c")
    s = lax.axis_index("s")
    w = c * NT + s

    zero16 = jnp.zeros((16,), jnp.float32)

    def zbody(i, carry):
        r = i // (HH // 16)
        k = (i % (HH // 16)) * 16
        gbuf[0, r, pl.ds(k, 16)] = zero16
        return carry

    lax.fori_loop(0, CH * (HH // 16), zbody, 0)

    base = s * ROWS_PT
    for k in range(4):
        pltpu.sync_copy(gbuf.at[0], agg.at[pl.ds(base + k * CH, CH), :])
    pltpu.sync_copy(gbuf.at[0, pl.ds(0, ROWS_PT - 4 * CH), :],
                    agg.at[pl.ds(base + 4 * CH, ROWS_PT - 4 * CH), :])

    plsc.subcore_barrier()

    def gather(j, b):
        pltpu.async_copy(xs_hbm.at[sidx.at[j]], gbuf.at[b], sem)

    def gwait(b):
        pltpu.make_async_copy(xs_hbm.at[sidx.at[0]], gbuf.at[b], sem).wait()

    for p in range(NP):
        pltpu.sync_copy(srcp_hbm.at[w, pl.ds(p * CPP, CPP), :], sidx)
        pltpu.sync_copy(dstp_hbm.at[w, pl.ds(p * CPP, CPP), :], didx)
        gather(0, 0)

        def body(i, carry):
            j0 = 2 * i
            gwait(0)
            gather(j0 + 1, 1)
            pltpu.sync_copy(gbuf.at[0], agg.at[didx.at[j0]], add=True)
            gwait(1)

            @pl.when(i < CPP // 2 - 1)
            def _pref():
                gather(j0 + 2, 0)

            pltpu.sync_copy(gbuf.at[1], agg.at[didx.at[j0 + 1]], add=True)
            return carry

        lax.fori_loop(0, CPP // 2, body, 0)

    plsc.subcore_barrier()
    for k in range(4):
        pltpu.sync_copy(agg.at[pl.ds(base + k * CH, CH), :],
                        out_hbm.at[c, pl.ds(base + k * CH, CH), :])
    pltpu.sync_copy(agg.at[pl.ds(base + 4 * CH, ROWS_PT - 4 * CH), :],
                    out_hbm.at[c, pl.ds(base + 4 * CH, ROWS_PT - 4 * CH), :])



def _tc_prep_body(h_ref, emb_ref, degT_ref, x0_ref, xs_ref):
    hv = h_ref[...]
    oh = (hv == lax.broadcasted_iota(jnp.int32, (NN, 28), 1)).astype(jnp.float32)
    x0 = lax.dot_general(oh, emb_ref[...], (((1,), (0,)), ((), ())),
                         preferred_element_type=jnp.float32)
    norm = lax.rsqrt(jnp.maximum(degT_ref[...], 1.0))
    x0_ref[...] = x0
    xs_ref[0:NN, :] = x0 * norm[:, 0:1]
    xs_ref[NN:NROWS, :] = jnp.zeros((NROWS - NN, HH), jnp.float32)


_tc_prep = pl.pallas_call(
    _tc_prep_body,
    out_shape=(
        jax.ShapeDtypeStruct((NN, HH), jnp.float32),
        jax.ShapeDtypeStruct((NROWS, HH), jnp.float32),
    ),
)


def _tc_layer_body(agg2_ref, x_ref, degT_ref, w_ref, b_ref, g_ref, be_ref,
                   xo_ref, xso_ref):
    p = agg2_ref[0, 0:NN, :] + agg2_ref[1, 0:NN, :]
    norm = lax.rsqrt(jnp.maximum(degT_ref[...], 1.0))
    a = p * norm[:, 1:2]
    z = lax.dot_general(a, w_ref[...], (((1,), (0,)), ((), ())),
                        preferred_element_type=jnp.float32) + b_ref[...]
    mean = jnp.mean(z, axis=0, keepdims=True)
    zc = z - mean
    var = jnp.mean(zc * zc, axis=0, keepdims=True)
    zn = g_ref[...] * zc / jnp.sqrt(var + 1e-5) + be_ref[...]
    xo = x_ref[...] + jnp.maximum(zn, 0.0)
    xo_ref[...] = xo
    xso_ref[0:NN, :] = xo * norm[:, 0:1]
    xso_ref[NN:NROWS, :] = jnp.zeros((NROWS - NN, HH), jnp.float32)


_tc_layer = pl.pallas_call(
    _tc_layer_body,
    out_shape=(
        jax.ShapeDtypeStruct((NN, HH), jnp.float32),
        jax.ShapeDtypeStruct((NROWS, HH), jnp.float32),
    ),
)


def _tc_readout_body(x_ref, w1_ref, b1_ref, w2_ref, b2_ref, w3_ref, b3_ref,
                     o_ref):
    hg = jnp.mean(x_ref[...], axis=0, keepdims=True)
    y = jnp.maximum(
        lax.dot_general(hg, w1_ref[...], (((1,), (0,)), ((), ())),
                        preferred_element_type=jnp.float32) + b1_ref[...], 0.0)
    y = jnp.maximum(
        lax.dot_general(y, w2_ref[...], (((1,), (0,)), ((), ())),
                        preferred_element_type=jnp.float32) + b2_ref[...], 0.0)
    o_ref[...] = lax.dot_general(y, w3_ref[...], (((1,), (0,)), ((), ())),
                                 preferred_element_type=jnp.float32) + b3_ref[...]


_tc_readout = pl.pallas_call(
    _tc_readout_body,
    out_shape=jax.ShapeDtypeStruct((1, 1), jnp.float32),
)



def kernel(edge_index, h, e, emb, Ws, bs, gammas, betas, W1, b1, W2, b2, W3, b3):
    del e
    ept_real = EE // (NC * NT)

    def prep_idx(a):
        a = a.reshape(NC * NT, ept_real)
        a = jnp.pad(a, ((0, 0), (0, EPT - ept_real)), constant_values=DUMMY)
        return a.reshape(NC * NT, CPT, CH)

    srcp = prep_idx(edge_index[0])
    dstp = prep_idx(edge_index[1])

    deg2 = _sc_degrees(srcp, dstp)
    degT = deg2[:, :NN].T
    x, xs = _tc_prep(h.reshape(NN, 1), emb, degT)
    for i in range(LL):
        agg2 = _sc_spmm(xs, srcp, dstp)
        x, xs = _tc_layer(agg2, x, degT, Ws[i], bs[i].reshape(1, HH),
                          gammas[i].reshape(1, HH), betas[i].reshape(1, HH))
    out = _tc_readout(x, W1, b1.reshape(1, HH // 2), W2, b2.reshape(1, HH // 4),
                      W3, b3.reshape(1, 1))
    return out.reshape(1)

# --- scband reference (transcript-rebuilt; emitter-appended) ---
"""Pipeline reference for scband-gcnnet-76390288327374 (READ-ONLY COPY).

The authoritative reference and input builder live on the scoring server;
editing this copy changes nothing except your own understanding.
"""

import jax, jax.numpy as jnp
import numpy as np

N = 10000
E = 320000
H = 128
L = 4
ATOM = 28
BOND = 4

def setup_inputs(seed: int = 0) -> dict:
    key = jax.random.key(seed)
    ks = jax.random.split(key, 20)
    edge_index = jax.random.randint(ks[0], (2, E), 0, N, dtype=jnp.int32)
    h = jax.random.randint(ks[1], (N,), 0, ATOM, dtype=jnp.int32)
    e = jax.random.randint(ks[2], (E,), 0, BOND, dtype=jnp.int32)
    s = 1.0 / np.sqrt(H)
    emb = jax.random.normal(ks[3], (ATOM, H), dtype=jnp.float32) * s
    Ws = jax.random.normal(ks[4], (L, H, H), dtype=jnp.float32) * s
    bs = jnp.zeros((L, H), dtype=jnp.float32)
    gammas = jnp.ones((L, H), dtype=jnp.float32)
    betas = jnp.zeros((L, H), dtype=jnp.float32)
    W1 = jax.random.normal(ks[5], (H, H // 2), dtype=jnp.float32) * s
    b1 = jnp.zeros((H // 2,), dtype=jnp.float32)
    W2 = jax.random.normal(ks[6], (H // 2, H // 4), dtype=jnp.float32) * (1.0 / np.sqrt(H // 2))
    b2 = jnp.zeros((H // 4,), dtype=jnp.float32)
    W3 = jax.random.normal(ks[7], (H // 4, 1), dtype=jnp.float32) * (1.0 / np.sqrt(H // 4))
    b3 = jnp.zeros((1,), dtype=jnp.float32)
    return {"edge_index": edge_index, "h": h, "e": e, "emb": emb, "Ws": Ws, "bs": bs,
            "gammas": gammas, "betas": betas, "W1": W1, "b1": b1, "W2": W2, "b2": b2, "W3": W3, "b3": b3}

def reference(edge_index, h, e, emb, Ws, bs, gammas, betas, W1, b1, W2, b2, W3, b3):
    src = edge_index[0]
    dst = edge_index[1]
    n = h.shape[0]
    ones = jnp.ones((src.shape[0],), dtype=jnp.float32)
    out_deg = jax.ops.segment_sum(ones, src, num_segments=n)
    in_deg = jax.ops.segment_sum(ones, dst, num_segments=n)
    norm_out = 1.0 / jnp.sqrt(jnp.clip(out_deg, 1.0))
    norm_in = 1.0 / jnp.sqrt(jnp.clip(in_deg, 1.0))
    x = emb[h]
    for i in range(L):
        x_in = x
        m = (x * norm_out[:, None])[src]
        agg = jax.ops.segment_sum(m, dst, num_segments=n) * norm_in[:, None]
        z = agg @ Ws[i] + bs[i]
        mean = jnp.mean(z, axis=0)
        var = jnp.var(z, axis=0)
        z = gammas[i] * (z - mean) / jnp.sqrt(var + 1e-5) + betas[i]
        z = jax.nn.relu(z)
        x = x_in + z
    hg = jnp.mean(x, axis=0)
    y = jax.nn.relu(hg @ W1 + b1)
    y = jax.nn.relu(y @ W2 + b2)
    return y @ W3 + b3

if __name__ == "__main__":
    import jax
    _d = setup_inputs()
    print(jax.jit(kernel)(*tuple(_d.values())))

</pallas_src>

<mosaic_0001>
#map = affine_map<(d0, d1) -> (0, 0)>
#map1 = affine_map<(d0, d1) -> (0, 0, 0)>
module attributes {stable_mosaic.version = 14 : i64} {
  func.func @_sc_spmm(%arg0: i32, %arg1: i32, %arg2: memref<10112x128xf32, #tpu.memory_space<hbm>>, %arg3: memref<32x80x128xi32, #tpu.memory_space<hbm>>, %arg4: memref<32x80x128xi32, #tpu.memory_space<hbm>>, %arg5: memref<2x10112x128xf32, #tpu.memory_space<hbm>>, %arg6: memref<40x128xi32, #tpu.memory_space<vmem>>, %arg7: memref<40x128xi32, #tpu.memory_space<vmem>>, %arg8: memref<2x128x128xf32, #tpu.memory_space<vmem>>, %arg9: memref<10112x128xf32, #tpu.memory_space<vmem_shared>>, %arg10: memref<!tpu.dma_semaphore, #tpu.memory_space<semaphore_mem>>) attributes {dimension_semantics = [#tpu.dimension_semantics<core_parallel>, #tpu.dimension_semantics<subcore_parallel>], iteration_bounds = array<i64: 2, 16>, scalar_prefetch = 0 : i64, scratch_operands = 5 : i64, tpu.core_type = #tpu.core_type<sc_vector_subcore>, window_params = [{transform_indices = #map}, {transform_indices = #map1}, {transform_indices = #map1}, {transform_indices = #map1}]} {
    %mul3A = arith.constant 16 : i32
    %mul3A_0 = arith.muli %arg0, %mul3A : i32
    %add3A = arith.addi %mul3A_0, %arg1 : i32
    %broadcast_in_dim3A = arith.constant 0.000000e+00 : f32
    %broadcast_in_dim3A_1 = vector.broadcast %broadcast_in_dim3A : f32 to vector<16xf32>
    %scan3A = arith.constant 0 : i32
    %scan3A_2 = arith.constant 0 : i32
    %scan3A_3 = arith.constant 1024 : i32
    %scan3A_4 = arith.addi %scan3A_2, %scan3A_3 : i32
    %scan3A_5 = arith.constant 1 : i32
    scf.for %scan3A_79 = %scan3A_2 to %scan3A_4 step %scan3A_5  : i32 {
      %jit3A = arith.constant 8 : i32
      %div3A = arith.divsi %scan3A_79, %jit3A : i32
      %sign3A = arith.constant 0 : i32
      %sign3A_80 = arith.cmpi sgt, %scan3A_79, %sign3A : i32
      %sign3A_81 = arith.extui %sign3A_80 : i1 to i32
      %sign3A_82 = arith.constant 0 : i32
      %sign3A_83 = arith.cmpi slt, %scan3A_79, %sign3A_82 : i32
      %sign3A_84 = arith.extui %sign3A_83 : i1 to i32
      %sign3A_85 = arith.subi %sign3A_81, %sign3A_84 : i32
      %sign3A_86 = arith.constant 0 : i32
      %sign3A_87 = arith.cmpi sgt, %jit3A, %sign3A_86 : i32
      %sign3A_88 = arith.extui %sign3A_87 : i1 to i32
      %sign3A_89 = arith.constant 0 : i32
      %sign3A_90 = arith.cmpi slt, %jit3A, %sign3A_89 : i32
      %sign3A_91 = arith.extui %sign3A_90 : i1 to i32
      %sign3A_92 = arith.subi %sign3A_88, %sign3A_91 : i32
      %ne3A = arith.cmpi ne, %sign3A_85, %sign3A_92 : i32
      %rem3A = arith.remsi %scan3A_79, %jit3A : i32
      %ne3A_93 = arith.constant 0 : i32
      %ne3A_94 = arith.cmpi ne, %rem3A, %ne3A_93 : i32
      %and3A = arith.andi %ne3A, %ne3A_94 : i1
      %sub3A = arith.constant 1 : i32
      %sub3A_95 = arith.subi %div3A, %sub3A : i32
      %select_n3A = arith.select %and3A, %sub3A_95, %div3A : i32
      %jit3A_96 = arith.constant 8 : i32
      %eq3A = arith.constant 0 : i32
      %eq3A_97 = arith.cmpi eq, %jit3A_96, %eq3A : i32
      %jit3A_98 = arith.constant 1 : i32
      %select_n3A_99 = arith.select %eq3A_97, %jit3A_98, %jit3A_96 : i32
      %rem3A_100 = arith.remsi %scan3A_79, %select_n3A_99 : i32
      %ne3A_101 = arith.constant 0 : i32
      %ne3A_102 = arith.cmpi ne, %rem3A_100, %ne3A_101 : i32
      %lt3A = arith.constant 0 : i32
      %lt3A_103 = arith.cmpi slt, %rem3A_100, %lt3A : i32
      %lt3A_104 = arith.constant 0 : i32
      %lt3A_105 = arith.cmpi slt, %select_n3A_99, %lt3A_104 : i32
      %ne3A_106 = arith.xori %lt3A_103, %lt3A_105 : i1
      %and3A_107 = arith.andi %ne3A_106, %ne3A_102 : i1
      %add3A_108 = arith.addi %rem3A_100, %select_n3A_99 : i32
      %select_n3A_109 = arith.select %and3A_107, %add3A_108, %rem3A_100 : i32
      %mul3A_110 = arith.constant 16 : i32
      %mul3A_111 = arith.muli %select_n3A_109, %mul3A_110 : i32
      %swap3A = arith.constant 0 : i32
      %swap3A_112 = arith.index_cast %swap3A : i32 to index
      %swap3A_113 = arith.index_cast %select_n3A : i32 to index
      %swap3A_114 = arith.index_cast %mul3A_111 : i32 to index
      %swap3A_115 = tpu.vector_load %arg8[%swap3A_112, %swap3A_113, %swap3A_114] {strides = array<i32>} : memref<2x128x128xf32, #tpu.memory_space<vmem>>, vector<1x1x16xf32>,
      %swap3A_116 = vector.shape_cast %swap3A_115 : vector<1x1x16xf32> to vector<16xf32>
      %swap3A_117 = vector.shape_cast %broadcast_in_dim3A_1 : vector<16xf32> to vector<1x1x16xf32>
      tpu.vector_store %arg8[%swap3A_112, %swap3A_113, %swap3A_114], %swap3A_117 {strides = array<i32>} : memref<2x128x128xf32, #tpu.memory_space<vmem>>, vector<1x1x16xf32>,
    }
    %scan3A_6 = arith.constant 1024 : i32
    %mul3A_7 = arith.constant 632 : i32
    %mul3A_8 = arith.muli %arg1, %mul3A_7 : i32
    %add3A_9 = arith.constant 0 : i32
    %add3A_10 = arith.addi %mul3A_8, %add3A_9 : i32
    %run_scoped3A = arith.constant 0 : i32
    "tpu.region"() ({
      %run_scoped3A_79 = tpu.sem_alloc : memref<!tpu.dma_semaphore, #tpu.memory_space<semaphore_mem>>
      %dma_start3A_80 = arith.constant 0 : i32
      %dma_start3A_81 = arith.constant 0 : i32
      %dma_start3A_82 = tpu.memref_slice %arg8[%run_scoped3A, %dma_start3A_80, %dma_start3A_81] : memref<2x128x128xf32, #tpu.memory_space<vmem>> -> memref<1x128x128xf32, #tpu.memory_space<vmem>>
      %dma_start3A_83 = tpu.memref_squeeze %dma_start3A_82 : memref<1x128x128xf32, #tpu.memory_space<vmem>> -> memref<128x128xf32, #tpu.memory_space<vmem>>
      %dma_start3A_84 = arith.constant 0 : i32
      %dma_start3A_85 = tpu.memref_slice %arg9[%add3A_10, %dma_start3A_84] : memref<10112x128xf32, #tpu.memory_space<vmem_shared>> -> memref<128x128xf32, #tpu.memory_space<vmem_shared>>
      %dma_start3A_86 = arith.constant 0 : i32
      %dma_start3A_87 = tpu.memref_slice %arg9[%add3A_10, %dma_start3A_86] : memref<10112x128xf32, #tpu.memory_space<vmem_shared>> -> memref<128x128xf32, #tpu.memory_space<vmem_shared>>
      %dma_start3A_88 = arith.constant 0 : i32
      %dma_start3A_89 = arith.constant 0 : i32
      %dma_start3A_90 = tpu.memref_slice %arg8[%run_scoped3A, %dma_start3A_88, %dma_start3A_89] : memref<2x128x128xf32, #tpu.memory_space<vmem>> -> memref<1x128x128xf32, #tpu.memory_space<vmem>>
      %dma_start3A_91 = tpu.memref_squeeze %dma_start3A_90 : memref<1x128x128xf32, #tpu.memory_space<vmem>> -> memref<128x128xf32, #tpu.memory_space<vmem>>
      tpu.enqueue_dma source(%dma_start3A_91 : memref<128x128xf32, #tpu.memory_space<vmem>>) target(%dma_start3A_87 : memref<128x128xf32, #tpu.memory_space<vmem_shared>>) target_semaphore(%run_scoped3A_79 : memref<!tpu.dma_semaphore, #tpu.memory_space<semaphore_mem>>)
      %dma_wait3A = arith.constant 0 : i32
      %dma_wait3A_92 = arith.constant 0 : i32
      %dma_wait3A_93 = tpu.memref_slice %arg8[%run_scoped3A, %dma_wait3A, %dma_wait3A_92] : memref<2x128x128xf32, #tpu.memory_space<vmem>> -> memref<1x128x128xf32, #tpu.memory_space<vmem>>
      %dma_wait3A_94 = tpu.memref_squeeze %dma_wait3A_93 : memref<1x128x128xf32, #tpu.memory_space<vmem>> -> memref<128x128xf32, #tpu.memory_space<vmem>>
      %dma_wait3A_95 = arith.constant 0 : i32
      %dma_wait3A_96 = tpu.memref_slice %arg9[%add3A_10, %dma_wait3A_95] : memref<10112x128xf32, #tpu.memory_space<vmem_shared>> -> memref<128x128xf32, #tpu.memory_space<vmem_shared>>
      %dma_wait3A_97 = arith.constant 0 : i32
      %dma_wait3A_98 = tpu.memref_slice %arg9[%add3A_10, %dma_wait3A_97] : memref<10112x128xf32, #tpu.memory_space<vmem_shared>> -> memref<128x128xf32, #tpu.memory_space<vmem_shared>>
      %dma_wait3A_99 = arith.constant 0 : i32
      %dma_wait3A_100 = arith.constant 0 : i32
      %dma_wait3A_101 = tpu.memref_slice %arg8[%run_scoped3A, %dma_wait3A_99, %dma_wait3A_100] : memref<2x128x128xf32, #tpu.memory_space<vmem>> -> memref<1x128x128xf32, #tpu.memory_space<vmem>>
      %dma_wait3A_102 = tpu.memref_squeeze %dma_wait3A_101 : memref<1x128x128xf32, #tpu.memory_space<vmem>> -> memref<128x128xf32, #tpu.memory_space<vmem>>
      tpu.wait_dma2 semaphore(%run_scoped3A_79 : memref<!tpu.dma_semaphore, #tpu.memory_space<semaphore_mem>>) src(%dma_wait3A_102 : memref<128x128xf32, #tpu.memory_space<vmem>>) dst(%dma_wait3A_98 : memref<128x128xf32, #tpu.memory_space<vmem_shared>>)
      tpu.yield
    }) : () -> ()
    %add3A_11 = arith.constant 128 : i32
    %add3A_12 = arith.addi %mul3A_8, %add3A_11 : i32
    %run_scoped3A_13 = arith.constant 0 : i32
    "tpu.region"() ({
      %run_scoped3A_79 = tpu.sem_alloc : memref<!tpu.dma_semaphore, #tpu.memory_space<semaphore_mem>>
      %dma_start3A_80 = arith.constant 0 : i32
      %dma_start3A_81 = arith.constant 0 : i32
      %dma_start3A_82 = tpu.memref_slice %arg8[%run_scoped3A_13, %dma_start3A_80, %dma_start3A_81] : memref<2x128x128xf32, #tpu.memory_space<vmem>> -> memref<1x128x128xf32, #tpu.memory_space<vmem>>
      %dma_start3A_83 = tpu.memref_squeeze %dma_start3A_82 : memref<1x128x128xf32, #tpu.memory_space<vmem>> -> memref<128x128xf32, #tpu.memory_space<vmem>>
      %dma_start3A_84 = arith.constant 0 : i32
      %dma_start3A_85 = tpu.memref_slice %arg9[%add3A_12, %dma_start3A_84] : memref<10112x128xf32, #tpu.memory_space<vmem_shared>> -> memref<128x128xf32, #tpu.memory_space<vmem_shared>>
      %dma_start3A_86 = arith.constant 0 : i32
      %dma_start3A_87 = tpu.memref_slice %arg9[%add3A_12, %dma_start3A_86] : memref<10112x128xf32, #tpu.memory_space<vmem_shared>> -> memref<128x128xf32, #tpu.memory_space<vmem_shared>>
      %dma_start3A_88 = arith.constant 0 : i32
      %dma_start3A_89 = arith.constant 0 : i32
      %dma_start3A_90 = tpu.memref_slice %arg8[%run_scoped3A_13, %dma_start3A_88, %dma_start3A_89] : memref<2x128x128xf32, #tpu.memory_space<vmem>> -> memref<1x128x128xf32, #tpu.memory_space<vmem>>
      %dma_start3A_91 = tpu.memref_squeeze %dma_start3A_90 : memref<1x128x128xf32, #tpu.memory_space<vmem>> -> memref<128x128xf32, #tpu.memory_space<vmem>>
      tpu.enqueue_dma source(%dma_start3A_91 : memref<128x128xf32, #tpu.memory_space<vmem>>) target(%dma_start3A_87 : memref<128x128xf32, #tpu.memory_space<vmem_shared>>) target_semaphore(%run_scoped3A_79 : memref<!tpu.dma_semaphore, #tpu.memory_space<semaphore_mem>>)
      %dma_wait3A = arith.constant 0 : i32
      %dma_wait3A_92 = arith.constant 0 : i32
      %dma_wait3A_93 = tpu.memref_slice %arg8[%run_scoped3A_13, %dma_wait3A, %dma_wait3A_92] : memref<2x128x128xf32, #tpu.memory_space<vmem>> -> memref<1x128x128xf32, #tpu.memory_space<vmem>>
      %dma_wait3A_94 = tpu.memref_squeeze %dma_wait3A_93 : memref<1x128x128xf32, #tpu.memory_space<vmem>> -> memref<128x128xf32, #tpu.memory_space<vmem>>
      %dma_wait3A_95 = arith.constant 0 : i32
      %dma_wait3A_96 = tpu.memref_slice %arg9[%add3A_12, %dma_wait3A_95] : memref<10112x128xf32, #tpu.memory_space<vmem_shared>> -> memref<128x128xf32, #tpu.memory_space<vmem_shared>>
      %dma_wait3A_97 = arith.constant 0 : i32
      %dma_wait3A_98 = tpu.memref_slice %arg9[%add3A_12, %dma_wait3A_97] : memref<10112x128xf32, #tpu.memory_space<vmem_shared>> -> memref<128x128xf32, #tpu.memory_space<vmem_shared>>
      %dma_wait3A_99 = arith.constant 0 : i32
      %dma_wait3A_100 = arith.constant 0 : i32
      %dma_wait3A_101 = tpu.memref_slice %arg8[%run_scoped3A_13, %dma_wait3A_99, %dma_wait3A_100] : memref<2x128x128xf32, #tpu.memory_space<vmem>> -> memref<1x128x128xf32, #tpu.memory_space<vmem>>
      %dma_wait3A_102 = tpu.memref_squeeze %dma_wait3A_101 : memref<1x128x128xf32, #tpu.memory_space<vmem>> -> memref<128x128xf32, #tpu.memory_space<vmem>>
      tpu.wait_dma2 semaphore(%run_scoped3A_79 : memref<!tpu.dma_semaphore, #tpu.memory_space<semaphore_mem>>) src(%dma_wait3A_102 : memref<128x128xf32, #tpu.memory_space<vmem>>) dst(%dma_wait3A_98 : memref<128x128xf32, #tpu.memory_space<vmem_shared>>)
      tpu.yield
    }) : () -> ()
    %add3A_14 = arith.constant 256 : i32
    %add3A_15 = arith.addi %mul3A_8, %add3A_14 : i32
    %run_scoped3A_16 = arith.constant 0 : i32
    "tpu.region"() ({
      %run_scoped3A_79 = tpu.sem_alloc : memref<!tpu.dma_semaphore, #tpu.memory_space<semaphore_mem>>
      %dma_start3A_80 = arith.constant 0 : i32
      %dma_start3A_81 = arith.constant 0 : i32
      %dma_start3A_82 = tpu.memref_slice %arg8[%run_scoped3A_16, %dma_start3A_80, %dma_start3A_81] : memref<2x128x128xf32, #tpu.memory_space<vmem>> -> memref<1x128x128xf32, #tpu.memory_space<vmem>>
      %dma_start3A_83 = tpu.memref_squeeze %dma_start3A_82 : memref<1x128x128xf32, #tpu.memory_space<vmem>> -> memref<128x128xf32, #tpu.memory_space<vmem>>
      %dma_start3A_84 = arith.constant 0 : i32
      %dma_start3A_85 = tpu.memref_slice %arg9[%add3A_15, %dma_start3A_84] : memref<10112x128xf32, #tpu.memory_space<vmem_shared>> -> memref<128x128xf32, #tpu.memory_space<vmem_shared>>
      %dma_start3A_86 = arith.constant 0 : i32
      %dma_start3A_87 = tpu.memref_slice %arg9[%add3A_15, %dma_start3A_86] : memref<10112x128xf32, #tpu.memory_space<vmem_shared>> -> memref<128x128xf32, #tpu.memory_space<vmem_shared>>
      %dma_start3A_88 = arith.constant 0 : i32
      %dma_start3A_89 = arith.constant 0 : i32
      %dma_start3A_90 = tpu.memref_slice %arg8[%run_scoped3A_16, %dma_start3A_88, %dma_start3A_89] : memref<2x128x128xf32, #tpu.memory_space<vmem>> -> memref<1x128x128xf32, #tpu.memory_space<vmem>>
      %dma_start3A_91 = tpu.memref_squeeze %dma_start3A_90 : memref<1x128x128xf32, #tpu.memory_space<vmem>> -> memref<128x128xf32, #tpu.memory_space<vmem>>
      tpu.enqueue_dma source(%dma_start3A_91 : memref<128x128xf32, #tpu.memory_space<vmem>>) target(%dma_start3A_87 : memref<128x128xf32, #tpu.memory_space<vmem_shared>>) target_semaphore(%run_scoped3A_79 : memref<!tpu.dma_semaphore, #tpu.memory_space<semaphore_mem>>)
      %dma_wait3A = arith.constant 0 : i32
      %dma_wait3A_92 = arith.constant 0 : i32
      %dma_wait3A_93 = tpu.memref_slice %arg8[%run_scoped3A_16, %dma_wait3A, %dma_wait3A_92] : memref<2x128x128xf32, #tpu.memory_space<vmem>> -> memref<1x128x128xf32, #tpu.memory_space<vmem>>
      %dma_wait3A_94 = tpu.memref_squeeze %dma_wait3A_93 : memref<1x128x128xf32, #tpu.memory_space<vmem>> -> memref<128x128xf32, #tpu.memory_space<vmem>>
      %dma_wait3A_95 = arith.constant 0 : i32
      %dma_wait3A_96 = tpu.memref_slice %arg9[%add3A_15, %dma_wait3A_95] : memref<10112x128xf32, #tpu.memory_space<vmem_shared>> -> memref<128x128xf32, #tpu.memory_space<vmem_shared>>
      %dma_wait3A_97 = arith.constant 0 : i32
      %dma_wait3A_98 = tpu.memref_slice %arg9[%add3A_15, %dma_wait3A_97] : memref<10112x128xf32, #tpu.memory_space<vmem_shared>> -> memref<128x128xf32, #tpu.memory_space<vmem_shared>>
      %dma_wait3A_99 = arith.constant 0 : i32
      %dma_wait3A_100 = arith.constant 0 : i32
      %dma_wait3A_101 = tpu.memref_slice %arg8[%run_scoped3A_16, %dma_wait3A_99, %dma_wait3A_100] : memref<2x128x128xf32, #tpu.memory_space<vmem>> -> memref<1x128x128xf32, #tpu.memory_space<vmem>>
      %dma_wait3A_102 = tpu.memref_squeeze %dma_wait3A_101 : memref<1x128x128xf32, #tpu.memory_space<vmem>> -> memref<128x128xf32, #tpu.memory_space<vmem>>
      tpu.wait_dma2 semaphore(%run_scoped3A_79 : memref<!tpu.dma_semaphore, #tpu.memory_space<semaphore_mem>>) src(%dma_wait3A_102 : memref<128x128xf32, #tpu.memory_space<vmem>>) dst(%dma_wait3A_98 : memref<128x128xf32, #tpu.memory_space<vmem_shared>>)
      tpu.yield
    }) : () -> ()
    %add3A_17 = arith.constant 384 : i32
    %add3A_18 = arith.addi %mul3A_8, %add3A_17 : i32
    %run_scoped3A_19 = arith.constant 0 : i32
    "tpu.region"() ({
      %run_scoped3A_79 = tpu.sem_alloc : memref<!tpu.dma_semaphore, #tpu.memory_space<semaphore_mem>>
      %dma_start3A_80 = arith.constant 0 : i32
      %dma_start3A_81 = arith.constant 0 : i32
      %dma_start3A_82 = tpu.memref_slice %arg8[%run_scoped3A_19, %dma_start3A_80, %dma_start3A_81] : memref<2x128x128xf32, #tpu.memory_space<vmem>> -> memref<1x128x128xf32, #tpu.memory_space<vmem>>
      %dma_start3A_83 = tpu.memref_squeeze %dma_start3A_82 : memref<1x128x128xf32, #tpu.memory_space<vmem>> -> memref<128x128xf32, #tpu.memory_space<vmem>>
      %dma_start3A_84 = arith.constant 0 : i32
      %dma_start3A_85 = tpu.memref_slice %arg9[%add3A_18, %dma_start3A_84] : memref<10112x128xf32, #tpu.memory_space<vmem_shared>> -> memref<128x128xf32, #tpu.memory_space<vmem_shared>>
      %dma_start3A_86 = arith.constant 0 : i32
      %dma_start3A_87 = tpu.memref_slice %arg9[%add3A_18, %dma_start3A_86] : memref<10112x128xf32, #tpu.memory_space<vmem_shared>> -> memref<128x128xf32, #tpu.memory_space<vmem_shared>>
      %dma_start3A_88 = arith.constant 0 : i32
      %dma_start3A_89 = arith.constant 0 : i32
      %dma_start3A_90 = tpu.memref_slice %arg8[%run_scoped3A_19, %dma_start3A_88, %dma_start3A_89] : memref<2x128x128xf32, #tpu.memory_space<vmem>> -> memref<1x128x128xf32, #tpu.memory_space<vmem>>
      %dma_start3A_91 = tpu.memref_squeeze %dma_start3A_90 : memref<1x128x128xf32, #tpu.memory_space<vmem>> -> memref<128x128xf32, #tpu.memory_space<vmem>>
      tpu.enqueue_dma source(%dma_start3A_91 : memref<128x128xf32, #tpu.memory_space<vmem>>) target(%dma_start3A_87 : memref<128x128xf32, #tpu.memory_space<vmem_shared>>) target_semaphore(%run_scoped3A_79 : memref<!tpu.dma_semaphore, #tpu.memory_space<semaphore_mem>>)
      %dma_wait3A = arith.constant 0 : i32
      %dma_wait3A_92 = arith.constant 0 : i32
      %dma_wait3A_93 = tpu.memref_slice %arg8[%run_scoped3A_19, %dma_wait3A, %dma_wait3A_92] : memref<2x128x128xf32, #tpu.memory_space<vmem>> -> memref<1x128x128xf32, #tpu.memory_space<vmem>>
      %dma_wait3A_94 = tpu.memref_squeeze %dma_wait3A_93 : memref<1x128x128xf32, #tpu.memory_space<vmem>> -> memref<128x128xf32, #tpu.memory_space<vmem>>
      %dma_wait3A_95 = arith.constant 0 : i32
      %dma_wait3A_96 = tpu.memref_slice %arg9[%add3A_18, %dma_wait3A_95] : memref<10112x128xf32, #tpu.memory_space<vmem_shared>> -> memref<128x128xf32, #tpu.memory_space<vmem_shared>>
      %dma_wait3A_97 = arith.constant 0 : i32
      %dma_wait3A_98 = tpu.memref_slice %arg9[%add3A_18, %dma_wait3A_97] : memref<10112x128xf32, #tpu.memory_space<vmem_shared>> -> memref<128x128xf32, #tpu.memory_space<vmem_shared>>
      %dma_wait3A_99 = arith.constant 0 : i32
      %dma_wait3A_100 = arith.constant 0 : i32
      %dma_wait3A_101 = tpu.memref_slice %arg8[%run_scoped3A_19, %dma_wait3A_99, %dma_wait3A_100] : memref<2x128x128xf32, #tpu.memory_space<vmem>> -> memref<1x128x128xf32, #tpu.memory_space<vmem>>
      %dma_wait3A_102 = tpu.memref_squeeze %dma_wait3A_101 : memref<1x128x128xf32, #tpu.memory_space<vmem>> -> memref<128x128xf32, #tpu.memory_space<vmem>>
      tpu.wait_dma2 semaphore(%run_scoped3A_79 : memref<!tpu.dma_semaphore, #tpu.memory_space<semaphore_mem>>) src(%dma_wait3A_102 : memref<128x128xf32, #tpu.memory_space<vmem>>) dst(%dma_wait3A_98 : memref<128x128xf32, #tpu.memory_space<vmem_shared>>)
      tpu.yield
    }) : () -> ()
    %add3A_20 = arith.constant 512 : i32
    %add3A_21 = arith.addi %mul3A_8, %add3A_20 : i32
    %run_scoped3A_22 = arith.constant 0 : i32
    "tpu.region"() ({
      %run_scoped3A_79 = tpu.sem_alloc : memref<!tpu.dma_semaphore, #tpu.memory_space<semaphore_mem>>
      %dma_start3A_80 = arith.constant 0 : i32
      %dma_start3A_81 = arith.constant 0 : i32
      %dma_start3A_82 = tpu.memref_slice %arg8[%run_scoped3A_22, %dma_start3A_80, %dma_start3A_81] : memref<2x128x128xf32, #tpu.memory_space<vmem>> -> memref<1x120x128xf32, #tpu.memory_space<vmem>>
      %dma_start3A_83 = tpu.memref_squeeze %dma_start3A_82 : memref<1x120x128xf32, #tpu.memory_space<vmem>> -> memref<120x128xf32, #tpu.memory_space<vmem>>
      %dma_start3A_84 = arith.constant 0 : i32
      %dma_start3A_85 = tpu.memref_slice %arg9[%add3A_21, %dma_start3A_84] : memref<10112x128xf32, #tpu.memory_space<vmem_shared>> -> memref<120x128xf32, #tpu.memory_space<vmem_shared>>
      %dma_start3A_86 = arith.constant 0 : i32
      %dma_start3A_87 = tpu.memref_slice %arg9[%add3A_21, %dma_start3A_86] : memref<10112x128xf32, #tpu.memory_space<vmem_shared>> -> memref<120x128xf32, #tpu.memory_space<vmem_shared>>
      %dma_start3A_88 = arith.constant 0 : i32
      %dma_start3A_89 = arith.constant 0 : i32
      %dma_start3A_90 = tpu.memref_slice %arg8[%run_scoped3A_22, %dma_start3A_88, %dma_start3A_89] : memref<2x128x128xf32, #tpu.memory_space<vmem>> -> memref<1x120x128xf32, #tpu.memory_space<vmem>>
      %dma_start3A_91 = tpu.memref_squeeze %dma_start3A_90 : memref<1x120x128xf32, #tpu.memory_space<vmem>> -> memref<120x128xf32, #tpu.memory_space<vmem>>
      tpu.enqueue_dma source(%dma_start3A_91 : memref<120x128xf32, #tpu.memory_space<vmem>>) target(%dma_start3A_87 : memref<120x128xf32, #tpu.memory_space<vmem_shared>>) target_semaphore(%run_scoped3A_79 : memref<!tpu.dma_semaphore, #tpu.memory_space<semaphore_mem>>)
      %dma_wait3A = arith.constant 0 : i32
      %dma_wait3A_92 = arith.constant 0 : i32
      %dma_wait3A_93 = tpu.memref_slice %arg8[%run_scoped3A_22, %dma_wait3A, %dma_wait3A_92] : memref<2x128x128xf32, #tpu.memory_space<vmem>> -> memref<1x120x128xf32, #tpu.memory_space<vmem>>
      %dma_wait3A_94 = tpu.memref_squeeze %dma_wait3A_93 : memref<1x120x128xf32, #tpu.memory_space<vmem>> -> memref<120x128xf32, #tpu.memory_space<vmem>>
      %dma_wait3A_95 = arith.constant 0 : i32
      %dma_wait3A_96 = tpu.memref_slice %arg9[%add3A_21, %dma_wait3A_95] : memref<10112x128xf32, #tpu.memory_space<vmem_shared>> -> memref<120x128xf32, #tpu.memory_space<vmem_shared>>
      %dma_wait3A_97 = arith.constant 0 : i32
      %dma_wait3A_98 = tpu.memref_slice %arg9[%add3A_21, %dma_wait3A_97] : memref<10112x128xf32, #tpu.memory_space<vmem_shared>> -> memref<120x128xf32, #tpu.memory_space<vmem_shared>>
      %dma_wait3A_99 = arith.constant 0 : i32
      %dma_wait3A_100 = arith.constant 0 : i32
      %dma_wait3A_101 = tpu.memref_slice %arg8[%run_scoped3A_22, %dma_wait3A_99, %dma_wait3A_100] : memref<2x128x128xf32, #tpu.memory_space<vmem>> -> memref<1x120x128xf32, #tpu.memory_space<vmem>>
      %dma_wait3A_102 = tpu.memref_squeeze %dma_wait3A_101 : memref<1x120x128xf32, #tpu.memory_space<vmem>> -> memref<120x128xf32, #tpu.memory_space<vmem>>
      tpu.wait_dma2 semaphore(%run_scoped3A_79 : memref<!tpu.dma_semaphore, #tpu.memory_space<semaphore_mem>>) src(%dma_wait3A_102 : memref<120x128xf32, #tpu.memory_space<vmem>>) dst(%dma_wait3A_98 : memref<120x128xf32, #tpu.memory_space<vmem_shared>>)
      tpu.yield
    }) : () -> ()
    %barrier3A = arith.constant 0 : index
    tpu.barrier barrier_id(%barrier3A)
    "tpu.region"() ({
      %run_scoped3A_79 = tpu.sem_alloc : memref<!tpu.dma_semaphore, #tpu.memory_space<semaphore_mem>>
      %dma_start3A_80 = arith.constant 0 : i32
      %dma_start3A_81 = arith.constant 0 : i32
      %dma_start3A_82 = tpu.memref_slice %arg3[%add3A, %dma_start3A_80, %dma_start3A_81] : memref<32x80x128xi32, #tpu.memory_space<hbm>> -> memref<1x40x128xi32, #tpu.memory_space<hbm>>
      %dma_start3A_83 = tpu.memref_squeeze %dma_start3A_82 : memref<1x40x128xi32, #tpu.memory_space<hbm>> -> memref<40x128xi32, #tpu.memory_space<hbm>>
      %dma_start3A_84 = arith.constant 0 : i32
      %dma_start3A_85 = arith.constant 0 : i32
      %dma_start3A_86 = tpu.memref_slice %arg3[%add3A, %dma_start3A_84, %dma_start3A_85] : memref<32x80x128xi32, #tpu.memory_space<hbm>> -> memref<1x40x128xi32, #tpu.memory_space<hbm>>
      %dma_start3A_87 = tpu.memref_squeeze %dma_start3A_86 : memref<1x40x128xi32, #tpu.memory_space<hbm>> -> memref<40x128xi32, #tpu.memory_space<hbm>>
      tpu.enqueue_dma source(%dma_start3A_87 : memref<40x128xi32, #tpu.memory_space<hbm>>) target(%arg6 : memref<40x128xi32, #tpu.memory_space<vmem>>) target_semaphore(%run_scoped3A_79 : memref<!tpu.dma_semaphore, #tpu.memory_space<semaphore_mem>>)
      %dma_wait3A = arith.constant 0 : i32
      %dma_wait3A_88 = arith.constant 0 : i32
      %dma_wait3A_89 = tpu.memref_slice %arg3[%add3A, %dma_wait3A, %dma_wait3A_88] : memref<32x80x128xi32, #tpu.memory_space<hbm>> -> memref<1x40x128xi32, #tpu.memory_space<hbm>>
      %dma_wait3A_90 = tpu.memref_squeeze %dma_wait3A_89 : memref<1x40x128xi32, #tpu.memory_space<hbm>> -> memref<40x128xi32, #tpu.memory_space<hbm>>
      %dma_wait3A_91 = arith.constant 0 : i32
      %dma_wait3A_92 = arith.constant 0 : i32
      %dma_wait3A_93 = tpu.memref_slice %arg3[%add3A, %dma_wait3A_91, %dma_wait3A_92] : memref<32x80x128xi32, #tpu.memory_space<hbm>> -> memref<1x40x128xi32, #tpu.memory_space<hbm>>
      %dma_wait3A_94 = tpu.memref_squeeze %dma_wait3A_93 : memref<1x40x128xi32, #tpu.memory_space<hbm>> -> memref<40x128xi32, #tpu.memory_space<hbm>>
      tpu.wait_dma2 semaphore(%run_scoped3A_79 : memref<!tpu.dma_semaphore, #tpu.memory_space<semaphore_mem>>) src(%dma_wait3A_94 : memref<40x128xi32, #tpu.memory_space<hbm>>) dst(%arg6 : memref<40x128xi32, #tpu.memory_space<vmem>>)
      tpu.yield
    }) : () -> ()
    "tpu.region"() ({
      %run_scoped3A_79 = tpu.sem_alloc : memref<!tpu.dma_semaphore, #tpu.memory_space<semaphore_mem>>
      %dma_start3A_80 = arith.constant 0 : i32
      %dma_start3A_81 = arith.constant 0 : i32
      %dma_start3A_82 = tpu.memref_slice %arg4[%add3A, %dma_start3A_80, %dma_start3A_81] : memref<32x80x128xi32, #tpu.memory_space<hbm>> -> memref<1x40x128xi32, #tpu.memory_space<hbm>>
      %dma_start3A_83 = tpu.memref_squeeze %dma_start3A_82 : memref<1x40x128xi32, #tpu.memory_space<hbm>> -> memref<40x128xi32, #tpu.memory_space<hbm>>
      %dma_start3A_84 = arith.constant 0 : i32
      %dma_start3A_85 = arith.constant 0 : i32
      %dma_start3A_86 = tpu.memref_slice %arg4[%add3A, %dma_start3A_84, %dma_start3A_85] : memref<32x80x128xi32, #tpu.memory_space<hbm>> -> memref<1x40x128xi32, #tpu.memory_space<hbm>>
      %dma_start3A_87 = tpu.memref_squeeze %dma_start3A_86 : memref<1x40x128xi32, #tpu.memory_space<hbm>> -> memref<40x128xi32, #tpu.memory_space<hbm>>
      tpu.enqueue_dma source(%dma_start3A_87 : memref<40x128xi32, #tpu.memory_space<hbm>>) target(%arg7 : memref<40x128xi32, #tpu.memory_space<vmem>>) target_semaphore(%run_scoped3A_79 : memref<!tpu.dma_semaphore, #tpu.memory_space<semaphore_mem>>)
      %dma_wait3A = arith.constant 0 : i32
      %dma_wait3A_88 = arith.constant 0 : i32
      %dma_wait3A_89 = tpu.memref_slice %arg4[%add3A, %dma_wait3A, %dma_wait3A_88] : memref<32x80x128xi32, #tpu.memory_space<hbm>> -> memref<1x40x128xi32, #tpu.memory_space<hbm>>
      %dma_wait3A_90 = tpu.memref_squeeze %dma_wait3A_89 : memref<1x40x128xi32, #tpu.memory_space<hbm>> -> memref<40x128xi32, #tpu.memory_space<hbm>>
      %dma_wait3A_91 = arith.constant 0 : i32
      %dma_wait3A_92 = arith.constant 0 : i32
      %dma_wait3A_93 = tpu.memref_slice %arg4[%add3A, %dma_wait3A_91, %dma_wait3A_92] : memref<32x80x128xi32, #tpu.memory_space<hbm>> -> memref<1x40x128xi32, #tpu.memory_space<hbm>>
      %dma_wait3A_94 = tpu.memref_squeeze %dma_wait3A_93 : memref<1x40x128xi32, #tpu.memory_space<hbm>> -> memref<40x128xi32, #tpu.memory_space<hbm>>
      tpu.wait_dma2 semaphore(%run_scoped3A_79 : memref<!tpu.dma_semaphore, #tpu.memory_space<semaphore_mem>>) src(%dma_wait3A_94 : memref<40x128xi32, #tpu.memory_space<hbm>>) dst(%arg7 : memref<40x128xi32, #tpu.memory_space<vmem>>)
      tpu.yield
    }) : () -> ()
    %dma_start3A = arith.constant 0 : i32
    %dma_start3A_23 = arith.constant 0 : i32
    %dma_start3A_24 = arith.constant 0 : i32
    %dma_start3A_25 = arith.constant 0 : i32
    %dma_start3A_26 = tpu.memref_slice %arg8[%dma_start3A_23, %dma_start3A_24, %dma_start3A_25] : memref<2x128x128xf32, #tpu.memory_space<vmem>> -> memref<1x128x128xf32, #tpu.memory_space<vmem>>
    %dma_start3A_27 = tpu.memref_squeeze %dma_start3A_26 : memref<1x128x128xf32, #tpu.memory_space<vmem>> -> memref<128x128xf32, #tpu.memory_space<vmem>>
    %dma_start3A_28 = arith.constant 0 : i32
    %dma_start3A_29 = tpu.memref_slice %arg6[%dma_start3A, %dma_start3A_28] : memref<40x128xi32, #tpu.memory_space<vmem>> -> memref<1x128xi32, #tpu.memory_space<vmem>>
    %dma_start3A_30 = tpu.memref_squeeze %dma_start3A_29 : memref<1x128xi32, #tpu.memory_space<vmem>> -> memref<128xi32, #tpu.memory_space<vmem>>
    %dma_start3A_31 = arith.constant 0 : i32
    %dma_start3A_32 = arith.constant 0 : i32
    %dma_start3A_33 = tpu.memref_slice %arg2[%dma_start3A_31, %dma_start3A_32] : memref<10112x128xf32, #tpu.memory_space<hbm>> -> memref<10112x128xf32, #tpu.memory_space<hbm>>
    tpu.enqueue_indirect_dma source(%dma_start3A_33 : memref<10112x128xf32, #tpu.memory_space<hbm>>) target(%dma_start3A_27 : memref<128x128xf32, #tpu.memory_space<vmem>>) offsets(%dma_start3A_30 : memref<128xi32, #tpu.memory_space<vmem>>) semaphore(%arg10 : memref<!tpu.dma_semaphore, #tpu.memory_space<semaphore_mem>>)
    %scan3A_34 = arith.constant 0 : i32
    %scan3A_35 = arith.constant 0 : i32
    %scan3A_36 = arith.constant 20 : i32
    %scan3A_37 = arith.addi %scan3A_35, %scan3A_36 : i32
    %scan3A_38 = arith.constant 1 : i32
    scf.for %scan3A_79 = %scan3A_35 to %scan3A_37 step %scan3A_38  : i32 {
      %mul3A_80 = arith.constant 2 : i32
      %mul3A_81 = arith.muli %mul3A_80, %scan3A_79 : i32
      %dma_wait3A = arith.constant 0 : i32
      %dma_wait3A_82 = arith.constant 0 : i32
      %dma_wait3A_83 = arith.constant 0 : i32
      %dma_wait3A_84 = arith.constant 0 : i32
      %dma_wait3A_85 = tpu.memref_slice %arg8[%dma_wait3A_82, %dma_wait3A_83, %dma_wait3A_84] : memref<2x128x128xf32, #tpu.memory_space<vmem>> -> memref<1x128x128xf32, #tpu.memory_space<vmem>>
      %dma_wait3A_86 = tpu.memref_squeeze %dma_wait3A_85 : memref<1x128x128xf32, #tpu.memory_space<vmem>> -> memref<128x128xf32, #tpu.memory_space<vmem>>
      %dma_wait3A_87 = arith.constant 0 : i32
      %dma_wait3A_88 = tpu.memref_slice %arg6[%dma_wait3A, %dma_wait3A_87] : memref<40x128xi32, #tpu.memory_space<vmem>> -> memref<1x128xi32, #tpu.memory_space<vmem>>
      %dma_wait3A_89 = tpu.memref_squeeze %dma_wait3A_88 : memref<1x128xi32, #tpu.memory_space<vmem>> -> memref<128xi32, #tpu.memory_space<vmem>>
      %dma_wait3A_90 = arith.constant 0 : i32
      %dma_wait3A_91 = arith.constant 0 : i32
      %dma_wait3A_92 = tpu.memref_slice %arg2[%dma_wait3A_90, %dma_wait3A_91] : memref<10112x128xf32, #tpu.memory_space<hbm>> -> memref<10112x128xf32, #tpu.memory_space<hbm>>
      tpu.wait_indirect_dma semaphore(%arg10 : memref<!tpu.dma_semaphore, #tpu.memory_space<semaphore_mem>>) src(%dma_wait3A_92 : memref<10112x128xf32, #tpu.memory_space<hbm>>) dst(%dma_wait3A_86 : memref<128x128xf32, #tpu.memory_space<vmem>>)
      %add3A_93 = arith.constant 1 : i32
      %add3A_94 = arith.addi %mul3A_81, %add3A_93 : i32
      %dma_start3A_95 = arith.constant 1 : i32
      %dma_start3A_96 = arith.constant 0 : i32
      %dma_start3A_97 = arith.constant 0 : i32
      %dma_start3A_98 = tpu.memref_slice %arg8[%dma_start3A_95, %dma_start3A_96, %dma_start3A_97] : memref<2x128x128xf32, #tpu.memory_space<vmem>> -> memref<1x128x128xf32, #tpu.memory_space<vmem>>
      %dma_start3A_99 = tpu.memref_squeeze %dma_start3A_98 : memref<1x128x128xf32, #tpu.memory_space<vmem>> -> memref<128x128xf32, #tpu.memory_space<vmem>>
      %dma_start3A_100 = arith.constant 0 : i32
      %dma_start3A_101 = tpu.memref_slice %arg6[%add3A_94, %dma_start3A_100] : memref<40x128xi32, #tpu.memory_space<vmem>> -> memref<1x128xi32, #tpu.memory_space<vmem>>
      %dma_start3A_102 = tpu.memref_squeeze %dma_start3A_101 : memref<1x128xi32, #tpu.memory_space<vmem>> -> memref<128xi32, #tpu.memory_space<vmem>>
      %dma_start3A_103 = arith.constant 0 : i32
      %dma_start3A_104 = arith.constant 0 : i32
      %dma_start3A_105 = tpu.memref_slice %arg2[%dma_start3A_103, %dma_start3A_104] : memref<10112x128xf32, #tpu.memory_space<hbm>> -> memref<10112x128xf32, #tpu.memory_space<hbm>>
      tpu.enqueue_indirect_dma source(%dma_start3A_105 : memref<10112x128xf32, #tpu.memory_space<hbm>>) target(%dma_start3A_99 : memref<128x128xf32, #tpu.memory_space<vmem>>) offsets(%dma_start3A_102 : memref<128xi32, #tpu.memory_space<vmem>>) semaphore(%arg10 : memref<!tpu.dma_semaphore, #tpu.memory_space<semaphore_mem>>)
      %run_scoped3A_106 = arith.constant 0 : i32
      "tpu.region"() ({
        %run_scoped3A_124 = tpu.sem_alloc : memref<!tpu.dma_semaphore, #tpu.memory_space<semaphore_mem>>
        %dma_start3A_125 = arith.constant 0 : i32
        %dma_start3A_126 = arith.constant 0 : i32
        %dma_start3A_127 = tpu.memref_slice %arg8[%run_scoped3A_106, %dma_start3A_125, %dma_start3A_126] : memref<2x128x128xf32, #tpu.memory_space<vmem>> -> memref<1x128x128xf32, #tpu.memory_space<vmem>>
        %dma_start3A_128 = tpu.memref_squeeze %dma_start3A_127 : memref<1x128x128xf32, #tpu.memory_space<vmem>> -> memref<128x128xf32, #tpu.memory_space<vmem>>
        %dma_start3A_129 = arith.constant 0 : i32
        %dma_start3A_130 = tpu.memref_slice %arg7[%mul3A_81, %dma_start3A_129] : memref<40x128xi32, #tpu.memory_space<vmem>> -> memref<1x128xi32, #tpu.memory_space<vmem>>
        %dma_start3A_131 = tpu.memref_squeeze %dma_start3A_130 : memref<1x128xi32, #tpu.memory_space<vmem>> -> memref<128xi32, #tpu.memory_space<vmem>>
        %dma_start3A_132 = arith.constant 0 : i32
        %dma_start3A_133 = arith.constant 0 : i32
        %dma_start3A_134 = tpu.memref_slice %arg9[%dma_start3A_132, %dma_start3A_133] : memref<10112x128xf32, #tpu.memory_space<vmem_shared>> -> memref<10112x128xf32, #tpu.memory_space<vmem_shared>>
        tpu.enqueue_indirect_dma source(%dma_start3A_128 : memref<128x128xf32, #tpu.memory_space<vmem>>) target(%dma_start3A_134 : memref<10112x128xf32, #tpu.memory_space<vmem_shared>>) offsets(%dma_start3A_131 : memref<128xi32, #tpu.memory_space<vmem>>) semaphore(%run_scoped3A_124 : memref<!tpu.dma_semaphore, #tpu.memory_space<semaphore_mem>>) {add = true}
        %dma_wait3A_135 = arith.constant 0 : i32
        %dma_wait3A_136 = arith.constant 0 : i32
        %dma_wait3A_137 = tpu.memref_slice %arg8[%run_scoped3A_106, %dma_wait3A_135, %dma_wait3A_136] : memref<2x128x128xf32, #tpu.memory_space<vmem>> -> memref<1x128x128xf32, #tpu.memory_space<vmem>>
        %dma_wait3A_138 = tpu.memref_squeeze %dma_wait3A_137 : memref<1x128x128xf32, #tpu.memory_space<vmem>> -> memref<128x128xf32, #tpu.memory_space<vmem>>
        %dma_wait3A_139 = arith.constant 0 : i32
        %dma_wait3A_140 = tpu.memref_slice %arg7[%mul3A_81, %dma_wait3A_139] : memref<40x128xi32, #tpu.memory_space<vmem>> -> memref<1x128xi32, #tpu.memory_space<vmem>>
        %dma_wait3A_141 = tpu.memref_squeeze %dma_wait3A_140 : memref<1x128xi32, #tpu.memory_space<vmem>> -> memref<128xi32, #tpu.memory_space<vmem>>
        %dma_wait3A_142 = arith.constant 0 : i32
        %dma_wait3A_143 = arith.constant 0 : i32
        %dma_wait3A_144 = tpu.memref_slice %arg9[%dma_wait3A_142, %dma_wait3A_143] : memref<10112x128xf32, #tpu.memory_space<vmem_shared>> -> memref<10112x128xf32, #tpu.memory_space<vmem_shared>>
        tpu.wait_indirect_dma semaphore(%run_scoped3A_124 : memref<!tpu.dma_semaphore, #tpu.memory_space<semaphore_mem>>) src(%dma_wait3A_138 : memref<128x128xf32, #tpu.memory_space<vmem>>) dst(%dma_wait3A_144 : memref<10112x128xf32, #tpu.memory_space<vmem_shared>>)
        tpu.yield
      }) : () -> ()
      %dma_wait3A_107 = arith.constant 0 : i32
      %dma_wait3A_108 = arith.constant 1 : i32
      %dma_wait3A_109 = arith.constant 0 : i32
      %dma_wait3A_110 = arith.constant 0 : i32
      %dma_wait3A_111 = tpu.memref_slice %arg8[%dma_wait3A_108, %dma_wait3A_109, %dma_wait3A_110] : memref<2x128x128xf32, #tpu.memory_space<vmem>> -> memref<1x128x128xf32, #tpu.memory_space<vmem>>
      %dma_wait3A_112 = tpu.memref_squeeze %dma_wait3A_111 : memref<1x128x128xf32, #tpu.memory_space<vmem>> -> memref<128x128xf32, #tpu.memory_space<vmem>>
      %dma_wait3A_113 = arith.constant 0 : i32
      %dma_wait3A_114 = tpu.memref_slice %arg6[%dma_wait3A_107, %dma_wait3A_113] : memref<40x128xi32, #tpu.memory_space<vmem>> -> memref<1x128xi32, #tpu.memory_space<vmem>>
      %dma_wait3A_115 = tpu.memref_squeeze %dma_wait3A_114 : memref<1x128xi32, #tpu.memory_space<vmem>> -> memref<128xi32, #tpu.memory_space<vmem>>
      %dma_wait3A_116 = arith.constant 0 : i32
      %dma_wait3A_117 = arith.constant 0 : i32
      %dma_wait3A_118 = tpu.memref_slice %arg2[%dma_wait3A_116, %dma_wait3A_117] : memref<10112x128xf32, #tpu.memory_space<hbm>> -> memref<10112x128xf32, #tpu.memory_space<hbm>>
      tpu.wait_indirect_dma semaphore(%arg10 : memref<!tpu.dma_semaphore, #tpu.memory_space<semaphore_mem>>) src(%dma_wait3A_118 : memref<10112x128xf32, #tpu.memory_space<hbm>>) dst(%dma_wait3A_112 : memref<128x128xf32, #tpu.memory_space<vmem>>)
      %lt3A = arith.constant 19 : i32
      %lt3A_119 = arith.cmpi slt, %scan3A_79, %lt3A : i32
      %convert_element_type3A = arith.extui %lt3A_119 : i1 to i32
      %cond3A = arith.constant 0 : i32
      %cond3A_120 = arith.cmpi ne, %convert_element_type3A, %cond3A : i32
      scf.if %cond3A_120 {
        %add3A_124 = arith.constant 2 : i32
        %add3A_125 = arith.addi %mul3A_81, %add3A_124 : i32
        %dma_start3A_126 = arith.constant 0 : i32
        %dma_start3A_127 = arith.constant 0 : i32
        %dma_start3A_128 = arith.constant 0 : i32
        %dma_start3A_129 = tpu.memref_slice %arg8[%dma_start3A_126, %dma_start3A_127, %dma_start3A_128] : memref<2x128x128xf32, #tpu.memory_space<vmem>> -> memref<1x128x128xf32, #tpu.memory_space<vmem>>
        %dma_start3A_130 = tpu.memref_squeeze %dma_start3A_129 : memref<1x128x128xf32, #tpu.memory_space<vmem>> -> memref<128x128xf32, #tpu.memory_space<vmem>>
        %dma_start3A_131 = arith.constant 0 : i32
        %dma_start3A_132 = tpu.memref_slice %arg6[%add3A_125, %dma_start3A_131] : memref<40x128xi32, #tpu.memory_space<vmem>> -> memref<1x128xi32, #tpu.memory_space<vmem>>
        %dma_start3A_133 = tpu.memref_squeeze %dma_start3A_132 : memref<1x128xi32, #tpu.memory_space<vmem>> -> memref<128xi32, #tpu.memory_space<vmem>>
        %dma_start3A_134 = arith.constant 0 : i32
        %dma_start3A_135 = arith.constant 0 : i32
        %dma_start3A_136 = tpu.memref_slice %arg2[%dma_start3A_134, %dma_start3A_135] : memref<10112x128xf32, #tpu.memory_space<hbm>> -> memref<10112x128xf32, #tpu.memory_space<hbm>>
        tpu.enqueue_indirect_dma source(%dma_start3A_136 : memref<10112x128xf32, #tpu.memory_space<hbm>>) target(%dma_start3A_130 : memref<128x128xf32, #tpu.memory_space<vmem>>) offsets(%dma_start3A_133 : memref<128xi32, #tpu.memory_space<vmem>>) semaphore(%arg10 : memref<!tpu.dma_semaphore, #tpu.memory_space<semaphore_mem>>)
      } else {
      }
      %add3A_121 = arith.constant 1 : i32
      %add3A_122 = arith.addi %mul3A_81, %add3A_121 : i32
      %run_scoped3A_123 = arith.constant 1 : i32
      "tpu.region"() ({
        %run_scoped3A_124 = tpu.sem_alloc : memref<!tpu.dma_semaphore, #tpu.memory_space<semaphore_mem>>
        %dma_start3A_125 = arith.constant 0 : i32
        %dma_start3A_126 = arith.constant 0 : i32
        %dma_start3A_127 = tpu.memref_slice %arg8[%run_scoped3A_123, %dma_start3A_125, %dma_start3A_126] : memref<2x128x128xf32, #tpu.memory_space<vmem>> -> memref<1x128x128xf32, #tpu.memory_space<vmem>>
        %dma_start3A_128 = tpu.memref_squeeze %dma_start3A_127 : memref<1x128x128xf32, #tpu.memory_space<vmem>> -> memref<128x128xf32, #tpu.memory_space<vmem>>
        %dma_start3A_129 = arith.constant 0 : i32
        %dma_start3A_130 = tpu.memref_slice %arg7[%add3A_122, %dma_start3A_129] : memref<40x128xi32, #tpu.memory_space<vmem>> -> memref<1x128xi32, #tpu.memory_space<vmem>>
        %dma_start3A_131 = tpu.memref_squeeze %dma_start3A_130 : memref<1x128xi32, #tpu.memory_space<vmem>> -> memref<128xi32, #tpu.memory_space<vmem>>
        %dma_start3A_132 = arith.constant 0 : i32
        %dma_start3A_133 = arith.constant 0 : i32
        %dma_start3A_134 = tpu.memref_slice %arg9[%dma_start3A_132, %dma_start3A_133] : memref<10112x128xf32, #tpu.memory_space<vmem_shared>> -> memref<10112x128xf32, #tpu.memory_space<vmem_shared>>
        tpu.enqueue_indirect_dma source(%dma_start3A_128 : memref<128x128xf32, #tpu.memory_space<vmem>>) target(%dma_start3A_134 : memref<10112x128xf32, #tpu.memory_space<vmem_shared>>) offsets(%dma_start3A_131 : memref<128xi32, #tpu.memory_space<vmem>>) semaphore(%run_scoped3A_124 : memref<!tpu.dma_semaphore, #tpu.memory_space<semaphore_mem>>) {add = true}
        %dma_wait3A_135 = arith.constant 0 : i32
        %dma_wait3A_136 = arith.constant 0 : i32
        %dma_wait3A_137 = tpu.memref_slice %arg8[%run_scoped3A_123, %dma_wait3A_135, %dma_wait3A_136] : memref<2x128x128xf32, #tpu.memory_space<vmem>> -> memref<1x128x128xf32, #tpu.memory_space<vmem>>
        %dma_wait3A_138 = tpu.memref_squeeze %dma_wait3A_137 : memref<1x128x128xf32, #tpu.memory_space<vmem>> -> memref<128x128xf32, #tpu.memory_space<vmem>>
        %dma_wait3A_139 = arith.constant 0 : i32
        %dma_wait3A_140 = tpu.memref_slice %arg7[%add3A_122, %dma_wait3A_139] : memref<40x128xi32, #tpu.memory_space<vmem>> -> memref<1x128xi32, #tpu.memory_space<vmem>>
        %dma_wait3A_141 = tpu.memref_squeeze %dma_wait3A_140 : memref<1x128xi32, #tpu.memory_space<vmem>> -> memref<128xi32, #tpu.memory_space<vmem>>
        %dma_wait3A_142 = arith.constant 0 : i32
        %dma_wait3A_143 = arith.constant 0 : i32
        %dma_wait3A_144 = tpu.memref_slice %arg9[%dma_wait3A_142, %dma_wait3A_143] : memref<10112x128xf32, #tpu.memory_space<vmem_shared>> -> memref<10112x128xf32, #tpu.memory_space<vmem_shared>>
        tpu.wait_indirect_dma semaphore(%run_scoped3A_124 : memref<!tpu.dma_semaphore, #tpu.memory_space<semaphore_mem>>) src(%dma_wait3A_138 : memref<128x128xf32, #tpu.memory_space<vmem>>) dst(%dma_wait3A_144 : memref<10112x128xf32, #tpu.memory_space<vmem_shared>>)
        tpu.yield
      }) : () -> ()
    }
    %scan3A_39 = arith.constant 20 : i32
    "tpu.region"() ({
      %run_scoped3A_79 = tpu.sem_alloc : memref<!tpu.dma_semaphore, #tpu.memory_space<semaphore_mem>>
      %dma_start3A_80 = arith.constant 40 : i32
      %dma_start3A_81 = arith.constant 0 : i32
      %dma_start3A_82 = tpu.memref_slice %arg3[%add3A, %dma_start3A_80, %dma_start3A_81] : memref<32x80x128xi32, #tpu.memory_space<hbm>> -> memref<1x40x128xi32, #tpu.memory_space<hbm>>
      %dma_start3A_83 = tpu.memref_squeeze %dma_start3A_82 : memref<1x40x128xi32, #tpu.memory_space<hbm>> -> memref<40x128xi32, #tpu.memory_space<hbm>>
      %dma_start3A_84 = arith.constant 40 : i32
      %dma_start3A_85 = arith.constant 0 : i32
      %dma_start3A_86 = tpu.memref_slice %arg3[%add3A, %dma_start3A_84, %dma_start3A_85] : memref<32x80x128xi32, #tpu.memory_space<hbm>> -> memref<1x40x128xi32, #tpu.memory_space<hbm>>
      %dma_start3A_87 = tpu.memref_squeeze %dma_start3A_86 : memref<1x40x128xi32, #tpu.memory_space<hbm>> -> memref<40x128xi32, #tpu.memory_space<hbm>>
      tpu.enqueue_dma source(%dma_start3A_87 : memref<40x128xi32, #tpu.memory_space<hbm>>) target(%arg6 : memref<40x128xi32, #tpu.memory_space<vmem>>) target_semaphore(%run_scoped3A_79 : memref<!tpu.dma_semaphore, #tpu.memory_space<semaphore_mem>>)
      %dma_wait3A = arith.constant 40 : i32
      %dma_wait3A_88 = arith.constant 0 : i32
      %dma_wait3A_89 = tpu.memref_slice %arg3[%add3A, %dma_wait3A, %dma_wait3A_88] : memref<32x80x128xi32, #tpu.memory_space<hbm>> -> memref<1x40x128xi32, #tpu.memory_space<hbm>>
      %dma_wait3A_90 = tpu.memref_squeeze %dma_wait3A_89 : memref<1x40x128xi32, #tpu.memory_space<hbm>> -> memref<40x128xi32, #tpu.memory_space<hbm>>
      %dma_wait3A_91 = arith.constant 40 : i32
      %dma_wait3A_92 = arith.constant 0 : i32
      %dma_wait3A_93 = tpu.memref_slice %arg3[%add3A, %dma_wait3A_91, %dma_wait3A_92] : memref<32x80x128xi32, #tpu.memory_space<hbm>> -> memref<1x40x128xi32, #tpu.memory_space<hbm>>
      %dma_wait3A_94 = tpu.memref_squeeze %dma_wait3A_93 : memref<1x40x128xi32, #tpu.memory_space<hbm>> -> memref<40x128xi32, #tpu.memory_space<hbm>>
      tpu.wait_dma2 semaphore(%run_scoped3A_79 : memref<!tpu.dma_semaphore, #tpu.memory_space<semaphore_mem>>) src(%dma_wait3A_94 : memref<40x128xi32, #tpu.memory_space<hbm>>) dst(%arg6 : memref<40x128xi32, #tpu.memory_space<vmem>>)
      tpu.yield
    }) : () -> ()
    "tpu.region"() ({
      %run_scoped3A_79 = tpu.sem_alloc : memref<!tpu.dma_semaphore, #tpu.memory_space<semaphore_mem>>
      %dma_start3A_80 = arith.constant 40 : i32
      %dma_start3A_81 = arith.constant 0 : i32
      %dma_start3A_82 = tpu.memref_slice %arg4[%add3A, %dma_start3A_80, %dma_start3A_81] : memref<32x80x128xi32, #tpu.memory_space<hbm>> -> memref<1x40x128xi32, #tpu.memory_space<hbm>>
      %dma_start3A_83 = tpu.memref_squeeze %dma_start3A_82 : memref<1x40x128xi32, #tpu.memory_space<hbm>> -> memref<40x128xi32, #tpu.memory_space<hbm>>
      %dma_start3A_84 = arith.constant 40 : i32
      %dma_start3A_85 = arith.constant 0 : i32
      %dma_start3A_86 = tpu.memref_slice %arg4[%add3A, %dma_start3A_84, %dma_start3A_85] : memref<32x80x128xi32, #tpu.memory_space<hbm>> -> memref<1x40x128xi32, #tpu.memory_space<hbm>>
      %dma_start3A_87 = tpu.memref_squeeze %dma_start3A_86 : memref<1x40x128xi32, #tpu.memory_space<hbm>> -> memref<40x128xi32, #tpu.memory_space<hbm>>
      tpu.enqueue_dma source(%dma_start3A_87 : memref<40x128xi32, #tpu.memory_space<hbm>>) target(%arg7 : memref<40x128xi32, #tpu.memory_space<vmem>>) target_semaphore(%run_scoped3A_79 : memref<!tpu.dma_semaphore, #tpu.memory_space<semaphore_mem>>)
      %dma_wait3A = arith.constant 40 : i32
      %dma_wait3A_88 = arith.constant 0 : i32
      %dma_wait3A_89 = tpu.memref_slice %arg4[%add3A, %dma_wait3A, %dma_wait3A_88] : memref<32x80x128xi32, #tpu.memory_space<hbm>> -> memref<1x40x128xi32, #tpu.memory_space<hbm>>
      %dma_wait3A_90 = tpu.memref_squeeze %dma_wait3A_89 : memref<1x40x128xi32, #tpu.memory_space<hbm>> -> memref<40x128xi32, #tpu.memory_space<hbm>>
      %dma_wait3A_91 = arith.constant 40 : i32
      %dma_wait3A_92 = arith.constant 0 : i32
      %dma_wait3A_93 = tpu.memref_slice %arg4[%add3A, %dma_wait3A_91, %dma_wait3A_92] : memref<32x80x128xi32, #tpu.memory_space<hbm>> -> memref<1x40x128xi32, #tpu.memory_space<hbm>>
      %dma_wait3A_94 = tpu.memref_squeeze %dma_wait3A_93 : memref<1x40x128xi32, #tpu.memory_space<hbm>> -> memref<40x128xi32, #tpu.memory_space<hbm>>
      tpu.wait_dma2 semaphore(%run_scoped3A_79 : memref<!tpu.dma_semaphore, #tpu.memory_space<semaphore_mem>>) src(%dma_wait3A_94 : memref<40x128xi32, #tpu.memory_space<hbm>>) dst(%arg7 : memref<40x128xi32, #tpu.memory_space<vmem>>)
      tpu.yield
    }) : () -> ()
    %dma_start3A_40 = arith.constant 0 : i32
    %dma_start3A_41 = arith.constant 0 : i32
    %dma_start3A_42 = arith.constant 0 : i32
    %dma_start3A_43 = arith.constant 0 : i32
    %dma_start3A_44 = tpu.memref_slice %arg8[%dma_start3A_41, %dma_start3A_42, %dma_start3A_43] : memref<2x128x128xf32, #tpu.memory_space<vmem>> -> memref<1x128x128xf32, #tpu.memory_space<vmem>>
    %dma_start3A_45 = tpu.memref_squeeze %dma_start3A_44 : memref<1x128x128xf32, #tpu.memory_space<vmem>> -> memref<128x128xf32, #tpu.memory_space<vmem>>
    %dma_start3A_46 = arith.constant 0 : i32
    %dma_start3A_47 = tpu.memref_slice %arg6[%dma_start3A_40, %dma_start3A_46] : memref<40x128xi32, #tpu.memory_space<vmem>> -> memref<1x128xi32, #tpu.memory_space<vmem>>
    %dma_start3A_48 = tpu.memref_squeeze %dma_start3A_47 : memref<1x128xi32, #tpu.memory_space<vmem>> -> memref<128xi32, #tpu.memory_space<vmem>>
    %dma_start3A_49 = arith.constant 0 : i32
    %dma_start3A_50 = arith.constant 0 : i32
    %dma_start3A_51 = tpu.memref_slice %arg2[%dma_start3A_49, %dma_start3A_50] : memref<10112x128xf32, #tpu.memory_space<hbm>> -> memref<10112x128xf32, #tpu.memory_space<hbm>>
    tpu.enqueue_indirect_dma source(%dma_start3A_51 : memref<10112x128xf32, #tpu.memory_space<hbm>>) target(%dma_start3A_45 : memref<128x128xf32, #tpu.memory_space<vmem>>) offsets(%dma_start3A_48 : memref<128xi32, #tpu.memory_space<vmem>>) semaphore(%arg10 : memref<!tpu.dma_semaphore, #tpu.memory_space<semaphore_mem>>)
    %scan3A_52 = arith.constant 0 : i32
    %scan3A_53 = arith.constant 0 : i32
    %scan3A_54 = arith.constant 20 : i32
    %scan3A_55 = arith.addi %scan3A_53, %scan3A_54 : i32
    %scan3A_56 = arith.constant 1 : i32
    scf.for %scan3A_79 = %scan3A_53 to %scan3A_55 step %scan3A_56  : i32 {
      %mul3A_80 = arith.constant 2 : i32
      %mul3A_81 = arith.muli %mul3A_80, %scan3A_79 : i32
      %dma_wait3A = arith.constant 0 : i32
      %dma_wait3A_82 = arith.constant 0 : i32
      %dma_wait3A_83 = arith.constant 0 : i32
      %dma_wait3A_84 = arith.constant 0 : i32
      %dma_wait3A_85 = tpu.memref_slice %arg8[%dma_wait3A_82, %dma_wait3A_83, %dma_wait3A_84] : memref<2x128x128xf32, #tpu.memory_space<vmem>> -> memref<1x128x128xf32, #tpu.memory_space<vmem>>
      %dma_wait3A_86 = tpu.memref_squeeze %dma_wait3A_85 : memref<1x128x128xf32, #tpu.memory_space<vmem>> -> memref<128x128xf32, #tpu.memory_space<vmem>>
      %dma_wait3A_87 = arith.constant 0 : i32
      %dma_wait3A_88 = tpu.memref_slice %arg6[%dma_wait3A, %dma_wait3A_87] : memref<40x128xi32, #tpu.memory_space<vmem>> -> memref<1x128xi32, #tpu.memory_space<vmem>>
      %dma_wait3A_89 = tpu.memref_squeeze %dma_wait3A_88 : memref<1x128xi32, #tpu.memory_space<vmem>> -> memref<128xi32, #tpu.memory_space<vmem>>
      %dma_wait3A_90 = arith.constant 0 : i32
      %dma_wait3A_91 = arith.constant 0 : i32
      %dma_wait3A_92 = tpu.memref_slice %arg2[%dma_wait3A_90, %dma_wait3A_91] : memref<10112x128xf32, #tpu.memory_space<hbm>> -> memref<10112x128xf32, #tpu.memory_space<hbm>>
      tpu.wait_indirect_dma semaphore(%arg10 : memref<!tpu.dma_semaphore, #tpu.memory_space<semaphore_mem>>) src(%dma_wait3A_92 : memref<10112x128xf32, #tpu.memory_space<hbm>>) dst(%dma_wait3A_86 : memref<128x128xf32, #tpu.memory_space<vmem>>)
      %add3A_93 = arith.constant 1 : i32
      %add3A_94 = arith.addi %mul3A_81, %add3A_93 : i32
      %dma_start3A_95 = arith.constant 1 : i32
      %dma_start3A_96 = arith.constant 0 : i32
      %dma_start3A_97 = arith.constant 0 : i32
      %dma_start3A_98 = tpu.memref_slice %arg8[%dma_start3A_95, %dma_start3A_96, %dma_start3A_97] : memref<2x128x128xf32, #tpu.memory_space<vmem>> -> memref<1x128x128xf32, #tpu.memory_space<vmem>>
      %dma_start3A_99 = tpu.memref_squeeze %dma_start3A_98 : memref<1x128x128xf32, #tpu.memory_space<vmem>> -> memref<128x128xf32, #tpu.memory_space<vmem>>
      %dma_start3A_100 = arith.constant 0 : i32
      %dma_start3A_101 = tpu.memref_slice %arg6[%add3A_94, %dma_start3A_100] : memref<40x128xi32, #tpu.memory_space<vmem>> -> memref<1x128xi32, #tpu.memory_space<vmem>>
      %dma_start3A_102 = tpu.memref_squeeze %dma_start3A_101 : memref<1x128xi32, #tpu.memory_space<vmem>> -> memref<128xi32, #tpu.memory_space<vmem>>
      %dma_start3A_103 = arith.constant 0 : i32
      %dma_start3A_104 = arith.constant 0 : i32
      %dma_start3A_105 = tpu.memref_slice %arg2[%dma_start3A_103, %dma_start3A_104] : memref<10112x128xf32, #tpu.memory_space<hbm>> -> memref<10112x128xf32, #tpu.memory_space<hbm>>
      tpu.enqueue_indirect_dma source(%dma_start3A_105 : memref<10112x128xf32, #tpu.memory_space<hbm>>) target(%dma_start3A_99 : memref<128x128xf32, #tpu.memory_space<vmem>>) offsets(%dma_start3A_102 : memref<128xi32, #tpu.memory_space<vmem>>) semaphore(%arg10 : memref<!tpu.dma_semaphore, #tpu.memory_space<semaphore_mem>>)
      %run_scoped3A_106 = arith.constant 0 : i32
      "tpu.region"() ({
        %run_scoped3A_124 = tpu.sem_alloc : memref<!tpu.dma_semaphore, #tpu.memory_space<semaphore_mem>>
        %dma_start3A_125 = arith.constant 0 : i32
        %dma_start3A_126 = arith.constant 0 : i32
        %dma_start3A_127 = tpu.memref_slice %arg8[%run_scoped3A_106, %dma_start3A_125, %dma_start3A_126] : memref<2x128x128xf32, #tpu.memory_space<vmem>> -> memref<1x128x128xf32, #tpu.memory_space<vmem>>
        %dma_start3A_128 = tpu.memref_squeeze %dma_start3A_127 : memref<1x128x128xf32, #tpu.memory_space<vmem>> -> memref<128x128xf32, #tpu.memory_space<vmem>>
        %dma_start3A_129 = arith.constant 0 : i32
        %dma_start3A_130 = tpu.memref_slice %arg7[%mul3A_81, %dma_start3A_129] : memref<40x128xi32, #tpu.memory_space<vmem>> -> memref<1x128xi32, #tpu.memory_space<vmem>>
        %dma_start3A_131 = tpu.memref_squeeze %dma_start3A_130 : memref<1x128xi32, #tpu.memory_space<vmem>> -> memref<128xi32, #tpu.memory_space<vmem>>
        %dma_start3A_132 = arith.constant 0 : i32
        %dma_start3A_133 = arith.constant 0 : i32
        %dma_start3A_134 = tpu.memref_slice %arg9[%dma_start3A_132, %dma_start3A_133] : memref<10112x128xf32, #tpu.memory_space<vmem_shared>> -> memref<10112x128xf32, #tpu.memory_space<vmem_shared>>
        tpu.enqueue_indirect_dma source(%dma_start3A_128 : memref<128x128xf32, #tpu.memory_space<vmem>>) target(%dma_start3A_134 : memref<10112x128xf32, #tpu.memory_space<vmem_shared>>) offsets(%dma_start3A_131 : memref<128xi32, #tpu.memory_space<vmem>>) semaphore(%run_scoped3A_124 : memref<!tpu.dma_semaphore, #tpu.memory_space<semaphore_mem>>) {add = true}
        %dma_wait3A_135 = arith.constant 0 : i32
        %dma_wait3A_136 = arith.constant 0 : i32
        %dma_wait3A_137 = tpu.memref_slice %arg8[%run_scoped3A_106, %dma_wait3A_135, %dma_wait3A_136] : memref<2x128x128xf32, #tpu.memory_space<vmem>> -> memref<1x128x128xf32, #tpu.memory_space<vmem>>
        %dma_wait3A_138 = tpu.memref_squeeze %dma_wait3A_137 : memref<1x128x128xf32, #tpu.memory_space<vmem>> -> memref<128x128xf32, #tpu.memory_space<vmem>>
        %dma_wait3A_139 = arith.constant 0 : i32
        %dma_wait3A_140 = tpu.memref_slice %arg7[%mul3A_81, %dma_wait3A_139] : memref<40x128xi32, #tpu.memory_space<vmem>> -> memref<1x128xi32, #tpu.memory_space<vmem>>
        %dma_wait3A_141 = tpu.memref_squeeze %dma_wait3A_140 : memref<1x128xi32, #tpu.memory_space<vmem>> -> memref<128xi32, #tpu.memory_space<vmem>>
        %dma_wait3A_142 = arith.constant 0 : i32
        %dma_wait3A_143 = arith.constant 0 : i32
        %dma_wait3A_144 = tpu.memref_slice %arg9[%dma_wait3A_142, %dma_wait3A_143] : memref<10112x128xf32, #tpu.memory_space<vmem_shared>> -> memref<10112x128xf32, #tpu.memory_space<vmem_shared>>
        tpu.wait_indirect_dma semaphore(%run_scoped3A_124 : memref<!tpu.dma_semaphore, #tpu.memory_space<semaphore_mem>>) src(%dma_wait3A_138 : memref<128x128xf32, #tpu.memory_space<vmem>>) dst(%dma_wait3A_144 : memref<10112x128xf32, #tpu.memory_space<vmem_shared>>)
        tpu.yield
      }) : () -> ()
      %dma_wait3A_107 = arith.constant 0 : i32
      %dma_wait3A_108 = arith.constant 1 : i32
      %dma_wait3A_109 = arith.constant 0 : i32
      %dma_wait3A_110 = arith.constant 0 : i32
      %dma_wait3A_111 = tpu.memref_slice %arg8[%dma_wait3A_108, %dma_wait3A_109, %dma_wait3A_110] : memref<2x128x128xf32, #tpu.memory_space<vmem>> -> memref<1x128x128xf32, #tpu.memory_space<vmem>>
      %dma_wait3A_112 = tpu.memref_squeeze %dma_wait3A_111 : memref<1x128x128xf32, #tpu.memory_space<vmem>> -> memref<128x128xf32, #tpu.memory_space<vmem>>
      %dma_wait3A_113 = arith.constant 0 : i32
      %dma_wait3A_114 = tpu.memref_slice %arg6[%dma_wait3A_107, %dma_wait3A_113] : memref<40x128xi32, #tpu.memory_space<vmem>> -> memref<1x128xi32, #tpu.memory_space<vmem>>
      %dma_wait3A_115 = tpu.memref_squeeze %dma_wait3A_114 : memref<1x128xi32, #tpu.memory_space<vmem>> -> memref<128xi32, #tpu.memory_space<vmem>>
      %dma_wait3A_116 = arith.constant 0 : i32
      %dma_wait3A_117 = arith.constant 0 : i32
      %dma_wait3A_118 = tpu.memref_slice %arg2[%dma_wait3A_116, %dma_wait3A_117] : memref<10112x128xf32, #tpu.memory_space<hbm>> -> memref<10112x128xf32, #tpu.memory_space<hbm>>
      tpu.wait_indirect_dma semaphore(%arg10 : memref<!tpu.dma_semaphore, #tpu.memory_space<semaphore_mem>>) src(%dma_wait3A_118 : memref<10112x128xf32, #tpu.memory_space<hbm>>) dst(%dma_wait3A_112 : memref<128x128xf32, #tpu.memory_space<vmem>>)
      %lt3A = arith.constant 19 : i32
      %lt3A_119 = arith.cmpi slt, %scan3A_79, %lt3A : i32
      %convert_element_type3A = arith.extui %lt3A_119 : i1 to i32
      %cond3A = arith.constant 0 : i32
      %cond3A_120 = arith.cmpi ne, %convert_element_type3A, %cond3A : i32
      scf.if %cond3A_120 {
        %add3A_124 = arith.constant 2 : i32
        %add3A_125 = arith.addi %mul3A_81, %add3A_124 : i32
        %dma_start3A_126 = arith.constant 0 : i32
        %dma_start3A_127 = arith.constant 0 : i32
        %dma_start3A_128 = arith.constant 0 : i32
        %dma_start3A_129 = tpu.memref_slice %arg8[%dma_start3A_126, %dma_start3A_127, %dma_start3A_128] : memref<2x128x128xf32, #tpu.memory_space<vmem>> -> memref<1x128x128xf32, #tpu.memory_space<vmem>>
        %dma_start3A_130 = tpu.memref_squeeze %dma_start3A_129 : memref<1x128x128xf32, #tpu.memory_space<vmem>> -> memref<128x128xf32, #tpu.memory_space<vmem>>
        %dma_start3A_131 = arith.constant 0 : i32
        %dma_start3A_132 = tpu.memref_slice %arg6[%add3A_125, %dma_start3A_131] : memref<40x128xi32, #tpu.memory_space<vmem>> -> memref<1x128xi32, #tpu.memory_space<vmem>>
        %dma_start3A_133 = tpu.memref_squeeze %dma_start3A_132 : memref<1x128xi32, #tpu.memory_space<vmem>> -> memref<128xi32, #tpu.memory_space<vmem>>
        %dma_start3A_134 = arith.constant 0 : i32
        %dma_start3A_135 = arith.constant 0 : i32
        %dma_start3A_136 = tpu.memref_slice %arg2[%dma_start3A_134, %dma_start3A_135] : memref<10112x128xf32, #tpu.memory_space<hbm>> -> memref<10112x128xf32, #tpu.memory_space<hbm>>
        tpu.enqueue_indirect_dma source(%dma_start3A_136 : memref<10112x128xf32, #tpu.memory_space<hbm>>) target(%dma_start3A_130 : memref<128x128xf32, #tpu.memory_space<vmem>>) offsets(%dma_start3A_133 : memref<128xi32, #tpu.memory_space<vmem>>) semaphore(%arg10 : memref<!tpu.dma_semaphore, #tpu.memory_space<semaphore_mem>>)
      } else {
      }
      %add3A_121 = arith.constant 1 : i32
      %add3A_122 = arith.addi %mul3A_81, %add3A_121 : i32
      %run_scoped3A_123 = arith.constant 1 : i32
      "tpu.region"() ({
        %run_scoped3A_124 = tpu.sem_alloc : memref<!tpu.dma_semaphore, #tpu.memory_space<semaphore_mem>>
        %dma_start3A_125 = arith.constant 0 : i32
        %dma_start3A_126 = arith.constant 0 : i32
        %dma_start3A_127 = tpu.memref_slice %arg8[%run_scoped3A_123, %dma_start3A_125, %dma_start3A_126] : memref<2x128x128xf32, #tpu.memory_space<vmem>> -> memref<1x128x128xf32, #tpu.memory_space<vmem>>
        %dma_start3A_128 = tpu.memref_squeeze %dma_start3A_127 : memref<1x128x128xf32, #tpu.memory_space<vmem>> -> memref<128x128xf32, #tpu.memory_space<vmem>>
        %dma_start3A_129 = arith.constant 0 : i32
        %dma_start3A_130 = tpu.memref_slice %arg7[%add3A_122, %dma_start3A_129] : memref<40x128xi32, #tpu.memory_space<vmem>> -> memref<1x128xi32, #tpu.memory_space<vmem>>
        %dma_start3A_131 = tpu.memref_squeeze %dma_start3A_130 : memref<1x128xi32, #tpu.memory_space<vmem>> -> memref<128xi32, #tpu.memory_space<vmem>>
        %dma_start3A_132 = arith.constant 0 : i32
        %dma_start3A_133 = arith.constant 0 : i32
        %dma_start3A_134 = tpu.memref_slice %arg9[%dma_start3A_132, %dma_start3A_133] : memref<10112x128xf32, #tpu.memory_space<vmem_shared>> -> memref<10112x128xf32, #tpu.memory_space<vmem_shared>>
        tpu.enqueue_indirect_dma source(%dma_start3A_128 : memref<128x128xf32, #tpu.memory_space<vmem>>) target(%dma_start3A_134 : memref<10112x128xf32, #tpu.memory_space<vmem_shared>>) offsets(%dma_start3A_131 : memref<128xi32, #tpu.memory_space<vmem>>) semaphore(%run_scoped3A_124 : memref<!tpu.dma_semaphore, #tpu.memory_space<semaphore_mem>>) {add = true}
        %dma_wait3A_135 = arith.constant 0 : i32
        %dma_wait3A_136 = arith.constant 0 : i32
        %dma_wait3A_137 = tpu.memref_slice %arg8[%run_scoped3A_123, %dma_wait3A_135, %dma_wait3A_136] : memref<2x128x128xf32, #tpu.memory_space<vmem>> -> memref<1x128x128xf32, #tpu.memory_space<vmem>>
        %dma_wait3A_138 = tpu.memref_squeeze %dma_wait3A_137 : memref<1x128x128xf32, #tpu.memory_space<vmem>> -> memref<128x128xf32, #tpu.memory_space<vmem>>
        %dma_wait3A_139 = arith.constant 0 : i32
        %dma_wait3A_140 = tpu.memref_slice %arg7[%add3A_122, %dma_wait3A_139] : memref<40x128xi32, #tpu.memory_space<vmem>> -> memref<1x128xi32, #tpu.memory_space<vmem>>
        %dma_wait3A_141 = tpu.memref_squeeze %dma_wait3A_140 : memref<1x128xi32, #tpu.memory_space<vmem>> -> memref<128xi32, #tpu.memory_space<vmem>>
        %dma_wait3A_142 = arith.constant 0 : i32
        %dma_wait3A_143 = arith.constant 0 : i32
        %dma_wait3A_144 = tpu.memref_slice %arg9[%dma_wait3A_142, %dma_wait3A_143] : memref<10112x128xf32, #tpu.memory_space<vmem_shared>> -> memref<10112x128xf32, #tpu.memory_space<vmem_shared>>
        tpu.wait_indirect_dma semaphore(%run_scoped3A_124 : memref<!tpu.dma_semaphore, #tpu.memory_space<semaphore_mem>>) src(%dma_wait3A_138 : memref<128x128xf32, #tpu.memory_space<vmem>>) dst(%dma_wait3A_144 : memref<10112x128xf32, #tpu.memory_space<vmem_shared>>)
        tpu.yield
      }) : () -> ()
    }
    %scan3A_57 = arith.constant 20 : i32
    %barrier3A_58 = arith.constant 0 : index
    tpu.barrier barrier_id(%barrier3A_58)
    %add3A_59 = arith.constant 0 : i32
    %add3A_60 = arith.addi %mul3A_8, %add3A_59 : i32
    %add3A_61 = arith.constant 0 : i32
    %add3A_62 = arith.addi %mul3A_8, %add3A_61 : i32
    "tpu.region"() ({
      %run_scoped3A_79 = tpu.sem_alloc : memref<!tpu.dma_semaphore, #tpu.memory_space<semaphore_mem>>
      %dma_start3A_80 = arith.constant 0 : i32
      %dma_start3A_81 = tpu.memref_slice %arg5[%arg0, %add3A_62, %dma_start3A_80] : memref<2x10112x128xf32, #tpu.memory_space<hbm>> -> memref<1x128x128xf32, #tpu.memory_space<hbm>>
      %dma_start3A_82 = tpu.memref_squeeze %dma_start3A_81 : memref<1x128x128xf32, #tpu.memory_space<hbm>> -> memref<128x128xf32, #tpu.memory_space<hbm>>
      %dma_start3A_83 = arith.constant 0 : i32
      %dma_start3A_84 = tpu.memref_slice %arg9[%add3A_60, %dma_start3A_83] : memref<10112x128xf32, #tpu.memory_space<vmem_shared>> -> memref<128x128xf32, #tpu.memory_space<vmem_shared>>
      tpu.enqueue_dma source(%dma_start3A_84 : memref<128x128xf32, #tpu.memory_space<vmem_shared>>) target(%dma_start3A_82 : memref<128x128xf32, #tpu.memory_space<hbm>>) target_semaphore(%run_scoped3A_79 : memref<!tpu.dma_semaphore, #tpu.memory_space<semaphore_mem>>)
      %dma_wait3A = arith.constant 0 : i32
      %dma_wait3A_85 = tpu.memref_slice %arg5[%arg0, %add3A_62, %dma_wait3A] : memref<2x10112x128xf32, #tpu.memory_space<hbm>> -> memref<1x128x128xf32, #tpu.memory_space<hbm>>
      %dma_wait3A_86 = tpu.memref_squeeze %dma_wait3A_85 : memref<1x128x128xf32, #tpu.memory_space<hbm>> -> memref<128x128xf32, #tpu.memory_space<hbm>>
      %dma_wait3A_87 = arith.constant 0 : i32
      %dma_wait3A_88 = tpu.memref_slice %arg9[%add3A_60, %dma_wait3A_87] : memref<10112x128xf32, #tpu.memory_space<vmem_shared>> -> memref<128x128xf32, #tpu.memory_space<vmem_shared>>
      tpu.wait_dma2 semaphore(%run_scoped3A_79 : memref<!tpu.dma_semaphore, #tpu.memory_space<semaphore_mem>>) src(%dma_wait3A_88 : memref<128x128xf32, #tpu.memory_space<vmem_shared>>) dst(%dma_wait3A_86 : memref<128x128xf32, #tpu.memory_space<hbm>>)
      tpu.yield
    }) : () -> ()
    %add3A_63 = arith.constant 128 : i32
    %add3A_64 = arith.addi %mul3A_8, %add3A_63 : i32
    %add3A_65 = arith.constant 128 : i32
    %add3A_66 = arith.addi %mul3A_8, %add3A_65 : i32
    "tpu.region"() ({
      %run_scoped3A_79 = tpu.sem_alloc : memref<!tpu.dma_semaphore, #tpu.memory_space<semaphore_mem>>
      %dma_start3A_80 = arith.constant 0 : i32
      %dma_start3A_81 = tpu.memref_slice %arg5[%arg0, %add3A_66, %dma_start3A_80] : memref<2x10112x128xf32, #tpu.memory_space<hbm>> -> memref<1x128x128xf32, #tpu.memory_space<hbm>>
      %dma_start3A_82 = tpu.memref_squeeze %dma_start3A_81 : memref<1x128x128xf32, #tpu.memory_space<hbm>> -> memref<128x128xf32, #tpu.memory_space<hbm>>
      %dma_start3A_83 = arith.constant 0 : i32
      %dma_start3A_84 = tpu.memref_slice %arg9[%add3A_64, %dma_start3A_83] : memref<10112x128xf32, #tpu.memory_space<vmem_shared>> -> memref<128x128xf32, #tpu.memory_space<vmem_shared>>
      tpu.enqueue_dma source(%dma_start3A_84 : memref<128x128xf32, #tpu.memory_space<vmem_shared>>) target(%dma_start3A_82 : memref<128x128xf32, #tpu.memory_space<hbm>>) target_semaphore(%run_scoped3A_79 : memref<!tpu.dma_semaphore, #tpu.memory_space<semaphore_mem>>)
      %dma_wait3A = arith.constant 0 : i32
      %dma_wait3A_85 = tpu.memref_slice %arg5[%arg0, %add3A_66, %dma_wait3A] : memref<2x10112x128xf32, #tpu.memory_space<hbm>> -> memref<1x128x128xf32, #tpu.memory_space<hbm>>
      %dma_wait3A_86 = tpu.memref_squeeze %dma_wait3A_85 : memref<1x128x128xf32, #tpu.memory_space<hbm>> -> memref<128x128xf32, #tpu.memory_space<hbm>>
      %dma_wait3A_87 = arith.constant 0 : i32
      %dma_wait3A_88 = tpu.memref_slice %arg9[%add3A_64, %dma_wait3A_87] : memref<10112x128xf32, #tpu.memory_space<vmem_shared>> -> memref<128x128xf32, #tpu.memory_space<vmem_shared>>
      tpu.wait_dma2 semaphore(%run_scoped3A_79 : memref<!tpu.dma_semaphore, #tpu.memory_space<semaphore_mem>>) src(%dma_wait3A_88 : memref<128x128xf32, #tpu.memory_space<vmem_shared>>) dst(%dma_wait3A_86 : memref<128x128xf32, #tpu.memory_space<hbm>>)
      tpu.yield
    }) : () -> ()
    %add3A_67 = arith.constant 256 : i32
    %add3A_68 = arith.addi %mul3A_8, %add3A_67 : i32
    %add3A_69 = arith.constant 256 : i32
    %add3A_70 = arith.addi %mul3A_8, %add3A_69 : i32
    "tpu.region"() ({
      %run_scoped3A_79 = tpu.sem_alloc : memref<!tpu.dma_semaphore, #tpu.memory_space<semaphore_mem>>
      %dma_start3A_80 = arith.constant 0 : i32
      %dma_start3A_81 = tpu.memref_slice %arg5[%arg0, %add3A_70, %dma_start3A_80] : memref<2x10112x128xf32, #tpu.memory_space<hbm>> -> memref<1x128x128xf32, #tpu.memory_space<hbm>>
      %dma_start3A_82 = tpu.memref_squeeze %dma_start3A_81 : memref<1x128x128xf32, #tpu.memory_space<hbm>> -> memref<128x128xf32, #tpu.memory_space<hbm>>
      %dma_start3A_83 = arith.constant 0 : i32
      %dma_start3A_84 = tpu.memref_slice %arg9[%add3A_68, %dma_start3A_83] : memref<10112x128xf32, #tpu.memory_space<vmem_shared>> -> memref<128x128xf32, #tpu.memory_space<vmem_shared>>
      tpu.enqueue_dma source(%dma_start3A_84 : memref<128x128xf32, #tpu.memory_space<vmem_shared>>) target(%dma_start3A_82 : memref<128x128xf32, #tpu.memory_space<hbm>>) target_semaphore(%run_scoped3A_79 : memref<!tpu.dma_semaphore, #tpu.memory_space<semaphore_mem>>)
      %dma_wait3A = arith.constant 0 : i32
      %dma_wait3A_85 = tpu.memref_slice %arg5[%arg0, %add3A_70, %dma_wait3A] : memref<2x10112x128xf32, #tpu.memory_space<hbm>> -> memref<1x128x128xf32, #tpu.memory_space<hbm>>
      %dma_wait3A_86 = tpu.memref_squeeze %dma_wait3A_85 : memref<1x128x128xf32, #tpu.memory_space<hbm>> -> memref<128x128xf32, #tpu.memory_space<hbm>>
      %dma_wait3A_87 = arith.constant 0 : i32
      %dma_wait3A_88 = tpu.memref_slice %arg9[%add3A_68, %dma_wait3A_87] : memref<10112x128xf32, #tpu.memory_space<vmem_shared>> -> memref<128x128xf32, #tpu.memory_space<vmem_shared>>
      tpu.wait_dma2 semaphore(%run_scoped3A_79 : memref<!tpu.dma_semaphore, #tpu.memory_space<semaphore_mem>>) src(%dma_wait3A_88 : memref<128x128xf32, #tpu.memory_space<vmem_shared>>) dst(%dma_wait3A_86 : memref<128x128xf32, #tpu.memory_space<hbm>>)
      tpu.yield
    }) : () -> ()
    %add3A_71 = arith.constant 384 : i32
    %add3A_72 = arith.addi %mul3A_8, %add3A_71 : i32
    %add3A_73 = arith.constant 384 : i32
    %add3A_74 = arith.addi %mul3A_8, %add3A_73 : i32
    "tpu.region"() ({
      %run_scoped3A_79 = tpu.sem_alloc : memref<!tpu.dma_semaphore, #tpu.memory_space<semaphore_mem>>
      %dma_start3A_80 = arith.constant 0 : i32
      %dma_start3A_81 = tpu.memref_slice %arg5[%arg0, %add3A_74, %dma_start3A_80] : memref<2x10112x128xf32, #tpu.memory_space<hbm>> -> memref<1x128x128xf32, #tpu.memory_space<hbm>>
      %dma_start3A_82 = tpu.memref_squeeze %dma_start3A_81 : memref<1x128x128xf32, #tpu.memory_space<hbm>> -> memref<128x128xf32, #tpu.memory_space<hbm>>
      %dma_start3A_83 = arith.constant 0 : i32
      %dma_start3A_84 = tpu.memref_slice %arg9[%add3A_72, %dma_start3A_83] : memref<10112x128xf32, #tpu.memory_space<vmem_shared>> -> memref<128x128xf32, #tpu.memory_space<vmem_shared>>
      tpu.enqueue_dma source(%dma_start3A_84 : memref<128x128xf32, #tpu.memory_space<vmem_shared>>) target(%dma_start3A_82 : memref<128x128xf32, #tpu.memory_space<hbm>>) target_semaphore(%run_scoped3A_79 : memref<!tpu.dma_semaphore, #tpu.memory_space<semaphore_mem>>)
      %dma_wait3A = arith.constant 0 : i32
      %dma_wait3A_85 = tpu.memref_slice %arg5[%arg0, %add3A_74, %dma_wait3A] : memref<2x10112x128xf32, #tpu.memory_space<hbm>> -> memref<1x128x128xf32, #tpu.memory_space<hbm>>
      %dma_wait3A_86 = tpu.memref_squeeze %dma_wait3A_85 : memref<1x128x128xf32, #tpu.memory_space<hbm>> -> memref<128x128xf32, #tpu.memory_space<hbm>>
      %dma_wait3A_87 = arith.constant 0 : i32
      %dma_wait3A_88 = tpu.memref_slice %arg9[%add3A_72, %dma_wait3A_87] : memref<10112x128xf32, #tpu.memory_space<vmem_shared>> -> memref<128x128xf32, #tpu.memory_space<vmem_shared>>
      tpu.wait_dma2 semaphore(%run_scoped3A_79 : memref<!tpu.dma_semaphore, #tpu.memory_space<semaphore_mem>>) src(%dma_wait3A_88 : memref<128x128xf32, #tpu.memory_space<vmem_shared>>) dst(%dma_wait3A_86 : memref<128x128xf32, #tpu.memory_space<hbm>>)
      tpu.yield
    }) : () -> ()
    %add3A_75 = arith.constant 512 : i32
    %add3A_76 = arith.addi %mul3A_8, %add3A_75 : i32
    %add3A_77 = arith.constant 512 : i32
    %add3A_78 = arith.addi %mul3A_8, %add3A_77 : i32
    "tpu.region"() ({
      %run_scoped3A_79 = tpu.sem_alloc : memref<!tpu.dma_semaphore, #tpu.memory_space<semaphore_mem>>
      %dma_start3A_80 = arith.constant 0 : i32
      %dma_start3A_81 = tpu.memref_slice %arg5[%arg0, %add3A_78, %dma_start3A_80] : memref<2x10112x128xf32, #tpu.memory_space<hbm>> -> memref<1x120x128xf32, #tpu.memory_space<hbm>>
      %dma_start3A_82 = tpu.memref_squeeze %dma_start3A_81 : memref<1x120x128xf32, #tpu.memory_space<hbm>> -> memref<120x128xf32, #tpu.memory_space<hbm>>
      %dma_start3A_83 = arith.constant 0 : i32
      %dma_start3A_84 = tpu.memref_slice %arg9[%add3A_76, %dma_start3A_83] : memref<10112x128xf32, #tpu.memory_space<vmem_shared>> -> memref<120x128xf32, #tpu.memory_space<vmem_shared>>
      tpu.enqueue_dma source(%dma_start3A_84 : memref<120x128xf32, #tpu.memory_space<vmem_shared>>) target(%dma_start3A_82 : memref<120x128xf32, #tpu.memory_space<hbm>>) target_semaphore(%run_scoped3A_79 : memref<!tpu.dma_semaphore, #tpu.memory_space<semaphore_mem>>)
      %dma_wait3A = arith.constant 0 : i32
      %dma_wait3A_85 = tpu.memref_slice %arg5[%arg0, %add3A_78, %dma_wait3A] : memref<2x10112x128xf32, #tpu.memory_space<hbm>> -> memref<1x120x128xf32, #tpu.memory_space<hbm>>
      %dma_wait3A_86 = tpu.memref_squeeze %dma_wait3A_85 : memref<1x120x128xf32, #tpu.memory_space<hbm>> -> memref<120x128xf32, #tpu.memory_space<hbm>>
      %dma_wait3A_87 = arith.constant 0 : i32
      %dma_wait3A_88 = tpu.memref_slice %arg9[%add3A_76, %dma_wait3A_87] : memref<10112x128xf32, #tpu.memory_space<vmem_shared>> -> memref<120x128xf32, #tpu.memory_space<vmem_shared>>
      tpu.wait_dma2 semaphore(%run_scoped3A_79 : memref<!tpu.dma_semaphore, #tpu.memory_space<semaphore_mem>>) src(%dma_wait3A_88 : memref<120x128xf32, #tpu.memory_space<vmem_shared>>) dst(%dma_wait3A_86 : memref<120x128xf32, #tpu.memory_space<hbm>>)
      tpu.yield
    }) : () -> ()
    return
  }
}

#map = affine_map<(d0, d1) -> (0, 0)>
#map1 = affine_map<(d0, d1) -> (0, 0, 0)>
module attributes {stable_mosaic.version = 14 : i64} {
  func.func @_sc_spmm(%arg0: i32, %arg1: i32, %arg2: memref<10112x128xf32, #tpu.memory_space<hbm>>, %arg3: memref<32x80x128xi32, #tpu.memory_space<hbm>>, %arg4: memref<32x80x128xi32, #tpu.memory_space<hbm>>, %arg5: memref<2x10112x128xf32, #tpu.memory_space<hbm>>, %arg6: memref<40x128xi32, #tpu.memory_space<vmem>>, %arg7: memref<40x128xi32, #tpu.memory_space<vmem>>, %arg8: memref<2x128x128xf32, #tpu.memory_space<vmem>>, %arg9: memref<10112x128xf32, #tpu.memory_space<vmem_shared>>, %arg10: memref<!tpu.dma_semaphore, #tpu.memory_space<semaphore_mem>>) attributes {dimension_semantics = [#tpu.dimension_semantics<core_parallel>, #tpu.dimension_semantics<subcore_parallel>], iteration_bounds = array<i64: 2, 16>, scalar_prefetch = 0 : i64, scratch_operands = 5 : i64, tpu.core_type = #tpu.core_type<sc_vector_subcore>, window_params = [{transform_indices = #map}, {transform_indices = #map1}, {transform_indices = #map1}, {transform_indices = #map1}]} {
    %mul3A = arith.constant 16 : i32
    %mul3A_0 = arith.muli %arg0, %mul3A : i32
    %add3A = arith.addi %mul3A_0, %arg1 : i32
    %broadcast_in_dim3A = arith.constant 0.000000e+00 : f32
    %broadcast_in_dim3A_1 = vector.broadcast %broadcast_in_dim3A : f32 to vector<16xf32>
    %scan3A = arith.constant 0 : i32
    %scan3A_2 = arith.constant 0 : i32
    %scan3A_3 = arith.constant 1024 : i32
    %scan3A_4 = arith.addi %scan3A_2, %scan3A_3 : i32
    %scan3A_5 = arith.constant 1 : i32
    scf.for %scan3A_79 = %scan3A_2 to %scan3A_4 step %scan3A_5  : i32 {
      %jit3A = arith.constant 8 : i32
      %div3A = arith.divsi %scan3A_79, %jit3A : i32
      %sign3A = arith.constant 0 : i32
      %sign3A_80 = arith.cmpi sgt, %scan3A_79, %sign3A : i32
      %sign3A_81 = arith.extui %sign3A_80 : i1 to i32
      %sign3A_82 = arith.constant 0 : i32
      %sign3A_83 = arith.cmpi slt, %scan3A_79, %sign3A_82 : i32
      %sign3A_84 = arith.extui %sign3A_83 : i1 to i32
      %sign3A_85 = arith.subi %sign3A_81, %sign3A_84 : i32
      %sign3A_86 = arith.constant 0 : i32
      %sign3A_87 = arith.cmpi sgt, %jit3A, %sign3A_86 : i32
      %sign3A_88 = arith.extui %sign3A_87 : i1 to i32
      %sign3A_89 = arith.constant 0 : i32
      %sign3A_90 = arith.cmpi slt, %jit3A, %sign3A_89 : i32
      %sign3A_91 = arith.extui %sign3A_90 : i1 to i32
      %sign3A_92 = arith.subi %sign3A_88, %sign3A_91 : i32
      %ne3A = arith.cmpi ne, %sign3A_85, %sign3A_92 : i32
      %rem3A = arith.remsi %scan3A_79, %jit3A : i32
      %ne3A_93 = arith.constant 0 : i32
      %ne3A_94 = arith.cmpi ne, %rem3A, %ne3A_93 : i32
      %and3A = arith.andi %ne3A, %ne3A_94 : i1
      %sub3A = arith.constant 1 : i32
      %sub3A_95 = arith.subi %div3A, %sub3A : i32
      %select_n3A = arith.select %and3A, %sub3A_95, %div3A : i32
      %jit3A_96 = arith.constant 8 : i32
      %eq3A = arith.constant 0 : i32
      %eq3A_97 = arith.cmpi eq, %jit3A_96, %eq3A : i32
      %jit3A_98 = arith.constant 1 : i32
      %select_n3A_99 = arith.select %eq3A_97, %jit3A_98, %jit3A_96 : i32
      %rem3A_100 = arith.remsi %scan3A_79, %select_n3A_99 : i32
      %ne3A_101 = arith.constant 0 : i32
      %ne3A_102 = arith.cmpi ne, %rem3A_100, %ne3A_101 : i32
      %lt3A = arith.constant 0 : i32
      %lt3A_103 = arith.cmpi slt, %rem3A_100, %lt3A : i32
      %lt3A_104 = arith.constant 0 : i32
      %lt3A_105 = arith.cmpi slt, %select_n3A_99, %lt3A_104 : i32
      %ne3A_106 = arith.xori %lt3A_103, %lt3A_105 : i1
      %and3A_107 = arith.andi %ne3A_106, %ne3A_102 : i1
      %add3A_108 = arith.addi %rem3A_100, %select_n3A_99 : i32
      %select_n3A_109 = arith.select %and3A_107, %add3A_108, %rem3A_100 : i32
      %mul3A_110 = arith.constant 16 : i32
      %mul3A_111 = arith.muli %select_n3A_109, %mul3A_110 : i32
      %swap3A = arith.constant 0 : i32
      %swap3A_112 = arith.index_cast %swap3A : i32 to index
      %swap3A_113 = arith.index_cast %select_n3A : i32 to index
      %swap3A_114 = arith.index_cast %mul3A_111 : i32 to index
      %swap3A_115 = tpu.vector_load %arg8[%swap3A_112, %swap3A_113, %swap3A_114] {strides = array<i32>} : memref<2x128x128xf32, #tpu.memory_space<vmem>>, vector<1x1x16xf32>,
      %swap3A_116 = vector.shape_cast %swap3A_115 : vector<1x1x16xf32> to vector<16xf32>
      %swap3A_117 = vector.shape_cast %broadcast_in_dim3A_1 : vector<16xf32> to vector<1x1x16xf32>
      tpu.vector_store %arg8[%swap3A_112, %swap3A_113, %swap3A_114], %swap3A_117 {strides = array<i32>} : memref<2x128x128xf32, #tpu.memory_space<vmem>>, vector<1x1x16xf32>,
    }
    %scan3A_6 = arith.constant 1024 : i32
    %mul3A_7 = arith.constant 632 : i32
    %mul3A_8 = arith.muli %arg1, %mul3A_7 : i32
    %add3A_9 = arith.constant 0 : i32
    %add3A_10 = arith.addi %mul3A_8, %add3A_9 : i32
    %run_scoped3A = arith.constant 0 : i32
    "tpu.region"() ({
      %run_scoped3A_79 = tpu.sem_alloc : memref<!tpu.dma_semaphore, #tpu.memory_space<semaphore_mem>>
      %dma_start3A_80 = arith.constant 0 : i32
      %dma_start3A_81 = arith.constant 0 : i32
      %dma_start3A_82 = tpu.memref_slice %arg8[%run_scoped3A, %dma_start3A_80, %dma_start3A_81] : memref<2x128x128xf32, #tpu.memory_space<vmem>> -> memref<1x128x128xf32, #tpu.memory_space<vmem>>
      %dma_start3A_83 = tpu.memref_squeeze %dma_start3A_82 : memref<1x128x128xf32, #tpu.memory_space<vmem>> -> memref<128x128xf32, #tpu.memory_space<vmem>>
      %dma_start3A_84 = arith.constant 0 : i32
      %dma_start3A_85 = tpu.memref_slice %arg9[%add3A_10, %dma_start3A_84] : memref<10112x128xf32, #tpu.memory_space<vmem_shared>> -> memref<128x128xf32, #tpu.memory_space<vmem_shared>>
      %dma_start3A_86 = arith.constant 0 : i32
      %dma_start3A_87 = tpu.memref_slice %arg9[%add3A_10, %dma_start3A_86] : memref<10112x128xf32, #tpu.memory_space<vmem_shared>> -> memref<128x128xf32, #tpu.memory_space<vmem_shared>>
      %dma_start3A_88 = arith.constant 0 : i32
      %dma_start3A_89 = arith.constant 0 : i32
      %dma_start3A_90 = tpu.memref_slice %arg8[%run_scoped3A, %dma_start3A_88, %dma_start3A_89] : memref<2x128x128xf32, #tpu.memory_space<vmem>> -> memref<1x128x128xf32, #tpu.memory_space<vmem>>
      %dma_start3A_91 = tpu.memref_squeeze %dma_start3A_90 : memref<1x128x128xf32, #tpu.memory_space<vmem>> -> memref<128x128xf32, #tpu.memory_space<vmem>>
      tpu.enqueue_dma source(%dma_start3A_91 : memref<128x128xf32, #tpu.memory_space<vmem>>) target(%dma_start3A_87 : memref<128x128xf32, #tpu.memory_space<vmem_shared>>) target_semaphore(%run_scoped3A_79 : memref<!tpu.dma_semaphore, #tpu.memory_space<semaphore_mem>>)
      %dma_wait3A = arith.constant 0 : i32
      %dma_wait3A_92 = arith.constant 0 : i32
      %dma_wait3A_93 = tpu.memref_slice %arg8[%run_scoped3A, %dma_wait3A, %dma_wait3A_92] : memref<2x128x128xf32, #tpu.memory_space<vmem>> -> memref<1x128x128xf32, #tpu.memory_space<vmem>>
      %dma_wait3A_94 = tpu.memref_squeeze %dma_wait3A_93 : memref<1x128x128xf32, #tpu.memory_space<vmem>> -> memref<128x128xf32, #tpu.memory_space<vmem>>
      %dma_wait3A_95 = arith.constant 0 : i32
      %dma_wait3A_96 = tpu.memref_slice %arg9[%add3A_10, %dma_wait3A_95] : memref<10112x128xf32, #tpu.memory_space<vmem_shared>> -> memref<128x128xf32, #tpu.memory_space<vmem_shared>>
      %dma_wait3A_97 = arith.constant 0 : i32
      %dma_wait3A_98 = tpu.memref_slice %arg9[%add3A_10, %dma_wait3A_97] : memref<10112x128xf32, #tpu.memory_space<vmem_shared>> -> memref<128x128xf32, #tpu.memory_space<vmem_shared>>
      %dma_wait3A_99 = arith.constant 0 : i32
      %dma_wait3A_100 = arith.constant 0 : i32
      %dma_wait3A_101 = tpu.memref_slice %arg8[%run_scoped3A, %dma_wait3A_99, %dma_wait3A_100] : memref<2x128x128xf32, #tpu.memory_space<vmem>> -> memref<1x128x128xf32, #tpu.memory_space<vmem>>
      %dma_wait3A_102 = tpu.memref_squeeze %dma_wait3A_101 : memref<1x128x128xf32, #tpu.memory_space<vmem>> -> memref<128x128xf32, #tpu.memory_space<vmem>>
      tpu.wait_dma2 semaphore(%run_scoped3A_79 : memref<!tpu.dma_semaphore, #tpu.memory_space<semaphore_mem>>) src(%dma_wait3A_102 : memref<128x128xf32, #tpu.memory_space<vmem>>) dst(%dma_wait3A_98 : memref<128x128xf32, #tpu.memory_space<vmem_shared>>)
      tpu.yield
    }) : () -> ()
    %add3A_11 = arith.constant 128 : i32
    %add3A_12 = arith.addi %mul3A_8, %add3A_11 : i32
    %run_scoped3A_13 = arith.constant 0 : i32
    "tpu.region"() ({
      %run_scoped3A_79 = tpu.sem_alloc : memref<!tpu.dma_semaphore, #tpu.memory_space<semaphore_mem>>
      %dma_start3A_80 = arith.constant 0 : i32
      %dma_start3A_81 = arith.constant 0 : i32
      %dma_start3A_82 = tpu.memref_slice %arg8[%run_scoped3A_13, %dma_start3A_80, %dma_start3A_81] : memref<2x128x128xf32, #tpu.memory_space<vmem>> -> memref<1x128x128xf32, #tpu.memory_space<vmem>>
      %dma_start3A_83 = tpu.memref_squeeze %dma_start3A_82 : memref<1x128x128xf32, #tpu.memory_space<vmem>> -> memref<128x128xf32, #tpu.memory_space<vmem>>
      %dma_start3A_84 = arith.constant 0 : i32
      %dma_start3A_85 = tpu.memref_slice %arg9[%add3A_12, %dma_start3A_84] : memref<10112x128xf32, #tpu.memory_space<vmem_shared>> -> memref<128x128xf32, #tpu.memory_space<vmem_shared>>
      %dma_start3A_86 = arith.constant 0 : i32
      %dma_start3A_87 = tpu.memref_slice %arg9[%add3A_12, %dma_start3A_86] : memref<10112x128xf32, #tpu.memory_space<vmem_shared>> -> memref<128x128xf32, #tpu.memory_space<vmem_shared>>
      %dma_start3A_88 = arith.constant 0 : i32
      %dma_start3A_89 = arith.constant 0 : i32
      %dma_start3A_90 = tpu.memref_slice %arg8[%run_scoped3A_13, %dma_start3A_88, %dma_start3A_89] : memref<2x128x128xf32, #tpu.memory_space<vmem>> -> memref<1x128x128xf32, #tpu.memory_space<vmem>>
      %dma_start3A_91 = tpu.memref_squeeze %dma_start3A_90 : memref<1x128x128xf32, #tpu.memory_space<vmem>> -> memref<128x128xf32, #tpu.memory_space<vmem>>
      tpu.enqueue_dma source(%dma_start3A_91 : memref<128x128xf32, #tpu.memory_space<vmem>>) target(%dma_start3A_87 : memref<128x128xf32, #tpu.memory_space<vmem_shared>>) target_semaphore(%run_scoped3A_79 : memref<!tpu.dma_semaphore, #tpu.memory_space<semaphore_mem>>)
      %dma_wait3A = arith.constant 0 : i32
      %dma_wait3A_92 = arith.constant 0 : i32
      %dma_wait3A_93 = tpu.memref_slice %arg8[%run_scoped3A_13, %dma_wait3A, %dma_wait3A_92] : memref<2x128x128xf32, #tpu.memory_space<vmem>> -> memref<1x128x128xf32, #tpu.memory_space<vmem>>
      %dma_wait3A_94 = tpu.memref_squeeze %dma_wait3A_93 : memref<1x128x128xf32, #tpu.memory_space<vmem>> -> memref<128x128xf32, #tpu.memory_space<vmem>>
      %dma_wait3A_95 = arith.constant 0 : i32
      %dma_wait3A_96 = tpu.memref_slice %arg9[%add3A_12, %dma_wait3A_95] : memref<10112x128xf32, #tpu.memory_space<vmem_shared>> -> memref<128x128xf32, #tpu.memory_space<vmem_shared>>
      %dma_wait3A_97 = arith.constant 0 : i32
      %dma_wait3A_98 = tpu.memref_slice %arg9[%add3A_12, %dma_wait3A_97] : memref<10112x128xf32, #tpu.memory_space<vmem_shared>> -> memref<128x128xf32, #tpu.memory_space<vmem_shared>>
      %dma_wait3A_99 = arith.constant 0 : i32
      %dma_wait3A_100 = arith.constant 0 : i32
      %dma_wait3A_101 = tpu.memref_slice %arg8[%run_scoped3A_13, %dma_wait3A_99, %dma_wait3A_100] : memref<2x128x128xf32, #tpu.memory_space<vmem>> -> memref<1x128x128xf32, #tpu.memory_space<vmem>>
      %dma_wait3A_102 = tpu.memref_squeeze %dma_wait3A_101 : memref<1x128x128xf32, #tpu.memory_space<vmem>> -> memref<128x128xf32, #tpu.memory_space<vmem>>
      tpu.wait_dma2 semaphore(%run_scoped3A_79 : memref<!tpu.dma_semaphore, #tpu.memory_space<semaphore_mem>>) src(%dma_wait3A_102 : memref<128x128xf32, #tpu.memory_space<vmem>>) dst(%dma_wait3A_98 : memref<128x128xf32, #tpu.memory_space<vmem_shared>>)
      tpu.yield
    }) : () -> ()
    %add3A_14 = arith.constant 256 : i32
    %add3A_15 = arith.addi %mul3A_8, %add3A_14 : i32
    %run_scoped3A_16 = arith.constant 0 : i32
    "tpu.region"() ({
      %run_scoped3A_79 = tpu.sem_alloc : memref<!tpu.dma_semaphore, #tpu.memory_space<semaphore_mem>>
      %dma_start3A_80 = arith.constant 0 : i32
      %dma_start3A_81 = arith.constant 0 : i32
      %dma_start3A_82 = tpu.memref_slice %arg8[%run_scoped3A_16, %dma_start3A_80, %dma_start3A_81] : memref<2x128x128xf32, #tpu.memory_space<vmem>> -> memref<1x128x128xf32, #tpu.memory_space<vmem>>
      %dma_start3A_83 = tpu.memref_squeeze %dma_start3A_82 : memref<1x128x128xf32, #tpu.memory_space<vmem>> -> memref<128x128xf32, #tpu.memory_space<vmem>>
      %dma_start3A_84 = arith.constant 0 : i32
      %dma_start3A_85 = tpu.memref_slice %arg9[%add3A_15, %dma_start3A_84] : memref<10112x128xf32, #tpu.memory_space<vmem_shared>> -> memref<128x128xf32, #tpu.memory_space<vmem_shared>>
      %dma_start3A_86 = arith.constant 0 : i32
      %dma_start3A_87 = tpu.memref_slice %arg9[%add3A_15, %dma_start3A_86] : memref<10112x128xf32, #tpu.memory_space<vmem_shared>> -> memref<128x128xf32, #tpu.memory_space<vmem_shared>>
      %dma_start3A_88 = arith.constant 0 : i32
      %dma_start3A_89 = arith.constant 0 : i32
      %dma_start3A_90 = tpu.memref_slice %arg8[%run_scoped3A_16, %dma_start3A_88, %dma_start3A_89] : memref<2x128x128xf32, #tpu.memory_space<vmem>> -> memref<1x128x128xf32, #tpu.memory_space<vmem>>
      %dma_start3A_91 = tpu.memref_squeeze %dma_start3A_90 : memref<1x128x128xf32, #tpu.memory_space<vmem>> -> memref<128x128xf32, #tpu.memory_space<vmem>>
      tpu.enqueue_dma source(%dma_start3A_91 : memref<128x128xf32, #tpu.memory_space<vmem>>) target(%dma_start3A_87 : memref<128x128xf32, #tpu.memory_space<vmem_shared>>) target_semaphore(%run_scoped3A_79 : memref<!tpu.dma_semaphore, #tpu.memory_space<semaphore_mem>>)
      %dma_wait3A = arith.constant 0 : i32
      %dma_wait3A_92 = arith.constant 0 : i32
      %dma_wait3A_93 = tpu.memref_slice %arg8[%run_scoped3A_16, %dma_wait3A, %dma_wait3A_92] : memref<2x128x128xf32, #tpu.memory_space<vmem>> -> memref<1x128x128xf32, #tpu.memory_space<vmem>>
      %dma_wait3A_94 = tpu.memref_squeeze %dma_wait3A_93 : memref<1x128x128xf32, #tpu.memory_space<vmem>> -> memref<128x128xf32, #tpu.memory_space<vmem>>
      %dma_wait3A_95 = arith.constant 0 : i32
      %dma_wait3A_96 = tpu.memref_slice %arg9[%add3A_15, %dma_wait3A_95] : memref<10112x128xf32, #tpu.memory_space<vmem_shared>> -> memref<128x128xf32, #tpu.memory_space<vmem_shared>>
      %dma_wait3A_97 = arith.constant 0 : i32
      %dma_wait3A_98 = tpu.memref_slice %arg9[%add3A_15, %dma_wait3A_97] : memref<10112x128xf32, #tpu.memory_space<vmem_shared>> -> memref<128x128xf32, #tpu.memory_space<vmem_shared>>
      %dma_wait3A_99 = arith.constant 0 : i32
      %dma_wait3A_100 = arith.constant 0 : i32
      %dma_wait3A_101 = tpu.memref_slice %arg8[%run_scoped3A_16, %dma_wait3A_99, %dma_wait3A_100] : memref<2x128x128xf32, #tpu.memory_space<vmem>> -> memref<1x128x128xf32, #tpu.memory_space<vmem>>
      %dma_wait3A_102 = tpu.memref_squeeze %dma_wait3A_101 : memref<1x128x128xf32, #tpu.memory_space<vmem>> -> memref<128x128xf32, #tpu.memory_space<vmem>>
      tpu.wait_dma2 semaphore(%run_scoped3A_79 : memref<!tpu.dma_semaphore, #tpu.memory_space<semaphore_mem>>) src(%dma_wait3A_102 : memref<128x128xf32, #tpu.memory_space<vmem>>) dst(%dma_wait3A_98 : memref<128x128xf32, #tpu.memory_space<vmem_shared>>)
      tpu.yield
    }) : () -> ()
    %add3A_17 = arith.constant 384 : i32
    %add3A_18 = arith.addi %mul3A_8, %add3A_17 : i32
    %run_scoped3A_19 = arith.constant 0 : i32
    "tpu.region"() ({
      %run_scoped3A_79 = tpu.sem_alloc : memref<!tpu.dma_semaphore, #tpu.memory_space<semaphore_mem>>
      %dma_start3A_80 = arith.constant 0 : i32
      %dma_start3A_81 = arith.constant 0 : i32
      %dma_start3A_82 = tpu.memref_slice %arg8[%run_scoped3A_19, %dma_start3A_80, %dma_start3A_81] : memref<2x128x128xf32, #tpu.memory_space<vmem>> -> memref<1x128x128xf32, #tpu.memory_space<vmem>>
      %dma_start3A_83 = tpu.memref_squeeze %dma_start3A_82 : memref<1x128x128xf32, #tpu.memory_space<vmem>> -> memref<128x128xf32, #tpu.memory_space<vmem>>
      %dma_start3A_84 = arith.constant 0 : i32
      %dma_start3A_85 = tpu.memref_slice %arg9[%add3A_18, %dma_start3A_84] : memref<10112x128xf32, #tpu.memory_space<vmem_shared>> -> memref<128x128xf32, #tpu.memory_space<vmem_shared>>
      %dma_start3A_86 = arith.constant 0 : i32
      %dma_start3A_87 = tpu.memref_slice %arg9[%add3A_18, %dma_start3A_86] : memref<10112x128xf32, #tpu.memory_space<vmem_shared>> -> memref<128x128xf32, #tpu.memory_space<vmem_shared>>
      %dma_start3A_88 = arith.constant 0 : i32
      %dma_start3A_89 = arith.constant 0 : i32
      %dma_start3A_90 = tpu.memref_slice %arg8[%run_scoped3A_19, %dma_start3A_88, %dma_start3A_89] : memref<2x128x128xf32, #tpu.memory_space<vmem>> -> memref<1x128x128xf32, #tpu.memory_space<vmem>>
      %dma_start3A_91 = tpu.memref_squeeze %dma_start3A_90 : memref<1x128x128xf32, #tpu.memory_space<vmem>> -> memref<128x128xf32, #tpu.memory_space<vmem>>
      tpu.enqueue_dma source(%dma_start3A_91 : memref<128x128xf32, #tpu.memory_space<vmem>>) target(%dma_start3A_87 : memref<128x128xf32, #tpu.memory_space<vmem_shared>>) target_semaphore(%run_scoped3A_79 : memref<!tpu.dma_semaphore, #tpu.memory_space<semaphore_mem>>)
      %dma_wait3A = arith.constant 0 : i32
      %dma_wait3A_92 = arith.constant 0 : i32
      %dma_wait3A_93 = tpu.memref_slice %arg8[%run_scoped3A_19, %dma_wait3A, %dma_wait3A_92] : memref<2x128x128xf32, #tpu.memory_space<vmem>> -> memref<1x128x128xf32, #tpu.memory_space<vmem>>
      %dma_wait3A_94 = tpu.memref_squeeze %dma_wait3A_93 : memref<1x128x128xf32, #tpu.memory_space<vmem>> -> memref<128x128xf32, #tpu.memory_space<vmem>>
      %dma_wait3A_95 = arith.constant 0 : i32
      %dma_wait3A_96 = tpu.memref_slice %arg9[%add3A_18, %dma_wait3A_95] : memref<10112x128xf32, #tpu.memory_space<vmem_shared>> -> memref<128x128xf32, #tpu.memory_space<vmem_shared>>
      %dma_wait3A_97 = arith.constant 0 : i32
      %dma_wait3A_98 = tpu.memref_slice %arg9[%add3A_18, %dma_wait3A_97] : memref<10112x128xf32, #tpu.memory_space<vmem_shared>> -> memref<128x128xf32, #tpu.memory_space<vmem_shared>>
      %dma_wait3A_99 = arith.constant 0 : i32
      %dma_wait3A_100 = arith.constant 0 : i32
      %dma_wait3A_101 = tpu.memref_slice %arg8[%run_scoped3A_19, %dma_wait3A_99, %dma_wait3A_100] : memref<2x128x128xf32, #tpu.memory_space<vmem>> -> memref<1x128x128xf32, #tpu.memory_space<vmem>>
      %dma_wait3A_102 = tpu.memref_squeeze %dma_wait3A_101 : memref<1x128x128xf32, #tpu.memory_space<vmem>> -> memref<128x128xf32, #tpu.memory_space<vmem>>
      tpu.wait_dma2 semaphore(%run_scoped3A_79 : memref<!tpu.dma_semaphore, #tpu.memory_space<semaphore_mem>>) src(%dma_wait3A_102 : memref<128x128xf32, #tpu.memory_space<vmem>>) dst(%dma_wait3A_98 : memref<128x128xf32, #tpu.memory_space<vmem_shared>>)
      tpu.yield
    }) : () -> ()
    %add3A_20 = arith.constant 512 : i32
    %add3A_21 = arith.addi %mul3A_8, %add3A_20 : i32
    %run_scoped3A_22 = arith.constant 0 : i32
    "tpu.region"() ({
      %run_scoped3A_79 = tpu.sem_alloc : memref<!tpu.dma_semaphore, #tpu.memory_space<semaphore_mem>>
      %dma_start3A_80 = arith.constant 0 : i32
      %dma_start3A_81 = arith.constant 0 : i32
      %dma_start3A_82 = tpu.memref_slice %arg8[%run_scoped3A_22, %dma_start3A_80, %dma_start3A_81] : memref<2x128x128xf32, #tpu.memory_space<vmem>> -> memref<1x120x128xf32, #tpu.memory_space<vmem>>
      %dma_start3A_83 = tpu.memref_squeeze %dma_start3A_82 : memref<1x120x128xf32, #tpu.memory_space<vmem>> -> memref<120x128xf32, #tpu.memory_space<vmem>>
      %dma_start3A_84 = arith.constant 0 : i32
      %dma_start3A_85 = tpu.memref_slice %arg9[%add3A_21, %dma_start3A_84] : memref<10112x128xf32, #tpu.memory_space<vmem_shared>> -> memref<120x128xf32, #tpu.memory_space<vmem_shared>>
      %dma_start3A_86 = arith.constant 0 : i32
      %dma_start3A_87 = tpu.memref_slice %arg9[%add3A_21, %dma_start3A_86] : memref<10112x128xf32, #tpu.memory_space<vmem_shared>> -> memref<120x128xf32, #tpu.memory_space<vmem_shared>>
      %dma_start3A_88 = arith.constant 0 : i32
      %dma_start3A_89 = arith.constant 0 : i32
      %dma_start3A_90 = tpu.memref_slice %arg8[%run_scoped3A_22, %dma_start3A_88, %dma_start3A_89] : memref<2x128x128xf32, #tpu.memory_space<vmem>> -> memref<1x120x128xf32, #tpu.memory_space<vmem>>
      %dma_start3A_91 = tpu.memref_squeeze %dma_start3A_90 : memref<1x120x128xf32, #tpu.memory_space<vmem>> -> memref<120x128xf32, #tpu.memory_space<vmem>>
      tpu.enqueue_dma source(%dma_start3A_91 : memref<120x128xf32, #tpu.memory_space<vmem>>) target(%dma_start3A_87 : memref<120x128xf32, #tpu.memory_space<vmem_shared>>) target_semaphore(%run_scoped3A_79 : memref<!tpu.dma_semaphore, #tpu.memory_space<semaphore_mem>>)
      %dma_wait3A = arith.constant 0 : i32
      %dma_wait3A_92 = arith.constant 0 : i32
      %dma_wait3A_93 = tpu.memref_slice %arg8[%run_scoped3A_22, %dma_wait3A, %dma_wait3A_92] : memref<2x128x128xf32, #tpu.memory_space<vmem>> -> memref<1x120x128xf32, #tpu.memory_space<vmem>>
      %dma_wait3A_94 = tpu.memref_squeeze %dma_wait3A_93 : memref<1x120x128xf32, #tpu.memory_space<vmem>> -> memref<120x128xf32, #tpu.memory_space<vmem>>
      %dma_wait3A_95 = arith.constant 0 : i32
      %dma_wait3A_96 = tpu.memref_slice %arg9[%add3A_21, %dma_wait3A_95] : memref<10112x128xf32, #tpu.memory_space<vmem_shared>> -> memref<120x128xf32, #tpu.memory_space<vmem_shared>>
      %dma_wait3A_97 = arith.constant 0 : i32
      %dma_wait3A_98 = tpu.memref_slice %arg9[%add3A_21, %dma_wait3A_97] : memref<10112x128xf32, #tpu.memory_space<vmem_shared>> -> memref<120x128xf32, #tpu.memory_space<vmem_shared>>
      %dma_wait3A_99 = arith.constant 0 : i32
      %dma_wait3A_100 = arith.constant 0 : i32
      %dma_wait3A_101 = tpu.memref_slice %arg8[%run_scoped3A_22, %dma_wait3A_99, %dma_wait3A_100] : memref<2x128x128xf32, #tpu.memory_space<vmem>> -> memref<1x120x128xf32, #tpu.memory_space<vmem>>
      %dma_wait3A_102 = tpu.memref_squeeze %dma_wait3A_101 : memref<1x120x128xf32, #tpu.memory_space<vmem>> -> memref<120x128xf32, #tpu.memory_space<vmem>>
      tpu.wait_dma2 semaphore(%run_scoped3A_79 : memref<!tpu.dma_semaphore, #tpu.memory_space<semaphore_mem>>) src(%dma_wait3A_102 : memref<120x128xf32, #tpu.memory_space<vmem>>) dst(%dma_wait3A_98 : memref<120x128xf32, #tpu.memory_space<vmem_shared>>)
      tpu.yield
    }) : () -> ()
    %barrier3A = arith.constant 0 : index
    tpu.barrier barrier_id(%barrier3A)
    "tpu.region"() ({
      %run_scoped3A_79 = tpu.sem_alloc : memref<!tpu.dma_semaphore, #tpu.memory_space<semaphore_mem>>
      %dma_start3A_80 = arith.constant 0 : i32
      %dma_start3A_81 = arith.constant 0 : i32
      %dma_start3A_82 = tpu.memref_slice %arg3[%add3A, %dma_start3A_80, %dma_start3A_81] : memref<32x80x128xi32, #tpu.memory_space<hbm>> -> memref<1x40x128xi32, #tpu.memory_space<hbm>>
      %dma_start3A_83 = tpu.memref_squeeze %dma_start3A_82 : memref<1x40x128xi32, #tpu.memory_space<hbm>> -> memref<40x128xi32, #tpu.memory_space<hbm>>
      %dma_start3A_84 = arith.constant 0 : i32
      %dma_start3A_85 = arith.constant 0 : i32
      %dma_start3A_86 = tpu.memref_slice %arg3[%add3A, %dma_start3A_84, %dma_start3A_85] : memref<32x80x128xi32, #tpu.memory_space<hbm>> -> memref<1x40x128xi32, #tpu.memory_space<hbm>>
      %dma_start3A_87 = tpu.memref_squeeze %dma_start3A_86 : memref<1x40x128xi32, #tpu.memory_space<hbm>> -> memref<40x128xi32, #tpu.memory_space<hbm>>
      tpu.enqueue_dma source(%dma_start3A_87 : memref<40x128xi32, #tpu.memory_space<hbm>>) target(%arg6 : memref<40x128xi32, #tpu.memory_space<vmem>>) target_semaphore(%run_scoped3A_79 : memref<!tpu.dma_semaphore, #tpu.memory_space<semaphore_mem>>)
      %dma_wait3A = arith.constant 0 : i32
      %dma_wait3A_88 = arith.constant 0 : i32
      %dma_wait3A_89 = tpu.memref_slice %arg3[%add3A, %dma_wait3A, %dma_wait3A_88] : memref<32x80x128xi32, #tpu.memory_space<hbm>> -> memref<1x40x128xi32, #tpu.memory_space<hbm>>
      %dma_wait3A_90 = tpu.memref_squeeze %dma_wait3A_89 : memref<1x40x128xi32, #tpu.memory_space<hbm>> -> memref<40x128xi32, #tpu.memory_space<hbm>>
      %dma_wait3A_91 = arith.constant 0 : i32
      %dma_wait3A_92 = arith.constant 0 : i32
      %dma_wait3A_93 = tpu.memref_slice %arg3[%add3A, %dma_wait3A_91, %dma_wait3A_92] : memref<32x80x128xi32, #tpu.memory_space<hbm>> -> memref<1x40x128xi32, #tpu.memory_space<hbm>>
      %dma_wait3A_94 = tpu.memref_squeeze %dma_wait3A_93 : memref<1x40x128xi32, #tpu.memory_space<hbm>> -> memref<40x128xi32, #tpu.memory_space<hbm>>
      tpu.wait_dma2 semaphore(%run_scoped3A_79 : memref<!tpu.dma_semaphore, #tpu.memory_space<semaphore_mem>>) src(%dma_wait3A_94 : memref<40x128xi32, #tpu.memory_space<hbm>>) dst(%arg6 : memref<40x128xi32, #tpu.memory_space<vmem>>)
      tpu.yield
    }) : () -> ()
    "tpu.region"() ({
      %run_scoped3A_79 = tpu.sem_alloc : memref<!tpu.dma_semaphore, #tpu.memory_space<semaphore_mem>>
      %dma_start3A_80 = arith.constant 0 : i32
      %dma_start3A_81 = arith.constant 0 : i32
      %dma_start3A_82 = tpu.memref_slice %arg4[%add3A, %dma_start3A_80, %dma_start3A_81] : memref<32x80x128xi32, #tpu.memory_space<hbm>> -> memref<1x40x128xi32, #tpu.memory_space<hbm>>
      %dma_start3A_83 = tpu.memref_squeeze %dma_start3A_82 : memref<1x40x128xi32, #tpu.memory_space<hbm>> -> memref<40x128xi32, #tpu.memory_space<hbm>>
      %dma_start3A_84 = arith.constant 0 : i32
      %dma_start3A_85 = arith.constant 0 : i32
      %dma_start3A_86 = tpu.memref_slice %arg4[%add3A, %dma_start3A_84, %dma_start3A_85] : memref<32x80x128xi32, #tpu.memory_space<hbm>> -> memref<1x40x128xi32, #tpu.memory_space<hbm>>
      %dma_start3A_87 = tpu.memref_squeeze %dma_start3A_86 : memref<1x40x128xi32, #tpu.memory_space<hbm>> -> memref<40x128xi32, #tpu.memory_space<hbm>>
      tpu.enqueue_dma source(%dma_start3A_87 : memref<40x128xi32, #tpu.memory_space<hbm>>) target(%arg7 : memref<40x128xi32, #tpu.memory_space<vmem>>) target_semaphore(%run_scoped3A_79 : memref<!tpu.dma_semaphore, #tpu.memory_space<semaphore_mem>>)
      %dma_wait3A = arith.constant 0 : i32
      %dma_wait3A_88 = arith.constant 0 : i32
      %dma_wait3A_89 = tpu.memref_slice %arg4[%add3A, %dma_wait3A, %dma_wait3A_88] : memref<32x80x128xi32, #tpu.memory_space<hbm>> -> memref<1x40x128xi32, #tpu.memory_space<hbm>>
      %dma_wait3A_90 = tpu.memref_squeeze %dma_wait3A_89 : memref<1x40x128xi32, #tpu.memory_space<hbm>> -> memref<40x128xi32, #tpu.memory_space<hbm>>
      %dma_wait3A_91 = arith.constant 0 : i32
      %dma_wait3A_92 = arith.constant 0 : i32
      %dma_wait3A_93 = tpu.memref_slice %arg4[%add3A, %dma_wait3A_91, %dma_wait3A_92] : memref<32x80x128xi32, #tpu.memory_space<hbm>> -> memref<1x40x128xi32, #tpu.memory_space<hbm>>
      %dma_wait3A_94 = tpu.memref_squeeze %dma_wait3A_93 : memref<1x40x128xi32, #tpu.memory_space<hbm>> -> memref<40x128xi32, #tpu.memory_space<hbm>>
      tpu.wait_dma2 semaphore(%run_scoped3A_79 : memref<!tpu.dma_semaphore, #tpu.memory_space<semaphore_mem>>) src(%dma_wait3A_94 : memref<40x128xi32, #tpu.memory_space<hbm>>) dst(%arg7 : memref<40x128xi32, #tpu.memory_space<vmem>>)
      tpu.yield
    }) : () -> ()
    %dma_start3A = arith.constant 0 : i32
    %dma_start3A_23 = arith.constant 0 : i32
    %dma_start3A_24 = arith.constant 0 : i32
    %dma_start3A_25 = arith.constant 0 : i32
    %dma_start3A_26 = tpu.memref_slice %arg8[%dma_start3A_23, %dma_start3A_24, %dma_start3A_25] : memref<2x128x128xf32, #tpu.memory_space<vmem>> -> memref<1x128x128xf32, #tpu.memory_space<vmem>>
    %dma_start3A_27 = tpu.memref_squeeze %dma_start3A_26 : memref<1x128x128xf32, #tpu.memory_space<vmem>> -> memref<128x128xf32, #tpu.memory_space<vmem>>
    %dma_start3A_28 = arith.constant 0 : i32
    %dma_start3A_29 = tpu.memref_slice %arg6[%dma_start3A, %dma_start3A_28] : memref<40x128xi32, #tpu.memory_space<vmem>> -> memref<1x128xi32, #tpu.memory_space<vmem>>
    %dma_start3A_30 = tpu.memref_squeeze %dma_start3A_29 : memref<1x128xi32, #tpu.memory_space<vmem>> -> memref<128xi32, #tpu.memory_space<vmem>>
    %dma_start3A_31 = arith.constant 0 : i32
    %dma_start3A_32 = arith.constant 0 : i32
    %dma_start3A_33 = tpu.memref_slice %arg2[%dma_start3A_31, %dma_start3A_32] : memref<10112x128xf32, #tpu.memory_space<hbm>> -> memref<10112x128xf32, #tpu.memory_space<hbm>>
    tpu.enqueue_indirect_dma source(%dma_start3A_33 : memref<10112x128xf32, #tpu.memory_space<hbm>>) target(%dma_start3A_27 : memref<128x128xf32, #tpu.memory_space<vmem>>) offsets(%dma_start3A_30 : memref<128xi32, #tpu.memory_space<vmem>>) semaphore(%arg10 : memref<!tpu.dma_semaphore, #tpu.memory_space<semaphore_mem>>)
    %scan3A_34 = arith.constant 0 : i32
    %scan3A_35 = arith.constant 0 : i32
    %scan3A_36 = arith.constant 20 : i32
    %scan3A_37 = arith.addi %scan3A_35, %scan3A_36 : i32
    %scan3A_38 = arith.constant 1 : i32
    scf.for %scan3A_79 = %scan3A_35 to %scan3A_37 step %scan3A_38  : i32 {
      %mul3A_80 = arith.constant 2 : i32
      %mul3A_81 = arith.muli %mul3A_80, %scan3A_79 : i32
      %dma_wait3A = arith.constant 0 : i32
      %dma_wait3A_82 = arith.constant 0 : i32
      %dma_wait3A_83 = arith.constant 0 : i32
      %dma_wait3A_84 = arith.constant 0 : i32
      %dma_wait3A_85 = tpu.memref_slice %arg8[%dma_wait3A_82, %dma_wait3A_83, %dma_wait3A_84] : memref<2x128x128xf32, #tpu.memory_space<vmem>> -> memref<1x128x128xf32, #tpu.memory_space<vmem>>
      %dma_wait3A_86 = tpu.memref_squeeze %dma_wait3A_85 : memref<1x128x128xf32, #tpu.memory_space<vmem>> -> memref<128x128xf32, #tpu.memory_space<vmem>>
      %dma_wait3A_87 = arith.constant 0 : i32
      %dma_wait3A_88 = tpu.memref_slice %arg6[%dma_wait3A, %dma_wait3A_87] : memref<40x128xi32, #tpu.memory_space<vmem>> -> memref<1x128xi32, #tpu.memory_space<vmem>>
      %dma_wait3A_89 = tpu.memref_squeeze %dma_wait3A_88 : memref<1x128xi32, #tpu.memory_space<vmem>> -> memref<128xi32, #tpu.memory_space<vmem>>
      %dma_wait3A_90 = arith.constant 0 : i32
      %dma_wait3A_91 = arith.constant 0 : i32
      %dma_wait3A_92 = tpu.memref_slice %arg2[%dma_wait3A_90, %dma_wait3A_91] : memref<10112x128xf32, #tpu.memory_space<hbm>> -> memref<10112x128xf32, #tpu.memory_space<hbm>>
      tpu.wait_indirect_dma semaphore(%arg10 : memref<!tpu.dma_semaphore, #tpu.memory_space<semaphore_mem>>) src(%dma_wait3A_92 : memref<10112x128xf32, #tpu.memory_space<hbm>>) dst(%dma_wait3A_86 : memref<128x128xf32, #tpu.memory_space<vmem>>)
      %add3A_93 = arith.constant 1 : i32
      %add3A_94 = arith.addi %mul3A_81, %add3A_93 : i32
      %dma_start3A_95 = arith.constant 1 : i32
      %dma_start3A_96 = arith.constant 0 : i32
      %dma_start3A_97 = arith.constant 0 : i32
      %dma_start3A_98 = tpu.memref_slice %arg8[%dma_start3A_95, %dma_start3A_96, %dma_start3A_97] : memref<2x128x128xf32, #tpu.memory_space<vmem>> -> memref<1x128x128xf32, #tpu.memory_space<vmem>>
      %dma_start3A_99 = tpu.memref_squeeze %dma_start3A_98 : memref<1x128x128xf32, #tpu.memory_space<vmem>> -> memref<128x128xf32, #tpu.memory_space<vmem>>
      %dma_start3A_100 = arith.constant 0 : i32
      %dma_start3A_101 = tpu.memref_slice %arg6[%add3A_94, %dma_start3A_100] : memref<40x128xi32, #tpu.memory_space<vmem>> -> memref<1x128xi32, #tpu.memory_space<vmem>>
      %dma_start3A_102 = tpu.memref_squeeze %dma_start3A_101 : memref<1x128xi32, #tpu.memory_space<vmem>> -> memref<128xi32, #tpu.memory_space<vmem>>
      %dma_start3A_103 = arith.constant 0 : i32
      %dma_start3A_104 = arith.constant 0 : i32
      %dma_start3A_105 = tpu.memref_slice %arg2[%dma_start3A_103, %dma_start3A_104] : memref<10112x128xf32, #tpu.memory_space<hbm>> -> memref<10112x128xf32, #tpu.memory_space<hbm>>
      tpu.enqueue_indirect_dma source(%dma_start3A_105 : memref<10112x128xf32, #tpu.memory_space<hbm>>) target(%dma_start3A_99 : memref<128x128xf32, #tpu.memory_space<vmem>>) offsets(%dma_start3A_102 : memref<128xi32, #tpu.memory_space<vmem>>) semaphore(%arg10 : memref<!tpu.dma_semaphore, #tpu.memory_space<semaphore_mem>>)
      %run_scoped3A_106 = arith.constant 0 : i32
      "tpu.region"() ({
        %run_scoped3A_124 = tpu.sem_alloc : memref<!tpu.dma_semaphore, #tpu.memory_space<semaphore_mem>>
        %dma_start3A_125 = arith.constant 0 : i32
        %dma_start3A_126 = arith.constant 0 : i32
        %dma_start3A_127 = tpu.memref_slice %arg8[%run_scoped3A_106, %dma_start3A_125, %dma_start3A_126] : memref<2x128x128xf32, #tpu.memory_space<vmem>> -> memref<1x128x128xf32, #tpu.memory_space<vmem>>
        %dma_start3A_128 = tpu.memref_squeeze %dma_start3A_127 : memref<1x128x128xf32, #tpu.memory_space<vmem>> -> memref<128x128xf32, #tpu.memory_space<vmem>>
        %dma_start3A_129 = arith.constant 0 : i32
        %dma_start3A_130 = tpu.memref_slice %arg7[%mul3A_81, %dma_start3A_129] : memref<40x128xi32, #tpu.memory_space<vmem>> -> memref<1x128xi32, #tpu.memory_space<vmem>>
        %dma_start3A_131 = tpu.memref_squeeze %dma_start3A_130 : memref<1x128xi32, #tpu.memory_space<vmem>> -> memref<128xi32, #tpu.memory_space<vmem>>
        %dma_start3A_132 = arith.constant 0 : i32
        %dma_start3A_133 = arith.constant 0 : i32
        %dma_start3A_134 = tpu.memref_slice %arg9[%dma_start3A_132, %dma_start3A_133] : memref<10112x128xf32, #tpu.memory_space<vmem_shared>> -> memref<10112x128xf32, #tpu.memory_space<vmem_shared>>
        tpu.enqueue_indirect_dma source(%dma_start3A_128 : memref<128x128xf32, #tpu.memory_space<vmem>>) target(%dma_start3A_134 : memref<10112x128xf32, #tpu.memory_space<vmem_shared>>) offsets(%dma_start3A_131 : memref<128xi32, #tpu.memory_space<vmem>>) semaphore(%run_scoped3A_124 : memref<!tpu.dma_semaphore, #tpu.memory_space<semaphore_mem>>) {add = true}
        %dma_wait3A_135 = arith.constant 0 : i32
        %dma_wait3A_136 = arith.constant 0 : i32
        %dma_wait3A_137 = tpu.memref_slice %arg8[%run_scoped3A_106, %dma_wait3A_135, %dma_wait3A_136] : memref<2x128x128xf32, #tpu.memory_space<vmem>> -> memref<1x128x128xf32, #tpu.memory_space<vmem>>
        %dma_wait3A_138 = tpu.memref_squeeze %dma_wait3A_137 : memref<1x128x128xf32, #tpu.memory_space<vmem>> -> memref<128x128xf32, #tpu.memory_space<vmem>>
        %dma_wait3A_139 = arith.constant 0 : i32
        %dma_wait3A_140 = tpu.memref_slice %arg7[%mul3A_81, %dma_wait3A_139] : memref<40x128xi32, #tpu.memory_space<vmem>> -> memref<1x128xi32, #tpu.memory_space<vmem>>
        %dma_wait3A_141 = tpu.memref_squeeze %dma_wait3A_140 : memref<1x128xi32, #tpu.memory_space<vmem>> -> memref<128xi32, #tpu.memory_space<vmem>>
        %dma_wait3A_142 = arith.constant 0 : i32
        %dma_wait3A_143 = arith.constant 0 : i32
        %dma_wait3A_144 = tpu.memref_slice %arg9[%dma_wait3A_142, %dma_wait3A_143] : memref<10112x128xf32, #tpu.memory_space<vmem_shared>> -> memref<10112x128xf32, #tpu.memory_space<vmem_shared>>
        tpu.wait_indirect_dma semaphore(%run_scoped3A_124 : memref<!tpu.dma_semaphore, #tpu.memory_space<semaphore_mem>>) src(%dma_wait3A_138 : memref<128x128xf32, #tpu.memory_space<vmem>>) dst(%dma_wait3A_144 : memref<10112x128xf32, #tpu.memory_space<vmem_shared>>)
        tpu.yield
      }) : () -> ()
      %dma_wait3A_107 = arith.constant 0 : i32
      %dma_wait3A_108 = arith.constant 1 : i32
      %dma_wait3A_109 = arith.constant 0 : i32
      %dma_wait3A_110 = arith.constant 0 : i32
      %dma_wait3A_111 = tpu.memref_slice %arg8[%dma_wait3A_108, %dma_wait3A_109, %dma_wait3A_110] : memref<2x128x128xf32, #tpu.memory_space<vmem>> -> memref<1x128x128xf32, #tpu.memory_space<vmem>>
      %dma_wait3A_112 = tpu.memref_squeeze %dma_wait3A_111 : memref<1x128x128xf32, #tpu.memory_space<vmem>> -> memref<128x128xf32, #tpu.memory_space<vmem>>
      %dma_wait3A_113 = arith.constant 0 : i32
      %dma_wait3A_114 = tpu.memref_slice %arg6[%dma_wait3A_107, %dma_wait3A_113] : memref<40x128xi32, #tpu.memory_space<vmem>> -> memref<1x128xi32, #tpu.memory_space<vmem>>
      %dma_wait3A_115 = tpu.memref_squeeze %dma_wait3A_114 : memref<1x128xi32, #tpu.memory_space<vmem>> -> memref<128xi32, #tpu.memory_space<vmem>>
      %dma_wait3A_116 = arith.constant 0 : i32
      %dma_wait3A_117 = arith.constant 0 : i32
      %dma_wait3A_118 = tpu.memref_slice %arg2[%dma_wait3A_116, %dma_wait3A_117] : memref<10112x128xf32, #tpu.memory_space<hbm>> -> memref<10112x128xf32, #tpu.memory_space<hbm>>
      tpu.wait_indirect_dma semaphore(%arg10 : memref<!tpu.dma_semaphore, #tpu.memory_space<semaphore_mem>>) src(%dma_wait3A_118 : memref<10112x128xf32, #tpu.memory_space<hbm>>) dst(%dma_wait3A_112 : memref<128x128xf32, #tpu.memory_space<vmem>>)
      %lt3A = arith.constant 19 : i32
      %lt3A_119 = arith.cmpi slt, %scan3A_79, %lt3A : i32
      %convert_element_type3A = arith.extui %lt3A_119 : i1 to i32
      %cond3A = arith.constant 0 : i32
      %cond3A_120 = arith.cmpi ne, %convert_element_type3A, %cond3A : i32
      scf.if %cond3A_120 {
        %add3A_124 = arith.constant 2 : i32
        %add3A_125 = arith.addi %mul3A_81, %add3A_124 : i32
        %dma_start3A_126 = arith.constant 0 : i32
        %dma_start3A_127 = arith.constant 0 : i32
        %dma_start3A_128 = arith.constant 0 : i32
        %dma_start3A_129 = tpu.memref_slice %arg8[%dma_start3A_126, %dma_start3A_127, %dma_start3A_128] : memref<2x128x128xf32, #tpu.memory_space<vmem>> -> memref<1x128x128xf32, #tpu.memory_space<vmem>>
        %dma_start3A_130 = tpu.memref_squeeze %dma_start3A_129 : memref<1x128x128xf32, #tpu.memory_space<vmem>> -> memref<128x128xf32, #tpu.memory_space<vmem>>
        %dma_start3A_131 = arith.constant 0 : i32
        %dma_start3A_132 = tpu.memref_slice %arg6[%add3A_125, %dma_start3A_131] : memref<40x128xi32, #tpu.memory_space<vmem>> -> memref<1x128xi32, #tpu.memory_space<vmem>>
        %dma_start3A_133 = tpu.memref_squeeze %dma_start3A_132 : memref<1x128xi32, #tpu.memory_space<vmem>> -> memref<128xi32, #tpu.memory_space<vmem>>
        %dma_start3A_134 = arith.constant 0 : i32
        %dma_start3A_135 = arith.constant 0 : i32
        %dma_start3A_136 = tpu.memref_slice %arg2[%dma_start3A_134, %dma_start3A_135] : memref<10112x128xf32, #tpu.memory_space<hbm>> -> memref<10112x128xf32, #tpu.memory_space<hbm>>
        tpu.enqueue_indirect_dma source(%dma_start3A_136 : memref<10112x128xf32, #tpu.memory_space<hbm>>) target(%dma_start3A_130 : memref<128x128xf32, #tpu.memory_space<vmem>>) offsets(%dma_start3A_133 : memref<128xi32, #tpu.memory_space<vmem>>) semaphore(%arg10 : memref<!tpu.dma_semaphore, #tpu.memory_space<semaphore_mem>>)
      } else {
      }
      %add3A_121 = arith.constant 1 : i32
      %add3A_122 = arith.addi %mul3A_81, %add3A_121 : i32
      %run_scoped3A_123 = arith.constant 1 : i32
      "tpu.region"() ({
        %run_scoped3A_124 = tpu.sem_alloc : memref<!tpu.dma_semaphore, #tpu.memory_space<semaphore_mem>>
        %dma_start3A_125 = arith.constant 0 : i32
        %dma_start3A_126 = arith.constant 0 : i32
        %dma_start3A_127 = tpu.memref_slice %arg8[%run_scoped3A_123, %dma_start3A_125, %dma_start3A_126] : memref<2x128x128xf32, #tpu.memory_space<vmem>> -> memref<1x128x128xf32, #tpu.memory_space<vmem>>
        %dma_start3A_128 = tpu.memref_squeeze %dma_start3A_127 : memref<1x128x128xf32, #tpu.memory_space<vmem>> -> memref<128x128xf32, #tpu.memory_space<vmem>>
        %dma_start3A_129 = arith.constant 0 : i32
        %dma_start3A_130 = tpu.memref_slice %arg7[%add3A_122, %dma_start3A_129] : memref<40x128xi32, #tpu.memory_space<vmem>> -> memref<1x128xi32, #tpu.memory_space<vmem>>
        %dma_start3A_131 = tpu.memref_squeeze %dma_start3A_130 : memref<1x128xi32, #tpu.memory_space<vmem>> -> memref<128xi32, #tpu.memory_space<vmem>>
        %dma_start3A_132 = arith.constant 0 : i32
        %dma_start3A_133 = arith.constant 0 : i32
        %dma_start3A_134 = tpu.memref_slice %arg9[%dma_start3A_132, %dma_start3A_133] : memref<10112x128xf32, #tpu.memory_space<vmem_shared>> -> memref<10112x128xf32, #tpu.memory_space<vmem_shared>>
        tpu.enqueue_indirect_dma source(%dma_start3A_128 : memref<128x128xf32, #tpu.memory_space<vmem>>) target(%dma_start3A_134 : memref<10112x128xf32, #tpu.memory_space<vmem_shared>>) offsets(%dma_start3A_131 : memref<128xi32, #tpu.memory_space<vmem>>) semaphore(%run_scoped3A_124 : memref<!tpu.dma_semaphore, #tpu.memory_space<semaphore_mem>>) {add = true}
        %dma_wait3A_135 = arith.constant 0 : i32
        %dma_wait3A_136 = arith.constant 0 : i32
        %dma_wait3A_137 = tpu.memref_slice %arg8[%run_scoped3A_123, %dma_wait3A_135, %dma_wait3A_136] : memref<2x128x128xf32, #tpu.memory_space<vmem>> -> memref<1x128x128xf32, #tpu.memory_space<vmem>>
        %dma_wait3A_138 = tpu.memref_squeeze %dma_wait3A_137 : memref<1x128x128xf32, #tpu.memory_space<vmem>> -> memref<128x128xf32, #tpu.memory_space<vmem>>
        %dma_wait3A_139 = arith.constant 0 : i32
        %dma_wait3A_140 = tpu.memref_slice %arg7[%add3A_122, %dma_wait3A_139] : memref<40x128xi32, #tpu.memory_space<vmem>> -> memref<1x128xi32, #tpu.memory_space<vmem>>
        %dma_wait3A_141 = tpu.memref_squeeze %dma_wait3A_140 : memref<1x128xi32, #tpu.memory_space<vmem>> -> memref<128xi32, #tpu.memory_space<vmem>>
        %dma_wait3A_142 = arith.constant 0 : i32
        %dma_wait3A_143 = arith.constant 0 : i32
        %dma_wait3A_144 = tpu.memref_slice %arg9[%dma_wait3A_142, %dma_wait3A_143] : memref<10112x128xf32, #tpu.memory_space<vmem_shared>> -> memref<10112x128xf32, #tpu.memory_space<vmem_shared>>
        tpu.wait_indirect_dma semaphore(%run_scoped3A_124 : memref<!tpu.dma_semaphore, #tpu.memory_space<semaphore_mem>>) src(%dma_wait3A_138 : memref<128x128xf32, #tpu.memory_space<vmem>>) dst(%dma_wait3A_144 : memref<10112x128xf32, #tpu.memory_space<vmem_shared>>)
        tpu.yield
      }) : () -> ()
    }
    %scan3A_39 = arith.constant 20 : i32
    "tpu.region"() ({
      %run_scoped3A_79 = tpu.sem_alloc : memref<!tpu.dma_semaphore, #tpu.memory_space<semaphore_mem>>
      %dma_start3A_80 = arith.constant 40 : i32
      %dma_start3A_81 = arith.constant 0 : i32
      %dma_start3A_82 = tpu.memref_slice %arg3[%add3A, %dma_start3A_80, %dma_start3A_81] : memref<32x80x128xi32, #tpu.memory_space<hbm>> -> memref<1x40x128xi32, #tpu.memory_space<hbm>>
      %dma_start3A_83 = tpu.memref_squeeze %dma_start3A_82 : memref<1x40x128xi32, #tpu.memory_space<hbm>> -> memref<40x128xi32, #tpu.memory_space<hbm>>
      %dma_start3A_84 = arith.constant 40 : i32
      %dma_start3A_85 = arith.constant 0 : i32
      %dma_start3A_86 = tpu.memref_slice %arg3[%add3A, %dma_start3A_84, %dma_start3A_85] : memref<32x80x128xi32, #tpu.memory_space<hbm>> -> memref<1x40x128xi32, #tpu.memory_space<hbm>>
      %dma_start3A_87 = tpu.memref_squeeze %dma_start3A_86 : memref<1x40x128xi32, #tpu.memory_space<hbm>> -> memref<40x128xi32, #tpu.memory_space<hbm>>
      tpu.enqueue_dma source(%dma_start3A_87 : memref<40x128xi32, #tpu.memory_space<hbm>>) target(%arg6 : memref<40x128xi32, #tpu.memory_space<vmem>>) target_semaphore(%run_scoped3A_79 : memref<!tpu.dma_semaphore, #tpu.memory_space<semaphore_mem>>)
      %dma_wait3A = arith.constant 40 : i32
      %dma_wait3A_88 = arith.constant 0 : i32
      %dma_wait3A_89 = tpu.memref_slice %arg3[%add3A, %dma_wait3A, %dma_wait3A_88] : memref<32x80x128xi32, #tpu.memory_space<hbm>> -> memref<1x40x128xi32, #tpu.memory_space<hbm>>
      %dma_wait3A_90 = tpu.memref_squeeze %dma_wait3A_89 : memref<1x40x128xi32, #tpu.memory_space<hbm>> -> memref<40x128xi32, #tpu.memory_space<hbm>>
      %dma_wait3A_91 = arith.constant 40 : i32
      %dma_wait3A_92 = arith.constant 0 : i32
      %dma_wait3A_93 = tpu.memref_slice %arg3[%add3A, %dma_wait3A_91, %dma_wait3A_92] : memref<32x80x128xi32, #tpu.memory_space<hbm>> -> memref<1x40x128xi32, #tpu.memory_space<hbm>>
      %dma_wait3A_94 = tpu.memref_squeeze %dma_wait3A_93 : memref<1x40x128xi32, #tpu.memory_space<hbm>> -> memref<40x128xi32, #tpu.memory_space<hbm>>
      tpu.wait_dma2 semaphore(%run_scoped3A_79 : memref<!tpu.dma_semaphore, #tpu.memory_space<semaphore_mem>>) src(%dma_wait3A_94 : memref<40x128xi32, #tpu.memory_space<hbm>>) dst(%arg6 : memref<40x128xi32, #tpu.memory_space<vmem>>)
      tpu.yield
    }) : () -> ()
    "tpu.region"() ({
      %run_scoped3A_79 = tpu.sem_alloc : memref<!tpu.dma_semaphore, #tpu.memory_space<semaphore_mem>>
      %dma_start3A_80 = arith.constant 40 : i32
      %dma_start3A_81 = arith.constant 0 : i32
      %dma_start3A_82 = tpu.memref_slice %arg4[%add3A, %dma_start3A_80, %dma_start3A_81] : memref<32x80x128xi32, #tpu.memory_space<hbm>> -> memref<1x40x128xi32, #tpu.memory_space<hbm>>
      %dma_start3A_83 = tpu.memref_squeeze %dma_start3A_82 : memref<1x40x128xi32, #tpu.memory_space<hbm>> -> memref<40x128xi32, #tpu.memory_space<hbm>>
      %dma_start3A_84 = arith.constant 40 : i32
      %dma_start3A_85 = arith.constant 0 : i32
      %dma_start3A_86 = tpu.memref_slice %arg4[%add3A, %dma_start3A_84, %dma_start3A_85] : memref<32x80x128xi32, #tpu.memory_space<hbm>> -> memref<1x40x128xi32, #tpu.memory_space<hbm>>
      %dma_start3A_87 = tpu.memref_squeeze %dma_start3A_86 : memref<1x40x128xi32, #tpu.memory_space<hbm>> -> memref<40x128xi32, #tpu.memory_space<hbm>>
      tpu.enqueue_dma source(%dma_start3A_87 : memref<40x128xi32, #tpu.memory_space<hbm>>) target(%arg7 : memref<40x128xi32, #tpu.memory_space<vmem>>) target_semaphore(%run_scoped3A_79 : memref<!tpu.dma_semaphore, #tpu.memory_space<semaphore_mem>>)
      %dma_wait3A = arith.constant 40 : i32
      %dma_wait3A_88 = arith.constant 0 : i32
      %dma_wait3A_89 = tpu.memref_slice %arg4[%add3A, %dma_wait3A, %dma_wait3A_88] : memref<32x80x128xi32, #tpu.memory_space<hbm>> -> memref<1x40x128xi32, #tpu.memory_space<hbm>>
      %dma_wait3A_90 = tpu.memref_squeeze %dma_wait3A_89 : memref<1x40x128xi32, #tpu.memory_space<hbm>> -> memref<40x128xi32, #tpu.memory_space<hbm>>
      %dma_wait3A_91 = arith.constant 40 : i32
      %dma_wait3A_92 = arith.constant 0 : i32
      %dma_wait3A_93 = tpu.memref_slice %arg4[%add3A, %dma_wait3A_91, %dma_wait3A_92] : memref<32x80x128xi32, #tpu.memory_space<hbm>> -> memref<1x40x128xi32, #tpu.memory_space<hbm>>
      %dma_wait3A_94 = tpu.memref_squeeze %dma_wait3A_93 : memref<1x40x128xi32, #tpu.memory_space<hbm>> -> memref<40x128xi32, #tpu.memory_space<hbm>>
      tpu.wait_dma2 semaphore(%run_scoped3A_79 : memref<!tpu.dma_semaphore, #tpu.memory_space<semaphore_mem>>) src(%dma_wait3A_94 : memref<40x128xi32, #tpu.memory_space<hbm>>) dst(%arg7 : memref<40x128xi32, #tpu.memory_space<vmem>>)
      tpu.yield
    }) : () -> ()
    %dma_start3A_40 = arith.constant 0 : i32
    %dma_start3A_41 = arith.constant 0 : i32
    %dma_start3A_42 = arith.constant 0 : i32
    %dma_start3A_43 = arith.constant 0 : i32
    %dma_start3A_44 = tpu.memref_slice %arg8[%dma_start3A_41, %dma_start3A_42, %dma_start3A_43] : memref<2x128x128xf32, #tpu.memory_space<vmem>> -> memref<1x128x128xf32, #tpu.memory_space<vmem>>
    %dma_start3A_45 = tpu.memref_squeeze %dma_start3A_44 : memref<1x128x128xf32, #tpu.memory_space<vmem>> -> memref<128x128xf32, #tpu.memory_space<vmem>>
    %dma_start3A_46 = arith.constant 0 : i32
    %dma_start3A_47 = tpu.memref_slice %arg6[%dma_start3A_40, %dma_start3A_46] : memref<40x128xi32, #tpu.memory_space<vmem>> -> memref<1x128xi32, #tpu.memory_space<vmem>>
    %dma_start3A_48 = tpu.memref_squeeze %dma_start3A_47 : memref<1x128xi32, #tpu.memory_space<vmem>> -> memref<128xi32, #tpu.memory_space<vmem>>
    %dma_start3A_49 = arith.constant 0 : i32
    %dma_start3A_50 = arith.constant 0 : i32
    %dma_start3A_51 = tpu.memref_slice %arg2[%dma_start3A_49, %dma_start3A_50] : memref<10112x128xf32, #tpu.memory_space<hbm>> -> memref<10112x128xf32, #tpu.memory_space<hbm>>
    tpu.enqueue_indirect_dma source(%dma_start3A_51 : memref<10112x128xf32, #tpu.memory_space<hbm>>) target(%dma_start3A_45 : memref<128x128xf32, #tpu.memory_space<vmem>>) offsets(%dma_start3A_48 : memref<128xi32, #tpu.memory_space<vmem>>) semaphore(%arg10 : memref<!tpu.dma_semaphore, #tpu.memory_space<semaphore_mem>>)
    %scan3A_52 = arith.constant 0 : i32
    %scan3A_53 = arith.constant 0 : i32
    %scan3A_54 = arith.constant 20 : i32
    %scan3A_55 = arith.addi %scan3A_53, %scan3A_54 : i32
    %scan3A_56 = arith.constant 1 : i32
    scf.for %scan3A_79 = %scan3A_53 to %scan3A_55 step %scan3A_56  : i32 {
      %mul3A_80 = arith.constant 2 : i32
      %mul3A_81 = arith.muli %mul3A_80, %scan3A_79 : i32
      %dma_wait3A = arith.constant 0 : i32
      %dma_wait3A_82 = arith.constant 0 : i32
      %dma_wait3A_83 = arith.constant 0 : i32
      %dma_wait3A_84 = arith.constant 0 : i32
      %dma_wait3A_85 = tpu.memref_slice %arg8[%dma_wait3A_82, %dma_wait3A_83, %dma_wait3A_84] : memref<2x128x128xf32, #tpu.memory_space<vmem>> -> memref<1x128x128xf32, #tpu.memory_space<vmem>>
      %dma_wait3A_86 = tpu.memref_squeeze %dma_wait3A_85 : memref<1x128x128xf32, #tpu.memory_space<vmem>> -> memref<128x128xf32, #tpu.memory_space<vmem>>
      %dma_wait3A_87 = arith.constant 0 : i32
      %dma_wait3A_88 = tpu.memref_slice %arg6[%dma_wait3A, %dma_wait3A_87] : memref<40x128xi32, #tpu.memory_space<vmem>> -> memref<1x128xi32, #tpu.memory_space<vmem>>
      %dma_wait3A_89 = tpu.memref_squeeze %dma_wait3A_88 : memref<1x128xi32, #tpu.memory_space<vmem>> -> memref<128xi32, #tpu.memory_space<vmem>>
      %dma_wait3A_90 = arith.constant 0 : i32
      %dma_wait3A_91 = arith.constant 0 : i32
      %dma_wait3A_92 = tpu.memref_slice %arg2[%dma_wait3A_90, %dma_wait3A_91] : memref<10112x128xf32, #tpu.memory_space<hbm>> -> memref<10112x128xf32, #tpu.memory_space<hbm>>
      tpu.wait_indirect_dma semaphore(%arg10 : memref<!tpu.dma_semaphore, #tpu.memory_space<semaphore_mem>>) src(%dma_wait3A_92 : memref<10112x128xf32, #tpu.memory_space<hbm>>) dst(%dma_wait3A_86 : memref<128x128xf32, #tpu.memory_space<vmem>>)
      %add3A_93 = arith.constant 1 : i32
      %add3A_94 = arith.addi %mul3A_81, %add3A_93 : i32
      %dma_start3A_95 = arith.constant 1 : i32
      %dma_start3A_96 = arith.constant 0 : i32
      %dma_start3A_97 = arith.constant 0 : i32
      %dma_start3A_98 = tpu.memref_slice %arg8[%dma_start3A_95, %dma_start3A_96, %dma_start3A_97] : memref<2x128x128xf32, #tpu.memory_space<vmem>> -> memref<1x128x128xf32, #tpu.memory_space<vmem>>
      %dma_start3A_99 = tpu.memref_squeeze %dma_start3A_98 : memref<1x128x128xf32, #tpu.memory_space<vmem>> -> memref<128x128xf32, #tpu.memory_space<vmem>>
      %dma_start3A_100 = arith.constant 0 : i32
      %dma_start3A_101 = tpu.memref_slice %arg6[%add3A_94, %dma_start3A_100] : memref<40x128xi32, #tpu.memory_space<vmem>> -> memref<1x128xi32, #tpu.memory_space<vmem>>
      %dma_start3A_102 = tpu.memref_squeeze %dma_start3A_101 : memref<1x128xi32, #tpu.memory_space<vmem>> -> memref<128xi32, #tpu.memory_space<vmem>>
      %dma_start3A_103 = arith.constant 0 : i32
      %dma_start3A_104 = arith.constant 0 : i32
      %dma_start3A_105 = tpu.memref_slice %arg2[%dma_start3A_103, %dma_start3A_104] : memref<10112x128xf32, #tpu.memory_space<hbm>> -> memref<10112x128xf32, #tpu.memory_space<hbm>>
      tpu.enqueue_indirect_dma source(%dma_start3A_105 : memref<10112x128xf32, #tpu.memory_space<hbm>>) target(%dma_start3A_99 : memref<128x128xf32, #tpu.memory_space<vmem>>) offsets(%dma_start3A_102 : memref<128xi32, #tpu.memory_space<vmem>>) semaphore(%arg10 : memref<!tpu.dma_semaphore, #tpu.memory_space<semaphore_mem>>)
      %run_scoped3A_106 = arith.constant 0 : i32
      "tpu.region"() ({
        %run_scoped3A_124 = tpu.sem_alloc : memref<!tpu.dma_semaphore, #tpu.memory_space<semaphore_mem>>
        %dma_start3A_125 = arith.constant 0 : i32
        %dma_start3A_126 = arith.constant 0 : i32
        %dma_start3A_127 = tpu.memref_slice %arg8[%run_scoped3A_106, %dma_start3A_125, %dma_start3A_126] : memref<2x128x128xf32, #tpu.memory_space<vmem>> -> memref<1x128x128xf32, #tpu.memory_space<vmem>>
        %dma_start3A_128 = tpu.memref_squeeze %dma_start3A_127 : memref<1x128x128xf32, #tpu.memory_space<vmem>> -> memref<128x128xf32, #tpu.memory_space<vmem>>
        %dma_start3A_129 = arith.constant 0 : i32
        %dma_start3A_130 = tpu.memref_slice %arg7[%mul3A_81, %dma_start3A_129] : memref<40x128xi32, #tpu.memory_space<vmem>> -> memref<1x128xi32, #tpu.memory_space<vmem>>
        %dma_start3A_131 = tpu.memref_squeeze %dma_start3A_130 : memref<1x128xi32, #tpu.memory_space<vmem>> -> memref<128xi32, #tpu.memory_space<vmem>>
        %dma_start3A_132 = arith.constant 0 : i32
        %dma_start3A_133 = arith.constant 0 : i32
        %dma_start3A_134 = tpu.memref_slice %arg9[%dma_start3A_132, %dma_start3A_133] : memref<10112x128xf32, #tpu.memory_space<vmem_shared>> -> memref<10112x128xf32, #tpu.memory_space<vmem_shared>>
        tpu.enqueue_indirect_dma source(%dma_start3A_128 : memref<128x128xf32, #tpu.memory_space<vmem>>) target(%dma_start3A_134 : memref<10112x128xf32, #tpu.memory_space<vmem_shared>>) offsets(%dma_start3A_131 : memref<128xi32, #tpu.memory_space<vmem>>) semaphore(%run_scoped3A_124 : memref<!tpu.dma_semaphore, #tpu.memory_space<semaphore_mem>>) {add = true}
        %dma_wait3A_135 = arith.constant 0 : i32
        %dma_wait3A_136 = arith.constant 0 : i32
        %dma_wait3A_137 = tpu.memref_slice %arg8[%run_scoped3A_106, %dma_wait3A_135, %dma_wait3A_136] : memref<2x128x128xf32, #tpu.memory_space<vmem>> -> memref<1x128x128xf32, #tpu.memory_space<vmem>>
        %dma_wait3A_138 = tpu.memref_squeeze %dma_wait3A_137 : memref<1x128x128xf32, #tpu.memory_space<vmem>> -> memref<128x128xf32, #tpu.memory_space<vmem>>
        %dma_wait3A_139 = arith.constant 0 : i32
        %dma_wait3A_140 = tpu.memref_slice %arg7[%mul3A_81, %dma_wait3A_139] : memref<40x128xi32, #tpu.memory_space<vmem>> -> memref<1x128xi32, #tpu.memory_space<vmem>>
        %dma_wait3A_141 = tpu.memref_squeeze %dma_wait3A_140 : memref<1x128xi32, #tpu.memory_space<vmem>> -> memref<128xi32, #tpu.memory_space<vmem>>
        %dma_wait3A_142 = arith.constant 0 : i32
        %dma_wait3A_143 = arith.constant 0 : i32
        %dma_wait3A_144 = tpu.memref_slice %arg9[%dma_wait3A_142, %dma_wait3A_143] : memref<10112x128xf32, #tpu.memory_space<vmem_shared>> -> memref<10112x128xf32, #tpu.memory_space<vmem_shared>>
        tpu.wait_indirect_dma semaphore(%run_scoped3A_124 : memref<!tpu.dma_semaphore, #tpu.memory_space<semaphore_mem>>) src(%dma_wait3A_138 : memref<128x128xf32, #tpu.memory_space<vmem>>) dst(%dma_wait3A_144 : memref<10112x128xf32, #tpu.memory_space<vmem_shared>>)
        tpu.yield
      }) : () -> ()
      %dma_wait3A_107 = arith.constant 0 : i32
      %dma_wait3A_108 = arith.constant 1 : i32
      %dma_wait3A_109 = arith.constant 0 : i32
      %dma_wait3A_110 = arith.constant 0 : i32
      %dma_wait3A_111 = tpu.memref_slice %arg8[%dma_wait3A_108, %dma_wait3A_109, %dma_wait3A_110] : memref<2x128x128xf32, #tpu.memory_space<vmem>> -> memref<1x128x128xf32, #tpu.memory_space<vmem>>
      %dma_wait3A_112 = tpu.memref_squeeze %dma_wait3A_111 : memref<1x128x128xf32, #tpu.memory_space<vmem>> -> memref<128x128xf32, #tpu.memory_space<vmem>>
      %dma_wait3A_113 = arith.constant 0 : i32
      %dma_wait3A_114 = tpu.memref_slice %arg6[%dma_wait3A_107, %dma_wait3A_113] : memref<40x128xi32, #tpu.memory_space<vmem>> -> memref<1x128xi32, #tpu.memory_space<vmem>>
      %dma_wait3A_115 = tpu.memref_squeeze %dma_wait3A_114 : memref<1x128xi32, #tpu.memory_space<vmem>> -> memref<128xi32, #tpu.memory_space<vmem>>
      %dma_wait3A_116 = arith.constant 0 : i32
      %dma_wait3A_117 = arith.constant 0 : i32
      %dma_wait3A_118 = tpu.memref_slice %arg2[%dma_wait3A_116, %dma_wait3A_117] : memref<10112x128xf32, #tpu.memory_space<hbm>> -> memref<10112x128xf32, #tpu.memory_space<hbm>>
      tpu.wait_indirect_dma semaphore(%arg10 : memref<!tpu.dma_semaphore, #tpu.memory_space<semaphore_mem>>) src(%dma_wait3A_118 : memref<10112x128xf32, #tpu.memory_space<hbm>>) dst(%dma_wait3A_112 : memref<128x128xf32, #tpu.memory_space<vmem>>)
      %lt3A = arith.constant 19 : i32
      %lt3A_119 = arith.cmpi slt, %scan3A_79, %lt3A : i32
      %convert_element_type3A = arith.extui %lt3A_119 : i1 to i32
      %cond3A = arith.constant 0 : i32
      %cond3A_120 = arith.cmpi ne, %convert_element_type3A, %cond3A : i32
      scf.if %cond3A_120 {
        %add3A_124 = arith.constant 2 : i32
        %add3A_125 = arith.addi %mul3A_81, %add3A_124 : i32
        %dma_start3A_126 = arith.constant 0 : i32
        %dma_start3A_127 = arith.constant 0 : i32
        %dma_start3A_128 = arith.constant 0 : i32
        %dma_start3A_129 = tpu.memref_slice %arg8[%dma_start3A_126, %dma_start3A_127, %dma_start3A_128] : memref<2x128x128xf32, #tpu.memory_space<vmem>> -> memref<1x128x128xf32, #tpu.memory_space<vmem>>
        %dma_start3A_130 = tpu.memref_squeeze %dma_start3A_129 : memref<1x128x128xf32, #tpu.memory_space<vmem>> -> memref<128x128xf32, #tpu.memory_space<vmem>>
        %dma_start3A_131 = arith.constant 0 : i32
        %dma_start3A_132 = tpu.memref_slice %arg6[%add3A_125, %dma_start3A_131] : memref<40x128xi32, #tpu.memory_space<vmem>> -> memref<1x128xi32, #tpu.memory_space<vmem>>
        %dma_start3A_133 = tpu.memref_squeeze %dma_start3A_132 : memref<1x128xi32, #tpu.memory_space<vmem>> -> memref<128xi32, #tpu.memory_space<vmem>>
        %dma_start3A_134 = arith.constant 0 : i32
        %dma_start3A_135 = arith.constant 0 : i32
        %dma_start3A_136 = tpu.memref_slice %arg2[%dma_start3A_134, %dma_start3A_135] : memref<10112x128xf32, #tpu.memory_space<hbm>> -> memref<10112x128xf32, #tpu.memory_space<hbm>>
        tpu.enqueue_indirect_dma source(%dma_start3A_136 : memref<10112x128xf32, #tpu.memory_space<hbm>>) target(%dma_start3A_130 : memref<128x128xf32, #tpu.memory_space<vmem>>) offsets(%dma_start3A_133 : memref<128xi32, #tpu.memory_space<vmem>>) semaphore(%arg10 : memref<!tpu.dma_semaphore, #tpu.memory_space<semaphore_mem>>)
      } else {
      }
      %add3A_121 = arith.constant 1 : i32
      %add3A_122 = arith.addi %mul3A_81, %add3A_121 : i32
      %run_scoped3A_123 = arith.constant 1 : i32
      "tpu.region"() ({
        %run_scoped3A_124 = tpu.sem_alloc : memref<!tpu.dma_semaphore, #tpu.memory_space<semaphore_mem>>
        %dma_start3A_125 = arith.constant 0 : i32
        %dma_start3A_126 = arith.constant 0 : i32
        %dma_start3A_127 = tpu.memref_slice %arg8[%run_scoped3A_123, %dma_start3A_125, %dma_start3A_126] : memref<2x128x128xf32, #tpu.memory_space<vmem>> -> memref<1x128x128xf32, #tpu.memory_space<vmem>>
        %dma_start3A_128 = tpu.memref_squeeze %dma_start3A_127 : memref<1x128x128xf32, #tpu.memory_space<vmem>> -> memref<128x128xf32, #tpu.memory_space<vmem>>
        %dma_start3A_129 = arith.constant 0 : i32
        %dma_start3A_130 = tpu.memref_slice %arg7[%add3A_122, %dma_start3A_129] : memref<40x128xi32, #tpu.memory_space<vmem>> -> memref<1x128xi32, #tpu.memory_space<vmem>>
        %dma_start3A_131 = tpu.memref_squeeze %dma_start3A_130 : memref<1x128xi32, #tpu.memory_space<vmem>> -> memref<128xi32, #tpu.memory_space<vmem>>
        %dma_start3A_132 = arith.constant 0 : i32
        %dma_start3A_133 = arith.constant 0 : i32
        %dma_start3A_134 = tpu.memref_slice %arg9[%dma_start3A_132, %dma_start3A_133] : memref<10112x128xf32, #tpu.memory_space<vmem_shared>> -> memref<10112x128xf32, #tpu.memory_space<vmem_shared>>
        tpu.enqueue_indirect_dma source(%dma_start3A_128 : memref<128x128xf32, #tpu.memory_space<vmem>>) target(%dma_start3A_134 : memref<10112x128xf32, #tpu.memory_space<vmem_shared>>) offsets(%dma_start3A_131 : memref<128xi32, #tpu.memory_space<vmem>>) semaphore(%run_scoped3A_124 : memref<!tpu.dma_semaphore, #tpu.memory_space<semaphore_mem>>) {add = true}
        %dma_wait3A_135 = arith.constant 0 : i32
        %dma_wait3A_136 = arith.constant 0 : i32
        %dma_wait3A_137 = tpu.memref_slice %arg8[%run_scoped3A_123, %dma_wait3A_135, %dma_wait3A_136] : memref<2x128x128xf32, #tpu.memory_space<vmem>> -> memref<1x128x128xf32, #tpu.memory_space<vmem>>
        %dma_wait3A_138 = tpu.memref_squeeze %dma_wait3A_137 : memref<1x128x128xf32, #tpu.memory_space<vmem>> -> memref<128x128xf32, #tpu.memory_space<vmem>>
        %dma_wait3A_139 = arith.constant 0 : i32
        %dma_wait3A_140 = tpu.memref_slice %arg7[%add3A_122, %dma_wait3A_139] : memref<40x128xi32, #tpu.memory_space<vmem>> -> memref<1x128xi32, #tpu.memory_space<vmem>>
        %dma_wait3A_141 = tpu.memref_squeeze %dma_wait3A_140 : memref<1x128xi32, #tpu.memory_space<vmem>> -> memref<128xi32, #tpu.memory_space<vmem>>
        %dma_wait3A_142 = arith.constant 0 : i32
        %dma_wait3A_143 = arith.constant 0 : i32
        %dma_wait3A_144 = tpu.memref_slice %arg9[%dma_wait3A_142, %dma_wait3A_143] : memref<10112x128xf32, #tpu.memory_space<vmem_shared>> -> memref<10112x128xf32, #tpu.memory_space<vmem_shared>>
        tpu.wait_indirect_dma semaphore(%run_scoped3A_124 : memref<!tpu.dma_semaphore, #tpu.memory_space<semaphore_mem>>) src(%dma_wait3A_138 : memref<128x128xf32, #tpu.memory_space<vmem>>) dst(%dma_wait3A_144 : memref<10112x128xf32, #tpu.memory_space<vmem_shared>>)
        tpu.yield
      }) : () -> ()
    }
    %scan3A_57 = arith.constant 20 : i32
    %barrier3A_58 = arith.constant 0 : index
    tpu.barrier barrier_id(%barrier3A_58)
    %add3A_59 = arith.constant 0 : i32
    %add3A_60 = arith.addi %mul3A_8, %add3A_59 : i32
    %add3A_61 = arith.constant 0 : i32
    %add3A_62 = arith.addi %mul3A_8, %add3A_61 : i32
    "tpu.region"() ({
      %run_scoped3A_79 = tpu.sem_alloc : memref<!tpu.dma_semaphore, #tpu.memory_space<semaphore_mem>>
      %dma_start3A_80 = arith.constant 0 : i32
      %dma_start3A_81 = tpu.memref_slice %arg5[%arg0, %add3A_62, %dma_start3A_80] : memref<2x10112x128xf32, #tpu.memory_space<hbm>> -> memref<1x128x128xf32, #tpu.memory_space<hbm>>
      %dma_start3A_82 = tpu.memref_squeeze %dma_start3A_81 : memref<1x128x128xf32, #tpu.memory_space<hbm>> -> memref<128x128xf32, #tpu.memory_space<hbm>>
      %dma_start3A_83 = arith.constant 0 : i32
      %dma_start3A_84 = tpu.memref_slice %arg9[%add3A_60, %dma_start3A_83] : memref<10112x128xf32, #tpu.memory_space<vmem_shared>> -> memref<128x128xf32, #tpu.memory_space<vmem_shared>>
      tpu.enqueue_dma source(%dma_start3A_84 : memref<128x128xf32, #tpu.memory_space<vmem_shared>>) target(%dma_start3A_82 : memref<128x128xf32, #tpu.memory_space<hbm>>) target_semaphore(%run_scoped3A_79 : memref<!tpu.dma_semaphore, #tpu.memory_space<semaphore_mem>>)
      %dma_wait3A = arith.constant 0 : i32
      %dma_wait3A_85 = tpu.memref_slice %arg5[%arg0, %add3A_62, %dma_wait3A] : memref<2x10112x128xf32, #tpu.memory_space<hbm>> -> memref<1x128x128xf32, #tpu.memory_space<hbm>>
      %dma_wait3A_86 = tpu.memref_squeeze %dma_wait3A_85 : memref<1x128x128xf32, #tpu.memory_space<hbm>> -> memref<128x128xf32, #tpu.memory_space<hbm>>
      %dma_wait3A_87 = arith.constant 0 : i32
      %dma_wait3A_88 = tpu.memref_slice %arg9[%add3A_60, %dma_wait3A_87] : memref<10112x128xf32, #tpu.memory_space<vmem_shared>> -> memref<128x128xf32, #tpu.memory_space<vmem_shared>>
      tpu.wait_dma2 semaphore(%run_scoped3A_79 : memref<!tpu.dma_semaphore, #tpu.memory_space<semaphore_mem>>) src(%dma_wait3A_88 : memref<128x128xf32, #tpu.memory_space<vmem_shared>>) dst(%dma_wait3A_86 : memref<128x128xf32, #tpu.memory_space<hbm>>)
      tpu.yield
    }) : () -> ()
    %add3A_63 = arith.constant 128 : i32
    %add3A_64 = arith.addi %mul3A_8, %add3A_63 : i32
    %add3A_65 = arith.constant 128 : i32
    %add3A_66 = arith.addi %mul3A_8, %add3A_65 : i32
    "tpu.region"() ({
      %run_scoped3A_79 = tpu.sem_alloc : memref<!tpu.dma_semaphore, #tpu.memory_space<semaphore_mem>>
      %dma_start3A_80 = arith.constant 0 : i32
      %dma_start3A_81 = tpu.memref_slice %arg5[%arg0, %add3A_66, %dma_start3A_80] : memref<2x10112x128xf32, #tpu.memory_space<hbm>> -> memref<1x128x128xf32, #tpu.memory_space<hbm>>
      %dma_start3A_82 = tpu.memref_squeeze %dma_start3A_81 : memref<1x128x128xf32, #tpu.memory_space<hbm>> -> memref<128x128xf32, #tpu.memory_space<hbm>>
      %dma_start3A_83 = arith.constant 0 : i32
      %dma_start3A_84 = tpu.memref_slice %arg9[%add3A_64, %dma_start3A_83] : memref<10112x128xf32, #tpu.memory_space<vmem_shared>> -> memref<128x128xf32, #tpu.memory_space<vmem_shared>>
      tpu.enqueue_dma source(%dma_start3A_84 : memref<128x128xf32, #tpu.memory_space<vmem_shared>>) target(%dma_start3A_82 : memref<128x128xf32, #tpu.memory_space<hbm>>) target_semaphore(%run_scoped3A_79 : memref<!tpu.dma_semaphore, #tpu.memory_space<semaphore_mem>>)
      %dma_wait3A = arith.constant 0 : i32
      %dma_wait3A_85 = tpu.memref_slice %arg5[%arg0, %add3A_66, %dma_wait3A] : memref<2x10112x128xf32, #tpu.memory_space<hbm>> -> memref<1x128x128xf32, #tpu.memory_space<hbm>>
      %dma_wait3A_86 = tpu.memref_squeeze %dma_wait3A_85 : memref<1x128x128xf32, #tpu.memory_space<hbm>> -> memref<128x128xf32, #tpu.memory_space<hbm>>
      %dma_wait3A_87 = arith.constant 0 : i32
      %dma_wait3A_88 = tpu.memref_slice %arg9[%add3A_64, %dma_wait3A_87] : memref<10112x128xf32, #tpu.memory_space<vmem_shared>> -> memref<128x128xf32, #tpu.memory_space<vmem_shared>>
      tpu.wait_dma2 semaphore(%run_scoped3A_79 : memref<!tpu.dma_semaphore, #tpu.memory_space<semaphore_mem>>) src(%dma_wait3A_88 : memref<128x128xf32, #tpu.memory_space<vmem_shared>>) dst(%dma_wait3A_86 : memref<128x128xf32, #tpu.memory_space<hbm>>)
      tpu.yield
    }) : () -> ()
    %add3A_67 = arith.constant 256 : i32
    %add3A_68 = arith.addi %mul3A_8, %add3A_67 : i32
    %add3A_69 = arith.constant 256 : i32
    %add3A_70 = arith.addi %mul3A_8, %add3A_69 : i32
    "tpu.region"() ({
      %run_scoped3A_79 = tpu.sem_alloc : memref<!tpu.dma_semaphore, #tpu.memory_space<semaphore_mem>>
      %dma_start3A_80 = arith.constant 0 : i32
      %dma_start3A_81 = tpu.memref_slice %arg5[%arg0, %add3A_70, %dma_start3A_80] : memref<2x10112x128xf32, #tpu.memory_space<hbm>> -> memref<1x128x128xf32, #tpu.memory_space<hbm>>
      %dma_start3A_82 = tpu.memref_squeeze %dma_start3A_81 : memref<1x128x128xf32, #tpu.memory_space<hbm>> -> memref<128x128xf32, #tpu.memory_space<hbm>>
      %dma_start3A_83 = arith.constant 0 : i32
      %dma_start3A_84 = tpu.memref_slice %arg9[%add3A_68, %dma_start3A_83] : memref<10112x128xf32, #tpu.memory_space<vmem_shared>> -> memref<128x128xf32, #tpu.memory_space<vmem_shared>>
      tpu.enqueue_dma source(%dma_start3A_84 : memref<128x128xf32, #tpu.memory_space<vmem_shared>>) target(%dma_start3A_82 : memref<128x128xf32, #tpu.memory_space<hbm>>) target_semaphore(%run_scoped3A_79 : memref<!tpu.dma_semaphore, #tpu.memory_space<semaphore_mem>>)
      %dma_wait3A = arith.constant 0 : i32
      %dma_wait3A_85 = tpu.memref_slice %arg5[%arg0, %add3A_70, %dma_wait3A] : memref<2x10112x128xf32, #tpu.memory_space<hbm>> -> memref<1x128x128xf32, #tpu.memory_space<hbm>>
      %dma_wait3A_86 = tpu.memref_squeeze %dma_wait3A_85 : memref<1x128x128xf32, #tpu.memory_space<hbm>> -> memref<128x128xf32, #tpu.memory_space<hbm>>
      %dma_wait3A_87 = arith.constant 0 : i32
      %dma_wait3A_88 = tpu.memref_slice %arg9[%add3A_68, %dma_wait3A_87] : memref<10112x128xf32, #tpu.memory_space<vmem_shared>> -> memref<128x128xf32, #tpu.memory_space<vmem_shared>>
      tpu.wait_dma2 semaphore(%run_scoped3A_79 : memref<!tpu.dma_semaphore, #tpu.memory_space<semaphore_mem>>) src(%dma_wait3A_88 : memref<128x128xf32, #tpu.memory_space<vmem_shared>>) dst(%dma_wait3A_86 : memref<128x128xf32, #tpu.memory_space<hbm>>)
      tpu.yield
    }) : () -> ()
    %add3A_71 = arith.constant 384 : i32
    %add3A_72 = arith.addi %mul3A_8, %add3A_71 : i32
    %add3A_73 = arith.constant 384 : i32
    %add3A_74 = arith.addi %mul3A_8, %add3A_73 : i32
    "tpu.region"() ({
      %run_scoped3A_79 = tpu.sem_alloc : memref<!tpu.dma_semaphore, #tpu.memory_space<semaphore_mem>>
      %dma_start3A_80 = arith.constant 0 : i32
      %dma_start3A_81 = tpu.memref_slice %arg5[%arg0, %add3A_74, %dma_start3A_80] : memref<2x10112x128xf32, #tpu.memory_space<hbm>> -> memref<1x128x128xf32, #tpu.memory_space<hbm>>
      %dma_start3A_82 = tpu.memref_squeeze %dma_start3A_81 : memref<1x128x128xf32, #tpu.memory_space<hbm>> -> memref<128x128xf32, #tpu.memory_space<hbm>>
      %dma_start3A_83 = arith.constant 0 : i32
      %dma_start3A_84 = tpu.memref_slice %arg9[%add3A_72, %dma_start3A_83] : memref<10112x128xf32, #tpu.memory_space<vmem_shared>> -> memref<128x128xf32, #tpu.memory_space<vmem_shared>>
      tpu.enqueue_dma source(%dma_start3A_84 : memref<128x128xf32, #tpu.memory_space<vmem_shared>>) target(%dma_start3A_82 : memref<128x128xf32, #tpu.memory_space<hbm>>) target_semaphore(%run_scoped3A_79 : memref<!tpu.dma_semaphore, #tpu.memory_space<semaphore_mem>>)
      %dma_wait3A = arith.constant 0 : i32
      %dma_wait3A_85 = tpu.memref_slice %arg5[%arg0, %add3A_74, %dma_wait3A] : memref<2x10112x128xf32, #tpu.memory_space<hbm>> -> memref<1x128x128xf32, #tpu.memory_space<hbm>>
      %dma_wait3A_86 = tpu.memref_squeeze %dma_wait3A_85 : memref<1x128x128xf32, #tpu.memory_space<hbm>> -> memref<128x128xf32, #tpu.memory_space<hbm>>
      %dma_wait3A_87 = arith.constant 0 : i32
      %dma_wait3A_88 = tpu.memref_slice %arg9[%add3A_72, %dma_wait3A_87] : memref<10112x128xf32, #tpu.memory_space<vmem_shared>> -> memref<128x128xf32, #tpu.memory_space<vmem_shared>>
      tpu.wait_dma2 semaphore(%run_scoped3A_79 : memref<!tpu.dma_semaphore, #tpu.memory_space<semaphore_mem>>) src(%dma_wait3A_88 : memref<128x128xf32, #tpu.memory_space<vmem_shared>>) dst(%dma_wait3A_86 : memref<128x128xf32, #tpu.memory_space<hbm>>)
      tpu.yield
    }) : () -> ()
    %add3A_75 = arith.constant 512 : i32
    %add3A_76 = arith.addi %mul3A_8, %add3A_75 : i32
    %add3A_77 = arith.constant 512 : i32
    %add3A_78 = arith.addi %mul3A_8, %add3A_77 : i32
    "tpu.region"() ({
      %run_scoped3A_79 = tpu.sem_alloc : memref<!tpu.dma_semaphore, #tpu.memory_space<semaphore_mem>>
      %dma_start3A_80 = arith.constant 0 : i32
      %dma_start3A_81 = tpu.memref_slice %arg5[%arg0, %add3A_78, %dma_start3A_80] : memref<2x10112x128xf32, #tpu.memory_space<hbm>> -> memref<1x120x128xf32, #tpu.memory_space<hbm>>
      %dma_start3A_82 = tpu.memref_squeeze %dma_start3A_81 : memref<1x120x128xf32, #tpu.memory_space<hbm>> -> memref<120x128xf32, #tpu.memory_space<hbm>>
      %dma_start3A_83 = arith.constant 0 : i32
      %dma_start3A_84 = tpu.memref_slice %arg9[%add3A_76, %dma_start3A_83] : memref<10112x128xf32, #tpu.memory_space<vmem_shared>> -> memref<120x128xf32, #tpu.memory_space<vmem_shared>>
      tpu.enqueue_dma source(%dma_start3A_84 : memref<120x128xf32, #tpu.memory_space<vmem_shared>>) target(%dma_start3A_82 : memref<120x128xf32, #tpu.memory_space<hbm>>) target_semaphore(%run_scoped3A_79 : memref<!tpu.dma_semaphore, #tpu.memory_space<semaphore_mem>>)
      %dma_wait3A = arith.constant 0 : i32
      %dma_wait3A_85 = tpu.memref_slice %arg5[%arg0, %add3A_78, %dma_wait3A] : memref<2x10112x128xf32, #tpu.memory_space<hbm>> -> memref<1x120x128xf32, #tpu.memory_space<hbm>>
      %dma_wait3A_86 = tpu.memref_squeeze %dma_wait3A_85 : memref<1x120x128xf32, #tpu.memory_space<hbm>> -> memref<120x128xf32, #tpu.memory_space<hbm>>
      %dma_wait3A_87 = arith.constant 0 : i32
      %dma_wait3A_88 = tpu.memref_slice %arg9[%add3A_76, %dma_wait3A_87] : memref<10112x128xf32, #tpu.memory_space<vmem_shared>> -> memref<120x128xf32, #tpu.memory_space<vmem_shared>>
      tpu.wait_dma2 semaphore(%run_scoped3A_79 : memref<!tpu.dma_semaphore, #tpu.memory_space<semaphore_mem>>) src(%dma_wait3A_88 : memref<120x128xf32, #tpu.memory_space<vmem_shared>>) dst(%dma_wait3A_86 : memref<120x128xf32, #tpu.memory_space<hbm>>)
      tpu.yield
    }) : () -> ()
    return
  }
}

#map = affine_map<(d0, d1) -> (0, 0, 0)>
#map1 = affine_map<(d0, d1) -> (0, 0)>
module attributes {stable_mosaic.version = 14 : i64} {
  func.func @_sc_degrees(%arg0: i32, %arg1: i32, %arg2: memref<32x80x128xi32, #tpu.memory_space<hbm>>, %arg3: memref<32x80x128xi32, #tpu.memory_space<hbm>>, %arg4: memref<2x10112xf32, #tpu.memory_space<hbm>>, %arg5: memref<80x128xi32, #tpu.memory_space<vmem>>, %arg6: memref<128xf32, #tpu.memory_space<vmem>>, %arg7: memref<10112xf32, #tpu.memory_space<vmem>>, %arg8: memref<10112xf32, #tpu.memory_space<vmem_shared>>) attributes {dimension_semantics = [#tpu.dimension_semantics<core_parallel>, #tpu.dimension_semantics<subcore_parallel>], iteration_bounds = array<i64: 2, 16>, scalar_prefetch = 0 : i64, scratch_operands = 4 : i64, tpu.core_type = #tpu.core_type<sc_vector_subcore>, window_params = [{transform_indices = #map}, {transform_indices = #map}, {transform_indices = #map1}]} {
    %broadcast_in_dim3A = arith.constant 1.000000e+00 : f32
    %broadcast_in_dim3A_0 = vector.broadcast %broadcast_in_dim3A : f32 to vector<16xf32>
    %swap3A = arith.constant 0 : index
    %swap3A_1 = tpu.vector_load %arg6[%swap3A] {strides = array<i32>} : memref<128xf32, #tpu.memory_space<vmem>>, vector<16xf32>,
    %swap3A_2 = vector.shape_cast %swap3A_1 : vector<16xf32> to vector<16xf32>
    %swap3A_3 = vector.shape_cast %broadcast_in_dim3A_0 : vector<16xf32> to vector<16xf32>
    tpu.vector_store %arg6[%swap3A], %swap3A_3 {strides = array<i32>} : memref<128xf32, #tpu.memory_space<vmem>>, vector<16xf32>,
    %swap3A_4 = arith.constant 16 : index
    %swap3A_5 = tpu.vector_load %arg6[%swap3A_4] {strides = array<i32>} : memref<128xf32, #tpu.memory_space<vmem>>, vector<16xf32>,
    %swap3A_6 = vector.shape_cast %swap3A_5 : vector<16xf32> to vector<16xf32>
    %swap3A_7 = vector.shape_cast %broadcast_in_dim3A_0 : vector<16xf32> to vector<16xf32>
    tpu.vector_store %arg6[%swap3A_4], %swap3A_7 {strides = array<i32>} : memref<128xf32, #tpu.memory_space<vmem>>, vector<16xf32>,
    %swap3A_8 = arith.constant 32 : index
    %swap3A_9 = tpu.vector_load %arg6[%swap3A_8] {strides = array<i32>} : memref<128xf32, #tpu.memory_space<vmem>>, vector<16xf32>,
    %swap3A_10 = vector.shape_cast %swap3A_9 : vector<16xf32> to vector<16xf32>
    %swap3A_11 = vector.shape_cast %broadcast_in_dim3A_0 : vector<16xf32> to vector<16xf32>
    tpu.vector_store %arg6[%swap3A_8], %swap3A_11 {strides = array<i32>} : memref<128xf32, #tpu.memory_space<vmem>>, vector<16xf32>,
    %swap3A_12 = arith.constant 48 : index
    %swap3A_13 = tpu.vector_load %arg6[%swap3A_12] {strides = array<i32>} : memref<128xf32, #tpu.memory_space<vmem>>, vector<16xf32>,
    %swap3A_14 = vector.shape_cast %swap3A_13 : vector<16xf32> to vector<16xf32>
    %swap3A_15 = vector.shape_cast %broadcast_in_dim3A_0 : vector<16xf32> to vector<16xf32>
    tpu.vector_store %arg6[%swap3A_12], %swap3A_15 {strides = array<i32>} : memref<128xf32, #tpu.memory_space<vmem>>, vector<16xf32>,
    %swap3A_16 = arith.constant 64 : index
    %swap3A_17 = tpu.vector_load %arg6[%swap3A_16] {strides = array<i32>} : memref<128xf32, #tpu.memory_space<vmem>>, vector<16xf32>,
    %swap3A_18 = vector.shape_cast %swap3A_17 : vector<16xf32> to vector<16xf32>
    %swap3A_19 = vector.shape_cast %broadcast_in_dim3A_0 : vector<16xf32> to vector<16xf32>
    tpu.vector_store %arg6[%swap3A_16], %swap3A_19 {strides = array<i32>} : memref<128xf32, #tpu.memory_space<vmem>>, vector<16xf32>,
    %swap3A_20 = arith.constant 80 : index
    %swap3A_21 = tpu.vector_load %arg6[%swap3A_20] {strides = array<i32>} : memref<128xf32, #tpu.memory_space<vmem>>, vector<16xf32>,
    %swap3A_22 = vector.shape_cast %swap3A_21 : vector<16xf32> to vector<16xf32>
    %swap3A_23 = vector.shape_cast %broadcast_in_dim3A_0 : vector<16xf32> to vector<16xf32>
    tpu.vector_store %arg6[%swap3A_20], %swap3A_23 {strides = array<i32>} : memref<128xf32, #tpu.memory_space<vmem>>, vector<16xf32>,
    %swap3A_24 = arith.constant 96 : index
    %swap3A_25 = tpu.vector_load %arg6[%swap3A_24] {strides = array<i32>} : memref<128xf32, #tpu.memory_space<vmem>>, vector<16xf32>,
    %swap3A_26 = vector.shape_cast %swap3A_25 : vector<16xf32> to vector<16xf32>
    %swap3A_27 = vector.shape_cast %broadcast_in_dim3A_0 : vector<16xf32> to vector<16xf32>
    tpu.vector_store %arg6[%swap3A_24], %swap3A_27 {strides = array<i32>} : memref<128xf32, #tpu.memory_space<vmem>>, vector<16xf32>,
    %swap3A_28 = arith.constant 112 : index
    %swap3A_29 = tpu.vector_load %arg6[%swap3A_28] {strides = array<i32>} : memref<128xf32, #tpu.memory_space<vmem>>, vector<16xf32>,
    %swap3A_30 = vector.shape_cast %swap3A_29 : vector<16xf32> to vector<16xf32>
    %swap3A_31 = vector.shape_cast %broadcast_in_dim3A_0 : vector<16xf32> to vector<16xf32>
    tpu.vector_store %arg6[%swap3A_28], %swap3A_31 {strides = array<i32>} : memref<128xf32, #tpu.memory_space<vmem>>, vector<16xf32>,
    %eq3A = arith.constant 0 : i32
    %eq3A_32 = arith.cmpi eq, %arg1, %eq3A : i32
    %convert_element_type3A = arith.extui %eq3A_32 : i1 to i32
    %cond3A = arith.constant 0 : i32
    %cond3A_33 = arith.cmpi ne, %convert_element_type3A, %cond3A : i32
    scf.if %cond3A_33 {
      %broadcast_in_dim3A_50 = arith.constant 0.000000e+00 : f32
      %broadcast_in_dim3A_51 = vector.broadcast %broadcast_in_dim3A_50 : f32 to vector<16xf32>
      %scan3A = arith.constant 0 : i32
      %scan3A_52 = arith.constant 0 : i32
      %scan3A_53 = arith.constant 632 : i32
      %scan3A_54 = arith.addi %scan3A_52, %scan3A_53 : i32
      %scan3A_55 = arith.constant 1 : i32
      scf.for %scan3A_57 = %scan3A_52 to %scan3A_54 step %scan3A_55  : i32 {
        %mul3A = arith.constant 16 : i32
        %mul3A_58 = arith.muli %scan3A_57, %mul3A : i32
        %swap3A_59 = arith.index_cast %mul3A_58 : i32 to index
        %swap3A_60 = tpu.vector_load %arg7[%swap3A_59] {strides = array<i32>} : memref<10112xf32, #tpu.memory_space<vmem>>, vector<16xf32>,
        %swap3A_61 = vector.shape_cast %swap3A_60 : vector<16xf32> to vector<16xf32>
        %swap3A_62 = vector.shape_cast %broadcast_in_dim3A_51 : vector<16xf32> to vector<16xf32>
        tpu.vector_store %arg7[%swap3A_59], %swap3A_62 {strides = array<i32>} : memref<10112xf32, #tpu.memory_space<vmem>>, vector<16xf32>,
      }
      %scan3A_56 = arith.constant 632 : i32
      "tpu.region"() ({
        %run_scoped3A = tpu.sem_alloc : memref<!tpu.dma_semaphore, #tpu.memory_space<semaphore_mem>>
        tpu.enqueue_dma source(%arg7 : memref<10112xf32, #tpu.memory_space<vmem>>) target(%arg8 : memref<10112xf32, #tpu.memory_space<vmem_shared>>) target_semaphore(%run_scoped3A : memref<!tpu.dma_semaphore, #tpu.memory_space<semaphore_mem>>)
        tpu.wait_dma2 semaphore(%run_scoped3A : memref<!tpu.dma_semaphore, #tpu.memory_space<semaphore_mem>>) src(%arg7 : memref<10112xf32, #tpu.memory_space<vmem>>) dst(%arg8 : memref<10112xf32, #tpu.memory_space<vmem_shared>>)
        tpu.yield
      }) : () -> ()
    } else {
    }
    %barrier3A = arith.constant 0 : index
    tpu.barrier barrier_id(%barrier3A)
    %eq3A_34 = arith.constant 0 : i32
    %eq3A_35 = arith.cmpi eq, %arg0, %eq3A_34 : i32
    %convert_element_type3A_36 = arith.extui %eq3A_35 : i1 to i32
    %cond3A_37 = arith.constant 0 : i32
    %cond3A_38 = arith.cmpi ne, %convert_element_type3A_36, %cond3A_37 : i32
    scf.if %cond3A_38 {
      %add3A = arith.constant 0 : i32
      %add3A_50 = arith.addi %add3A, %arg1 : i32
      "tpu.region"() ({
        %run_scoped3A = tpu.sem_alloc : memref<!tpu.dma_semaphore, #tpu.memory_space<semaphore_mem>>
        %dma_start3A = arith.constant 0 : i32
        %dma_start3A_64 = arith.constant 0 : i32
        %dma_start3A_65 = tpu.memref_slice %arg2[%add3A_50, %dma_start3A, %dma_start3A_64] : memref<32x80x128xi32, #tpu.memory_space<hbm>> -> memref<1x80x128xi32, #tpu.memory_space<hbm>>
        %dma_start3A_66 = tpu.memref_squeeze %dma_start3A_65 : memref<1x80x128xi32, #tpu.memory_space<hbm>> -> memref<80x128xi32, #tpu.memory_space<hbm>>
        %dma_start3A_67 = arith.constant 0 : i32
        %dma_start3A_68 = arith.constant 0 : i32
        %dma_start3A_69 = tpu.memref_slice %arg2[%add3A_50, %dma_start3A_67, %dma_start3A_68] : memref<32x80x128xi32, #tpu.memory_space<hbm>> -> memref<1x80x128xi32, #tpu.memory_space<hbm>>
        %dma_start3A_70 = tpu.memref_squeeze %dma_start3A_69 : memref<1x80x128xi32, #tpu.memory_space<hbm>> -> memref<80x128xi32, #tpu.memory_space<hbm>>
        tpu.enqueue_dma source(%dma_start3A_70 : memref<80x128xi32, #tpu.memory_space<hbm>>) target(%arg5 : memref<80x128xi32, #tpu.memory_space<vmem>>) target_semaphore(%run_scoped3A : memref<!tpu.dma_semaphore, #tpu.memory_space<semaphore_mem>>)
        %dma_wait3A = arith.constant 0 : i32
        %dma_wait3A_71 = arith.constant 0 : i32
        %dma_wait3A_72 = tpu.memref_slice %arg2[%add3A_50, %dma_wait3A, %dma_wait3A_71] : memref<32x80x128xi32, #tpu.memory_space<hbm>> -> memref<1x80x128xi32, #tpu.memory_space<hbm>>
        %dma_wait3A_73 = tpu.memref_squeeze %dma_wait3A_72 : memref<1x80x128xi32, #tpu.memory_space<hbm>> -> memref<80x128xi32, #tpu.memory_space<hbm>>
        %dma_wait3A_74 = arith.constant 0 : i32
        %dma_wait3A_75 = arith.constant 0 : i32
        %dma_wait3A_76 = tpu.memref_slice %arg2[%add3A_50, %dma_wait3A_74, %dma_wait3A_75] : memref<32x80x128xi32, #tpu.memory_space<hbm>> -> memref<1x80x128xi32, #tpu.memory_space<hbm>>
        %dma_wait3A_77 = tpu.memref_squeeze %dma_wait3A_76 : memref<1x80x128xi32, #tpu.memory_space<hbm>> -> memref<80x128xi32, #tpu.memory_space<hbm>>
        tpu.wait_dma2 semaphore(%run_scoped3A : memref<!tpu.dma_semaphore, #tpu.memory_space<semaphore_mem>>) src(%dma_wait3A_77 : memref<80x128xi32, #tpu.memory_space<hbm>>) dst(%arg5 : memref<80x128xi32, #tpu.memory_space<vmem>>)
        tpu.yield
      }) : () -> ()
      %scan3A = arith.constant 0 : i32
      %scan3A_51 = arith.constant 0 : i32
      %scan3A_52 = arith.constant 80 : i32
      %scan3A_53 = arith.addi %scan3A_51, %scan3A_52 : i32
      %scan3A_54 = arith.constant 1 : i32
      scf.for %scan3A_64 = %scan3A_51 to %scan3A_53 step %scan3A_54  : i32 {
        "tpu.region"() ({
          %run_scoped3A = tpu.sem_alloc : memref<!tpu.dma_semaphore, #tpu.memory_space<semaphore_mem>>
          %dma_start3A = arith.constant 0 : i32
          %dma_start3A_65 = tpu.memref_slice %arg5[%scan3A_64, %dma_start3A] : memref<80x128xi32, #tpu.memory_space<vmem>> -> memref<1x128xi32, #tpu.memory_space<vmem>>
          %dma_start3A_66 = tpu.memref_squeeze %dma_start3A_65 : memref<1x128xi32, #tpu.memory_space<vmem>> -> memref<128xi32, #tpu.memory_space<vmem>>
          %dma_start3A_67 = arith.constant 0 : i32
          %dma_start3A_68 = tpu.memref_slice %arg8[%dma_start3A_67] : memref<10112xf32, #tpu.memory_space<vmem_shared>> -> memref<10112xf32, #tpu.memory_space<vmem_shared>>
          tpu.enqueue_indirect_dma source(%arg6 : memref<128xf32, #tpu.memory_space<vmem>>) target(%dma_start3A_68 : memref<10112xf32, #tpu.memory_space<vmem_shared>>) offsets(%dma_start3A_66 : memref<128xi32, #tpu.memory_space<vmem>>) semaphore(%run_scoped3A : memref<!tpu.dma_semaphore, #tpu.memory_space<semaphore_mem>>) {add = true}
          %dma_wait3A = arith.constant 0 : i32
          %dma_wait3A_69 = tpu.memref_slice %arg5[%scan3A_64, %dma_wait3A] : memref<80x128xi32, #tpu.memory_space<vmem>> -> memref<1x128xi32, #tpu.memory_space<vmem>>
          %dma_wait3A_70 = tpu.memref_squeeze %dma_wait3A_69 : memref<1x128xi32, #tpu.memory_space<vmem>> -> memref<128xi32, #tpu.memory_space<vmem>>
          %dma_wait3A_71 = arith.constant 0 : i32
          %dma_wait3A_72 = tpu.memref_slice %arg8[%dma_wait3A_71] : memref<10112xf32, #tpu.memory_space<vmem_shared>> -> memref<10112xf32, #tpu.memory_space<vmem_shared>>
          tpu.wait_indirect_dma semaphore(%run_scoped3A : memref<!tpu.dma_semaphore, #tpu.memory_space<semaphore_mem>>) src(%arg6 : memref<128xf32, #tpu.memory_space<vmem>>) dst(%dma_wait3A_72 : memref<10112xf32, #tpu.memory_space<vmem_shared>>)
          tpu.yield
        }) : () -> ()
      }
      %scan3A_55 = arith.constant 80 : i32
      %add3A_56 = arith.constant 16 : i32
      %add3A_57 = arith.addi %add3A_56, %arg1 : i32
      "tpu.region"() ({
        %run_scoped3A = tpu.sem_alloc : memref<!tpu.dma_semaphore, #tpu.memory_space<semaphore_mem>>
        %dma_start3A = arith.constant 0 : i32
        %dma_start3A_64 = arith.constant 0 : i32
        %dma_start3A_65 = tpu.memref_slice %arg2[%add3A_57, %dma_start3A, %dma_start3A_64] : memref<32x80x128xi32, #tpu.memory_space<hbm>> -> memref<1x80x128xi32, #tpu.memory_space<hbm>>
        %dma_start3A_66 = tpu.memref_squeeze %dma_start3A_65 : memref<1x80x128xi32, #tpu.memory_space<hbm>> -> memref<80x128xi32, #tpu.memory_space<hbm>>
        %dma_start3A_67 = arith.constant 0 : i32
        %dma_start3A_68 = arith.constant 0 : i32
        %dma_start3A_69 = tpu.memref_slice %arg2[%add3A_57, %dma_start3A_67, %dma_start3A_68] : memref<32x80x128xi32, #tpu.memory_space<hbm>> -> memref<1x80x128xi32, #tpu.memory_space<hbm>>
        %dma_start3A_70 = tpu.memref_squeeze %dma_start3A_69 : memref<1x80x128xi32, #tpu.memory_space<hbm>> -> memref<80x128xi32, #tpu.memory_space<hbm>>
        tpu.enqueue_dma source(%dma_start3A_70 : memref<80x128xi32, #tpu.memory_space<hbm>>) target(%arg5 : memref<80x128xi32, #tpu.memory_space<vmem>>) target_semaphore(%run_scoped3A : memref<!tpu.dma_semaphore, #tpu.memory_space<semaphore_mem>>)
        %dma_wait3A = arith.constant 0 : i32
        %dma_wait3A_71 = arith.constant 0 : i32
        %dma_wait3A_72 = tpu.memref_slice %arg2[%add3A_57, %dma_wait3A, %dma_wait3A_71] : memref<32x80x128xi32, #tpu.memory_space<hbm>> -> memref<1x80x128xi32, #tpu.memory_space<hbm>>
        %dma_wait3A_73 = tpu.memref_squeeze %dma_wait3A_72 : memref<1x80x128xi32, #tpu.memory_space<hbm>> -> memref<80x128xi32, #tpu.memory_space<hbm>>
        %dma_wait3A_74 = arith.constant 0 : i32
        %dma_wait3A_75 = arith.constant 0 : i32
        %dma_wait3A_76 = tpu.memref_slice %arg2[%add3A_57, %dma_wait3A_74, %dma_wait3A_75] : memref<32x80x128xi32, #tpu.memory_space<hbm>> -> memref<1x80x128xi32, #tpu.memory_space<hbm>>
        %dma_wait3A_77 = tpu.memref_squeeze %dma_wait3A_76 : memref<1x80x128xi32, #tpu.memory_space<hbm>> -> memref<80x128xi32, #tpu.memory_space<hbm>>
        tpu.wait_dma2 semaphore(%run_scoped3A : memref<!tpu.dma_semaphore, #tpu.memory_space<semaphore_mem>>) src(%dma_wait3A_77 : memref<80x128xi32, #tpu.memory_space<hbm>>) dst(%arg5 : memref<80x128xi32, #tpu.memory_space<vmem>>)
        tpu.yield
      }) : () -> ()
      %scan3A_58 = arith.constant 0 : i32
      %scan3A_59 = arith.constant 0 : i32
      %scan3A_60 = arith.constant 80 : i32
      %scan3A_61 = arith.addi %scan3A_59, %scan3A_60 : i32
      %scan3A_62 = arith.constant 1 : i32
      scf.for %scan3A_64 = %scan3A_59 to %scan3A_61 step %scan3A_62  : i32 {
        "tpu.region"() ({
          %run_scoped3A = tpu.sem_alloc : memref<!tpu.dma_semaphore, #tpu.memory_space<semaphore_mem>>
          %dma_start3A = arith.constant 0 : i32
          %dma_start3A_65 = tpu.memref_slice %arg5[%scan3A_64, %dma_start3A] : memref<80x128xi32, #tpu.memory_space<vmem>> -> memref<1x128xi32, #tpu.memory_space<vmem>>
          %dma_start3A_66 = tpu.memref_squeeze %dma_start3A_65 : memref<1x128xi32, #tpu.memory_space<vmem>> -> memref<128xi32, #tpu.memory_space<vmem>>
          %dma_start3A_67 = arith.constant 0 : i32
          %dma_start3A_68 = tpu.memref_slice %arg8[%dma_start3A_67] : memref<10112xf32, #tpu.memory_space<vmem_shared>> -> memref<10112xf32, #tpu.memory_space<vmem_shared>>
          tpu.enqueue_indirect_dma source(%arg6 : memref<128xf32, #tpu.memory_space<vmem>>) target(%dma_start3A_68 : memref<10112xf32, #tpu.memory_space<vmem_shared>>) offsets(%dma_start3A_66 : memref<128xi32, #tpu.memory_space<vmem>>) semaphore(%run_scoped3A : memref<!tpu.dma_semaphore, #tpu.memory_space<semaphore_mem>>) {add = true}
          %dma_wait3A = arith.constant 0 : i32
          %dma_wait3A_69 = tpu.memref_slice %arg5[%scan3A_64, %dma_wait3A] : memref<80x128xi32, #tpu.memory_space<vmem>> -> memref<1x128xi32, #tpu.memory_space<vmem>>
          %dma_wait3A_70 = tpu.memref_squeeze %dma_wait3A_69 : memref<1x128xi32, #tpu.memory_space<vmem>> -> memref<128xi32, #tpu.memory_space<vmem>>
          %dma_wait3A_71 = arith.constant 0 : i32
          %dma_wait3A_72 = tpu.memref_slice %arg8[%dma_wait3A_71] : memref<10112xf32, #tpu.memory_space<vmem_shared>> -> memref<10112xf32, #tpu.memory_space<vmem_shared>>
          tpu.wait_indirect_dma semaphore(%run_scoped3A : memref<!tpu.dma_semaphore, #tpu.memory_space<semaphore_mem>>) src(%arg6 : memref<128xf32, #tpu.memory_space<vmem>>) dst(%dma_wait3A_72 : memref<10112xf32, #tpu.memory_space<vmem_shared>>)
          tpu.yield
        }) : () -> ()
      }
      %scan3A_63 = arith.constant 80 : i32
    } else {
    }
    %eq3A_39 = arith.constant 1 : i32
    %eq3A_40 = arith.cmpi eq, %arg0, %eq3A_39 : i32
    %convert_element_type3A_41 = arith.extui %eq3A_40 : i1 to i32
    %cond3A_42 = arith.constant 0 : i32
    %cond3A_43 = arith.cmpi ne, %convert_element_type3A_41, %cond3A_42 : i32
    scf.if %cond3A_43 {
      %add3A = arith.constant 0 : i32
      %add3A_50 = arith.addi %add3A, %arg1 : i32
      "tpu.region"() ({
        %run_scoped3A = tpu.sem_alloc : memref<!tpu.dma_semaphore, #tpu.memory_space<semaphore_mem>>
        %dma_start3A = arith.constant 0 : i32
        %dma_start3A_64 = arith.constant 0 : i32
        %dma_start3A_65 = tpu.memref_slice %arg3[%add3A_50, %dma_start3A, %dma_start3A_64] : memref<32x80x128xi32, #tpu.memory_space<hbm>> -> memref<1x80x128xi32, #tpu.memory_space<hbm>>
        %dma_start3A_66 = tpu.memref_squeeze %dma_start3A_65 : memref<1x80x128xi32, #tpu.memory_space<hbm>> -> memref<80x128xi32, #tpu.memory_space<hbm>>
        %dma_start3A_67 = arith.constant 0 : i32
        %dma_start3A_68 = arith.constant 0 : i32
        %dma_start3A_69 = tpu.memref_slice %arg3[%add3A_50, %dma_start3A_67, %dma_start3A_68] : memref<32x80x128xi32, #tpu.memory_space<hbm>> -> memref<1x80x128xi32, #tpu.memory_space<hbm>>
        %dma_start3A_70 = tpu.memref_squeeze %dma_start3A_69 : memref<1x80x128xi32, #tpu.memory_space<hbm>> -> memref<80x128xi32, #tpu.memory_space<hbm>>
        tpu.enqueue_dma source(%dma_start3A_70 : memref<80x128xi32, #tpu.memory_space<hbm>>) target(%arg5 : memref<80x128xi32, #tpu.memory_space<vmem>>) target_semaphore(%run_scoped3A : memref<!tpu.dma_semaphore, #tpu.memory_space<semaphore_mem>>)
        %dma_wait3A = arith.constant 0 : i32
        %dma_wait3A_71 = arith.constant 0 : i32
        %dma_wait3A_72 = tpu.memref_slice %arg3[%add3A_50, %dma_wait3A, %dma_wait3A_71] : memref<32x80x128xi32, #tpu.memory_space<hbm>> -> memref<1x80x128xi32, #tpu.memory_space<hbm>>
        %dma_wait3A_73 = tpu.memref_squeeze %dma_wait3A_72 : memref<1x80x128xi32, #tpu.memory_space<hbm>> -> memref<80x128xi32, #tpu.memory_space<hbm>>
        %dma_wait3A_74 = arith.constant 0 : i32
        %dma_wait3A_75 = arith.constant 0 : i32
        %dma_wait3A_76 = tpu.memref_slice %arg3[%add3A_50, %dma_wait3A_74, %dma_wait3A_75] : memref<32x80x128xi32, #tpu.memory_space<hbm>> -> memref<1x80x128xi32, #tpu.memory_space<hbm>>
        %dma_wait3A_77 = tpu.memref_squeeze %dma_wait3A_76 : memref<1x80x128xi32, #tpu.memory_space<hbm>> -> memref<80x128xi32, #tpu.memory_space<hbm>>
        tpu.wait_dma2 semaphore(%run_scoped3A : memref<!tpu.dma_semaphore, #tpu.memory_space<semaphore_mem>>) src(%dma_wait3A_77 : memref<80x128xi32, #tpu.memory_space<hbm>>) dst(%arg5 : memref<80x128xi32, #tpu.memory_space<vmem>>)
        tpu.yield
      }) : () -> ()
      %scan3A = arith.constant 0 : i32
      %scan3A_51 = arith.constant 0 : i32
      %scan3A_52 = arith.constant 80 : i32
      %scan3A_53 = arith.addi %scan3A_51, %scan3A_52 : i32
      %scan3A_54 = arith.constant 1 : i32
      scf.for %scan3A_64 = %scan3A_51 to %scan3A_53 step %scan3A_54  : i32 {
        "tpu.region"() ({
          %run_scoped3A = tpu.sem_alloc : memref<!tpu.dma_semaphore, #tpu.memory_space<semaphore_mem>>
          %dma_start3A = arith.constant 0 : i32
          %dma_start3A_65 = tpu.memref_slice %arg5[%scan3A_64, %dma_start3A] : memref<80x128xi32, #tpu.memory_space<vmem>> -> memref<1x128xi32, #tpu.memory_space<vmem>>
          %dma_start3A_66 = tpu.memref_squeeze %dma_start3A_65 : memref<1x128xi32, #tpu.memory_space<vmem>> -> memref<128xi32, #tpu.memory_space<vmem>>
          %dma_start3A_67 = arith.constant 0 : i32
          %dma_start3A_68 = tpu.memref_slice %arg8[%dma_start3A_67] : memref<10112xf32, #tpu.memory_space<vmem_shared>> -> memref<10112xf32, #tpu.memory_space<vmem_shared>>
          tpu.enqueue_indirect_dma source(%arg6 : memref<128xf32, #tpu.memory_space<vmem>>) target(%dma_start3A_68 : memref<10112xf32, #tpu.memory_space<vmem_shared>>) offsets(%dma_start3A_66 : memref<128xi32, #tpu.memory_space<vmem>>) semaphore(%run_scoped3A : memref<!tpu.dma_semaphore, #tpu.memory_space<semaphore_mem>>) {add = true}
          %dma_wait3A = arith.constant 0 : i32
          %dma_wait3A_69 = tpu.memref_slice %arg5[%scan3A_64, %dma_wait3A] : memref<80x128xi32, #tpu.memory_space<vmem>> -> memref<1x128xi32, #tpu.memory_space<vmem>>
          %dma_wait3A_70 = tpu.memref_squeeze %dma_wait3A_69 : memref<1x128xi32, #tpu.memory_space<vmem>> -> memref<128xi32, #tpu.memory_space<vmem>>
          %dma_wait3A_71 = arith.constant 0 : i32
          %dma_wait3A_72 = tpu.memref_slice %arg8[%dma_wait3A_71] : memref<10112xf32, #tpu.memory_space<vmem_shared>> -> memref<10112xf32, #tpu.memory_space<vmem_shared>>
          tpu.wait_indirect_dma semaphore(%run_scoped3A : memref<!tpu.dma_semaphore, #tpu.memory_space<semaphore_mem>>) src(%arg6 : memref<128xf32, #tpu.memory_space<vmem>>) dst(%dma_wait3A_72 : memref<10112xf32, #tpu.memory_space<vmem_shared>>)
          tpu.yield
        }) : () -> ()
      }
      %scan3A_55 = arith.constant 80 : i32
      %add3A_56 = arith.constant 16 : i32
      %add3A_57 = arith.addi %add3A_56, %arg1 : i32
      "tpu.region"() ({
        %run_scoped3A = tpu.sem_alloc : memref<!tpu.dma_semaphore, #tpu.memory_space<semaphore_mem>>
        %dma_start3A = arith.constant 0 : i32
        %dma_start3A_64 = arith.constant 0 : i32
        %dma_start3A_65 = tpu.memref_slice %arg3[%add3A_57, %dma_start3A, %dma_start3A_64] : memref<32x80x128xi32, #tpu.memory_space<hbm>> -> memref<1x80x128xi32, #tpu.memory_space<hbm>>
        %dma_start3A_66 = tpu.memref_squeeze %dma_start3A_65 : memref<1x80x128xi32, #tpu.memory_space<hbm>> -> memref<80x128xi32, #tpu.memory_space<hbm>>
        %dma_start3A_67 = arith.constant 0 : i32
        %dma_start3A_68 = arith.constant 0 : i32
        %dma_start3A_69 = tpu.memref_slice %arg3[%add3A_57, %dma_start3A_67, %dma_start3A_68] : memref<32x80x128xi32, #tpu.memory_space<hbm>> -> memref<1x80x128xi32, #tpu.memory_space<hbm>>
        %dma_start3A_70 = tpu.memref_squeeze %dma_start3A_69 : memref<1x80x128xi32, #tpu.memory_space<hbm>> -> memref<80x128xi32, #tpu.memory_space<hbm>>
        tpu.enqueue_dma source(%dma_start3A_70 : memref<80x128xi32, #tpu.memory_space<hbm>>) target(%arg5 : memref<80x128xi32, #tpu.memory_space<vmem>>) target_semaphore(%run_scoped3A : memref<!tpu.dma_semaphore, #tpu.memory_space<semaphore_mem>>)
        %dma_wait3A = arith.constant 0 : i32
        %dma_wait3A_71 = arith.constant 0 : i32
        %dma_wait3A_72 = tpu.memref_slice %arg3[%add3A_57, %dma_wait3A, %dma_wait3A_71] : memref<32x80x128xi32, #tpu.memory_space<hbm>> -> memref<1x80x128xi32, #tpu.memory_space<hbm>>
        %dma_wait3A_73 = tpu.memref_squeeze %dma_wait3A_72 : memref<1x80x128xi32, #tpu.memory_space<hbm>> -> memref<80x128xi32, #tpu.memory_space<hbm>>
        %dma_wait3A_74 = arith.constant 0 : i32
        %dma_wait3A_75 = arith.constant 0 : i32
        %dma_wait3A_76 = tpu.memref_slice %arg3[%add3A_57, %dma_wait3A_74, %dma_wait3A_75] : memref<32x80x128xi32, #tpu.memory_space<hbm>> -> memref<1x80x128xi32, #tpu.memory_space<hbm>>
        %dma_wait3A_77 = tpu.memref_squeeze %dma_wait3A_76 : memref<1x80x128xi32, #tpu.memory_space<hbm>> -> memref<80x128xi32, #tpu.memory_space<hbm>>
        tpu.wait_dma2 semaphore(%run_scoped3A : memref<!tpu.dma_semaphore, #tpu.memory_space<semaphore_mem>>) src(%dma_wait3A_77 : memref<80x128xi32, #tpu.memory_space<hbm>>) dst(%arg5 : memref<80x128xi32, #tpu.memory_space<vmem>>)
        tpu.yield
      }) : () -> ()
      %scan3A_58 = arith.constant 0 : i32
      %scan3A_59 = arith.constant 0 : i32
      %scan3A_60 = arith.constant 80 : i32
      %scan3A_61 = arith.addi %scan3A_59, %scan3A_60 : i32
      %scan3A_62 = arith.constant 1 : i32
      scf.for %scan3A_64 = %scan3A_59 to %scan3A_61 step %scan3A_62  : i32 {
        "tpu.region"() ({
          %run_scoped3A = tpu.sem_alloc : memref<!tpu.dma_semaphore, #tpu.memory_space<semaphore_mem>>
          %dma_start3A = arith.constant 0 : i32
          %dma_start3A_65 = tpu.memref_slice %arg5[%scan3A_64, %dma_start3A] : memref<80x128xi32, #tpu.memory_space<vmem>> -> memref<1x128xi32, #tpu.memory_space<vmem>>
          %dma_start3A_66 = tpu.memref_squeeze %dma_start3A_65 : memref<1x128xi32, #tpu.memory_space<vmem>> -> memref<128xi32, #tpu.memory_space<vmem>>
          %dma_start3A_67 = arith.constant 0 : i32
          %dma_start3A_68 = tpu.memref_slice %arg8[%dma_start3A_67] : memref<10112xf32, #tpu.memory_space<vmem_shared>> -> memref<10112xf32, #tpu.memory_space<vmem_shared>>
          tpu.enqueue_indirect_dma source(%arg6 : memref<128xf32, #tpu.memory_space<vmem>>) target(%dma_start3A_68 : memref<10112xf32, #tpu.memory_space<vmem_shared>>) offsets(%dma_start3A_66 : memref<128xi32, #tpu.memory_space<vmem>>) semaphore(%run_scoped3A : memref<!tpu.dma_semaphore, #tpu.memory_space<semaphore_mem>>) {add = true}
          %dma_wait3A = arith.constant 0 : i32
          %dma_wait3A_69 = tpu.memref_slice %arg5[%scan3A_64, %dma_wait3A] : memref<80x128xi32, #tpu.memory_space<vmem>> -> memref<1x128xi32, #tpu.memory_space<vmem>>
          %dma_wait3A_70 = tpu.memref_squeeze %dma_wait3A_69 : memref<1x128xi32, #tpu.memory_space<vmem>> -> memref<128xi32, #tpu.memory_space<vmem>>
          %dma_wait3A_71 = arith.constant 0 : i32
          %dma_wait3A_72 = tpu.memref_slice %arg8[%dma_wait3A_71] : memref<10112xf32, #tpu.memory_space<vmem_shared>> -> memref<10112xf32, #tpu.memory_space<vmem_shared>>
          tpu.wait_indirect_dma semaphore(%run_scoped3A : memref<!tpu.dma_semaphore, #tpu.memory_space<semaphore_mem>>) src(%arg6 : memref<128xf32, #tpu.memory_space<vmem>>) dst(%dma_wait3A_72 : memref<10112xf32, #tpu.memory_space<vmem_shared>>)
          tpu.yield
        }) : () -> ()
      }
      %scan3A_63 = arith.constant 80 : i32
    } else {
    }
    %barrier3A_44 = arith.constant 0 : index
    tpu.barrier barrier_id(%barrier3A_44)
    %eq3A_45 = arith.constant 0 : i32
    %eq3A_46 = arith.cmpi eq, %arg1, %eq3A_45 : i32
    %convert_element_type3A_47 = arith.extui %eq3A_46 : i1 to i32
    %cond3A_48 = arith.constant 0 : i32
    %cond3A_49 = arith.cmpi ne, %convert_element_type3A_47, %cond3A_48 : i32
    scf.if %cond3A_49 {
      "tpu.region"() ({
        %run_scoped3A = tpu.sem_alloc : memref<!tpu.dma_semaphore, #tpu.memory_space<semaphore_mem>>
        %dma_start3A = arith.constant 0 : i32
        %dma_start3A_50 = tpu.memref_slice %arg4[%arg0, %dma_start3A] : memref<2x10112xf32, #tpu.memory_space<hbm>> -> memref<1x10112xf32, #tpu.memory_space<hbm>>
        %dma_start3A_51 = tpu.memref_squeeze %dma_start3A_50 : memref<1x10112xf32, #tpu.memory_space<hbm>> -> memref<10112xf32, #tpu.memory_space<hbm>>
        tpu.enqueue_dma source(%arg8 : memref<10112xf32, #tpu.memory_space<vmem_shared>>) target(%dma_start3A_51 : memref<10112xf32, #tpu.memory_space<hbm>>) target_semaphore(%run_scoped3A : memref<!tpu.dma_semaphore, #tpu.memory_space<semaphore_mem>>)
        %dma_wait3A = arith.constant 0 : i32
        %dma_wait3A_52 = tpu.memref_slice %arg4[%arg0, %dma_wait3A] : memref<2x10112xf32, #tpu.memory_space<hbm>> -> memref<1x10112xf32, #tpu.memory_space<hbm>>
        %dma_wait3A_53 = tpu.memref_squeeze %dma_wait3A_52 : memref<1x10112xf32, #tpu.memory_space<hbm>> -> memref<10112xf32, #tpu.memory_space<hbm>>
        tpu.wait_dma2 semaphore(%run_scoped3A : memref<!tpu.dma_semaphore, #tpu.memory_space<semaphore_mem>>) src(%arg8 : memref<10112xf32, #tpu.memory_space<vmem_shared>>) dst(%dma_wait3A_53 : memref<10112xf32, #tpu.memory_space<hbm>>)
        tpu.yield
      }) : () -> ()
    } else {
    }
    return
  }
}

#map = affine_map<(d0, d1) -> (0, 0)>
#map1 = affine_map<(d0, d1) -> (0, 0, 0)>
module attributes {stable_mosaic.version = 14 : i64} {
  func.func @_sc_spmm(%arg0: i32, %arg1: i32, %arg2: memref<10112x128xf32, #tpu.memory_space<hbm>>, %arg3: memref<32x80x128xi32, #tpu.memory_space<hbm>>, %arg4: memref<32x80x128xi32, #tpu.memory_space<hbm>>, %arg5: memref<2x10112x128xf32, #tpu.memory_space<hbm>>, %arg6: memref<40x128xi32, #tpu.memory_space<vmem>>, %arg7: memref<40x128xi32, #tpu.memory_space<vmem>>, %arg8: memref<2x128x128xf32, #tpu.memory_space<vmem>>, %arg9: memref<10112x128xf32, #tpu.memory_space<vmem_shared>>, %arg10: memref<!tpu.dma_semaphore, #tpu.memory_space<semaphore_mem>>) attributes {dimension_semantics = [#tpu.dimension_semantics<core_parallel>, #tpu.dimension_semantics<subcore_parallel>], iteration_bounds = array<i64: 2, 16>, scalar_prefetch = 0 : i64, scratch_operands = 5 : i64, tpu.core_type = #tpu.core_type<sc_vector_subcore>, window_params = [{transform_indices = #map}, {transform_indices = #map1}, {transform_indices = #map1}, {transform_indices = #map1}]} {
    %mul3A = arith.constant 16 : i32
    %mul3A_0 = arith.muli %arg0, %mul3A : i32
    %add3A = arith.addi %mul3A_0, %arg1 : i32
    %broadcast_in_dim3A = arith.constant 0.000000e+00 : f32
    %broadcast_in_dim3A_1 = vector.broadcast %broadcast_in_dim3A : f32 to vector<16xf32>
    %scan3A = arith.constant 0 : i32
    %scan3A_2 = arith.constant 0 : i32
    %scan3A_3 = arith.constant 1024 : i32
    %scan3A_4 = arith.addi %scan3A_2, %scan3A_3 : i32
    %scan3A_5 = arith.constant 1 : i32
    scf.for %scan3A_79 = %scan3A_2 to %scan3A_4 step %scan3A_5  : i32 {
      %jit3A = arith.constant 8 : i32
      %div3A = arith.divsi %scan3A_79, %jit3A : i32
      %sign3A = arith.constant 0 : i32
      %sign3A_80 = arith.cmpi sgt, %scan3A_79, %sign3A : i32
      %sign3A_81 = arith.extui %sign3A_80 : i1 to i32
      %sign3A_82 = arith.constant 0 : i32
      %sign3A_83 = arith.cmpi slt, %scan3A_79, %sign3A_82 : i32
      %sign3A_84 = arith.extui %sign3A_83 : i1 to i32
      %sign3A_85 = arith.subi %sign3A_81, %sign3A_84 : i32
      %sign3A_86 = arith.constant 0 : i32
      %sign3A_87 = arith.cmpi sgt, %jit3A, %sign3A_86 : i32
      %sign3A_88 = arith.extui %sign3A_87 : i1 to i32
      %sign3A_89 = arith.constant 0 : i32
      %sign3A_90 = arith.cmpi slt, %jit3A, %sign3A_89 : i32
      %sign3A_91 = arith.extui %sign3A_90 : i1 to i32
      %sign3A_92 = arith.subi %sign3A_88, %sign3A_91 : i32
      %ne3A = arith.cmpi ne, %sign3A_85, %sign3A_92 : i32
      %rem3A = arith.remsi %scan3A_79, %jit3A : i32
      %ne3A_93 = arith.constant 0 : i32
      %ne3A_94 = arith.cmpi ne, %rem3A, %ne3A_93 : i32
      %and3A = arith.andi %ne3A, %ne3A_94 : i1
      %sub3A = arith.constant 1 : i32
      %sub3A_95 = arith.subi %div3A, %sub3A : i32
      %select_n3A = arith.select %and3A, %sub3A_95, %div3A : i32
      %jit3A_96 = arith.constant 8 : i32
      %eq3A = arith.constant 0 : i32
      %eq3A_97 = arith.cmpi eq, %jit3A_96, %eq3A : i32
      %jit3A_98 = arith.constant 1 : i32
      %select_n3A_99 = arith.select %eq3A_97, %jit3A_98, %jit3A_96 : i32
      %rem3A_100 = arith.remsi %scan3A_79, %select_n3A_99 : i32
      %ne3A_101 = arith.constant 0 : i32
      %ne3A_102 = arith.cmpi ne, %rem3A_100, %ne3A_101 : i32
      %lt3A = arith.constant 0 : i32
      %lt3A_103 = arith.cmpi slt, %rem3A_100, %lt3A : i32
      %lt3A_104 = arith.constant 0 : i32
      %lt3A_105 = arith.cmpi slt, %select_n3A_99, %lt3A_104 : i32
      %ne3A_106 = arith.xori %lt3A_103, %lt3A_105 : i1
      %and3A_107 = arith.andi %ne3A_106, %ne3A_102 : i1
      %add3A_108 = arith.addi %rem3A_100, %select_n3A_99 : i32
      %select_n3A_109 = arith.select %and3A_107, %add3A_108, %rem3A_100 : i32
      %mul3A_110 = arith.constant 16 : i32
      %mul3A_111 = arith.muli %select_n3A_109, %mul3A_110 : i32
      %swap3A = arith.constant 0 : i32
      %swap3A_112 = arith.index_cast %swap3A : i32 to index
      %swap3A_113 = arith.index_cast %select_n3A : i32 to index
      %swap3A_114 = arith.index_cast %mul3A_111 : i32 to index
      %swap3A_115 = tpu.vector_load %arg8[%swap3A_112, %swap3A_113, %swap3A_114] {strides = array<i32>} : memref<2x128x128xf32, #tpu.memory_space<vmem>>, vector<1x1x16xf32>,
      %swap3A_116 = vector.shape_cast %swap3A_115 : vector<1x1x16xf32> to vector<16xf32>
      %swap3A_117 = vector.shape_cast %broadcast_in_dim3A_1 : vector<16xf32> to vector<1x1x16xf32>
      tpu.vector_store %arg8[%swap3A_112, %swap3A_113, %swap3A_114], %swap3A_117 {strides = array<i32>} : memref<2x128x128xf32, #tpu.memory_space<vmem>>, vector<1x1x16xf32>,
    }
    %scan3A_6 = arith.constant 1024 : i32
    %mul3A_7 = arith.constant 632 : i32
    %mul3A_8 = arith.muli %arg1, %mul3A_7 : i32
    %add3A_9 = arith.constant 0 : i32
    %add3A_10 = arith.addi %mul3A_8, %add3A_9 : i32
    %run_scoped3A = arith.constant 0 : i32
    "tpu.region"() ({
      %run_scoped3A_79 = tpu.sem_alloc : memref<!tpu.dma_semaphore, #tpu.memory_space<semaphore_mem>>
      %dma_start3A_80 = arith.constant 0 : i32
      %dma_start3A_81 = arith.constant 0 : i32
      %dma_start3A_82 = tpu.memref_slice %arg8[%run_scoped3A, %dma_start3A_80, %dma_start3A_81] : memref<2x128x128xf32, #tpu.memory_space<vmem>> -> memref<1x128x128xf32, #tpu.memory_space<vmem>>
      %dma_start3A_83 = tpu.memref_squeeze %dma_start3A_82 : memref<1x128x128xf32, #tpu.memory_space<vmem>> -> memref<128x128xf32, #tpu.memory_space<vmem>>
      %dma_start3A_84 = arith.constant 0 : i32
      %dma_start3A_85 = tpu.memref_slice %arg9[%add3A_10, %dma_start3A_84] : memref<10112x128xf32, #tpu.memory_space<vmem_shared>> -> memref<128x128xf32, #tpu.memory_space<vmem_shared>>
      %dma_start3A_86 = arith.constant 0 : i32
      %dma_start3A_87 = tpu.memref_slice %arg9[%add3A_10, %dma_start3A_86] : memref<10112x128xf32, #tpu.memory_space<vmem_shared>> -> memref<128x128xf32, #tpu.memory_space<vmem_shared>>
      %dma_start3A_88 = arith.constant 0 : i32
      %dma_start3A_89 = arith.constant 0 : i32
      %dma_start3A_90 = tpu.memref_slice %arg8[%run_scoped3A, %dma_start3A_88, %dma_start3A_89] : memref<2x128x128xf32, #tpu.memory_space<vmem>> -> memref<1x128x128xf32, #tpu.memory_space<vmem>>
      %dma_start3A_91 = tpu.memref_squeeze %dma_start3A_90 : memref<1x128x128xf32, #tpu.memory_space<vmem>> -> memref<128x128xf32, #tpu.memory_space<vmem>>
      tpu.enqueue_dma source(%dma_start3A_91 : memref<128x128xf32, #tpu.memory_space<vmem>>) target(%dma_start3A_87 : memref<128x128xf32, #tpu.memory_space<vmem_shared>>) target_semaphore(%run_scoped3A_79 : memref<!tpu.dma_semaphore, #tpu.memory_space<semaphore_mem>>)
      %dma_wait3A = arith.constant 0 : i32
      %dma_wait3A_92 = arith.constant 0 : i32
      %dma_wait3A_93 = tpu.memref_slice %arg8[%run_scoped3A, %dma_wait3A, %dma_wait3A_92] : memref<2x128x128xf32, #tpu.memory_space<vmem>> -> memref<1x128x128xf32, #tpu.memory_space<vmem>>
      %dma_wait3A_94 = tpu.memref_squeeze %dma_wait3A_93 : memref<1x128x128xf32, #tpu.memory_space<vmem>> -> memref<128x128xf32, #tpu.memory_space<vmem>>
      %dma_wait3A_95 = arith.constant 0 : i32
      %dma_wait3A_96 = tpu.memref_slice %arg9[%add3A_10, %dma_wait3A_95] : memref<10112x128xf32, #tpu.memory_space<vmem_shared>> -> memref<128x128xf32, #tpu.memory_space<vmem_shared>>
      %dma_wait3A_97 = arith.constant 0 : i32
      %dma_wait3A_98 = tpu.memref_slice %arg9[%add3A_10, %dma_wait3A_97] : memref<10112x128xf32, #tpu.memory_space<vmem_shared>> -> memref<128x128xf32, #tpu.memory_space<vmem_shared>>
      %dma_wait3A_99 = arith.constant 0 : i32
      %dma_wait3A_100 = arith.constant 0 : i32
      %dma_wait3A_101 = tpu.memref_slice %arg8[%run_scoped3A, %dma_wait3A_99, %dma_wait3A_100] : memref<2x128x128xf32, #tpu.memory_space<vmem>> -> memref<1x128x128xf32, #tpu.memory_space<vmem>>
      %dma_wait3A_102 = tpu.memref_squeeze %dma_wait3A_101 : memref<1x128x128xf32, #tpu.memory_space<vmem>> -> memref<128x128xf32, #tpu.memory_space<vmem>>
      tpu.wait_dma2 semaphore(%run_scoped3A_79 : memref<!tpu.dma_semaphore, #tpu.memory_space<semaphore_mem>>) src(%dma_wait3A_102 : memref<128x128xf32, #tpu.memory_space<vmem>>) dst(%dma_wait3A_98 : memref<128x128xf32, #tpu.memory_space<vmem_shared>>)
      tpu.yield
    }) : () -> ()
    %add3A_11 = arith.constant 128 : i32
    %add3A_12 = arith.addi %mul3A_8, %add3A_11 : i32
    %run_scoped3A_13 = arith.constant 0 : i32
    "tpu.region"() ({
      %run_scoped3A_79 = tpu.sem_alloc : memref<!tpu.dma_semaphore, #tpu.memory_space<semaphore_mem>>
      %dma_start3A_80 = arith.constant 0 : i32
      %dma_start3A_81 = arith.constant 0 : i32
      %dma_start3A_82 = tpu.memref_slice %arg8[%run_scoped3A_13, %dma_start3A_80, %dma_start3A_81] : memref<2x128x128xf32, #tpu.memory_space<vmem>> -> memref<1x128x128xf32, #tpu.memory_space<vmem>>
      %dma_start3A_83 = tpu.memref_squeeze %dma_start3A_82 : memref<1x128x128xf32, #tpu.memory_space<vmem>> -> memref<128x128xf32, #tpu.memory_space<vmem>>
      %dma_start3A_84 = arith.constant 0 : i32
      %dma_start3A_85 = tpu.memref_slice %arg9[%add3A_12, %dma_start3A_84] : memref<10112x128xf32, #tpu.memory_space<vmem_shared>> -> memref<128x128xf32, #tpu.memory_space<vmem_shared>>
      %dma_start3A_86 = arith.constant 0 : i32
      %dma_start3A_87 = tpu.memref_slice %arg9[%add3A_12, %dma_start3A_86] : memref<10112x128xf32, #tpu.memory_space<vmem_shared>> -> memref<128x128xf32, #tpu.memory_space<vmem_shared>>
      %dma_start3A_88 = arith.constant 0 : i32
      %dma_start3A_89 = arith.constant 0 : i32
      %dma_start3A_90 = tpu.memref_slice %arg8[%run_scoped3A_13, %dma_start3A_88, %dma_start3A_89] : memref<2x128x128xf32, #tpu.memory_space<vmem>> -> memref<1x128x128xf32, #tpu.memory_space<vmem>>
      %dma_start3A_91 = tpu.memref_squeeze %dma_start3A_90 : memref<1x128x128xf32, #tpu.memory_space<vmem>> -> memref<128x128xf32, #tpu.memory_space<vmem>>
      tpu.enqueue_dma source(%dma_start3A_91 : memref<128x128xf32, #tpu.memory_space<vmem>>) target(%dma_start3A_87 : memref<128x128xf32, #tpu.memory_space<vmem_shared>>) target_semaphore(%run_scoped3A_79 : memref<!tpu.dma_semaphore, #tpu.memory_space<semaphore_mem>>)
      %dma_wait3A = arith.constant 0 : i32
      %dma_wait3A_92 = arith.constant 0 : i32
      %dma_wait3A_93 = tpu.memref_slice %arg8[%run_scoped3A_13, %dma_wait3A, %dma_wait3A_92] : memref<2x128x128xf32, #tpu.memory_space<vmem>> -> memref<1x128x128xf32, #tpu.memory_space<vmem>>
      %dma_wait3A_94 = tpu.memref_squeeze %dma_wait3A_93 : memref<1x128x128xf32, #tpu.memory_space<vmem>> -> memref<128x128xf32, #tpu.memory_space<vmem>>
      %dma_wait3A_95 = arith.constant 0 : i32
      %dma_wait3A_96 = tpu.memref_slice %arg9[%add3A_12, %dma_wait3A_95] : memref<10112x128xf32, #tpu.memory_space<vmem_shared>> -> memref<128x128xf32, #tpu.memory_space<vmem_shared>>
      %dma_wait3A_97 = arith.constant 0 : i32
      %dma_wait3A_98 = tpu.memref_slice %arg9[%add3A_12, %dma_wait3A_97] : memref<10112x128xf32, #tpu.memory_space<vmem_shared>> -> memref<128x128xf32, #tpu.memory_space<vmem_shared>>
      %dma_wait3A_99 = arith.constant 0 : i32
      %dma_wait3A_100 = arith.constant 0 : i32
      %dma_wait3A_101 = tpu.memref_slice %arg8[%run_scoped3A_13, %dma_wait3A_99, %dma_wait3A_100] : memref<2x128x128xf32, #tpu.memory_space<vmem>> -> memref<1x128x128xf32, #tpu.memory_space<vmem>>
      %dma_wait3A_102 = tpu.memref_squeeze %dma_wait3A_101 : memref<1x128x128xf32, #tpu.memory_space<vmem>> -> memref<128x128xf32, #tpu.memory_space<vmem>>
      tpu.wait_dma2 semaphore(%run_scoped3A_79 : memref<!tpu.dma_semaphore, #tpu.memory_space<semaphore_mem>>) src(%dma_wait3A_102 : memref<128x128xf32, #tpu.memory_space<vmem>>) dst(%dma_wait3A_98 : memref<128x128xf32, #tpu.memory_space<vmem_shared>>)
      tpu.yield
    }) : () -> ()
    %add3A_14 = arith.constant 256 : i32
    %add3A_15 = arith.addi %mul3A_8, %add3A_14 : i32
    %run_scoped3A_16 = arith.constant 0 : i32
    "tpu.region"() ({
      %run_scoped3A_79 = tpu.sem_alloc : memref<!tpu.dma_semaphore, #tpu.memory_space<semaphore_mem>>
      %dma_start3A_80 = arith.constant 0 : i32
      %dma_start3A_81 = arith.constant 0 : i32
      %dma_start3A_82 = tpu.memref_slice %arg8[%run_scoped3A_16, %dma_start3A_80, %dma_start3A_81] : memref<2x128x128xf32, #tpu.memory_space<vmem>> -> memref<1x128x128xf32, #tpu.memory_space<vmem>>
      %dma_start3A_83 = tpu.memref_squeeze %dma_start3A_82 : memref<1x128x128xf32, #tpu.memory_space<vmem>> -> memref<128x128xf32, #tpu.memory_space<vmem>>
      %dma_start3A_84 = arith.constant 0 : i32
      %dma_start3A_85 = tpu.memref_slice %arg9[%add3A_15, %dma_start3A_84] : memref<10112x128xf32, #tpu.memory_space<vmem_shared>> -> memref<128x128xf32, #tpu.memory_space<vmem_shared>>
      %dma_start3A_86 = arith.constant 0 : i32
      %dma_start3A_87 = tpu.memref_slice %arg9[%add3A_15, %dma_start3A_86] : memref<10112x128xf32, #tpu.memory_space<vmem_shared>> -> memref<128x128xf32, #tpu.memory_space<vmem_shared>>
      %dma_start3A_88 = arith.constant 0 : i32
      %dma_start3A_89 = arith.constant 0 : i32
      %dma_start3A_90 = tpu.memref_slice %arg8[%run_scoped3A_16, %dma_start3A_88, %dma_start3A_89] : memref<2x128x128xf32, #tpu.memory_space<vmem>> -> memref<1x128x128xf32, #tpu.memory_space<vmem>>
      %dma_start3A_91 = tpu.memref_squeeze %dma_start3A_90 : memref<1x128x128xf32, #tpu.memory_space<vmem>> -> memref<128x128xf32, #tpu.memory_space<vmem>>
      tpu.enqueue_dma source(%dma_start3A_91 : memref<128x128xf32, #tpu.memory_space<vmem>>) target(%dma_start3A_87 : memref<128x128xf32, #tpu.memory_space<vmem_shared>>) target_semaphore(%run_scoped3A_79 : memref<!tpu.dma_semaphore, #tpu.memory_space<semaphore_mem>>)
      %dma_wait3A = arith.constant 0 : i32
      %dma_wait3A_92 = arith.constant 0 : i32
      %dma_wait3A_93 = tpu.memref_slice %arg8[%run_scoped3A_16, %dma_wait3A, %dma_wait3A_92] : memref<2x128x128xf32, #tpu.memory_space<vmem>> -> memref<1x128x128xf32, #tpu.memory_space<vmem>>
      %dma_wait3A_94 = tpu.memref_squeeze %dma_wait3A_93 : memref<1x128x128xf32, #tpu.memory_space<vmem>> -> memref<128x128xf32, #tpu.memory_space<vmem>>
      %dma_wait3A_95 = arith.constant 0 : i32
      %dma_wait3A_96 = tpu.memref_slice %arg9[%add3A_15, %dma_wait3A_95] : memref<10112x128xf32, #tpu.memory_space<vmem_shared>> -> memref<128x128xf32, #tpu.memory_space<vmem_shared>>
      %dma_wait3A_97 = arith.constant 0 : i32
      %dma_wait3A_98 = tpu.memref_slice %arg9[%add3A_15, %dma_wait3A_97] : memref<10112x128xf32, #tpu.memory_space<vmem_shared>> -> memref<128x128xf32, #tpu.memory_space<vmem_shared>>
      %dma_wait3A_99 = arith.constant 0 : i32
      %dma_wait3A_100 = arith.constant 0 : i32
      %dma_wait3A_101 = tpu.memref_slice %arg8[%run_scoped3A_16, %dma_wait3A_99, %dma_wait3A_100] : memref<2x128x128xf32, #tpu.memory_space<vmem>> -> memref<1x128x128xf32, #tpu.memory_space<vmem>>
      %dma_wait3A_102 = tpu.memref_squeeze %dma_wait3A_101 : memref<1x128x128xf32, #tpu.memory_space<vmem>> -> memref<128x128xf32, #tpu.memory_space<vmem>>
      tpu.wait_dma2 semaphore(%run_scoped3A_79 : memref<!tpu.dma_semaphore, #tpu.memory_space<semaphore_mem>>) src(%dma_wait3A_102 : memref<128x128xf32, #tpu.memory_space<vmem>>) dst(%dma_wait3A_98 : memref<128x128xf32, #tpu.memory_space<vmem_shared>>)
      tpu.yield
    }) : () -> ()
    %add3A_17 = arith.constant 384 : i32
    %add3A_18 = arith.addi %mul3A_8, %add3A_17 : i32
    %run_scoped3A_19 = arith.constant 0 : i32
    "tpu.region"() ({
      %run_scoped3A_79 = tpu.sem_alloc : memref<!tpu.dma_semaphore, #tpu.memory_space<semaphore_mem>>
      %dma_start3A_80 = arith.constant 0 : i32
      %dma_start3A_81 = arith.constant 0 : i32
      %dma_start3A_82 = tpu.memref_slice %arg8[%run_scoped3A_19, %dma_start3A_80, %dma_start3A_81] : memref<2x128x128xf32, #tpu.memory_space<vmem>> -> memref<1x128x128xf32, #tpu.memory_space<vmem>>
      %dma_start3A_83 = tpu.memref_squeeze %dma_start3A_82 : memref<1x128x128xf32, #tpu.memory_space<vmem>> -> memref<128x128xf32, #tpu.memory_space<vmem>>
      %dma_start3A_84 = arith.constant 0 : i32
      %dma_start3A_85 = tpu.memref_slice %arg9[%add3A_18, %dma_start3A_84] : memref<10112x128xf32, #tpu.memory_space<vmem_shared>> -> memref<128x128xf32, #tpu.memory_space<vmem_shared>>
      %dma_start3A_86 = arith.constant 0 : i32
      %dma_start3A_87 = tpu.memref_slice %arg9[%add3A_18, %dma_start3A_86] : memref<10112x128xf32, #tpu.memory_space<vmem_shared>> -> memref<128x128xf32, #tpu.memory_space<vmem_shared>>
      %dma_start3A_88 = arith.constant 0 : i32
      %dma_start3A_89 = arith.constant 0 : i32
      %dma_start3A_90 = tpu.memref_slice %arg8[%run_scoped3A_19, %dma_start3A_88, %dma_start3A_89] : memref<2x128x128xf32, #tpu.memory_space<vmem>> -> memref<1x128x128xf32, #tpu.memory_space<vmem>>
      %dma_start3A_91 = tpu.memref_squeeze %dma_start3A_90 : memref<1x128x128xf32, #tpu.memory_space<vmem>> -> memref<128x128xf32, #tpu.memory_space<vmem>>
      tpu.enqueue_dma source(%dma_start3A_91 : memref<128x128xf32, #tpu.memory_space<vmem>>) target(%dma_start3A_87 : memref<128x128xf32, #tpu.memory_space<vmem_shared>>) target_semaphore(%run_scoped3A_79 : memref<!tpu.dma_semaphore, #tpu.memory_space<semaphore_mem>>)
      %dma_wait3A = arith.constant 0 : i32
      %dma_wait3A_92 = arith.constant 0 : i32
      %dma_wait3A_93 = tpu.memref_slice %arg8[%run_scoped3A_19, %dma_wait3A, %dma_wait3A_92] : memref<2x128x128xf32, #tpu.memory_space<vmem>> -> memref<1x128x128xf32, #tpu.memory_space<vmem>>
      %dma_wait3A_94 = tpu.memref_squeeze %dma_wait3A_93 : memref<1x128x128xf32, #tpu.memory_space<vmem>> -> memref<128x128xf32, #tpu.memory_space<vmem>>
      %dma_wait3A_95 = arith.constant 0 : i32
      %dma_wait3A_96 = tpu.memref_slice %arg9[%add3A_18, %dma_wait3A_95] : memref<10112x128xf32, #tpu.memory_space<vmem_shared>> -> memref<128x128xf32, #tpu.memory_space<vmem_shared>>
      %dma_wait3A_97 = arith.constant 0 : i32
      %dma_wait3A_98 = tpu.memref_slice %arg9[%add3A_18, %dma_wait3A_97] : memref<10112x128xf32, #tpu.memory_space<vmem_shared>> -> memref<128x128xf32, #tpu.memory_space<vmem_shared>>
      %dma_wait3A_99 = arith.constant 0 : i32
      %dma_wait3A_100 = arith.constant 0 : i32
      %dma_wait3A_101 = tpu.memref_slice %arg8[%run_scoped3A_19, %dma_wait3A_99, %dma_wait3A_100] : memref<2x128x128xf32, #tpu.memory_space<vmem>> -> memref<1x128x128xf32, #tpu.memory_space<vmem>>
      %dma_wait3A_102 = tpu.memref_squeeze %dma_wait3A_101 : memref<1x128x128xf32, #tpu.memory_space<vmem>> -> memref<128x128xf32, #tpu.memory_space<vmem>>
      tpu.wait_dma2 semaphore(%run_scoped3A_79 : memref<!tpu.dma_semaphore, #tpu.memory_space<semaphore_mem>>) src(%dma_wait3A_102 : memref<128x128xf32, #tpu.memory_space<vmem>>) dst(%dma_wait3A_98 : memref<128x128xf32, #tpu.memory_space<vmem_shared>>)
      tpu.yield
    }) : () -> ()
    %add3A_20 = arith.constant 512 : i32
    %add3A_21 = arith.addi %mul3A_8, %add3A_20 : i32
    %run_scoped3A_22 = arith.constant 0 : i32
    "tpu.region"() ({
      %run_scoped3A_79 = tpu.sem_alloc : memref<!tpu.dma_semaphore, #tpu.memory_space<semaphore_mem>>
      %dma_start3A_80 = arith.constant 0 : i32
      %dma_start3A_81 = arith.constant 0 : i32
      %dma_start3A_82 = tpu.memref_slice %arg8[%run_scoped3A_22, %dma_start3A_80, %dma_start3A_81] : memref<2x128x128xf32, #tpu.memory_space<vmem>> -> memref<1x120x128xf32, #tpu.memory_space<vmem>>
      %dma_start3A_83 = tpu.memref_squeeze %dma_start3A_82 : memref<1x120x128xf32, #tpu.memory_space<vmem>> -> memref<120x128xf32, #tpu.memory_space<vmem>>
      %dma_start3A_84 = arith.constant 0 : i32
      %dma_start3A_85 = tpu.memref_slice %arg9[%add3A_21, %dma_start3A_84] : memref<10112x128xf32, #tpu.memory_space<vmem_shared>> -> memref<120x128xf32, #tpu.memory_space<vmem_shared>>
      %dma_start3A_86 = arith.constant 0 : i32
      %dma_start3A_87 = tpu.memref_slice %arg9[%add3A_21, %dma_start3A_86] : memref<10112x128xf32, #tpu.memory_space<vmem_shared>> -> memref<120x128xf32, #tpu.memory_space<vmem_shared>>
      %dma_start3A_88 = arith.constant 0 : i32
      %dma_start3A_89 = arith.constant 0 : i32
      %dma_start3A_90 = tpu.memref_slice %arg8[%run_scoped3A_22, %dma_start3A_88, %dma_start3A_89] : memref<2x128x128xf32, #tpu.memory_space<vmem>> -> memref<1x120x128xf32, #tpu.memory_space<vmem>>
      %dma_start3A_91 = tpu.memref_squeeze %dma_start3A_90 : memref<1x120x128xf32, #tpu.memory_space<vmem>> -> memref<120x128xf32, #tpu.memory_space<vmem>>
      tpu.enqueue_dma source(%dma_start3A_91 : memref<120x128xf32, #tpu.memory_space<vmem>>) target(%dma_start3A_87 : memref<120x128xf32, #tpu.memory_space<vmem_shared>>) target_semaphore(%run_scoped3A_79 : memref<!tpu.dma_semaphore, #tpu.memory_space<semaphore_mem>>)
      %dma_wait3A = arith.constant 0 : i32
      %dma_wait3A_92 = arith.constant 0 : i32
      %dma_wait3A_93 = tpu.memref_slice %arg8[%run_scoped3A_22, %dma_wait3A, %dma_wait3A_92] : memref<2x128x128xf32, #tpu.memory_space<vmem>> -> memref<1x120x128xf32, #tpu.memory_space<vmem>>
      %dma_wait3A_94 = tpu.memref_squeeze %dma_wait3A_93 : memref<1x120x128xf32, #tpu.memory_space<vmem>> -> memref<120x128xf32, #tpu.memory_space<vmem>>
      %dma_wait3A_95 = arith.constant 0 : i32
      %dma_wait3A_96 = tpu.memref_slice %arg9[%add3A_21, %dma_wait3A_95] : memref<10112x128xf32, #tpu.memory_space<vmem_shared>> -> memref<120x128xf32, #tpu.memory_space<vmem_shared>>
      %dma_wait3A_97 = arith.constant 0 : i32
      %dma_wait3A_98 = tpu.memref_slice %arg9[%add3A_21, %dma_wait3A_97] : memref<10112x128xf32, #tpu.memory_space<vmem_shared>> -> memref<120x128xf32, #tpu.memory_space<vmem_shared>>
      %dma_wait3A_99 = arith.constant 0 : i32
      %dma_wait3A_100 = arith.constant 0 : i32
      %dma_wait3A_101 = tpu.memref_slice %arg8[%run_scoped3A_22, %dma_wait3A_99, %dma_wait3A_100] : memref<2x128x128xf32, #tpu.memory_space<vmem>> -> memref<1x120x128xf32, #tpu.memory_space<vmem>>
      %dma_wait3A_102 = tpu.memref_squeeze %dma_wait3A_101 : memref<1x120x128xf32, #tpu.memory_space<vmem>> -> memref<120x128xf32, #tpu.memory_space<vmem>>
      tpu.wait_dma2 semaphore(%run_scoped3A_79 : memref<!tpu.dma_semaphore, #tpu.memory_space<semaphore_mem>>) src(%dma_wait3A_102 : memref<120x128xf32, #tpu.memory_space<vmem>>) dst(%dma_wait3A_98 : memref<120x128xf32, #tpu.memory_space<vmem_shared>>)
      tpu.yield
    }) : () -> ()
    %barrier3A = arith.constant 0 : index
    tpu.barrier barrier_id(%barrier3A)
    "tpu.region"() ({
      %run_scoped3A_79 = tpu.sem_alloc : memref<!tpu.dma_semaphore, #tpu.memory_space<semaphore_mem>>
      %dma_start3A_80 = arith.constant 0 : i32
      %dma_start3A_81 = arith.constant 0 : i32
      %dma_start3A_82 = tpu.memref_slice %arg3[%add3A, %dma_start3A_80, %dma_start3A_81] : memref<32x80x128xi32, #tpu.memory_space<hbm>> -> memref<1x40x128xi32, #tpu.memory_space<hbm>>
      %dma_start3A_83 = tpu.memref_squeeze %dma_start3A_82 : memref<1x40x128xi32, #tpu.memory_space<hbm>> -> memref<40x128xi32, #tpu.memory_space<hbm>>
      %dma_start3A_84 = arith.constant 0 : i32
      %dma_start3A_85 = arith.constant 0 : i32
      %dma_start3A_86 = tpu.memref_slice %arg3[%add3A, %dma_start3A_84, %dma_start3A_85] : memref<32x80x128xi32, #tpu.memory_space<hbm>> -> memref<1x40x128xi32, #tpu.memory_space<hbm>>
      %dma_start3A_87 = tpu.memref_squeeze %dma_start3A_86 : memref<1x40x128xi32, #tpu.memory_space<hbm>> -> memref<40x128xi32, #tpu.memory_space<hbm>>
      tpu.enqueue_dma source(%dma_start3A_87 : memref<40x128xi32, #tpu.memory_space<hbm>>) target(%arg6 : memref<40x128xi32, #tpu.memory_space<vmem>>) target_semaphore(%run_scoped3A_79 : memref<!tpu.dma_semaphore, #tpu.memory_space<semaphore_mem>>)
      %dma_wait3A = arith.constant 0 : i32
      %dma_wait3A_88 = arith.constant 0 : i32
      %dma_wait3A_89 = tpu.memref_slice %arg3[%add3A, %dma_wait3A, %dma_wait3A_88] : memref<32x80x128xi32, #tpu.memory_space<hbm>> -> memref<1x40x128xi32, #tpu.memory_space<hbm>>
      %dma_wait3A_90 = tpu.memref_squeeze %dma_wait3A_89 : memref<1x40x128xi32, #tpu.memory_space<hbm>> -> memref<40x128xi32, #tpu.memory_space<hbm>>
      %dma_wait3A_91 = arith.constant 0 : i32
      %dma_wait3A_92 = arith.constant 0 : i32
      %dma_wait3A_93 = tpu.memref_slice %arg3[%add3A, %dma_wait3A_91, %dma_wait3A_92] : memref<32x80x128xi32, #tpu.memory_space<hbm>> -> memref<1x40x128xi32, #tpu.memory_space<hbm>>
      %dma_wait3A_94 = tpu.memref_squeeze %dma_wait3A_93 : memref<1x40x128xi32, #tpu.memory_space<hbm>> -> memref<40x128xi32, #tpu.memory_space<hbm>>
      tpu.wait_dma2 semaphore(%run_scoped3A_79 : memref<!tpu.dma_semaphore, #tpu.memory_space<semaphore_mem>>) src(%dma_wait3A_94 : memref<40x128xi32, #tpu.memory_space<hbm>>) dst(%arg6 : memref<40x128xi32, #tpu.memory_space<vmem>>)
      tpu.yield
    }) : () -> ()
    "tpu.region"() ({
      %run_scoped3A_79 = tpu.sem_alloc : memref<!tpu.dma_semaphore, #tpu.memory_space<semaphore_mem>>
      %dma_start3A_80 = arith.constant 0 : i32
      %dma_start3A_81 = arith.constant 0 : i32
      %dma_start3A_82 = tpu.memref_slice %arg4[%add3A, %dma_start3A_80, %dma_start3A_81] : memref<32x80x128xi32, #tpu.memory_space<hbm>> -> memref<1x40x128xi32, #tpu.memory_space<hbm>>
      %dma_start3A_83 = tpu.memref_squeeze %dma_start3A_82 : memref<1x40x128xi32, #tpu.memory_space<hbm>> -> memref<40x128xi32, #tpu.memory_space<hbm>>
      %dma_start3A_84 = arith.constant 0 : i32
      %dma_start3A_85 = arith.constant 0 : i32
      %dma_start3A_86 = tpu.memref_slice %arg4[%add3A, %dma_start3A_84, %dma_start3A_85] : memref<32x80x128xi32, #tpu.memory_space<hbm>> -> memref<1x40x128xi32, #tpu.memory_space<hbm>>
      %dma_start3A_87 = tpu.memref_squeeze %dma_start3A_86 : memref<1x40x128xi32, #tpu.memory_space<hbm>> -> memref<40x128xi32, #tpu.memory_space<hbm>>
      tpu.enqueue_dma source(%dma_start3A_87 : memref<40x128xi32, #tpu.memory_space<hbm>>) target(%arg7 : memref<40x128xi32, #tpu.memory_space<vmem>>) target_semaphore(%run_scoped3A_79 : memref<!tpu.dma_semaphore, #tpu.memory_space<semaphore_mem>>)
      %dma_wait3A = arith.constant 0 : i32
      %dma_wait3A_88 = arith.constant 0 : i32
      %dma_wait3A_89 = tpu.memref_slice %arg4[%add3A, %dma_wait3A, %dma_wait3A_88] : memref<32x80x128xi32, #tpu.memory_space<hbm>> -> memref<1x40x128xi32, #tpu.memory_space<hbm>>
      %dma_wait3A_90 = tpu.memref_squeeze %dma_wait3A_89 : memref<1x40x128xi32, #tpu.memory_space<hbm>> -> memref<40x128xi32, #tpu.memory_space<hbm>>
      %dma_wait3A_91 = arith.constant 0 : i32
      %dma_wait3A_92 = arith.constant 0 : i32
      %dma_wait3A_93 = tpu.memref_slice %arg4[%add3A, %dma_wait3A_91, %dma_wait3A_92] : memref<32x80x128xi32, #tpu.memory_space<hbm>> -> memref<1x40x128xi32, #tpu.memory_space<hbm>>
      %dma_wait3A_94 = tpu.memref_squeeze %dma_wait3A_93 : memref<1x40x128xi32, #tpu.memory_space<hbm>> -> memref<40x128xi32, #tpu.memory_space<hbm>>
      tpu.wait_dma2 semaphore(%run_scoped3A_79 : memref<!tpu.dma_semaphore, #tpu.memory_space<semaphore_mem>>) src(%dma_wait3A_94 : memref<40x128xi32, #tpu.memory_space<hbm>>) dst(%arg7 : memref<40x128xi32, #tpu.memory_space<vmem>>)
      tpu.yield
    }) : () -> ()
    %dma_start3A = arith.constant 0 : i32
    %dma_start3A_23 = arith.constant 0 : i32
    %dma_start3A_24 = arith.constant 0 : i32
    %dma_start3A_25 = arith.constant 0 : i32
    %dma_start3A_26 = tpu.memref_slice %arg8[%dma_start3A_23, %dma_start3A_24, %dma_start3A_25] : memref<2x128x128xf32, #tpu.memory_space<vmem>> -> memref<1x128x128xf32, #tpu.memory_space<vmem>>
    %dma_start3A_27 = tpu.memref_squeeze %dma_start3A_26 : memref<1x128x128xf32, #tpu.memory_space<vmem>> -> memref<128x128xf32, #tpu.memory_space<vmem>>
    %dma_start3A_28 = arith.constant 0 : i32
    %dma_start3A_29 = tpu.memref_slice %arg6[%dma_start3A, %dma_start3A_28] : memref<40x128xi32, #tpu.memory_space<vmem>> -> memref<1x128xi32, #tpu.memory_space<vmem>>
    %dma_start3A_30 = tpu.memref_squeeze %dma_start3A_29 : memref<1x128xi32, #tpu.memory_space<vmem>> -> memref<128xi32, #tpu.memory_space<vmem>>
    %dma_start3A_31 = arith.constant 0 : i32
    %dma_start3A_32 = arith.constant 0 : i32
    %dma_start3A_33 = tpu.memref_slice %arg2[%dma_start3A_31, %dma_start3A_32] : memref<10112x128xf32, #tpu.memory_space<hbm>> -> memref<10112x128xf32, #tpu.memory_space<hbm>>
    tpu.enqueue_indirect_dma source(%dma_start3A_33 : memref<10112x128xf32, #tpu.memory_space<hbm>>) target(%dma_start3A_27 : memref<128x128xf32, #tpu.memory_space<vmem>>) offsets(%dma_start3A_30 : memref<128xi32, #tpu.memory_space<vmem>>) semaphore(%arg10 : memref<!tpu.dma_semaphore, #tpu.memory_space<semaphore_mem>>)
    %scan3A_34 = arith.constant 0 : i32
    %scan3A_35 = arith.constant 0 : i32
    %scan3A_36 = arith.constant 20 : i32
    %scan3A_37 = arith.addi %scan3A_35, %scan3A_36 : i32
    %scan3A_38 = arith.constant 1 : i32
    scf.for %scan3A_79 = %scan3A_35 to %scan3A_37 step %scan3A_38  : i32 {
      %mul3A_80 = arith.constant 2 : i32
      %mul3A_81 = arith.muli %mul3A_80, %scan3A_79 : i32
      %dma_wait3A = arith.constant 0 : i32
      %dma_wait3A_82 = arith.constant 0 : i32
      %dma_wait3A_83 = arith.constant 0 : i32
      %dma_wait3A_84 = arith.constant 0 : i32
      %dma_wait3A_85 = tpu.memref_slice %arg8[%dma_wait3A_82, %dma_wait3A_83, %dma_wait3A_84] : memref<2x128x128xf32, #tpu.memory_space<vmem>> -> memref<1x128x128xf32, #tpu.memory_space<vmem>>
      %dma_wait3A_86 = tpu.memref_squeeze %dma_wait3A_85 : memref<1x128x128xf32, #tpu.memory_space<vmem>> -> memref<128x128xf32, #tpu.memory_space<vmem>>
      %dma_wait3A_87 = arith.constant 0 : i32
      %dma_wait3A_88 = tpu.memref_slice %arg6[%dma_wait3A, %dma_wait3A_87] : memref<40x128xi32, #tpu.memory_space<vmem>> -> memref<1x128xi32, #tpu.memory_space<vmem>>
      %dma_wait3A_89 = tpu.memref_squeeze %dma_wait3A_88 : memref<1x128xi32, #tpu.memory_space<vmem>> -> memref<128xi32, #tpu.memory_space<vmem>>
      %dma_wait3A_90 = arith.constant 0 : i32
      %dma_wait3A_91 = arith.constant 0 : i32
      %dma_wait3A_92 = tpu.memref_slice %arg2[%dma_wait3A_90, %dma_wait3A_91] : memref<10112x128xf32, #tpu.memory_space<hbm>> -> memref<10112x128xf32, #tpu.memory_space<hbm>>
      tpu.wait_indirect_dma semaphore(%arg10 : memref<!tpu.dma_semaphore, #tpu.memory_space<semaphore_mem>>) src(%dma_wait3A_92 : memref<10112x128xf32, #tpu.memory_space<hbm>>) dst(%dma_wait3A_86 : memref<128x128xf32, #tpu.memory_space<vmem>>)
      %add3A_93 = arith.constant 1 : i32
      %add3A_94 = arith.addi %mul3A_81, %add3A_93 : i32
      %dma_start3A_95 = arith.constant 1 : i32
      %dma_start3A_96 = arith.constant 0 : i32
      %dma_start3A_97 = arith.constant 0 : i32
      %dma_start3A_98 = tpu.memref_slice %arg8[%dma_start3A_95, %dma_start3A_96, %dma_start3A_97] : memref<2x128x128xf32, #tpu.memory_space<vmem>> -> memref<1x128x128xf32, #tpu.memory_space<vmem>>
      %dma_start3A_99 = tpu.memref_squeeze %dma_start3A_98 : memref<1x128x128xf32, #tpu.memory_space<vmem>> -> memref<128x128xf32, #tpu.memory_space<vmem>>
      %dma_start3A_100 = arith.constant 0 : i32
      %dma_start3A_101 = tpu.memref_slice %arg6[%add3A_94, %dma_start3A_100] : memref<40x128xi32, #tpu.memory_space<vmem>> -> memref<1x128xi32, #tpu.memory_space<vmem>>
      %dma_start3A_102 = tpu.memref_squeeze %dma_start3A_101 : memref<1x128xi32, #tpu.memory_space<vmem>> -> memref<128xi32, #tpu.memory_space<vmem>>
      %dma_start3A_103 = arith.constant 0 : i32
      %dma_start3A_104 = arith.constant 0 : i32
      %dma_start3A_105 = tpu.memref_slice %arg2[%dma_start3A_103, %dma_start3A_104] : memref<10112x128xf32, #tpu.memory_space<hbm>> -> memref<10112x128xf32, #tpu.memory_space<hbm>>
      tpu.enqueue_indirect_dma source(%dma_start3A_105 : memref<10112x128xf32, #tpu.memory_space<hbm>>) target(%dma_start3A_99 : memref<128x128xf32, #tpu.memory_space<vmem>>) offsets(%dma_start3A_102 : memref<128xi32, #tpu.memory_space<vmem>>) semaphore(%arg10 : memref<!tpu.dma_semaphore, #tpu.memory_space<semaphore_mem>>)
      %run_scoped3A_106 = arith.constant 0 : i32
      "tpu.region"() ({
        %run_scoped3A_124 = tpu.sem_alloc : memref<!tpu.dma_semaphore, #tpu.memory_space<semaphore_mem>>
        %dma_start3A_125 = arith.constant 0 : i32
        %dma_start3A_126 = arith.constant 0 : i32
        %dma_start3A_127 = tpu.memref_slice %arg8[%run_scoped3A_106, %dma_start3A_125, %dma_start3A_126] : memref<2x128x128xf32, #tpu.memory_space<vmem>> -> memref<1x128x128xf32, #tpu.memory_space<vmem>>
        %dma_start3A_128 = tpu.memref_squeeze %dma_start3A_127 : memref<1x128x128xf32, #tpu.memory_space<vmem>> -> memref<128x128xf32, #tpu.memory_space<vmem>>
        %dma_start3A_129 = arith.constant 0 : i32
        %dma_start3A_130 = tpu.memref_slice %arg7[%mul3A_81, %dma_start3A_129] : memref<40x128xi32, #tpu.memory_space<vmem>> -> memref<1x128xi32, #tpu.memory_space<vmem>>
        %dma_start3A_131 = tpu.memref_squeeze %dma_start3A_130 : memref<1x128xi32, #tpu.memory_space<vmem>> -> memref<128xi32, #tpu.memory_space<vmem>>
        %dma_start3A_132 = arith.constant 0 : i32
        %dma_start3A_133 = arith.constant 0 : i32
        %dma_start3A_134 = tpu.memref_slice %arg9[%dma_start3A_132, %dma_start3A_133] : memref<10112x128xf32, #tpu.memory_space<vmem_shared>> -> memref<10112x128xf32, #tpu.memory_space<vmem_shared>>
        tpu.enqueue_indirect_dma source(%dma_start3A_128 : memref<128x128xf32, #tpu.memory_space<vmem>>) target(%dma_start3A_134 : memref<10112x128xf32, #tpu.memory_space<vmem_shared>>) offsets(%dma_start3A_131 : memref<128xi32, #tpu.memory_space<vmem>>) semaphore(%run_scoped3A_124 : memref<!tpu.dma_semaphore, #tpu.memory_space<semaphore_mem>>) {add = true}
        %dma_wait3A_135 = arith.constant 0 : i32
        %dma_wait3A_136 = arith.constant 0 : i32
        %dma_wait3A_137 = tpu.memref_slice %arg8[%run_scoped3A_106, %dma_wait3A_135, %dma_wait3A_136] : memref<2x128x128xf32, #tpu.memory_space<vmem>> -> memref<1x128x128xf32, #tpu.memory_space<vmem>>
        %dma_wait3A_138 = tpu.memref_squeeze %dma_wait3A_137 : memref<1x128x128xf32, #tpu.memory_space<vmem>> -> memref<128x128xf32, #tpu.memory_space<vmem>>
        %dma_wait3A_139 = arith.constant 0 : i32
        %dma_wait3A_140 = tpu.memref_slice %arg7[%mul3A_81, %dma_wait3A_139] : memref<40x128xi32, #tpu.memory_space<vmem>> -> memref<1x128xi32, #tpu.memory_space<vmem>>
        %dma_wait3A_141 = tpu.memref_squeeze %dma_wait3A_140 : memref<1x128xi32, #tpu.memory_space<vmem>> -> memref<128xi32, #tpu.memory_space<vmem>>
        %dma_wait3A_142 = arith.constant 0 : i32
        %dma_wait3A_143 = arith.constant 0 : i32
        %dma_wait3A_144 = tpu.memref_slice %arg9[%dma_wait3A_142, %dma_wait3A_143] : memref<10112x128xf32, #tpu.memory_space<vmem_shared>> -> memref<10112x128xf32, #tpu.memory_space<vmem_shared>>
        tpu.wait_indirect_dma semaphore(%run_scoped3A_124 : memref<!tpu.dma_semaphore, #tpu.memory_space<semaphore_mem>>) src(%dma_wait3A_138 : memref<128x128xf32, #tpu.memory_space<vmem>>) dst(%dma_wait3A_144 : memref<10112x128xf32, #tpu.memory_space<vmem_shared>>)
        tpu.yield
      }) : () -> ()
      %dma_wait3A_107 = arith.constant 0 : i32
      %dma_wait3A_108 = arith.constant 1 : i32
      %dma_wait3A_109 = arith.constant 0 : i32
      %dma_wait3A_110 = arith.constant 0 : i32
      %dma_wait3A_111 = tpu.memref_slice %arg8[%dma_wait3A_108, %dma_wait3A_109, %dma_wait3A_110] : memref<2x128x128xf32, #tpu.memory_space<vmem>> -> memref<1x128x128xf32, #tpu.memory_space<vmem>>
      %dma_wait3A_112 = tpu.memref_squeeze %dma_wait3A_111 : memref<1x128x128xf32, #tpu.memory_space<vmem>> -> memref<128x128xf32, #tpu.memory_space<vmem>>
      %dma_wait3A_113 = arith.constant 0 : i32
      %dma_wait3A_114 = tpu.memref_slice %arg6[%dma_wait3A_107, %dma_wait3A_113] : memref<40x128xi32, #tpu.memory_space<vmem>> -> memref<1x128xi32, #tpu.memory_space<vmem>>
      %dma_wait3A_115 = tpu.memref_squeeze %dma_wait3A_114 : memref<1x128xi32, #tpu.memory_space<vmem>> -> memref<128xi32, #tpu.memory_space<vmem>>
      %dma_wait3A_116 = arith.constant 0 : i32
      %dma_wait3A_117 = arith.constant 0 : i32
      %dma_wait3A_118 = tpu.memref_slice %arg2[%dma_wait3A_116, %dma_wait3A_117] : memref<10112x128xf32, #tpu.memory_space<hbm>> -> memref<10112x128xf32, #tpu.memory_space<hbm>>
      tpu.wait_indirect_dma semaphore(%arg10 : memref<!tpu.dma_semaphore, #tpu.memory_space<semaphore_mem>>) src(%dma_wait3A_118 : memref<10112x128xf32, #tpu.memory_space<hbm>>) dst(%dma_wait3A_112 : memref<128x128xf32, #tpu.memory_space<vmem>>)
      %lt3A = arith.constant 19 : i32
      %lt3A_119 = arith.cmpi slt, %scan3A_79, %lt3A : i32
      %convert_element_type3A = arith.extui %lt3A_119 : i1 to i32
      %cond3A = arith.constant 0 : i32
      %cond3A_120 = arith.cmpi ne, %convert_element_type3A, %cond3A : i32
      scf.if %cond3A_120 {
        %add3A_124 = arith.constant 2 : i32
        %add3A_125 = arith.addi %mul3A_81, %add3A_124 : i32
        %dma_start3A_126 = arith.constant 0 : i32
        %dma_start3A_127 = arith.constant 0 : i32
        %dma_start3A_128 = arith.constant 0 : i32
        %dma_start3A_129 = tpu.memref_slice %arg8[%dma_start3A_126, %dma_start3A_127, %dma_start3A_128] : memref<2x128x128xf32, #tpu.memory_space<vmem>> -> memref<1x128x128xf32, #tpu.memory_space<vmem>>
        %dma_start3A_130 = tpu.memref_squeeze %dma_start3A_129 : memref<1x128x128xf32, #tpu.memory_space<vmem>> -> memref<128x128xf32, #tpu.memory_space<vmem>>
        %dma_start3A_131 = arith.constant 0 : i32
        %dma_start3A_132 = tpu.memref_slice %arg6[%add3A_125, %dma_start3A_131] : memref<40x128xi32, #tpu.memory_space<vmem>> -> memref<1x128xi32, #tpu.memory_space<vmem>>
        %dma_start3A_133 = tpu.memref_squeeze %dma_start3A_132 : memref<1x128xi32, #tpu.memory_space<vmem>> -> memref<128xi32, #tpu.memory_space<vmem>>
        %dma_start3A_134 = arith.constant 0 : i32
        %dma_start3A_135 = arith.constant 0 : i32
        %dma_start3A_136 = tpu.memref_slice %arg2[%dma_start3A_134, %dma_start3A_135] : memref<10112x128xf32, #tpu.memory_space<hbm>> -> memref<10112x128xf32, #tpu.memory_space<hbm>>
        tpu.enqueue_indirect_dma source(%dma_start3A_136 : memref<10112x128xf32, #tpu.memory_space<hbm>>) target(%dma_start3A_130 : memref<128x128xf32, #tpu.memory_space<vmem>>) offsets(%dma_start3A_133 : memref<128xi32, #tpu.memory_space<vmem>>) semaphore(%arg10 : memref<!tpu.dma_semaphore, #tpu.memory_space<semaphore_mem>>)
      } else {
      }
      %add3A_121 = arith.constant 1 : i32
      %add3A_122 = arith.addi %mul3A_81, %add3A_121 : i32
      %run_scoped3A_123 = arith.constant 1 : i32
      "tpu.region"() ({
        %run_scoped3A_124 = tpu.sem_alloc : memref<!tpu.dma_semaphore, #tpu.memory_space<semaphore_mem>>
        %dma_start3A_125 = arith.constant 0 : i32
        %dma_start3A_126 = arith.constant 0 : i32
        %dma_start3A_127 = tpu.memref_slice %arg8[%run_scoped3A_123, %dma_start3A_125, %dma_start3A_126] : memref<2x128x128xf32, #tpu.memory_space<vmem>> -> memref<1x128x128xf32, #tpu.memory_space<vmem>>
        %dma_start3A_128 = tpu.memref_squeeze %dma_start3A_127 : memref<1x128x128xf32, #tpu.memory_space<vmem>> -> memref<128x128xf32, #tpu.memory_space<vmem>>
        %dma_start3A_129 = arith.constant 0 : i32
        %dma_start3A_130 = tpu.memref_slice %arg7[%add3A_122, %dma_start3A_129] : memref<40x128xi32, #tpu.memory_space<vmem>> -> memref<1x128xi32, #tpu.memory_space<vmem>>
        %dma_start3A_131 = tpu.memref_squeeze %dma_start3A_130 : memref<1x128xi32, #tpu.memory_space<vmem>> -> memref<128xi32, #tpu.memory_space<vmem>>
        %dma_start3A_132 = arith.constant 0 : i32
        %dma_start3A_133 = arith.constant 0 : i32
        %dma_start3A_134 = tpu.memref_slice %arg9[%dma_start3A_132, %dma_start3A_133] : memref<10112x128xf32, #tpu.memory_space<vmem_shared>> -> memref<10112x128xf32, #tpu.memory_space<vmem_shared>>
        tpu.enqueue_indirect_dma source(%dma_start3A_128 : memref<128x128xf32, #tpu.memory_space<vmem>>) target(%dma_start3A_134 : memref<10112x128xf32, #tpu.memory_space<vmem_shared>>) offsets(%dma_start3A_131 : memref<128xi32, #tpu.memory_space<vmem>>) semaphore(%run_scoped3A_124 : memref<!tpu.dma_semaphore, #tpu.memory_space<semaphore_mem>>) {add = true}
        %dma_wait3A_135 = arith.constant 0 : i32
        %dma_wait3A_136 = arith.constant 0 : i32
        %dma_wait3A_137 = tpu.memref_slice %arg8[%run_scoped3A_123, %dma_wait3A_135, %dma_wait3A_136] : memref<2x128x128xf32, #tpu.memory_space<vmem>> -> memref<1x128x128xf32, #tpu.memory_space<vmem>>
        %dma_wait3A_138 = tpu.memref_squeeze %dma_wait3A_137 : memref<1x128x128xf32, #tpu.memory_space<vmem>> -> memref<128x128xf32, #tpu.memory_space<vmem>>
        %dma_wait3A_139 = arith.constant 0 : i32
        %dma_wait3A_140 = tpu.memref_slice %arg7[%add3A_122, %dma_wait3A_139] : memref<40x128xi32, #tpu.memory_space<vmem>> -> memref<1x128xi32, #tpu.memory_space<vmem>>
        %dma_wait3A_141 = tpu.memref_squeeze %dma_wait3A_140 : memref<1x128xi32, #tpu.memory_space<vmem>> -> memref<128xi32, #tpu.memory_space<vmem>>
        %dma_wait3A_142 = arith.constant 0 : i32
        %dma_wait3A_143 = arith.constant 0 : i32
        %dma_wait3A_144 = tpu.memref_slice %arg9[%dma_wait3A_142, %dma_wait3A_143] : memref<10112x128xf32, #tpu.memory_space<vmem_shared>> -> memref<10112x128xf32, #tpu.memory_space<vmem_shared>>
        tpu.wait_indirect_dma semaphore(%run_scoped3A_124 : memref<!tpu.dma_semaphore, #tpu.memory_space<semaphore_mem>>) src(%dma_wait3A_138 : memref<128x128xf32, #tpu.memory_space<vmem>>) dst(%dma_wait3A_144 : memref<10112x128xf32, #tpu.memory_space<vmem_shared>>)
        tpu.yield
      }) : () -> ()
    }
    %scan3A_39 = arith.constant 20 : i32
    "tpu.region"() ({
      %run_scoped3A_79 = tpu.sem_alloc : memref<!tpu.dma_semaphore, #tpu.memory_space<semaphore_mem>>
      %dma_start3A_80 = arith.constant 40 : i32
      %dma_start3A_81 = arith.constant 0 : i32
      %dma_start3A_82 = tpu.memref_slice %arg3[%add3A, %dma_start3A_80, %dma_start3A_81] : memref<32x80x128xi32, #tpu.memory_space<hbm>> -> memref<1x40x128xi32, #tpu.memory_space<hbm>>
      %dma_start3A_83 = tpu.memref_squeeze %dma_start3A_82 : memref<1x40x128xi32, #tpu.memory_space<hbm>> -> memref<40x128xi32, #tpu.memory_space<hbm>>
      %dma_start3A_84 = arith.constant 40 : i32
      %dma_start3A_85 = arith.constant 0 : i32
      %dma_start3A_86 = tpu.memref_slice %arg3[%add3A, %dma_start3A_84, %dma_start3A_85] : memref<32x80x128xi32, #tpu.memory_space<hbm>> -> memref<1x40x128xi32, #tpu.memory_space<hbm>>
      %dma_start3A_87 = tpu.memref_squeeze %dma_start3A_86 : memref<1x40x128xi32, #tpu.memory_space<hbm>> -> memref<40x128xi32, #tpu.memory_space<hbm>>
      tpu.enqueue_dma source(%dma_start3A_87 : memref<40x128xi32, #tpu.memory_space<hbm>>) target(%arg6 : memref<40x128xi32, #tpu.memory_space<vmem>>) target_semaphore(%run_scoped3A_79 : memref<!tpu.dma_semaphore, #tpu.memory_space<semaphore_mem>>)
      %dma_wait3A = arith.constant 40 : i32
      %dma_wait3A_88 = arith.constant 0 : i32
      %dma_wait3A_89 = tpu.memref_slice %arg3[%add3A, %dma_wait3A, %dma_wait3A_88] : memref<32x80x128xi32, #tpu.memory_space<hbm>> -> memref<1x40x128xi32, #tpu.memory_space<hbm>>
      %dma_wait3A_90 = tpu.memref_squeeze %dma_wait3A_89 : memref<1x40x128xi32, #tpu.memory_space<hbm>> -> memref<40x128xi32, #tpu.memory_space<hbm>>
      %dma_wait3A_91 = arith.constant 40 : i32
      %dma_wait3A_92 = arith.constant 0 : i32
      %dma_wait3A_93 = tpu.memref_slice %arg3[%add3A, %dma_wait3A_91, %dma_wait3A_92] : memref<32x80x128xi32, #tpu.memory_space<hbm>> -> memref<1x40x128xi32, #tpu.memory_space<hbm>>
      %dma_wait3A_94 = tpu.memref_squeeze %dma_wait3A_93 : memref<1x40x128xi32, #tpu.memory_space<hbm>> -> memref<40x128xi32, #tpu.memory_space<hbm>>
      tpu.wait_dma2 semaphore(%run_scoped3A_79 : memref<!tpu.dma_semaphore, #tpu.memory_space<semaphore_mem>>) src(%dma_wait3A_94 : memref<40x128xi32, #tpu.memory_space<hbm>>) dst(%arg6 : memref<40x128xi32, #tpu.memory_space<vmem>>)
      tpu.yield
    }) : () -> ()
    "tpu.region"() ({
      %run_scoped3A_79 = tpu.sem_alloc : memref<!tpu.dma_semaphore, #tpu.memory_space<semaphore_mem>>
      %dma_start3A_80 = arith.constant 40 : i32
      %dma_start3A_81 = arith.constant 0 : i32
      %dma_start3A_82 = tpu.memref_slice %arg4[%add3A, %dma_start3A_80, %dma_start3A_81] : memref<32x80x128xi32, #tpu.memory_space<hbm>> -> memref<1x40x128xi32, #tpu.memory_space<hbm>>
      %dma_start3A_83 = tpu.memref_squeeze %dma_start3A_82 : memref<1x40x128xi32, #tpu.memory_space<hbm>> -> memref<40x128xi32, #tpu.memory_space<hbm>>
      %dma_start3A_84 = arith.constant 40 : i32
      %dma_start3A_85 = arith.constant 0 : i32
      %dma_start3A_86 = tpu.memref_slice %arg4[%add3A, %dma_start3A_84, %dma_start3A_85] : memref<32x80x128xi32, #tpu.memory_space<hbm>> -> memref<1x40x128xi32, #tpu.memory_space<hbm>>
      %dma_start3A_87 = tpu.memref_squeeze %dma_start3A_86 : memref<1x40x128xi32, #tpu.memory_space<hbm>> -> memref<40x128xi32, #tpu.memory_space<hbm>>
      tpu.enqueue_dma source(%dma_start3A_87 : memref<40x128xi32, #tpu.memory_space<hbm>>) target(%arg7 : memref<40x128xi32, #tpu.memory_space<vmem>>) target_semaphore(%run_scoped3A_79 : memref<!tpu.dma_semaphore, #tpu.memory_space<semaphore_mem>>)
      %dma_wait3A = arith.constant 40 : i32
      %dma_wait3A_88 = arith.constant 0 : i32
      %dma_wait3A_89 = tpu.memref_slice %arg4[%add3A, %dma_wait3A, %dma_wait3A_88] : memref<32x80x128xi32, #tpu.memory_space<hbm>> -> memref<1x40x128xi32, #tpu.memory_space<hbm>>
      %dma_wait3A_90 = tpu.memref_squeeze %dma_wait3A_89 : memref<1x40x128xi32, #tpu.memory_space<hbm>> -> memref<40x128xi32, #tpu.memory_space<hbm>>
      %dma_wait3A_91 = arith.constant 40 : i32
      %dma_wait3A_92 = arith.constant 0 : i32
      %dma_wait3A_93 = tpu.memref_slice %arg4[%add3A, %dma_wait3A_91, %dma_wait3A_92] : memref<32x80x128xi32, #tpu.memory_space<hbm>> -> memref<1x40x128xi32, #tpu.memory_space<hbm>>
      %dma_wait3A_94 = tpu.memref_squeeze %dma_wait3A_93 : memref<1x40x128xi32, #tpu.memory_space<hbm>> -> memref<40x128xi32, #tpu.memory_space<hbm>>
      tpu.wait_dma2 semaphore(%run_scoped3A_79 : memref<!tpu.dma_semaphore, #tpu.memory_space<semaphore_mem>>) src(%dma_wait3A_94 : memref<40x128xi32, #tpu.memory_space<hbm>>) dst(%arg7 : memref<40x128xi32, #tpu.memory_space<vmem>>)
      tpu.yield
    }) : () -> ()
    %dma_start3A_40 = arith.constant 0 : i32
    %dma_start3A_41 = arith.constant 0 : i32
    %dma_start3A_42 = arith.constant 0 : i32
    %dma_start3A_43 = arith.constant 0 : i32
    %dma_start3A_44 = tpu.memref_slice %arg8[%dma_start3A_41, %dma_start3A_42, %dma_start3A_43] : memref<2x128x128xf32, #tpu.memory_space<vmem>> -> memref<1x128x128xf32, #tpu.memory_space<vmem>>
    %dma_start3A_45 = tpu.memref_squeeze %dma_start3A_44 : memref<1x128x128xf32, #tpu.memory_space<vmem>> -> memref<128x128xf32, #tpu.memory_space<vmem>>
    %dma_start3A_46 = arith.constant 0 : i32
    %dma_start3A_47 = tpu.memref_slice %arg6[%dma_start3A_40, %dma_start3A_46] : memref<40x128xi32, #tpu.memory_space<vmem>> -> memref<1x128xi32, #tpu.memory_space<vmem>>
    %dma_start3A_48 = tpu.memref_squeeze %dma_start3A_47 : memref<1x128xi32, #tpu.memory_space<vmem>> -> memref<128xi32, #tpu.memory_space<vmem>>
    %dma_start3A_49 = arith.constant 0 : i32
    %dma_start3A_50 = arith.constant 0 : i32
    %dma_start3A_51 = tpu.memref_slice %arg2[%dma_start3A_49, %dma_start3A_50] : memref<10112x128xf32, #tpu.memory_space<hbm>> -> memref<10112x128xf32, #tpu.memory_space<hbm>>
    tpu.enqueue_indirect_dma source(%dma_start3A_51 : memref<10112x128xf32, #tpu.memory_space<hbm>>) target(%dma_start3A_45 : memref<128x128xf32, #tpu.memory_space<vmem>>) offsets(%dma_start3A_48 : memref<128xi32, #tpu.memory_space<vmem>>) semaphore(%arg10 : memref<!tpu.dma_semaphore, #tpu.memory_space<semaphore_mem>>)
    %scan3A_52 = arith.constant 0 : i32
    %scan3A_53 = arith.constant 0 : i32
    %scan3A_54 = arith.constant 20 : i32
    %scan3A_55 = arith.addi %scan3A_53, %scan3A_54 : i32
    %scan3A_56 = arith.constant 1 : i32
    scf.for %scan3A_79 = %scan3A_53 to %scan3A_55 step %scan3A_56  : i32 {
      %mul3A_80 = arith.constant 2 : i32
      %mul3A_81 = arith.muli %mul3A_80, %scan3A_79 : i32
      %dma_wait3A = arith.constant 0 : i32
      %dma_wait3A_82 = arith.constant 0 : i32
      %dma_wait3A_83 = arith.constant 0 : i32
      %dma_wait3A_84 = arith.constant 0 : i32
      %dma_wait3A_85 = tpu.memref_slice %arg8[%dma_wait3A_82, %dma_wait3A_83, %dma_wait3A_84] : memref<2x128x128xf32, #tpu.memory_space<vmem>> -> memref<1x128x128xf32, #tpu.memory_space<vmem>>
      %dma_wait3A_86 = tpu.memref_squeeze %dma_wait3A_85 : memref<1x128x128xf32, #tpu.memory_space<vmem>> -> memref<128x128xf32, #tpu.memory_space<vmem>>
      %dma_wait3A_87 = arith.constant 0 : i32
      %dma_wait3A_88 = tpu.memref_slice %arg6[%dma_wait3A, %dma_wait3A_87] : memref<40x128xi32, #tpu.memory_space<vmem>> -> memref<1x128xi32, #tpu.memory_space<vmem>>
      %dma_wait3A_89 = tpu.memref_squeeze %dma_wait3A_88 : memref<1x128xi32, #tpu.memory_space<vmem>> -> memref<128xi32, #tpu.memory_space<vmem>>
      %dma_wait3A_90 = arith.constant 0 : i32
      %dma_wait3A_91 = arith.constant 0 : i32
      %dma_wait3A_92 = tpu.memref_slice %arg2[%dma_wait3A_90, %dma_wait3A_91] : memref<10112x128xf32, #tpu.memory_space<hbm>> -> memref<10112x128xf32, #tpu.memory_space<hbm>>
      tpu.wait_indirect_dma semaphore(%arg10 : memref<!tpu.dma_semaphore, #tpu.memory_space<semaphore_mem>>) src(%dma_wait3A_92 : memref<10112x128xf32, #tpu.memory_space<hbm>>) dst(%dma_wait3A_86 : memref<128x128xf32, #tpu.memory_space<vmem>>)
      %add3A_93 = arith.constant 1 : i32
      %add3A_94 = arith.addi %mul3A_81, %add3A_93 : i32
      %dma_start3A_95 = arith.constant 1 : i32
      %dma_start3A_96 = arith.constant 0 : i32
      %dma_start3A_97 = arith.constant 0 : i32
      %dma_start3A_98 = tpu.memref_slice %arg8[%dma_start3A_95, %dma_start3A_96, %dma_start3A_97] : memref<2x128x128xf32, #tpu.memory_space<vmem>> -> memref<1x128x128xf32, #tpu.memory_space<vmem>>
      %dma_start3A_99 = tpu.memref_squeeze %dma_start3A_98 : memref<1x128x128xf32, #tpu.memory_space<vmem>> -> memref<128x128xf32, #tpu.memory_space<vmem>>
      %dma_start3A_100 = arith.constant 0 : i32
      %dma_start3A_101 = tpu.memref_slice %arg6[%add3A_94, %dma_start3A_100] : memref<40x128xi32, #tpu.memory_space<vmem>> -> memref<1x128xi32, #tpu.memory_space<vmem>>
      %dma_start3A_102 = tpu.memref_squeeze %dma_start3A_101 : memref<1x128xi32, #tpu.memory_space<vmem>> -> memref<128xi32, #tpu.memory_space<vmem>>
      %dma_start3A_103 = arith.constant 0 : i32
      %dma_start3A_104 = arith.constant 0 : i32
      %dma_start3A_105 = tpu.memref_slice %arg2[%dma_start3A_103, %dma_start3A_104] : memref<10112x128xf32, #tpu.memory_space<hbm>> -> memref<10112x128xf32, #tpu.memory_space<hbm>>
      tpu.enqueue_indirect_dma source(%dma_start3A_105 : memref<10112x128xf32, #tpu.memory_space<hbm>>) target(%dma_start3A_99 : memref<128x128xf32, #tpu.memory_space<vmem>>) offsets(%dma_start3A_102 : memref<128xi32, #tpu.memory_space<vmem>>) semaphore(%arg10 : memref<!tpu.dma_semaphore, #tpu.memory_space<semaphore_mem>>)
      %run_scoped3A_106 = arith.constant 0 : i32
      "tpu.region"() ({
        %run_scoped3A_124 = tpu.sem_alloc : memref<!tpu.dma_semaphore, #tpu.memory_space<semaphore_mem>>
        %dma_start3A_125 = arith.constant 0 : i32
        %dma_start3A_126 = arith.constant 0 : i32
        %dma_start3A_127 = tpu.memref_slice %arg8[%run_scoped3A_106, %dma_start3A_125, %dma_start3A_126] : memref<2x128x128xf32, #tpu.memory_space<vmem>> -> memref<1x128x128xf32, #tpu.memory_space<vmem>>
        %dma_start3A_128 = tpu.memref_squeeze %dma_start3A_127 : memref<1x128x128xf32, #tpu.memory_space<vmem>> -> memref<128x128xf32, #tpu.memory_space<vmem>>
        %dma_start3A_129 = arith.constant 0 : i32
        %dma_start3A_130 = tpu.memref_slice %arg7[%mul3A_81, %dma_start3A_129] : memref<40x128xi32, #tpu.memory_space<vmem>> -> memref<1x128xi32, #tpu.memory_space<vmem>>
        %dma_start3A_131 = tpu.memref_squeeze %dma_start3A_130 : memref<1x128xi32, #tpu.memory_space<vmem>> -> memref<128xi32, #tpu.memory_space<vmem>>
        %dma_start3A_132 = arith.constant 0 : i32
        %dma_start3A_133 = arith.constant 0 : i32
        %dma_start3A_134 = tpu.memref_slice %arg9[%dma_start3A_132, %dma_start3A_133] : memref<10112x128xf32, #tpu.memory_space<vmem_shared>> -> memref<10112x128xf32, #tpu.memory_space<vmem_shared>>
        tpu.enqueue_indirect_dma source(%dma_start3A_128 : memref<128x128xf32, #tpu.memory_space<vmem>>) target(%dma_start3A_134 : memref<10112x128xf32, #tpu.memory_space<vmem_shared>>) offsets(%dma_start3A_131 : memref<128xi32, #tpu.memory_space<vmem>>) semaphore(%run_scoped3A_124 : memref<!tpu.dma_semaphore, #tpu.memory_space<semaphore_mem>>) {add = true}
        %dma_wait3A_135 = arith.constant 0 : i32
        %dma_wait3A_136 = arith.constant 0 : i32
        %dma_wait3A_137 = tpu.memref_slice %arg8[%run_scoped3A_106, %dma_wait3A_135, %dma_wait3A_136] : memref<2x128x128xf32, #tpu.memory_space<vmem>> -> memref<1x128x128xf32, #tpu.memory_space<vmem>>
        %dma_wait3A_138 = tpu.memref_squeeze %dma_wait3A_137 : memref<1x128x128xf32, #tpu.memory_space<vmem>> -> memref<128x128xf32, #tpu.memory_space<vmem>>
        %dma_wait3A_139 = arith.constant 0 : i32
        %dma_wait3A_140 = tpu.memref_slice %arg7[%mul3A_81, %dma_wait3A_139] : memref<40x128xi32, #tpu.memory_space<vmem>> -> memref<1x128xi32, #tpu.memory_space<vmem>>
        %dma_wait3A_141 = tpu.memref_squeeze %dma_wait3A_140 : memref<1x128xi32, #tpu.memory_space<vmem>> -> memref<128xi32, #tpu.memory_space<vmem>>
        %dma_wait3A_142 = arith.constant 0 : i32
        %dma_wait3A_143 = arith.constant 0 : i32
        %dma_wait3A_144 = tpu.memref_slice %arg9[%dma_wait3A_142, %dma_wait3A_143] : memref<10112x128xf32, #tpu.memory_space<vmem_shared>> -> memref<10112x128xf32, #tpu.memory_space<vmem_shared>>
        tpu.wait_indirect_dma semaphore(%run_scoped3A_124 : memref<!tpu.dma_semaphore, #tpu.memory_space<semaphore_mem>>) src(%dma_wait3A_138 : memref<128x128xf32, #tpu.memory_space<vmem>>) dst(%dma_wait3A_144 : memref<10112x128xf32, #tpu.memory_space<vmem_shared>>)
        tpu.yield
      }) : () -> ()
      %dma_wait3A_107 = arith.constant 0 : i32
      %dma_wait3A_108 = arith.constant 1 : i32
      %dma_wait3A_109 = arith.constant 0 : i32
      %dma_wait3A_110 = arith.constant 0 : i32
      %dma_wait3A_111 = tpu.memref_slice %arg8[%dma_wait3A_108, %dma_wait3A_109, %dma_wait3A_110] : memref<2x128x128xf32, #tpu.memory_space<vmem>> -> memref<1x128x128xf32, #tpu.memory_space<vmem>>
      %dma_wait3A_112 = tpu.memref_squeeze %dma_wait3A_111 : memref<1x128x128xf32, #tpu.memory_space<vmem>> -> memref<128x128xf32, #tpu.memory_space<vmem>>
      %dma_wait3A_113 = arith.constant 0 : i32
      %dma_wait3A_114 = tpu.memref_slice %arg6[%dma_wait3A_107, %dma_wait3A_113] : memref<40x128xi32, #tpu.memory_space<vmem>> -> memref<1x128xi32, #tpu.memory_space<vmem>>
      %dma_wait3A_115 = tpu.memref_squeeze %dma_wait3A_114 : memref<1x128xi32, #tpu.memory_space<vmem>> -> memref<128xi32, #tpu.memory_space<vmem>>
      %dma_wait3A_116 = arith.constant 0 : i32
      %dma_wait3A_117 = arith.constant 0 : i32
      %dma_wait3A_118 = tpu.memref_slice %arg2[%dma_wait3A_116, %dma_wait3A_117] : memref<10112x128xf32, #tpu.memory_space<hbm>> -> memref<10112x128xf32, #tpu.memory_space<hbm>>
      tpu.wait_indirect_dma semaphore(%arg10 : memref<!tpu.dma_semaphore, #tpu.memory_space<semaphore_mem>>) src(%dma_wait3A_118 : memref<10112x128xf32, #tpu.memory_space<hbm>>) dst(%dma_wait3A_112 : memref<128x128xf32, #tpu.memory_space<vmem>>)
      %lt3A = arith.constant 19 : i32
      %lt3A_119 = arith.cmpi slt, %scan3A_79, %lt3A : i32
      %convert_element_type3A = arith.extui %lt3A_119 : i1 to i32
      %cond3A = arith.constant 0 : i32
      %cond3A_120 = arith.cmpi ne, %convert_element_type3A, %cond3A : i32
      scf.if %cond3A_120 {
        %add3A_124 = arith.constant 2 : i32
        %add3A_125 = arith.addi %mul3A_81, %add3A_124 : i32
        %dma_start3A_126 = arith.constant 0 : i32
        %dma_start3A_127 = arith.constant 0 : i32
        %dma_start3A_128 = arith.constant 0 : i32
        %dma_start3A_129 = tpu.memref_slice %arg8[%dma_start3A_126, %dma_start3A_127, %dma_start3A_128] : memref<2x128x128xf32, #tpu.memory_space<vmem>> -> memref<1x128x128xf32, #tpu.memory_space<vmem>>
        %dma_start3A_130 = tpu.memref_squeeze %dma_start3A_129 : memref<1x128x128xf32, #tpu.memory_space<vmem>> -> memref<128x128xf32, #tpu.memory_space<vmem>>
        %dma_start3A_131 = arith.constant 0 : i32
        %dma_start3A_132 = tpu.memref_slice %arg6[%add3A_125, %dma_start3A_131] : memref<40x128xi32, #tpu.memory_space<vmem>> -> memref<1x128xi32, #tpu.memory_space<vmem>>
        %dma_start3A_133 = tpu.memref_squeeze %dma_start3A_132 : memref<1x128xi32, #tpu.memory_space<vmem>> -> memref<128xi32, #tpu.memory_space<vmem>>
        %dma_start3A_134 = arith.constant 0 : i32
        %dma_start3A_135 = arith.constant 0 : i32
        %dma_start3A_136 = tpu.memref_slice %arg2[%dma_start3A_134, %dma_start3A_135] : memref<10112x128xf32, #tpu.memory_space<hbm>> -> memref<10112x128xf32, #tpu.memory_space<hbm>>
        tpu.enqueue_indirect_dma source(%dma_start3A_136 : memref<10112x128xf32, #tpu.memory_space<hbm>>) target(%dma_start3A_130 : memref<128x128xf32, #tpu.memory_space<vmem>>) offsets(%dma_start3A_133 : memref<128xi32, #tpu.memory_space<vmem>>) semaphore(%arg10 : memref<!tpu.dma_semaphore, #tpu.memory_space<semaphore_mem>>)
      } else {
      }
      %add3A_121 = arith.constant 1 : i32
      %add3A_122 = arith.addi %mul3A_81, %add3A_121 : i32
      %run_scoped3A_123 = arith.constant 1 : i32
      "tpu.region"() ({
        %run_scoped3A_124 = tpu.sem_alloc : memref<!tpu.dma_semaphore, #tpu.memory_space<semaphore_mem>>
        %dma_start3A_125 = arith.constant 0 : i32
        %dma_start3A_126 = arith.constant 0 : i32
        %dma_start3A_127 = tpu.memref_slice %arg8[%run_scoped3A_123, %dma_start3A_125, %dma_start3A_126] : memref<2x128x128xf32, #tpu.memory_space<vmem>> -> memref<1x128x128xf32, #tpu.memory_space<vmem>>
        %dma_start3A_128 = tpu.memref_squeeze %dma_start3A_127 : memref<1x128x128xf32, #tpu.memory_space<vmem>> -> memref<128x128xf32, #tpu.memory_space<vmem>>
        %dma_start3A_129 = arith.constant 0 : i32
        %dma_start3A_130 = tpu.memref_slice %arg7[%add3A_122, %dma_start3A_129] : memref<40x128xi32, #tpu.memory_space<vmem>> -> memref<1x128xi32, #tpu.memory_space<vmem>>
        %dma_start3A_131 = tpu.memref_squeeze %dma_start3A_130 : memref<1x128xi32, #tpu.memory_space<vmem>> -> memref<128xi32, #tpu.memory_space<vmem>>
        %dma_start3A_132 = arith.constant 0 : i32
        %dma_start3A_133 = arith.constant 0 : i32
        %dma_start3A_134 = tpu.memref_slice %arg9[%dma_start3A_132, %dma_start3A_133] : memref<10112x128xf32, #tpu.memory_space<vmem_shared>> -> memref<10112x128xf32, #tpu.memory_space<vmem_shared>>
        tpu.enqueue_indirect_dma source(%dma_start3A_128 : memref<128x128xf32, #tpu.memory_space<vmem>>) target(%dma_start3A_134 : memref<10112x128xf32, #tpu.memory_space<vmem_shared>>) offsets(%dma_start3A_131 : memref<128xi32, #tpu.memory_space<vmem>>) semaphore(%run_scoped3A_124 : memref<!tpu.dma_semaphore, #tpu.memory_space<semaphore_mem>>) {add = true}
        %dma_wait3A_135 = arith.constant 0 : i32
        %dma_wait3A_136 = arith.constant 0 : i32
        %dma_wait3A_137 = tpu.memref_slice %arg8[%run_scoped3A_123, %dma_wait3A_135, %dma_wait3A_136] : memref<2x128x128xf32, #tpu.memory_space<vmem>> -> memref<1x128x128xf32, #tpu.memory_space<vmem>>
        %dma_wait3A_138 = tpu.memref_squeeze %dma_wait3A_137 : memref<1x128x128xf32, #tpu.memory_space<vmem>> -> memref<128x128xf32, #tpu.memory_space<vmem>>
        %dma_wait3A_139 = arith.constant 0 : i32
        %dma_wait3A_140 = tpu.memref_slice %arg7[%add3A_122, %dma_wait3A_139] : memref<40x128xi32, #tpu.memory_space<vmem>> -> memref<1x128xi32, #tpu.memory_space<vmem>>
        %dma_wait3A_141 = tpu.memref_squeeze %dma_wait3A_140 : memref<1x128xi32, #tpu.memory_space<vmem>> -> memref<128xi32, #tpu.memory_space<vmem>>
        %dma_wait3A_142 = arith.constant 0 : i32
        %dma_wait3A_143 = arith.constant 0 : i32
        %dma_wait3A_144 = tpu.memref_slice %arg9[%dma_wait3A_142, %dma_wait3A_143] : memref<10112x128xf32, #tpu.memory_space<vmem_shared>> -> memref<10112x128xf32, #tpu.memory_space<vmem_shared>>
        tpu.wait_indirect_dma semaphore(%run_scoped3A_124 : memref<!tpu.dma_semaphore, #tpu.memory_space<semaphore_mem>>) src(%dma_wait3A_138 : memref<128x128xf32, #tpu.memory_space<vmem>>) dst(%dma_wait3A_144 : memref<10112x128xf32, #tpu.memory_space<vmem_shared>>)
        tpu.yield
      }) : () -> ()
    }
    %scan3A_57 = arith.constant 20 : i32
    %barrier3A_58 = arith.constant 0 : index
    tpu.barrier barrier_id(%barrier3A_58)
    %add3A_59 = arith.constant 0 : i32
    %add3A_60 = arith.addi %mul3A_8, %add3A_59 : i32
    %add3A_61 = arith.constant 0 : i32
    %add3A_62 = arith.addi %mul3A_8, %add3A_61 : i32
    "tpu.region"() ({
      %run_scoped3A_79 = tpu.sem_alloc : memref<!tpu.dma_semaphore, #tpu.memory_space<semaphore_mem>>
      %dma_start3A_80 = arith.constant 0 : i32
      %dma_start3A_81 = tpu.memref_slice %arg5[%arg0, %add3A_62, %dma_start3A_80] : memref<2x10112x128xf32, #tpu.memory_space<hbm>> -> memref<1x128x128xf32, #tpu.memory_space<hbm>>
      %dma_start3A_82 = tpu.memref_squeeze %dma_start3A_81 : memref<1x128x128xf32, #tpu.memory_space<hbm>> -> memref<128x128xf32, #tpu.memory_space<hbm>>
      %dma_start3A_83 = arith.constant 0 : i32
      %dma_start3A_84 = tpu.memref_slice %arg9[%add3A_60, %dma_start3A_83] : memref<10112x128xf32, #tpu.memory_space<vmem_shared>> -> memref<128x128xf32, #tpu.memory_space<vmem_shared>>
      tpu.enqueue_dma source(%dma_start3A_84 : memref<128x128xf32, #tpu.memory_space<vmem_shared>>) target(%dma_start3A_82 : memref<128x128xf32, #tpu.memory_space<hbm>>) target_semaphore(%run_scoped3A_79 : memref<!tpu.dma_semaphore, #tpu.memory_space<semaphore_mem>>)
      %dma_wait3A = arith.constant 0 : i32
      %dma_wait3A_85 = tpu.memref_slice %arg5[%arg0, %add3A_62, %dma_wait3A] : memref<2x10112x128xf32, #tpu.memory_space<hbm>> -> memref<1x128x128xf32, #tpu.memory_space<hbm>>
      %dma_wait3A_86 = tpu.memref_squeeze %dma_wait3A_85 : memref<1x128x128xf32, #tpu.memory_space<hbm>> -> memref<128x128xf32, #tpu.memory_space<hbm>>
      %dma_wait3A_87 = arith.constant 0 : i32
      %dma_wait3A_88 = tpu.memref_slice %arg9[%add3A_60, %dma_wait3A_87] : memref<10112x128xf32, #tpu.memory_space<vmem_shared>> -> memref<128x128xf32, #tpu.memory_space<vmem_shared>>
      tpu.wait_dma2 semaphore(%run_scoped3A_79 : memref<!tpu.dma_semaphore, #tpu.memory_space<semaphore_mem>>) src(%dma_wait3A_88 : memref<128x128xf32, #tpu.memory_space<vmem_shared>>) dst(%dma_wait3A_86 : memref<128x128xf32, #tpu.memory_space<hbm>>)
      tpu.yield
    }) : () -> ()
    %add3A_63 = arith.constant 128 : i32
    %add3A_64 = arith.addi %mul3A_8, %add3A_63 : i32
    %add3A_65 = arith.constant 128 : i32
    %add3A_66 = arith.addi %mul3A_8, %add3A_65 : i32
    "tpu.region"() ({
      %run_scoped3A_79 = tpu.sem_alloc : memref<!tpu.dma_semaphore, #tpu.memory_space<semaphore_mem>>
      %dma_start3A_80 = arith.constant 0 : i32
      %dma_start3A_81 = tpu.memref_slice %arg5[%arg0, %add3A_66, %dma_start3A_80] : memref<2x10112x128xf32, #tpu.memory_space<hbm>> -> memref<1x128x128xf32, #tpu.memory_space<hbm>>
      %dma_start3A_82 = tpu.memref_squeeze %dma_start3A_81 : memref<1x128x128xf32, #tpu.memory_space<hbm>> -> memref<128x128xf32, #tpu.memory_space<hbm>>
      %dma_start3A_83 = arith.constant 0 : i32
      %dma_start3A_84 = tpu.memref_slice %arg9[%add3A_64, %dma_start3A_83] : memref<10112x128xf32, #tpu.memory_space<vmem_shared>> -> memref<128x128xf32, #tpu.memory_space<vmem_shared>>
      tpu.enqueue_dma source(%dma_start3A_84 : memref<128x128xf32, #tpu.memory_space<vmem_shared>>) target(%dma_start3A_82 : memref<128x128xf32, #tpu.memory_space<hbm>>) target_semaphore(%run_scoped3A_79 : memref<!tpu.dma_semaphore, #tpu.memory_space<semaphore_mem>>)
      %dma_wait3A = arith.constant 0 : i32
      %dma_wait3A_85 = tpu.memref_slice %arg5[%arg0, %add3A_66, %dma_wait3A] : memref<2x10112x128xf32, #tpu.memory_space<hbm>> -> memref<1x128x128xf32, #tpu.memory_space<hbm>>
      %dma_wait3A_86 = tpu.memref_squeeze %dma_wait3A_85 : memref<1x128x128xf32, #tpu.memory_space<hbm>> -> memref<128x128xf32, #tpu.memory_space<hbm>>
      %dma_wait3A_87 = arith.constant 0 : i32
      %dma_wait3A_88 = tpu.memref_slice %arg9[%add3A_64, %dma_wait3A_87] : memref<10112x128xf32, #tpu.memory_space<vmem_shared>> -> memref<128x128xf32, #tpu.memory_space<vmem_shared>>
      tpu.wait_dma2 semaphore(%run_scoped3A_79 : memref<!tpu.dma_semaphore, #tpu.memory_space<semaphore_mem>>) src(%dma_wait3A_88 : memref<128x128xf32, #tpu.memory_space<vmem_shared>>) dst(%dma_wait3A_86 : memref<128x128xf32, #tpu.memory_space<hbm>>)
      tpu.yield
    }) : () -> ()
    %add3A_67 = arith.constant 256 : i32
    %add3A_68 = arith.addi %mul3A_8, %add3A_67 : i32
    %add3A_69 = arith.constant 256 : i32
    %add3A_70 = arith.addi %mul3A_8, %add3A_69 : i32
    "tpu.region"() ({
      %run_scoped3A_79 = tpu.sem_alloc : memref<!tpu.dma_semaphore, #tpu.memory_space<semaphore_mem>>
      %dma_start3A_80 = arith.constant 0 : i32
      %dma_start3A_81 = tpu.memref_slice %arg5[%arg0, %add3A_70, %dma_start3A_80] : memref<2x10112x128xf32, #tpu.memory_space<hbm>> -> memref<1x128x128xf32, #tpu.memory_space<hbm>>
      %dma_start3A_82 = tpu.memref_squeeze %dma_start3A_81 : memref<1x128x128xf32, #tpu.memory_space<hbm>> -> memref<128x128xf32, #tpu.memory_space<hbm>>
      %dma_start3A_83 = arith.constant 0 : i32
      %dma_start3A_84 = tpu.memref_slice %arg9[%add3A_68, %dma_start3A_83] : memref<10112x128xf32, #tpu.memory_space<vmem_shared>> -> memref<128x128xf32, #tpu.memory_space<vmem_shared>>
      tpu.enqueue_dma source(%dma_start3A_84 : memref<128x128xf32, #tpu.memory_space<vmem_shared>>) target(%dma_start3A_82 : memref<128x128xf32, #tpu.memory_space<hbm>>) target_semaphore(%run_scoped3A_79 : memref<!tpu.dma_semaphore, #tpu.memory_space<semaphore_mem>>)
      %dma_wait3A = arith.constant 0 : i32
      %dma_wait3A_85 = tpu.memref_slice %arg5[%arg0, %add3A_70, %dma_wait3A] : memref<2x10112x128xf32, #tpu.memory_space<hbm>> -> memref<1x128x128xf32, #tpu.memory_space<hbm>>
      %dma_wait3A_86 = tpu.memref_squeeze %dma_wait3A_85 : memref<1x128x128xf32, #tpu.memory_space<hbm>> -> memref<128x128xf32, #tpu.memory_space<hbm>>
      %dma_wait3A_87 = arith.constant 0 : i32
      %dma_wait3A_88 = tpu.memref_slice %arg9[%add3A_68, %dma_wait3A_87] : memref<10112x128xf32, #tpu.memory_space<vmem_shared>> -> memref<128x128xf32, #tpu.memory_space<vmem_shared>>
      tpu.wait_dma2 semaphore(%run_scoped3A_79 : memref<!tpu.dma_semaphore, #tpu.memory_space<semaphore_mem>>) src(%dma_wait3A_88 : memref<128x128xf32, #tpu.memory_space<vmem_shared>>) dst(%dma_wait3A_86 : memref<128x128xf32, #tpu.memory_space<hbm>>)
      tpu.yield
    }) : () -> ()
    %add3A_71 = arith.constant 384 : i32
    %add3A_72 = arith.addi %mul3A_8, %add3A_71 : i32
    %add3A_73 = arith.constant 384 : i32
    %add3A_74 = arith.addi %mul3A_8, %add3A_73 : i32
    "tpu.region"() ({
      %run_scoped3A_79 = tpu.sem_alloc : memref<!tpu.dma_semaphore, #tpu.memory_space<semaphore_mem>>
      %dma_start3A_80 = arith.constant 0 : i32
      %dma_start3A_81 = tpu.memref_slice %arg5[%arg0, %add3A_74, %dma_start3A_80] : memref<2x10112x128xf32, #tpu.memory_space<hbm>> -> memref<1x128x128xf32, #tpu.memory_space<hbm>>
      %dma_start3A_82 = tpu.memref_squeeze %dma_start3A_81 : memref<1x128x128xf32, #tpu.memory_space<hbm>> -> memref<128x128xf32, #tpu.memory_space<hbm>>
      %dma_start3A_83 = arith.constant 0 : i32
      %dma_start3A_84 = tpu.memref_slice %arg9[%add3A_72, %dma_start3A_83] : memref<10112x128xf32, #tpu.memory_space<vmem_shared>> -> memref<128x128xf32, #tpu.memory_space<vmem_shared>>
      tpu.enqueue_dma source(%dma_start3A_84 : memref<128x128xf32, #tpu.memory_space<vmem_shared>>) target(%dma_start3A_82 : memref<128x128xf32, #tpu.memory_space<hbm>>) target_semaphore(%run_scoped3A_79 : memref<!tpu.dma_semaphore, #tpu.memory_space<semaphore_mem>>)
      %dma_wait3A = arith.constant 0 : i32
      %dma_wait3A_85 = tpu.memref_slice %arg5[%arg0, %add3A_74, %dma_wait3A] : memref<2x10112x128xf32, #tpu.memory_space<hbm>> -> memref<1x128x128xf32, #tpu.memory_space<hbm>>
      %dma_wait3A_86 = tpu.memref_squeeze %dma_wait3A_85 : memref<1x128x128xf32, #tpu.memory_space<hbm>> -> memref<128x128xf32, #tpu.memory_space<hbm>>
      %dma_wait3A_87 = arith.constant 0 : i32
      %dma_wait3A_88 = tpu.memref_slice %arg9[%add3A_72, %dma_wait3A_87] : memref<10112x128xf32, #tpu.memory_space<vmem_shared>> -> memref<128x128xf32, #tpu.memory_space<vmem_shared>>
      tpu.wait_dma2 semaphore(%run_scoped3A_79 : memref<!tpu.dma_semaphore, #tpu.memory_space<semaphore_mem>>) src(%dma_wait3A_88 : memref<128x128xf32, #tpu.memory_space<vmem_shared>>) dst(%dma_wait3A_86 : memref<128x128xf32, #tpu.memory_space<hbm>>)
      tpu.yield
    }) : () -> ()
    %add3A_75 = arith.constant 512 : i32
    %add3A_76 = arith.addi %mul3A_8, %add3A_75 : i32
    %add3A_77 = arith.constant 512 : i32
    %add3A_78 = arith.addi %mul3A_8, %add3A_77 : i32
    "tpu.region"() ({
      %run_scoped3A_79 = tpu.sem_alloc : memref<!tpu.dma_semaphore, #tpu.memory_space<semaphore_mem>>
      %dma_start3A_80 = arith.constant 0 : i32
      %dma_start3A_81 = tpu.memref_slice %arg5[%arg0, %add3A_78, %dma_start3A_80] : memref<2x10112x128xf32, #tpu.memory_space<hbm>> -> memref<1x120x128xf32, #tpu.memory_space<hbm>>
      %dma_start3A_82 = tpu.memref_squeeze %dma_start3A_81 : memref<1x120x128xf32, #tpu.memory_space<hbm>> -> memref<120x128xf32, #tpu.memory_space<hbm>>
      %dma_start3A_83 = arith.constant 0 : i32
      %dma_start3A_84 = tpu.memref_slice %arg9[%add3A_76, %dma_start3A_83] : memref<10112x128xf32, #tpu.memory_space<vmem_shared>> -> memref<120x128xf32, #tpu.memory_space<vmem_shared>>
      tpu.enqueue_dma source(%dma_start3A_84 : memref<120x128xf32, #tpu.memory_space<vmem_shared>>) target(%dma_start3A_82 : memref<120x128xf32, #tpu.memory_space<hbm>>) target_semaphore(%run_scoped3A_79 : memref<!tpu.dma_semaphore, #tpu.memory_space<semaphore_mem>>)
      %dma_wait3A = arith.constant 0 : i32
      %dma_wait3A_85 = tpu.memref_slice %arg5[%arg0, %add3A_78, %dma_wait3A] : memref<2x10112x128xf32, #tpu.memory_space<hbm>> -> memref<1x120x128xf32, #tpu.memory_space<hbm>>
      %dma_wait3A_86 = tpu.memref_squeeze %dma_wait3A_85 : memref<1x120x128xf32, #tpu.memory_space<hbm>> -> memref<120x128xf32, #tpu.memory_space<hbm>>
      %dma_wait3A_87 = arith.constant 0 : i32
      %dma_wait3A_88 = tpu.memref_slice %arg9[%add3A_76, %dma_wait3A_87] : memref<10112x128xf32, #tpu.memory_space<vmem_shared>> -> memref<120x128xf32, #tpu.memory_space<vmem_shared>>
      tpu.wait_dma2 semaphore(%run_scoped3A_79 : memref<!tpu.dma_semaphore, #tpu.memory_space<semaphore_mem>>) src(%dma_wait3A_88 : memref<120x128xf32, #tpu.memory_space<vmem_shared>>) dst(%dma_wait3A_86 : memref<120x128xf32, #tpu.memory_space<hbm>>)
      tpu.yield
    }) : () -> ()
    return
  }
}

#map = affine_map<(d0, d1) -> (0, 0)>
#map1 = affine_map<(d0, d1) -> (0, 0, 0)>
module attributes {stable_mosaic.version = 14 : i64} {
  func.func @_sc_spmm(%arg0: i32, %arg1: i32, %arg2: memref<10112x128xf32, #tpu.memory_space<hbm>>, %arg3: memref<32x80x128xi32, #tpu.memory_space<hbm>>, %arg4: memref<32x80x128xi32, #tpu.memory_space<hbm>>, %arg5: memref<2x10112x128xf32, #tpu.memory_space<hbm>>, %arg6: memref<40x128xi32, #tpu.memory_space<vmem>>, %arg7: memref<40x128xi32, #tpu.memory_space<vmem>>, %arg8: memref<2x128x128xf32, #tpu.memory_space<vmem>>, %arg9: memref<10112x128xf32, #tpu.memory_space<vmem_shared>>, %arg10: memref<!tpu.dma_semaphore, #tpu.memory_space<semaphore_mem>>) attributes {dimension_semantics = [#tpu.dimension_semantics<core_parallel>, #tpu.dimension_semantics<subcore_parallel>], iteration_bounds = array<i64: 2, 16>, scalar_prefetch = 0 : i64, scratch_operands = 5 : i64, tpu.core_type = #tpu.core_type<sc_vector_subcore>, window_params = [{transform_indices = #map}, {transform_indices = #map1}, {transform_indices = #map1}, {transform_indices = #map1}]} {
    %mul3A = arith.constant 16 : i32
    %mul3A_0 = arith.muli %arg0, %mul3A : i32
    %add3A = arith.addi %mul3A_0, %arg1 : i32
    %broadcast_in_dim3A = arith.constant 0.000000e+00 : f32
    %broadcast_in_dim3A_1 = vector.broadcast %broadcast_in_dim3A : f32 to vector<16xf32>
    %scan3A = arith.constant 0 : i32
    %scan3A_2 = arith.constant 0 : i32
    %scan3A_3 = arith.constant 1024 : i32
    %scan3A_4 = arith.addi %scan3A_2, %scan3A_3 : i32
    %scan3A_5 = arith.constant 1 : i32
    scf.for %scan3A_79 = %scan3A_2 to %scan3A_4 step %scan3A_5  : i32 {
      %jit3A = arith.constant 8 : i32
      %div3A = arith.divsi %scan3A_79, %jit3A : i32
      %sign3A = arith.constant 0 : i32
      %sign3A_80 = arith.cmpi sgt, %scan3A_79, %sign3A : i32
      %sign3A_81 = arith.extui %sign3A_80 : i1 to i32
      %sign3A_82 = arith.constant 0 : i32
      %sign3A_83 = arith.cmpi slt, %scan3A_79, %sign3A_82 : i32
      %sign3A_84 = arith.extui %sign3A_83 : i1 to i32
      %sign3A_85 = arith.subi %sign3A_81, %sign3A_84 : i32
      %sign3A_86 = arith.constant 0 : i32
      %sign3A_87 = arith.cmpi sgt, %jit3A, %sign3A_86 : i32
      %sign3A_88 = arith.extui %sign3A_87 : i1 to i32
      %sign3A_89 = arith.constant 0 : i32
      %sign3A_90 = arith.cmpi slt, %jit3A, %sign3A_89 : i32
      %sign3A_91 = arith.extui %sign3A_90 : i1 to i32
      %sign3A_92 = arith.subi %sign3A_88, %sign3A_91 : i32
      %ne3A = arith.cmpi ne, %sign3A_85, %sign3A_92 : i32
      %rem3A = arith.remsi %scan3A_79, %jit3A : i32
      %ne3A_93 = arith.constant 0 : i32
      %ne3A_94 = arith.cmpi ne, %rem3A, %ne3A_93 : i32
      %and3A = arith.andi %ne3A, %ne3A_94 : i1
      %sub3A = arith.constant 1 : i32
      %sub3A_95 = arith.subi %div3A, %sub3A : i32
      %select_n3A = arith.select %and3A, %sub3A_95, %div3A : i32
      %jit3A_96 = arith.constant 8 : i32
      %eq3A = arith.constant 0 : i32
      %eq3A_97 = arith.cmpi eq, %jit3A_96, %eq3A : i32
      %jit3A_98 = arith.constant 1 : i32
      %select_n3A_99 = arith.select %eq3A_97, %jit3A_98, %jit3A_96 : i32
      %rem3A_100 = arith.remsi %scan3A_79, %select_n3A_99 : i32
      %ne3A_101 = arith.constant 0 : i32
      %ne3A_102 = arith.cmpi ne, %rem3A_100, %ne3A_101 : i32
      %lt3A = arith.constant 0 : i32
      %lt3A_103 = arith.cmpi slt, %rem3A_100, %lt3A : i32
      %lt3A_104 = arith.constant 0 : i32
      %lt3A_105 = arith.cmpi slt, %select_n3A_99, %lt3A_104 : i32
      %ne3A_106 = arith.xori %lt3A_103, %lt3A_105 : i1
      %and3A_107 = arith.andi %ne3A_106, %ne3A_102 : i1
      %add3A_108 = arith.addi %rem3A_100, %select_n3A_99 : i32
      %select_n3A_109 = arith.select %and3A_107, %add3A_108, %rem3A_100 : i32
      %mul3A_110 = arith.constant 16 : i32
      %mul3A_111 = arith.muli %select_n3A_109, %mul3A_110 : i32
      %swap3A = arith.constant 0 : i32
      %swap3A_112 = arith.index_cast %swap3A : i32 to index
      %swap3A_113 = arith.index_cast %select_n3A : i32 to index
      %swap3A_114 = arith.index_cast %mul3A_111 : i32 to index
      %swap3A_115 = tpu.vector_load %arg8[%swap3A_112, %swap3A_113, %swap3A_114] {strides = array<i32>} : memref<2x128x128xf32, #tpu.memory_space<vmem>>, vector<1x1x16xf32>,
      %swap3A_116 = vector.shape_cast %swap3A_115 : vector<1x1x16xf32> to vector<16xf32>
      %swap3A_117 = vector.shape_cast %broadcast_in_dim3A_1 : vector<16xf32> to vector<1x1x16xf32>
      tpu.vector_store %arg8[%swap3A_112, %swap3A_113, %swap3A_114], %swap3A_117 {strides = array<i32>} : memref<2x128x128xf32, #tpu.memory_space<vmem>>, vector<1x1x16xf32>,
    }
    %scan3A_6 = arith.constant 1024 : i32
    %mul3A_7 = arith.constant 632 : i32
    %mul3A_8 = arith.muli %arg1, %mul3A_7 : i32
    %add3A_9 = arith.constant 0 : i32
    %add3A_10 = arith.addi %mul3A_8, %add3A_9 : i32
    %run_scoped3A = arith.constant 0 : i32
    "tpu.region"() ({
      %run_scoped3A_79 = tpu.sem_alloc : memref<!tpu.dma_semaphore, #tpu.memory_space<semaphore_mem>>
      %dma_start3A_80 = arith.constant 0 : i32
      %dma_start3A_81 = arith.constant 0 : i32
      %dma_start3A_82 = tpu.memref_slice %arg8[%run_scoped3A, %dma_start3A_80, %dma_start3A_81] : memref<2x128x128xf32, #tpu.memory_space<vmem>> -> memref<1x128x128xf32, #tpu.memory_space<vmem>>
      %dma_start3A_83 = tpu.memref_squeeze %dma_start3A_82 : memref<1x128x128xf32, #tpu.memory_space<vmem>> -> memref<128x128xf32, #tpu.memory_space<vmem>>
      %dma_start3A_84 = arith.constant 0 : i32
      %dma_start3A_85 = tpu.memref_slice %arg9[%add3A_10, %dma_start3A_84] : memref<10112x128xf32, #tpu.memory_space<vmem_shared>> -> memref<128x128xf32, #tpu.memory_space<vmem_shared>>
      %dma_start3A_86 = arith.constant 0 : i32
      %dma_start3A_87 = tpu.memref_slice %arg9[%add3A_10, %dma_start3A_86] : memref<10112x128xf32, #tpu.memory_space<vmem_shared>> -> memref<128x128xf32, #tpu.memory_space<vmem_shared>>
      %dma_start3A_88 = arith.constant 0 : i32
      %dma_start3A_89 = arith.constant 0 : i32
      %dma_start3A_90 = tpu.memref_slice %arg8[%run_scoped3A, %dma_start3A_88, %dma_start3A_89] : memref<2x128x128xf32, #tpu.memory_space<vmem>> -> memref<1x128x128xf32, #tpu.memory_space<vmem>>
      %dma_start3A_91 = tpu.memref_squeeze %dma_start3A_90 : memref<1x128x128xf32, #tpu.memory_space<vmem>> -> memref<128x128xf32, #tpu.memory_space<vmem>>
      tpu.enqueue_dma source(%dma_start3A_91 : memref<128x128xf32, #tpu.memory_space<vmem>>) target(%dma_start3A_87 : memref<128x128xf32, #tpu.memory_space<vmem_shared>>) target_semaphore(%run_scoped3A_79 : memref<!tpu.dma_semaphore, #tpu.memory_space<semaphore_mem>>)
      %dma_wait3A = arith.constant 0 : i32
      %dma_wait3A_92 = arith.constant 0 : i32
      %dma_wait3A_93 = tpu.memref_slice %arg8[%run_scoped3A, %dma_wait3A, %dma_wait3A_92] : memref<2x128x128xf32, #tpu.memory_space<vmem>> -> memref<1x128x128xf32, #tpu.memory_space<vmem>>
      %dma_wait3A_94 = tpu.memref_squeeze %dma_wait3A_93 : memref<1x128x128xf32, #tpu.memory_space<vmem>> -> memref<128x128xf32, #tpu.memory_space<vmem>>
      %dma_wait3A_95 = arith.constant 0 : i32
      %dma_wait3A_96 = tpu.memref_slice %arg9[%add3A_10, %dma_wait3A_95] : memref<10112x128xf32, #tpu.memory_space<vmem_shared>> -> memref<128x128xf32, #tpu.memory_space<vmem_shared>>
      %dma_wait3A_97 = arith.constant 0 : i32
      %dma_wait3A_98 = tpu.memref_slice %arg9[%add3A_10, %dma_wait3A_97] : memref<10112x128xf32, #tpu.memory_space<vmem_shared>> -> memref<128x128xf32, #tpu.memory_space<vmem_shared>>
      %dma_wait3A_99 = arith.constant 0 : i32
      %dma_wait3A_100 = arith.constant 0 : i32
      %dma_wait3A_101 = tpu.memref_slice %arg8[%run_scoped3A, %dma_wait3A_99, %dma_wait3A_100] : memref<2x128x128xf32, #tpu.memory_space<vmem>> -> memref<1x128x128xf32, #tpu.memory_space<vmem>>
      %dma_wait3A_102 = tpu.memref_squeeze %dma_wait3A_101 : memref<1x128x128xf32, #tpu.memory_space<vmem>> -> memref<128x128xf32, #tpu.memory_space<vmem>>
      tpu.wait_dma2 semaphore(%run_scoped3A_79 : memref<!tpu.dma_semaphore, #tpu.memory_space<semaphore_mem>>) src(%dma_wait3A_102 : memref<128x128xf32, #tpu.memory_space<vmem>>) dst(%dma_wait3A_98 : memref<128x128xf32, #tpu.memory_space<vmem_shared>>)
      tpu.yield
    }) : () -> ()
    %add3A_11 = arith.constant 128 : i32
    %add3A_12 = arith.addi %mul3A_8, %add3A_11 : i32
    %run_scoped3A_13 = arith.constant 0 : i32
    "tpu.region"() ({
      %run_scoped3A_79 = tpu.sem_alloc : memref<!tpu.dma_semaphore, #tpu.memory_space<semaphore_mem>>
      %dma_start3A_80 = arith.constant 0 : i32
      %dma_start3A_81 = arith.constant 0 : i32
      %dma_start3A_82 = tpu.memref_slice %arg8[%run_scoped3A_13, %dma_start3A_80, %dma_start3A_81] : memref<2x128x128xf32, #tpu.memory_space<vmem>> -> memref<1x128x128xf32, #tpu.memory_space<vmem>>
      %dma_start3A_83 = tpu.memref_squeeze %dma_start3A_82 : memref<1x128x128xf32, #tpu.memory_space<vmem>> -> memref<128x128xf32, #tpu.memory_space<vmem>>
      %dma_start3A_84 = arith.constant 0 : i32
      %dma_start3A_85 = tpu.memref_slice %arg9[%add3A_12, %dma_start3A_84] : memref<10112x128xf32, #tpu.memory_space<vmem_shared>> -> memref<128x128xf32, #tpu.memory_space<vmem_shared>>
      %dma_start3A_86 = arith.constant 0 : i32
      %dma_start3A_87 = tpu.memref_slice %arg9[%add3A_12, %dma_start3A_86] : memref<10112x128xf32, #tpu.memory_space<vmem_shared>> -> memref<128x128xf32, #tpu.memory_space<vmem_shared>>
      %dma_start3A_88 = arith.constant 0 : i32
      %dma_start3A_89 = arith.constant 0 : i32
      %dma_start3A_90 = tpu.memref_slice %arg8[%run_scoped3A_13, %dma_start3A_88, %dma_start3A_89] : memref<2x128x128xf32, #tpu.memory_space<vmem>> -> memref<1x128x128xf32, #tpu.memory_space<vmem>>
      %dma_start3A_91 = tpu.memref_squeeze %dma_start3A_90 : memref<1x128x128xf32, #tpu.memory_space<vmem>> -> memref<128x128xf32, #tpu.memory_space<vmem>>
      tpu.enqueue_dma source(%dma_start3A_91 : memref<128x128xf32, #tpu.memory_space<vmem>>) target(%dma_start3A_87 : memref<128x128xf32, #tpu.memory_space<vmem_shared>>) target_semaphore(%run_scoped3A_79 : memref<!tpu.dma_semaphore, #tpu.memory_space<semaphore_mem>>)
      %dma_wait3A = arith.constant 0 : i32
      %dma_wait3A_92 = arith.constant 0 : i32
      %dma_wait3A_93 = tpu.memref_slice %arg8[%run_scoped3A_13, %dma_wait3A, %dma_wait3A_92] : memref<2x128x128xf32, #tpu.memory_space<vmem>> -> memref<1x128x128xf32, #tpu.memory_space<vmem>>
      %dma_wait3A_94 = tpu.memref_squeeze %dma_wait3A_93 : memref<1x128x128xf32, #tpu.memory_space<vmem>> -> memref<128x128xf32, #tpu.memory_space<vmem>>
      %dma_wait3A_95 = arith.constant 0 : i32
      %dma_wait3A_96 = tpu.memref_slice %arg9[%add3A_12, %dma_wait3A_95] : memref<10112x128xf32, #tpu.memory_space<vmem_shared>> -> memref<128x128xf32, #tpu.memory_space<vmem_shared>>
      %dma_wait3A_97 = arith.constant 0 : i32
      %dma_wait3A_98 = tpu.memref_slice %arg9[%add3A_12, %dma_wait3A_97] : memref<10112x128xf32, #tpu.memory_space<vmem_shared>> -> memref<128x128xf32, #tpu.memory_space<vmem_shared>>
      %dma_wait3A_99 = arith.constant 0 : i32
      %dma_wait3A_100 = arith.constant 0 : i32
      %dma_wait3A_101 = tpu.memref_slice %arg8[%run_scoped3A_13, %dma_wait3A_99, %dma_wait3A_100] : memref<2x128x128xf32, #tpu.memory_space<vmem>> -> memref<1x128x128xf32, #tpu.memory_space<vmem>>
      %dma_wait3A_102 = tpu.memref_squeeze %dma_wait3A_101 : memref<1x128x128xf32, #tpu.memory_space<vmem>> -> memref<128x128xf32, #tpu.memory_space<vmem>>
      tpu.wait_dma2 semaphore(%run_scoped3A_79 : memref<!tpu.dma_semaphore, #tpu.memory_space<semaphore_mem>>) src(%dma_wait3A_102 : memref<128x128xf32, #tpu.memory_space<vmem>>) dst(%dma_wait3A_98 : memref<128x128xf32, #tpu.memory_space<vmem_shared>>)
      tpu.yield
    }) : () -> ()
    %add3A_14 = arith.constant 256 : i32
    %add3A_15 = arith.addi %mul3A_8, %add3A_14 : i32
    %run_scoped3A_16 = arith.constant 0 : i32
    "tpu.region"() ({
      %run_scoped3A_79 = tpu.sem_alloc : memref<!tpu.dma_semaphore, #tpu.memory_space<semaphore_mem>>
      %dma_start3A_80 = arith.constant 0 : i32
      %dma_start3A_81 = arith.constant 0 : i32
      %dma_start3A_82 = tpu.memref_slice %arg8[%run_scoped3A_16, %dma_start3A_80, %dma_start3A_81] : memref<2x128x128xf32, #tpu.memory_space<vmem>> -> memref<1x128x128xf32, #tpu.memory_space<vmem>>
      %dma_start3A_83 = tpu.memref_squeeze %dma_start3A_82 : memref<1x128x128xf32, #tpu.memory_space<vmem>> -> memref<128x128xf32, #tpu.memory_space<vmem>>
      %dma_start3A_84 = arith.constant 0 : i32
      %dma_start3A_85 = tpu.memref_slice %arg9[%add3A_15, %dma_start3A_84] : memref<10112x128xf32, #tpu.memory_space<vmem_shared>> -> memref<128x128xf32, #tpu.memory_space<vmem_shared>>
      %dma_start3A_86 = arith.constant 0 : i32
      %dma_start3A_87 = tpu.memref_slice %arg9[%add3A_15, %dma_start3A_86] : memref<10112x128xf32, #tpu.memory_space<vmem_shared>> -> memref<128x128xf32, #tpu.memory_space<vmem_shared>>
      %dma_start3A_88 = arith.constant 0 : i32
      %dma_start3A_89 = arith.constant 0 : i32
      %dma_start3A_90 = tpu.memref_slice %arg8[%run_scoped3A_16, %dma_start3A_88, %dma_start3A_89] : memref<2x128x128xf32, #tpu.memory_space<vmem>> -> memref<1x128x128xf32, #tpu.memory_space<vmem>>
      %dma_start3A_91 = tpu.memref_squeeze %dma_start3A_90 : memref<1x128x128xf32, #tpu.memory_space<vmem>> -> memref<128x128xf32, #tpu.memory_space<vmem>>
      tpu.enqueue_dma source(%dma_start3A_91 : memref<128x128xf32, #tpu.memory_space<vmem>>) target(%dma_start3A_87 : memref<128x128xf32, #tpu.memory_space<vmem_shared>>) target_semaphore(%run_scoped3A_79 : memref<!tpu.dma_semaphore, #tpu.memory_space<semaphore_mem>>)
      %dma_wait3A = arith.constant 0 : i32
      %dma_wait3A_92 = arith.constant 0 : i32
      %dma_wait3A_93 = tpu.memref_slice %arg8[%run_scoped3A_16, %dma_wait3A, %dma_wait3A_92] : memref<2x128x128xf32, #tpu.memory_space<vmem>> -> memref<1x128x128xf32, #tpu.memory_space<vmem>>
      %dma_wait3A_94 = tpu.memref_squeeze %dma_wait3A_93 : memref<1x128x128xf32, #tpu.memory_space<vmem>> -> memref<128x128xf32, #tpu.memory_space<vmem>>
      %dma_wait3A_95 = arith.constant 0 : i32
      %dma_wait3A_96 = tpu.memref_slice %arg9[%add3A_15, %dma_wait3A_95] : memref<10112x128xf32, #tpu.memory_space<vmem_shared>> -> memref<128x128xf32, #tpu.memory_space<vmem_shared>>
      %dma_wait3A_97 = arith.constant 0 : i32
      %dma_wait3A_98 = tpu.memref_slice %arg9[%add3A_15, %dma_wait3A_97] : memref<10112x128xf32, #tpu.memory_space<vmem_shared>> -> memref<128x128xf32, #tpu.memory_space<vmem_shared>>
      %dma_wait3A_99 = arith.constant 0 : i32
      %dma_wait3A_100 = arith.constant 0 : i32
      %dma_wait3A_101 = tpu.memref_slice %arg8[%run_scoped3A_16, %dma_wait3A_99, %dma_wait3A_100] : memref<2x128x128xf32, #tpu.memory_space<vmem>> -> memref<1x128x128xf32, #tpu.memory_space<vmem>>
      %dma_wait3A_102 = tpu.memref_squeeze %dma_wait3A_101 : memref<1x128x128xf32, #tpu.memory_space<vmem>> -> memref<128x128xf32, #tpu.memory_space<vmem>>
      tpu.wait_dma2 semaphore(%run_scoped3A_79 : memref<!tpu.dma_semaphore, #tpu.memory_space<semaphore_mem>>) src(%dma_wait3A_102 : memref<128x128xf32, #tpu.memory_space<vmem>>) dst(%dma_wait3A_98 : memref<128x128xf32, #tpu.memory_space<vmem_shared>>)
      tpu.yield
    }) : () -> ()
    %add3A_17 = arith.constant 384 : i32
    %add3A_18 = arith.addi %mul3A_8, %add3A_17 : i32
    %run_scoped3A_19 = arith.constant 0 : i32
    "tpu.region"() ({
      %run_scoped3A_79 = tpu.sem_alloc : memref<!tpu.dma_semaphore, #tpu.memory_space<semaphore_mem>>
      %dma_start3A_80 = arith.constant 0 : i32
      %dma_start3A_81 = arith.constant 0 : i32
      %dma_start3A_82 = tpu.memref_slice %arg8[%run_scoped3A_19, %dma_start3A_80, %dma_start3A_81] : memref<2x128x128xf32, #tpu.memory_space<vmem>> -> memref<1x128x128xf32, #tpu.memory_space<vmem>>
      %dma_start3A_83 = tpu.memref_squeeze %dma_start3A_82 : memref<1x128x128xf32, #tpu.memory_space<vmem>> -> memref<128x128xf32, #tpu.memory_space<vmem>>
      %dma_start3A_84 = arith.constant 0 : i32
      %dma_start3A_85 = tpu.memref_slice %arg9[%add3A_18, %dma_start3A_84] : memref<10112x128xf32, #tpu.memory_space<vmem_shared>> -> memref<128x128xf32, #tpu.memory_space<vmem_shared>>
      %dma_start3A_86 = arith.constant 0 : i32
      %dma_start3A_87 = tpu.memref_slice %arg9[%add3A_18, %dma_start3A_86] : memref<10112x128xf32, #tpu.memory_space<vmem_shared>> -> memref<128x128xf32, #tpu.memory_space<vmem_shared>>
      %dma_start3A_88 = arith.constant 0 : i32
      %dma_start3A_89 = arith.constant 0 : i32
      %dma_start3A_90 = tpu.memref_slice %arg8[%run_scoped3A_19, %dma_start3A_88, %dma_start3A_89] : memref<2x128x128xf32, #tpu.memory_space<vmem>> -> memref<1x128x128xf32, #tpu.memory_space<vmem>>
      %dma_start3A_91 = tpu.memref_squeeze %dma_start3A_90 : memref<1x128x128xf32, #tpu.memory_space<vmem>> -> memref<128x128xf32, #tpu.memory_space<vmem>>
      tpu.enqueue_dma source(%dma_start3A_91 : memref<128x128xf32, #tpu.memory_space<vmem>>) target(%dma_start3A_87 : memref<128x128xf32, #tpu.memory_space<vmem_shared>>) target_semaphore(%run_scoped3A_79 : memref<!tpu.dma_semaphore, #tpu.memory_space<semaphore_mem>>)
      %dma_wait3A = arith.constant 0 : i32
      %dma_wait3A_92 = arith.constant 0 : i32
      %dma_wait3A_93 = tpu.memref_slice %arg8[%run_scoped3A_19, %dma_wait3A, %dma_wait3A_92] : memref<2x128x128xf32, #tpu.memory_space<vmem>> -> memref<1x128x128xf32, #tpu.memory_space<vmem>>
      %dma_wait3A_94 = tpu.memref_squeeze %dma_wait3A_93 : memref<1x128x128xf32, #tpu.memory_space<vmem>> -> memref<128x128xf32, #tpu.memory_space<vmem>>
      %dma_wait3A_95 = arith.constant 0 : i32
      %dma_wait3A_96 = tpu.memref_slice %arg9[%add3A_18, %dma_wait3A_95] : memref<10112x128xf32, #tpu.memory_space<vmem_shared>> -> memref<128x128xf32, #tpu.memory_space<vmem_shared>>
      %dma_wait3A_97 = arith.constant 0 : i32
      %dma_wait3A_98 = tpu.memref_slice %arg9[%add3A_18, %dma_wait3A_97] : memref<10112x128xf32, #tpu.memory_space<vmem_shared>> -> memref<128x128xf32, #tpu.memory_space<vmem_shared>>
      %dma_wait3A_99 = arith.constant 0 : i32
      %dma_wait3A_100 = arith.constant 0 : i32
      %dma_wait3A_101 = tpu.memref_slice %arg8[%run_scoped3A_19, %dma_wait3A_99, %dma_wait3A_100] : memref<2x128x128xf32, #tpu.memory_space<vmem>> -> memref<1x128x128xf32, #tpu.memory_space<vmem>>
      %dma_wait3A_102 = tpu.memref_squeeze %dma_wait3A_101 : memref<1x128x128xf32, #tpu.memory_space<vmem>> -> memref<128x128xf32, #tpu.memory_space<vmem>>
      tpu.wait_dma2 semaphore(%run_scoped3A_79 : memref<!tpu.dma_semaphore, #tpu.memory_space<semaphore_mem>>) src(%dma_wait3A_102 : memref<128x128xf32, #tpu.memory_space<vmem>>) dst(%dma_wait3A_98 : memref<128x128xf32, #tpu.memory_space<vmem_shared>>)
      tpu.yield
    }) : () -> ()
    %add3A_20 = arith.constant 512 : i32
    %add3A_21 = arith.addi %mul3A_8, %add3A_20 : i32
    %run_scoped3A_22 = arith.constant 0 : i32
    "tpu.region"() ({
      %run_scoped3A_79 = tpu.sem_alloc : memref<!tpu.dma_semaphore, #tpu.memory_space<semaphore_mem>>
      %dma_start3A_80 = arith.constant 0 : i32
      %dma_start3A_81 = arith.constant 0 : i32
      %dma_start3A_82 = tpu.memref_slice %arg8[%run_scoped3A_22, %dma_start3A_80, %dma_start3A_81] : memref<2x128x128xf32, #tpu.memory_space<vmem>> -> memref<1x120x128xf32, #tpu.memory_space<vmem>>
      %dma_start3A_83 = tpu.memref_squeeze %dma_start3A_82 : memref<1x120x128xf32, #tpu.memory_space<vmem>> -> memref<120x128xf32, #tpu.memory_space<vmem>>
      %dma_start3A_84 = arith.constant 0 : i32
      %dma_start3A_85 = tpu.memref_slice %arg9[%add3A_21, %dma_start3A_84] : memref<10112x128xf32, #tpu.memory_space<vmem_shared>> -> memref<120x128xf32, #tpu.memory_space<vmem_shared>>
      %dma_start3A_86 = arith.constant 0 : i32
      %dma_start3A_87 = tpu.memref_slice %arg9[%add3A_21, %dma_start3A_86] : memref<10112x128xf32, #tpu.memory_space<vmem_shared>> -> memref<120x128xf32, #tpu.memory_space<vmem_shared>>
      %dma_start3A_88 = arith.constant 0 : i32
      %dma_start3A_89 = arith.constant 0 : i32
      %dma_start3A_90 = tpu.memref_slice %arg8[%run_scoped3A_22, %dma_start3A_88, %dma_start3A_89] : memref<2x128x128xf32, #tpu.memory_space<vmem>> -> memref<1x120x128xf32, #tpu.memory_space<vmem>>
      %dma_start3A_91 = tpu.memref_squeeze %dma_start3A_90 : memref<1x120x128xf32, #tpu.memory_space<vmem>> -> memref<120x128xf32, #tpu.memory_space<vmem>>
      tpu.enqueue_dma source(%dma_start3A_91 : memref<120x128xf32, #tpu.memory_space<vmem>>) target(%dma_start3A_87 : memref<120x128xf32, #tpu.memory_space<vmem_shared>>) target_semaphore(%run_scoped3A_79 : memref<!tpu.dma_semaphore, #tpu.memory_space<semaphore_mem>>)
      %dma_wait3A = arith.constant 0 : i32
      %dma_wait3A_92 = arith.constant 0 : i32
      %dma_wait3A_93 = tpu.memref_slice %arg8[%run_scoped3A_22, %dma_wait3A, %dma_wait3A_92] : memref<2x128x128xf32, #tpu.memory_space<vmem>> -> memref<1x120x128xf32, #tpu.memory_space<vmem>>
      %dma_wait3A_94 = tpu.memref_squeeze %dma_wait3A_93 : memref<1x120x128xf32, #tpu.memory_space<vmem>> -> memref<120x128xf32, #tpu.memory_space<vmem>>
      %dma_wait3A_95 = arith.constant 0 : i32
      %dma_wait3A_96 = tpu.memref_slice %arg9[%add3A_21, %dma_wait3A_95] : memref<10112x128xf32, #tpu.memory_space<vmem_shared>> -> memref<120x128xf32, #tpu.memory_space<vmem_shared>>
      %dma_wait3A_97 = arith.constant 0 : i32
      %dma_wait3A_98 = tpu.memref_slice %arg9[%add3A_21, %dma_wait3A_97] : memref<10112x128xf32, #tpu.memory_space<vmem_shared>> -> memref<120x128xf32, #tpu.memory_space<vmem_shared>>
      %dma_wait3A_99 = arith.constant 0 : i32
      %dma_wait3A_100 = arith.constant 0 : i32
      %dma_wait3A_101 = tpu.memref_slice %arg8[%run_scoped3A_22, %dma_wait3A_99, %dma_wait3A_100] : memref<2x128x128xf32, #tpu.memory_space<vmem>> -> memref<1x120x128xf32, #tpu.memory_space<vmem>>
      %dma_wait3A_102 = tpu.memref_squeeze %dma_wait3A_101 : memref<1x120x128xf32, #tpu.memory_space<vmem>> -> memref<120x128xf32, #tpu.memory_space<vmem>>
      tpu.wait_dma2 semaphore(%run_scoped3A_79 : memref<!tpu.dma_semaphore, #tpu.memory_space<semaphore_mem>>) src(%dma_wait3A_102 : memref<120x128xf32, #tpu.memory_space<vmem>>) dst(%dma_wait3A_98 : memref<120x128xf32, #tpu.memory_space<vmem_shared>>)
      tpu.yield
    }) : () -> ()
    %barrier3A = arith.constant 0 : index
    tpu.barrier barrier_id(%barrier3A)
    "tpu.region"() ({
      %run_scoped3A_79 = tpu.sem_alloc : memref<!tpu.dma_semaphore, #tpu.memory_space<semaphore_mem>>
      %dma_start3A_80 = arith.constant 0 : i32
      %dma_start3A_81 = arith.constant 0 : i32
      %dma_start3A_82 = tpu.memref_slice %arg3[%add3A, %dma_start3A_80, %dma_start3A_81] : memref<32x80x128xi32, #tpu.memory_space<hbm>> -> memref<1x40x128xi32, #tpu.memory_space<hbm>>
      %dma_start3A_83 = tpu.memref_squeeze %dma_start3A_82 : memref<1x40x128xi32, #tpu.memory_space<hbm>> -> memref<40x128xi32, #tpu.memory_space<hbm>>
      %dma_start3A_84 = arith.constant 0 : i32
      %dma_start3A_85 = arith.constant 0 : i32
      %dma_start3A_86 = tpu.memref_slice %arg3[%add3A, %dma_start3A_84, %dma_start3A_85] : memref<32x80x128xi32, #tpu.memory_space<hbm>> -> memref<1x40x128xi32, #tpu.memory_space<hbm>>
      %dma_start3A_87 = tpu.memref_squeeze %dma_start3A_86 : memref<1x40x128xi32, #tpu.memory_space<hbm>> -> memref<40x128xi32, #tpu.memory_space<hbm>>
      tpu.enqueue_dma source(%dma_start3A_87 : memref<40x128xi32, #tpu.memory_space<hbm>>) target(%arg6 : memref<40x128xi32, #tpu.memory_space<vmem>>) target_semaphore(%run_scoped3A_79 : memref<!tpu.dma_semaphore, #tpu.memory_space<semaphore_mem>>)
      %dma_wait3A = arith.constant 0 : i32
      %dma_wait3A_88 = arith.constant 0 : i32
      %dma_wait3A_89 = tpu.memref_slice %arg3[%add3A, %dma_wait3A, %dma_wait3A_88] : memref<32x80x128xi32, #tpu.memory_space<hbm>> -> memref<1x40x128xi32, #tpu.memory_space<hbm>>
      %dma_wait3A_90 = tpu.memref_squeeze %dma_wait3A_89 : memref<1x40x128xi32, #tpu.memory_space<hbm>> -> memref<40x128xi32, #tpu.memory_space<hbm>>
      %dma_wait3A_91 = arith.constant 0 : i32
      %dma_wait3A_92 = arith.constant 0 : i32
      %dma_wait3A_93 = tpu.memref_slice %arg3[%add3A, %dma_wait3A_91, %dma_wait3A_92] : memref<32x80x128xi32, #tpu.memory_space<hbm>> -> memref<1x40x128xi32, #tpu.memory_space<hbm>>
      %dma_wait3A_94 = tpu.memref_squeeze %dma_wait3A_93 : memref<1x40x128xi32, #tpu.memory_space<hbm>> -> memref<40x128xi32, #tpu.memory_space<hbm>>
      tpu.wait_dma2 semaphore(%run_scoped3A_79 : memref<!tpu.dma_semaphore, #tpu.memory_space<semaphore_mem>>) src(%dma_wait3A_94 : memref<40x128xi32, #tpu.memory_space<hbm>>) dst(%arg6 : memref<40x128xi32, #tpu.memory_space<vmem>>)
      tpu.yield
    }) : () -> ()
    "tpu.region"() ({
      %run_scoped3A_79 = tpu.sem_alloc : memref<!tpu.dma_semaphore, #tpu.memory_space<semaphore_mem>>
      %dma_start3A_80 = arith.constant 0 : i32
      %dma_start3A_81 = arith.constant 0 : i32
      %dma_start3A_82 = tpu.memref_slice %arg4[%add3A, %dma_start3A_80, %dma_start3A_81] : memref<32x80x128xi32, #tpu.memory_space<hbm>> -> memref<1x40x128xi32, #tpu.memory_space<hbm>>
      %dma_start3A_83 = tpu.memref_squeeze %dma_start3A_82 : memref<1x40x128xi32, #tpu.memory_space<hbm>> -> memref<40x128xi32, #tpu.memory_space<hbm>>
      %dma_start3A_84 = arith.constant 0 : i32
      %dma_start3A_85 = arith.constant 0 : i32
      %dma_start3A_86 = tpu.memref_slice %arg4[%add3A, %dma_start3A_84, %dma_start3A_85] : memref<32x80x128xi32, #tpu.memory_space<hbm>> -> memref<1x40x128xi32, #tpu.memory_space<hbm>>
      %dma_start3A_87 = tpu.memref_squeeze %dma_start3A_86 : memref<1x40x128xi32, #tpu.memory_space<hbm>> -> memref<40x128xi32, #tpu.memory_space<hbm>>
      tpu.enqueue_dma source(%dma_start3A_87 : memref<40x128xi32, #tpu.memory_space<hbm>>) target(%arg7 : memref<40x128xi32, #tpu.memory_space<vmem>>) target_semaphore(%run_scoped3A_79 : memref<!tpu.dma_semaphore, #tpu.memory_space<semaphore_mem>>)
      %dma_wait3A = arith.constant 0 : i32
      %dma_wait3A_88 = arith.constant 0 : i32
      %dma_wait3A_89 = tpu.memref_slice %arg4[%add3A, %dma_wait3A, %dma_wait3A_88] : memref<32x80x128xi32, #tpu.memory_space<hbm>> -> memref<1x40x128xi32, #tpu.memory_space<hbm>>
      %dma_wait3A_90 = tpu.memref_squeeze %dma_wait3A_89 : memref<1x40x128xi32, #tpu.memory_space<hbm>> -> memref<40x128xi32, #tpu.memory_space<hbm>>
      %dma_wait3A_91 = arith.constant 0 : i32
      %dma_wait3A_92 = arith.constant 0 : i32
      %dma_wait3A_93 = tpu.memref_slice %arg4[%add3A, %dma_wait3A_91, %dma_wait3A_92] : memref<32x80x128xi32, #tpu.memory_space<hbm>> -> memref<1x40x128xi32, #tpu.memory_space<hbm>>
      %dma_wait3A_94 = tpu.memref_squeeze %dma_wait3A_93 : memref<1x40x128xi32, #tpu.memory_space<hbm>> -> memref<40x128xi32, #tpu.memory_space<hbm>>
      tpu.wait_dma2 semaphore(%run_scoped3A_79 : memref<!tpu.dma_semaphore, #tpu.memory_space<semaphore_mem>>) src(%dma_wait3A_94 : memref<40x128xi32, #tpu.memory_space<hbm>>) dst(%arg7 : memref<40x128xi32, #tpu.memory_space<vmem>>)
      tpu.yield
    }) : () -> ()
    %dma_start3A = arith.constant 0 : i32
    %dma_start3A_23 = arith.constant 0 : i32
    %dma_start3A_24 = arith.constant 0 : i32
    %dma_start3A_25 = arith.constant 0 : i32
    %dma_start3A_26 = tpu.memref_slice %arg8[%dma_start3A_23, %dma_start3A_24, %dma_start3A_25] : memref<2x128x128xf32, #tpu.memory_space<vmem>> -> memref<1x128x128xf32, #tpu.memory_space<vmem>>
    %dma_start3A_27 = tpu.memref_squeeze %dma_start3A_26 : memref<1x128x128xf32, #tpu.memory_space<vmem>> -> memref<128x128xf32, #tpu.memory_space<vmem>>
    %dma_start3A_28 = arith.constant 0 : i32
    %dma_start3A_29 = tpu.memref_slice %arg6[%dma_start3A, %dma_start3A_28] : memref<40x128xi32, #tpu.memory_space<vmem>> -> memref<1x128xi32, #tpu.memory_space<vmem>>
    %dma_start3A_30 = tpu.memref_squeeze %dma_start3A_29 : memref<1x128xi32, #tpu.memory_space<vmem>> -> memref<128xi32, #tpu.memory_space<vmem>>
    %dma_start3A_31 = arith.constant 0 : i32
    %dma_start3A_32 = arith.constant 0 : i32
    %dma_start3A_33 = tpu.memref_slice %arg2[%dma_start3A_31, %dma_start3A_32] : memref<10112x128xf32, #tpu.memory_space<hbm>> -> memref<10112x128xf32, #tpu.memory_space<hbm>>
    tpu.enqueue_indirect_dma source(%dma_start3A_33 : memref<10112x128xf32, #tpu.memory_space<hbm>>) target(%dma_start3A_27 : memref<128x128xf32, #tpu.memory_space<vmem>>) offsets(%dma_start3A_30 : memref<128xi32, #tpu.memory_space<vmem>>) semaphore(%arg10 : memref<!tpu.dma_semaphore, #tpu.memory_space<semaphore_mem>>)
    %scan3A_34 = arith.constant 0 : i32
    %scan3A_35 = arith.constant 0 : i32
    %scan3A_36 = arith.constant 20 : i32
    %scan3A_37 = arith.addi %scan3A_35, %scan3A_36 : i32
    %scan3A_38 = arith.constant 1 : i32
    scf.for %scan3A_79 = %scan3A_35 to %scan3A_37 step %scan3A_38  : i32 {
      %mul3A_80 = arith.constant 2 : i32
      %mul3A_81 = arith.muli %mul3A_80, %scan3A_79 : i32
      %dma_wait3A = arith.constant 0 : i32
      %dma_wait3A_82 = arith.constant 0 : i32
      %dma_wait3A_83 = arith.constant 0 : i32
      %dma_wait3A_84 = arith.constant 0 : i32
      %dma_wait3A_85 = tpu.memref_slice %arg8[%dma_wait3A_82, %dma_wait3A_83, %dma_wait3A_84] : memref<2x128x128xf32, #tpu.memory_space<vmem>> -> memref<1x128x128xf32, #tpu.memory_space<vmem>>
      %dma_wait3A_86 = tpu.memref_squeeze %dma_wait3A_85 : memref<1x128x128xf32, #tpu.memory_space<vmem>> -> memref<128x128xf32, #tpu.memory_space<vmem>>
      %dma_wait3A_87 = arith.constant 0 : i32
      %dma_wait3A_88 = tpu.memref_slice %arg6[%dma_wait3A, %dma_wait3A_87] : memref<40x128xi32, #tpu.memory_space<vmem>> -> memref<1x128xi32, #tpu.memory_space<vmem>>
      %dma_wait3A_89 = tpu.memref_squeeze %dma_wait3A_88 : memref<1x128xi32, #tpu.memory_space<vmem>> -> memref<128xi32, #tpu.memory_space<vmem>>
      %dma_wait3A_90 = arith.constant 0 : i32
      %dma_wait3A_91 = arith.constant 0 : i32
      %dma_wait3A_92 = tpu.memref_slice %arg2[%dma_wait3A_90, %dma_wait3A_91] : memref<10112x128xf32, #tpu.memory_space<hbm>> -> memref<10112x128xf32, #tpu.memory_space<hbm>>
      tpu.wait_indirect_dma semaphore(%arg10 : memref<!tpu.dma_semaphore, #tpu.memory_space<semaphore_mem>>) src(%dma_wait3A_92 : memref<10112x128xf32, #tpu.memory_space<hbm>>) dst(%dma_wait3A_86 : memref<128x128xf32, #tpu.memory_space<vmem>>)
      %add3A_93 = arith.constant 1 : i32
      %add3A_94 = arith.addi %mul3A_81, %add3A_93 : i32
      %dma_start3A_95 = arith.constant 1 : i32
      %dma_start3A_96 = arith.constant 0 : i32
      %dma_start3A_97 = arith.constant 0 : i32
      %dma_start3A_98 = tpu.memref_slice %arg8[%dma_start3A_95, %dma_start3A_96, %dma_start3A_97] : memref<2x128x128xf32, #tpu.memory_space<vmem>> -> memref<1x128x128xf32, #tpu.memory_space<vmem>>
      %dma_start3A_99 = tpu.memref_squeeze %dma_start3A_98 : memref<1x128x128xf32, #tpu.memory_space<vmem>> -> memref<128x128xf32, #tpu.memory_space<vmem>>
      %dma_start3A_100 = arith.constant 0 : i32
      %dma_start3A_101 = tpu.memref_slice %arg6[%add3A_94, %dma_start3A_100] : memref<40x128xi32, #tpu.memory_space<vmem>> -> memref<1x128xi32, #tpu.memory_space<vmem>>
      %dma_start3A_102 = tpu.memref_squeeze %dma_start3A_101 : memref<1x128xi32, #tpu.memory_space<vmem>> -> memref<128xi32, #tpu.memory_space<vmem>>
      %dma_start3A_103 = arith.constant 0 : i32
      %dma_start3A_104 = arith.constant 0 : i32
      %dma_start3A_105 = tpu.memref_slice %arg2[%dma_start3A_103, %dma_start3A_104] : memref<10112x128xf32, #tpu.memory_space<hbm>> -> memref<10112x128xf32, #tpu.memory_space<hbm>>
      tpu.enqueue_indirect_dma source(%dma_start3A_105 : memref<10112x128xf32, #tpu.memory_space<hbm>>) target(%dma_start3A_99 : memref<128x128xf32, #tpu.memory_space<vmem>>) offsets(%dma_start3A_102 : memref<128xi32, #tpu.memory_space<vmem>>) semaphore(%arg10 : memref<!tpu.dma_semaphore, #tpu.memory_space<semaphore_mem>>)
      %run_scoped3A_106 = arith.constant 0 : i32
      "tpu.region"() ({
        %run_scoped3A_124 = tpu.sem_alloc : memref<!tpu.dma_semaphore, #tpu.memory_space<semaphore_mem>>
        %dma_start3A_125 = arith.constant 0 : i32
        %dma_start3A_126 = arith.constant 0 : i32
        %dma_start3A_127 = tpu.memref_slice %arg8[%run_scoped3A_106, %dma_start3A_125, %dma_start3A_126] : memref<2x128x128xf32, #tpu.memory_space<vmem>> -> memref<1x128x128xf32, #tpu.memory_space<vmem>>
        %dma_start3A_128 = tpu.memref_squeeze %dma_start3A_127 : memref<1x128x128xf32, #tpu.memory_space<vmem>> -> memref<128x128xf32, #tpu.memory_space<vmem>>
        %dma_start3A_129 = arith.constant 0 : i32
        %dma_start3A_130 = tpu.memref_slice %arg7[%mul3A_81, %dma_start3A_129] : memref<40x128xi32, #tpu.memory_space<vmem>> -> memref<1x128xi32, #tpu.memory_space<vmem>>
        %dma_start3A_131 = tpu.memref_squeeze %dma_start3A_130 : memref<1x128xi32, #tpu.memory_space<vmem>> -> memref<128xi32, #tpu.memory_space<vmem>>
        %dma_start3A_132 = arith.constant 0 : i32
        %dma_start3A_133 = arith.constant 0 : i32
        %dma_start3A_134 = tpu.memref_slice %arg9[%dma_start3A_132, %dma_start3A_133] : memref<10112x128xf32, #tpu.memory_space<vmem_shared>> -> memref<10112x128xf32, #tpu.memory_space<vmem_shared>>
        tpu.enqueue_indirect_dma source(%dma_start3A_128 : memref<128x128xf32, #tpu.memory_space<vmem>>) target(%dma_start3A_134 : memref<10112x128xf32, #tpu.memory_space<vmem_shared>>) offsets(%dma_start3A_131 : memref<128xi32, #tpu.memory_space<vmem>>) semaphore(%run_scoped3A_124 : memref<!tpu.dma_semaphore, #tpu.memory_space<semaphore_mem>>) {add = true}
        %dma_wait3A_135 = arith.constant 0 : i32
        %dma_wait3A_136 = arith.constant 0 : i32
        %dma_wait3A_137 = tpu.memref_slice %arg8[%run_scoped3A_106, %dma_wait3A_135, %dma_wait3A_136] : memref<2x128x128xf32, #tpu.memory_space<vmem>> -> memref<1x128x128xf32, #tpu.memory_space<vmem>>
        %dma_wait3A_138 = tpu.memref_squeeze %dma_wait3A_137 : memref<1x128x128xf32, #tpu.memory_space<vmem>> -> memref<128x128xf32, #tpu.memory_space<vmem>>
        %dma_wait3A_139 = arith.constant 0 : i32
        %dma_wait3A_140 = tpu.memref_slice %arg7[%mul3A_81, %dma_wait3A_139] : memref<40x128xi32, #tpu.memory_space<vmem>> -> memref<1x128xi32, #tpu.memory_space<vmem>>
        %dma_wait3A_141 = tpu.memref_squeeze %dma_wait3A_140 : memref<1x128xi32, #tpu.memory_space<vmem>> -> memref<128xi32, #tpu.memory_space<vmem>>
        %dma_wait3A_142 = arith.constant 0 : i32
        %dma_wait3A_143 = arith.constant 0 : i32
        %dma_wait3A_144 = tpu.memref_slice %arg9[%dma_wait3A_142, %dma_wait3A_143] : memref<10112x128xf32, #tpu.memory_space<vmem_shared>> -> memref<10112x128xf32, #tpu.memory_space<vmem_shared>>
        tpu.wait_indirect_dma semaphore(%run_scoped3A_124 : memref<!tpu.dma_semaphore, #tpu.memory_space<semaphore_mem>>) src(%dma_wait3A_138 : memref<128x128xf32, #tpu.memory_space<vmem>>) dst(%dma_wait3A_144 : memref<10112x128xf32, #tpu.memory_space<vmem_shared>>)
        tpu.yield
      }) : () -> ()
      %dma_wait3A_107 = arith.constant 0 : i32
      %dma_wait3A_108 = arith.constant 1 : i32
      %dma_wait3A_109 = arith.constant 0 : i32
      %dma_wait3A_110 = arith.constant 0 : i32
      %dma_wait3A_111 = tpu.memref_slice %arg8[%dma_wait3A_108, %dma_wait3A_109, %dma_wait3A_110] : memref<2x128x128xf32, #tpu.memory_space<vmem>> -> memref<1x128x128xf32, #tpu.memory_space<vmem>>
      %dma_wait3A_112 = tpu.memref_squeeze %dma_wait3A_111 : memref<1x128x128xf32, #tpu.memory_space<vmem>> -> memref<128x128xf32, #tpu.memory_space<vmem>>
      %dma_wait3A_113 = arith.constant 0 : i32
      %dma_wait3A_114 = tpu.memref_slice %arg6[%dma_wait3A_107, %dma_wait3A_113] : memref<40x128xi32, #tpu.memory_space<vmem>> -> memref<1x128xi32, #tpu.memory_space<vmem>>
      %dma_wait3A_115 = tpu.memref_squeeze %dma_wait3A_114 : memref<1x128xi32, #tpu.memory_space<vmem>> -> memref<128xi32, #tpu.memory_space<vmem>>
      %dma_wait3A_116 = arith.constant 0 : i32
      %dma_wait3A_117 = arith.constant 0 : i32
      %dma_wait3A_118 = tpu.memref_slice %arg2[%dma_wait3A_116, %dma_wait3A_117] : memref<10112x128xf32, #tpu.memory_space<hbm>> -> memref<10112x128xf32, #tpu.memory_space<hbm>>
      tpu.wait_indirect_dma semaphore(%arg10 : memref<!tpu.dma_semaphore, #tpu.memory_space<semaphore_mem>>) src(%dma_wait3A_118 : memref<10112x128xf32, #tpu.memory_space<hbm>>) dst(%dma_wait3A_112 : memref<128x128xf32, #tpu.memory_space<vmem>>)
      %lt3A = arith.constant 19 : i32
      %lt3A_119 = arith.cmpi slt, %scan3A_79, %lt3A : i32
      %convert_element_type3A = arith.extui %lt3A_119 : i1 to i32
      %cond3A = arith.constant 0 : i32
      %cond3A_120 = arith.cmpi ne, %convert_element_type3A, %cond3A : i32
      scf.if %cond3A_120 {
        %add3A_124 = arith.constant 2 : i32
        %add3A_125 = arith.addi %mul3A_81, %add3A_124 : i32
        %dma_start3A_126 = arith.constant 0 : i32
        %dma_start3A_127 = arith.constant 0 : i32
        %dma_start3A_128 = arith.constant 0 : i32
        %dma_start3A_129 = tpu.memref_slice %arg8[%dma_start3A_126, %dma_start3A_127, %dma_start3A_128] : memref<2x128x128xf32, #tpu.memory_space<vmem>> -> memref<1x128x128xf32, #tpu.memory_space<vmem>>
        %dma_start3A_130 = tpu.memref_squeeze %dma_start3A_129 : memref<1x128x128xf32, #tpu.memory_space<vmem>> -> memref<128x128xf32, #tpu.memory_space<vmem>>
        %dma_start3A_131 = arith.constant 0 : i32
        %dma_start3A_132 = tpu.memref_slice %arg6[%add3A_125, %dma_start3A_131] : memref<40x128xi32, #tpu.memory_space<vmem>> -> memref<1x128xi32, #tpu.memory_space<vmem>>
        %dma_start3A_133 = tpu.memref_squeeze %dma_start3A_132 : memref<1x128xi32, #tpu.memory_space<vmem>> -> memref<128xi32, #tpu.memory_space<vmem>>
        %dma_start3A_134 = arith.constant 0 : i32
        %dma_start3A_135 = arith.constant 0 : i32
        %dma_start3A_136 = tpu.memref_slice %arg2[%dma_start3A_134, %dma_start3A_135] : memref<10112x128xf32, #tpu.memory_space<hbm>> -> memref<10112x128xf32, #tpu.memory_space<hbm>>
        tpu.enqueue_indirect_dma source(%dma_start3A_136 : memref<10112x128xf32, #tpu.memory_space<hbm>>) target(%dma_start3A_130 : memref<128x128xf32, #tpu.memory_space<vmem>>) offsets(%dma_start3A_133 : memref<128xi32, #tpu.memory_space<vmem>>) semaphore(%arg10 : memref<!tpu.dma_semaphore, #tpu.memory_space<semaphore_mem>>)
      } else {
      }
      %add3A_121 = arith.constant 1 : i32
      %add3A_122 = arith.addi %mul3A_81, %add3A_121 : i32
      %run_scoped3A_123 = arith.constant 1 : i32
      "tpu.region"() ({
        %run_scoped3A_124 = tpu.sem_alloc : memref<!tpu.dma_semaphore, #tpu.memory_space<semaphore_mem>>
        %dma_start3A_125 = arith.constant 0 : i32
        %dma_start3A_126 = arith.constant 0 : i32
        %dma_start3A_127 = tpu.memref_slice %arg8[%run_scoped3A_123, %dma_start3A_125, %dma_start3A_126] : memref<2x128x128xf32, #tpu.memory_space<vmem>> -> memref<1x128x128xf32, #tpu.memory_space<vmem>>
        %dma_start3A_128 = tpu.memref_squeeze %dma_start3A_127 : memref<1x128x128xf32, #tpu.memory_space<vmem>> -> memref<128x128xf32, #tpu.memory_space<vmem>>
        %dma_start3A_129 = arith.constant 0 : i32
        %dma_start3A_130 = tpu.memref_slice %arg7[%add3A_122, %dma_start3A_129] : memref<40x128xi32, #tpu.memory_space<vmem>> -> memref<1x128xi32, #tpu.memory_space<vmem>>
        %dma_start3A_131 = tpu.memref_squeeze %dma_start3A_130 : memref<1x128xi32, #tpu.memory_space<vmem>> -> memref<128xi32, #tpu.memory_space<vmem>>
        %dma_start3A_132 = arith.constant 0 : i32
        %dma_start3A_133 = arith.constant 0 : i32
        %dma_start3A_134 = tpu.memref_slice %arg9[%dma_start3A_132, %dma_start3A_133] : memref<10112x128xf32, #tpu.memory_space<vmem_shared>> -> memref<10112x128xf32, #tpu.memory_space<vmem_shared>>
        tpu.enqueue_indirect_dma source(%dma_start3A_128 : memref<128x128xf32, #tpu.memory_space<vmem>>) target(%dma_start3A_134 : memref<10112x128xf32, #tpu.memory_space<vmem_shared>>) offsets(%dma_start3A_131 : memref<128xi32, #tpu.memory_space<vmem>>) semaphore(%run_scoped3A_124 : memref<!tpu.dma_semaphore, #tpu.memory_space<semaphore_mem>>) {add = true}
        %dma_wait3A_135 = arith.constant 0 : i32
        %dma_wait3A_136 = arith.constant 0 : i32
        %dma_wait3A_137 = tpu.memref_slice %arg8[%run_scoped3A_123, %dma_wait3A_135, %dma_wait3A_136] : memref<2x128x128xf32, #tpu.memory_space<vmem>> -> memref<1x128x128xf32, #tpu.memory_space<vmem>>
        %dma_wait3A_138 = tpu.memref_squeeze %dma_wait3A_137 : memref<1x128x128xf32, #tpu.memory_space<vmem>> -> memref<128x128xf32, #tpu.memory_space<vmem>>
        %dma_wait3A_139 = arith.constant 0 : i32
        %dma_wait3A_140 = tpu.memref_slice %arg7[%add3A_122, %dma_wait3A_139] : memref<40x128xi32, #tpu.memory_space<vmem>> -> memref<1x128xi32, #tpu.memory_space<vmem>>
        %dma_wait3A_141 = tpu.memref_squeeze %dma_wait3A_140 : memref<1x128xi32, #tpu.memory_space<vmem>> -> memref<128xi32, #tpu.memory_space<vmem>>
        %dma_wait3A_142 = arith.constant 0 : i32
        %dma_wait3A_143 = arith.constant 0 : i32
        %dma_wait3A_144 = tpu.memref_slice %arg9[%dma_wait3A_142, %dma_wait3A_143] : memref<10112x128xf32, #tpu.memory_space<vmem_shared>> -> memref<10112x128xf32, #tpu.memory_space<vmem_shared>>
        tpu.wait_indirect_dma semaphore(%run_scoped3A_124 : memref<!tpu.dma_semaphore, #tpu.memory_space<semaphore_mem>>) src(%dma_wait3A_138 : memref<128x128xf32, #tpu.memory_space<vmem>>) dst(%dma_wait3A_144 : memref<10112x128xf32, #tpu.memory_space<vmem_shared>>)
        tpu.yield
      }) : () -> ()
    }
    %scan3A_39 = arith.constant 20 : i32
    "tpu.region"() ({
      %run_scoped3A_79 = tpu.sem_alloc : memref<!tpu.dma_semaphore, #tpu.memory_space<semaphore_mem>>
      %dma_start3A_80 = arith.constant 40 : i32
      %dma_start3A_81 = arith.constant 0 : i32
      %dma_start3A_82 = tpu.memref_slice %arg3[%add3A, %dma_start3A_80, %dma_start3A_81] : memref<32x80x128xi32, #tpu.memory_space<hbm>> -> memref<1x40x128xi32, #tpu.memory_space<hbm>>
      %dma_start3A_83 = tpu.memref_squeeze %dma_start3A_82 : memref<1x40x128xi32, #tpu.memory_space<hbm>> -> memref<40x128xi32, #tpu.memory_space<hbm>>
      %dma_start3A_84 = arith.constant 40 : i32
      %dma_start3A_85 = arith.constant 0 : i32
      %dma_start3A_86 = tpu.memref_slice %arg3[%add3A, %dma_start3A_84, %dma_start3A_85] : memref<32x80x128xi32, #tpu.memory_space<hbm>> -> memref<1x40x128xi32, #tpu.memory_space<hbm>>
      %dma_start3A_87 = tpu.memref_squeeze %dma_start3A_86 : memref<1x40x128xi32, #tpu.memory_space<hbm>> -> memref<40x128xi32, #tpu.memory_space<hbm>>
      tpu.enqueue_dma source(%dma_start3A_87 : memref<40x128xi32, #tpu.memory_space<hbm>>) target(%arg6 : memref<40x128xi32, #tpu.memory_space<vmem>>) target_semaphore(%run_scoped3A_79 : memref<!tpu.dma_semaphore, #tpu.memory_space<semaphore_mem>>)
      %dma_wait3A = arith.constant 40 : i32
      %dma_wait3A_88 = arith.constant 0 : i32
      %dma_wait3A_89 = tpu.memref_slice %arg3[%add3A, %dma_wait3A, %dma_wait3A_88] : memref<32x80x128xi32, #tpu.memory_space<hbm>> -> memref<1x40x128xi32, #tpu.memory_space<hbm>>
      %dma_wait3A_90 = tpu.memref_squeeze %dma_wait3A_89 : memref<1x40x128xi32, #tpu.memory_space<hbm>> -> memref<40x128xi32, #tpu.memory_space<hbm>>
      %dma_wait3A_91 = arith.constant 40 : i32
      %dma_wait3A_92 = arith.constant 0 : i32
      %dma_wait3A_93 = tpu.memref_slice %arg3[%add3A, %dma_wait3A_91, %dma_wait3A_92] : memref<32x80x128xi32, #tpu.memory_space<hbm>> -> memref<1x40x128xi32, #tpu.memory_space<hbm>>
      %dma_wait3A_94 = tpu.memref_squeeze %dma_wait3A_93 : memref<1x40x128xi32, #tpu.memory_space<hbm>> -> memref<40x128xi32, #tpu.memory_space<hbm>>
      tpu.wait_dma2 semaphore(%run_scoped3A_79 : memref<!tpu.dma_semaphore, #tpu.memory_space<semaphore_mem>>) src(%dma_wait3A_94 : memref<40x128xi32, #tpu.memory_space<hbm>>) dst(%arg6 : memref<40x128xi32, #tpu.memory_space<vmem>>)
      tpu.yield
    }) : () -> ()
    "tpu.region"() ({
      %run_scoped3A_79 = tpu.sem_alloc : memref<!tpu.dma_semaphore, #tpu.memory_space<semaphore_mem>>
      %dma_start3A_80 = arith.constant 40 : i32
      %dma_start3A_81 = arith.constant 0 : i32
      %dma_start3A_82 = tpu.memref_slice %arg4[%add3A, %dma_start3A_80, %dma_start3A_81] : memref<32x80x128xi32, #tpu.memory_space<hbm>> -> memref<1x40x128xi32, #tpu.memory_space<hbm>>
      %dma_start3A_83 = tpu.memref_squeeze %dma_start3A_82 : memref<1x40x128xi32, #tpu.memory_space<hbm>> -> memref<40x128xi32, #tpu.memory_space<hbm>>
      %dma_start3A_84 = arith.constant 40 : i32
      %dma_start3A_85 = arith.constant 0 : i32
      %dma_start3A_86 = tpu.memref_slice %arg4[%add3A, %dma_start3A_84, %dma_start3A_85] : memref<32x80x128xi32, #tpu.memory_space<hbm>> -> memref<1x40x128xi32, #tpu.memory_space<hbm>>
      %dma_start3A_87 = tpu.memref_squeeze %dma_start3A_86 : memref<1x40x128xi32, #tpu.memory_space<hbm>> -> memref<40x128xi32, #tpu.memory_space<hbm>>
      tpu.enqueue_dma source(%dma_start3A_87 : memref<40x128xi32, #tpu.memory_space<hbm>>) target(%arg7 : memref<40x128xi32, #tpu.memory_space<vmem>>) target_semaphore(%run_scoped3A_79 : memref<!tpu.dma_semaphore, #tpu.memory_space<semaphore_mem>>)
      %dma_wait3A = arith.constant 40 : i32
      %dma_wait3A_88 = arith.constant 0 : i32
      %dma_wait3A_89 = tpu.memref_slice %arg4[%add3A, %dma_wait3A, %dma_wait3A_88] : memref<32x80x128xi32, #tpu.memory_space<hbm>> -> memref<1x40x128xi32, #tpu.memory_space<hbm>>
      %dma_wait3A_90 = tpu.memref_squeeze %dma_wait3A_89 : memref<1x40x128xi32, #tpu.memory_space<hbm>> -> memref<40x128xi32, #tpu.memory_space<hbm>>
      %dma_wait3A_91 = arith.constant 40 : i32
      %dma_wait3A_92 = arith.constant 0 : i32
      %dma_wait3A_93 = tpu.memref_slice %arg4[%add3A, %dma_wait3A_91, %dma_wait3A_92] : memref<32x80x128xi32, #tpu.memory_space<hbm>> -> memref<1x40x128xi32, #tpu.memory_space<hbm>>
      %dma_wait3A_94 = tpu.memref_squeeze %dma_wait3A_93 : memref<1x40x128xi32, #tpu.memory_space<hbm>> -> memref<40x128xi32, #tpu.memory_space<hbm>>
      tpu.wait_dma2 semaphore(%run_scoped3A_79 : memref<!tpu.dma_semaphore, #tpu.memory_space<semaphore_mem>>) src(%dma_wait3A_94 : memref<40x128xi32, #tpu.memory_space<hbm>>) dst(%arg7 : memref<40x128xi32, #tpu.memory_space<vmem>>)
      tpu.yield
    }) : () -> ()
    %dma_start3A_40 = arith.constant 0 : i32
    %dma_start3A_41 = arith.constant 0 : i32
    %dma_start3A_42 = arith.constant 0 : i32
    %dma_start3A_43 = arith.constant 0 : i32
    %dma_start3A_44 = tpu.memref_slice %arg8[%dma_start3A_41, %dma_start3A_42, %dma_start3A_43] : memref<2x128x128xf32, #tpu.memory_space<vmem>> -> memref<1x128x128xf32, #tpu.memory_space<vmem>>
    %dma_start3A_45 = tpu.memref_squeeze %dma_start3A_44 : memref<1x128x128xf32, #tpu.memory_space<vmem>> -> memref<128x128xf32, #tpu.memory_space<vmem>>
    %dma_start3A_46 = arith.constant 0 : i32
    %dma_start3A_47 = tpu.memref_slice %arg6[%dma_start3A_40, %dma_start3A_46] : memref<40x128xi32, #tpu.memory_space<vmem>> -> memref<1x128xi32, #tpu.memory_space<vmem>>
    %dma_start3A_48 = tpu.memref_squeeze %dma_start3A_47 : memref<1x128xi32, #tpu.memory_space<vmem>> -> memref<128xi32, #tpu.memory_space<vmem>>
    %dma_start3A_49 = arith.constant 0 : i32
    %dma_start3A_50 = arith.constant 0 : i32
    %dma_start3A_51 = tpu.memref_slice %arg2[%dma_start3A_49, %dma_start3A_50] : memref<10112x128xf32, #tpu.memory_space<hbm>> -> memref<10112x128xf32, #tpu.memory_space<hbm>>
    tpu.enqueue_indirect_dma source(%dma_start3A_51 : memref<10112x128xf32, #tpu.memory_space<hbm>>) target(%dma_start3A_45 : memref<128x128xf32, #tpu.memory_space<vmem>>) offsets(%dma_start3A_48 : memref<128xi32, #tpu.memory_space<vmem>>) semaphore(%arg10 : memref<!tpu.dma_semaphore, #tpu.memory_space<semaphore_mem>>)
    %scan3A_52 = arith.constant 0 : i32
    %scan3A_53 = arith.constant 0 : i32
    %scan3A_54 = arith.constant 20 : i32
    %scan3A_55 = arith.addi %scan3A_53, %scan3A_54 : i32
    %scan3A_56 = arith.constant 1 : i32
    scf.for %scan3A_79 = %scan3A_53 to %scan3A_55 step %scan3A_56  : i32 {
      %mul3A_80 = arith.constant 2 : i32
      %mul3A_81 = arith.muli %mul3A_80, %scan3A_79 : i32
      %dma_wait3A = arith.constant 0 : i32
      %dma_wait3A_82 = arith.constant 0 : i32
      %dma_wait3A_83 = arith.constant 0 : i32
      %dma_wait3A_84 = arith.constant 0 : i32
      %dma_wait3A_85 = tpu.memref_slice %arg8[%dma_wait3A_82, %dma_wait3A_83, %dma_wait3A_84] : memref<2x128x128xf32, #tpu.memory_space<vmem>> -> memref<1x128x128xf32, #tpu.memory_space<vmem>>
      %dma_wait3A_86 = tpu.memref_squeeze %dma_wait3A_85 : memref<1x128x128xf32, #tpu.memory_space<vmem>> -> memref<128x128xf32, #tpu.memory_space<vmem>>
      %dma_wait3A_87 = arith.constant 0 : i32
      %dma_wait3A_88 = tpu.memref_slice %arg6[%dma_wait3A, %dma_wait3A_87] : memref<40x128xi32, #tpu.memory_space<vmem>> -> memref<1x128xi32, #tpu.memory_space<vmem>>
      %dma_wait3A_89 = tpu.memref_squeeze %dma_wait3A_88 : memref<1x128xi32, #tpu.memory_space<vmem>> -> memref<128xi32, #tpu.memory_space<vmem>>
      %dma_wait3A_90 = arith.constant 0 : i32
      %dma_wait3A_91 = arith.constant 0 : i32
      %dma_wait3A_92 = tpu.memref_slice %arg2[%dma_wait3A_90, %dma_wait3A_91] : memref<10112x128xf32, #tpu.memory_space<hbm>> -> memref<10112x128xf32, #tpu.memory_space<hbm>>
      tpu.wait_indirect_dma semaphore(%arg10 : memref<!tpu.dma_semaphore, #tpu.memory_space<semaphore_mem>>) src(%dma_wait3A_92 : memref<10112x128xf32, #tpu.memory_space<hbm>>) dst(%dma_wait3A_86 : memref<128x128xf32, #tpu.memory_space<vmem>>)
      %add3A_93 = arith.constant 1 : i32
      %add3A_94 = arith.addi %mul3A_81, %add3A_93 : i32
      %dma_start3A_95 = arith.constant 1 : i32
      %dma_start3A_96 = arith.constant 0 : i32
      %dma_start3A_97 = arith.constant 0 : i32
      %dma_start3A_98 = tpu.memref_slice %arg8[%dma_start3A_95, %dma_start3A_96, %dma_start3A_97] : memref<2x128x128xf32, #tpu.memory_space<vmem>> -> memref<1x128x128xf32, #tpu.memory_space<vmem>>
      %dma_start3A_99 = tpu.memref_squeeze %dma_start3A_98 : memref<1x128x128xf32, #tpu.memory_space<vmem>> -> memref<128x128xf32, #tpu.memory_space<vmem>>
      %dma_start3A_100 = arith.constant 0 : i32
      %dma_start3A_101 = tpu.memref_slice %arg6[%add3A_94, %dma_start3A_100] : memref<40x128xi32, #tpu.memory_space<vmem>> -> memref<1x128xi32, #tpu.memory_space<vmem>>
      %dma_start3A_102 = tpu.memref_squeeze %dma_start3A_101 : memref<1x128xi32, #tpu.memory_space<vmem>> -> memref<128xi32, #tpu.memory_space<vmem>>
      %dma_start3A_103 = arith.constant 0 : i32
      %dma_start3A_104 = arith.constant 0 : i32
      %dma_start3A_105 = tpu.memref_slice %arg2[%dma_start3A_103, %dma_start3A_104] : memref<10112x128xf32, #tpu.memory_space<hbm>> -> memref<10112x128xf32, #tpu.memory_space<hbm>>
      tpu.enqueue_indirect_dma source(%dma_start3A_105 : memref<10112x128xf32, #tpu.memory_space<hbm>>) target(%dma_start3A_99 : memref<128x128xf32, #tpu.memory_space<vmem>>) offsets(%dma_start3A_102 : memref<128xi32, #tpu.memory_space<vmem>>) semaphore(%arg10 : memref<!tpu.dma_semaphore, #tpu.memory_space<semaphore_mem>>)
      %run_scoped3A_106 = arith.constant 0 : i32
      "tpu.region"() ({
        %run_scoped3A_124 = tpu.sem_alloc : memref<!tpu.dma_semaphore, #tpu.memory_space<semaphore_mem>>
        %dma_start3A_125 = arith.constant 0 : i32
        %dma_start3A_126 = arith.constant 0 : i32
        %dma_start3A_127 = tpu.memref_slice %arg8[%run_scoped3A_106, %dma_start3A_125, %dma_start3A_126] : memref<2x128x128xf32, #tpu.memory_space<vmem>> -> memref<1x128x128xf32, #tpu.memory_space<vmem>>
        %dma_start3A_128 = tpu.memref_squeeze %dma_start3A_127 : memref<1x128x128xf32, #tpu.memory_space<vmem>> -> memref<128x128xf32, #tpu.memory_space<vmem>>
        %dma_start3A_129 = arith.constant 0 : i32
        %dma_start3A_130 = tpu.memref_slice %arg7[%mul3A_81, %dma_start3A_129] : memref<40x128xi32, #tpu.memory_space<vmem>> -> memref<1x128xi32, #tpu.memory_space<vmem>>
        %dma_start3A_131 = tpu.memref_squeeze %dma_start3A_130 : memref<1x128xi32, #tpu.memory_space<vmem>> -> memref<128xi32, #tpu.memory_space<vmem>>
        %dma_start3A_132 = arith.constant 0 : i32
        %dma_start3A_133 = arith.constant 0 : i32
        %dma_start3A_134 = tpu.memref_slice %arg9[%dma_start3A_132, %dma_start3A_133] : memref<10112x128xf32, #tpu.memory_space<vmem_shared>> -> memref<10112x128xf32, #tpu.memory_space<vmem_shared>>
        tpu.enqueue_indirect_dma source(%dma_start3A_128 : memref<128x128xf32, #tpu.memory_space<vmem>>) target(%dma_start3A_134 : memref<10112x128xf32, #tpu.memory_space<vmem_shared>>) offsets(%dma_start3A_131 : memref<128xi32, #tpu.memory_space<vmem>>) semaphore(%run_scoped3A_124 : memref<!tpu.dma_semaphore, #tpu.memory_space<semaphore_mem>>) {add = true}
        %dma_wait3A_135 = arith.constant 0 : i32
        %dma_wait3A_136 = arith.constant 0 : i32
        %dma_wait3A_137 = tpu.memref_slice %arg8[%run_scoped3A_106, %dma_wait3A_135, %dma_wait3A_136] : memref<2x128x128xf32, #tpu.memory_space<vmem>> -> memref<1x128x128xf32, #tpu.memory_space<vmem>>
        %dma_wait3A_138 = tpu.memref_squeeze %dma_wait3A_137 : memref<1x128x128xf32, #tpu.memory_space<vmem>> -> memref<128x128xf32, #tpu.memory_space<vmem>>
        %dma_wait3A_139 = arith.constant 0 : i32
        %dma_wait3A_140 = tpu.memref_slice %arg7[%mul3A_81, %dma_wait3A_139] : memref<40x128xi32, #tpu.memory_space<vmem>> -> memref<1x128xi32, #tpu.memory_space<vmem>>
        %dma_wait3A_141 = tpu.memref_squeeze %dma_wait3A_140 : memref<1x128xi32, #tpu.memory_space<vmem>> -> memref<128xi32, #tpu.memory_space<vmem>>
        %dma_wait3A_142 = arith.constant 0 : i32
        %dma_wait3A_143 = arith.constant 0 : i32
        %dma_wait3A_144 = tpu.memref_slice %arg9[%dma_wait3A_142, %dma_wait3A_143] : memref<10112x128xf32, #tpu.memory_space<vmem_shared>> -> memref<10112x128xf32, #tpu.memory_space<vmem_shared>>
        tpu.wait_indirect_dma semaphore(%run_scoped3A_124 : memref<!tpu.dma_semaphore, #tpu.memory_space<semaphore_mem>>) src(%dma_wait3A_138 : memref<128x128xf32, #tpu.memory_space<vmem>>) dst(%dma_wait3A_144 : memref<10112x128xf32, #tpu.memory_space<vmem_shared>>)
        tpu.yield
      }) : () -> ()
      %dma_wait3A_107 = arith.constant 0 : i32
      %dma_wait3A_108 = arith.constant 1 : i32
      %dma_wait3A_109 = arith.constant 0 : i32
      %dma_wait3A_110 = arith.constant 0 : i32
      %dma_wait3A_111 = tpu.memref_slice %arg8[%dma_wait3A_108, %dma_wait3A_109, %dma_wait3A_110] : memref<2x128x128xf32, #tpu.memory_space<vmem>> -> memref<1x128x128xf32, #tpu.memory_space<vmem>>
      %dma_wait3A_112 = tpu.memref_squeeze %dma_wait3A_111 : memref<1x128x128xf32, #tpu.memory_space<vmem>> -> memref<128x128xf32, #tpu.memory_space<vmem>>
      %dma_wait3A_113 = arith.constant 0 : i32
      %dma_wait3A_114 = tpu.memref_slice %arg6[%dma_wait3A_107, %dma_wait3A_113] : memref<40x128xi32, #tpu.memory_space<vmem>> -> memref<1x128xi32, #tpu.memory_space<vmem>>
      %dma_wait3A_115 = tpu.memref_squeeze %dma_wait3A_114 : memref<1x128xi32, #tpu.memory_space<vmem>> -> memref<128xi32, #tpu.memory_space<vmem>>
      %dma_wait3A_116 = arith.constant 0 : i32
      %dma_wait3A_117 = arith.constant 0 : i32
      %dma_wait3A_118 = tpu.memref_slice %arg2[%dma_wait3A_116, %dma_wait3A_117] : memref<10112x128xf32, #tpu.memory_space<hbm>> -> memref<10112x128xf32, #tpu.memory_space<hbm>>
      tpu.wait_indirect_dma semaphore(%arg10 : memref<!tpu.dma_semaphore, #tpu.memory_space<semaphore_mem>>) src(%dma_wait3A_118 : memref<10112x128xf32, #tpu.memory_space<hbm>>) dst(%dma_wait3A_112 : memref<128x128xf32, #tpu.memory_space<vmem>>)
      %lt3A = arith.constant 19 : i32
      %lt3A_119 = arith.cmpi slt, %scan3A_79, %lt3A : i32
      %convert_element_type3A = arith.extui %lt3A_119 : i1 to i32
      %cond3A = arith.constant 0 : i32
      %cond3A_120 = arith.cmpi ne, %convert_element_type3A, %cond3A : i32
      scf.if %cond3A_120 {
        %add3A_124 = arith.constant 2 : i32
        %add3A_125 = arith.addi %mul3A_81, %add3A_124 : i32
        %dma_start3A_126 = arith.constant 0 : i32
        %dma_start3A_127 = arith.constant 0 : i32
        %dma_start3A_128 = arith.constant 0 : i32
        %dma_start3A_129 = tpu.memref_slice %arg8[%dma_start3A_126, %dma_start3A_127, %dma_start3A_128] : memref<2x128x128xf32, #tpu.memory_space<vmem>> -> memref<1x128x128xf32, #tpu.memory_space<vmem>>
        %dma_start3A_130 = tpu.memref_squeeze %dma_start3A_129 : memref<1x128x128xf32, #tpu.memory_space<vmem>> -> memref<128x128xf32, #tpu.memory_space<vmem>>
        %dma_start3A_131 = arith.constant 0 : i32
        %dma_start3A_132 = tpu.memref_slice %arg6[%add3A_125, %dma_start3A_131] : memref<40x128xi32, #tpu.memory_space<vmem>> -> memref<1x128xi32, #tpu.memory_space<vmem>>
        %dma_start3A_133 = tpu.memref_squeeze %dma_start3A_132 : memref<1x128xi32, #tpu.memory_space<vmem>> -> memref<128xi32, #tpu.memory_space<vmem>>
        %dma_start3A_134 = arith.constant 0 : i32
        %dma_start3A_135 = arith.constant 0 : i32
        %dma_start3A_136 = tpu.memref_slice %arg2[%dma_start3A_134, %dma_start3A_135] : memref<10112x128xf32, #tpu.memory_space<hbm>> -> memref<10112x128xf32, #tpu.memory_space<hbm>>
        tpu.enqueue_indirect_dma source(%dma_start3A_136 : memref<10112x128xf32, #tpu.memory_space<hbm>>) target(%dma_start3A_130 : memref<128x128xf32, #tpu.memory_space<vmem>>) offsets(%dma_start3A_133 : memref<128xi32, #tpu.memory_space<vmem>>) semaphore(%arg10 : memref<!tpu.dma_semaphore, #tpu.memory_space<semaphore_mem>>)
      } else {
      }
      %add3A_121 = arith.constant 1 : i32
      %add3A_122 = arith.addi %mul3A_81, %add3A_121 : i32
      %run_scoped3A_123 = arith.constant 1 : i32
      "tpu.region"() ({
        %run_scoped3A_124 = tpu.sem_alloc : memref<!tpu.dma_semaphore, #tpu.memory_space<semaphore_mem>>
        %dma_start3A_125 = arith.constant 0 : i32
        %dma_start3A_126 = arith.constant 0 : i32
        %dma_start3A_127 = tpu.memref_slice %arg8[%run_scoped3A_123, %dma_start3A_125, %dma_start3A_126] : memref<2x128x128xf32, #tpu.memory_space<vmem>> -> memref<1x128x128xf32, #tpu.memory_space<vmem>>
        %dma_start3A_128 = tpu.memref_squeeze %dma_start3A_127 : memref<1x128x128xf32, #tpu.memory_space<vmem>> -> memref<128x128xf32, #tpu.memory_space<vmem>>
        %dma_start3A_129 = arith.constant 0 : i32
        %dma_start3A_130 = tpu.memref_slice %arg7[%add3A_122, %dma_start3A_129] : memref<40x128xi32, #tpu.memory_space<vmem>> -> memref<1x128xi32, #tpu.memory_space<vmem>>
        %dma_start3A_131 = tpu.memref_squeeze %dma_start3A_130 : memref<1x128xi32, #tpu.memory_space<vmem>> -> memref<128xi32, #tpu.memory_space<vmem>>
        %dma_start3A_132 = arith.constant 0 : i32
        %dma_start3A_133 = arith.constant 0 : i32
        %dma_start3A_134 = tpu.memref_slice %arg9[%dma_start3A_132, %dma_start3A_133] : memref<10112x128xf32, #tpu.memory_space<vmem_shared>> -> memref<10112x128xf32, #tpu.memory_space<vmem_shared>>
        tpu.enqueue_indirect_dma source(%dma_start3A_128 : memref<128x128xf32, #tpu.memory_space<vmem>>) target(%dma_start3A_134 : memref<10112x128xf32, #tpu.memory_space<vmem_shared>>) offsets(%dma_start3A_131 : memref<128xi32, #tpu.memory_space<vmem>>) semaphore(%run_scoped3A_124 : memref<!tpu.dma_semaphore, #tpu.memory_space<semaphore_mem>>) {add = true}
        %dma_wait3A_135 = arith.constant 0 : i32
        %dma_wait3A_136 = arith.constant 0 : i32
        %dma_wait3A_137 = tpu.memref_slice %arg8[%run_scoped3A_123, %dma_wait3A_135, %dma_wait3A_136] : memref<2x128x128xf32, #tpu.memory_space<vmem>> -> memref<1x128x128xf32, #tpu.memory_space<vmem>>
        %dma_wait3A_138 = tpu.memref_squeeze %dma_wait3A_137 : memref<1x128x128xf32, #tpu.memory_space<vmem>> -> memref<128x128xf32, #tpu.memory_space<vmem>>
        %dma_wait3A_139 = arith.constant 0 : i32
        %dma_wait3A_140 = tpu.memref_slice %arg7[%add3A_122, %dma_wait3A_139] : memref<40x128xi32, #tpu.memory_space<vmem>> -> memref<1x128xi32, #tpu.memory_space<vmem>>
        %dma_wait3A_141 = tpu.memref_squeeze %dma_wait3A_140 : memref<1x128xi32, #tpu.memory_space<vmem>> -> memref<128xi32, #tpu.memory_space<vmem>>
        %dma_wait3A_142 = arith.constant 0 : i32
        %dma_wait3A_143 = arith.constant 0 : i32
        %dma_wait3A_144 = tpu.memref_slice %arg9[%dma_wait3A_142, %dma_wait3A_143] : memref<10112x128xf32, #tpu.memory_space<vmem_shared>> -> memref<10112x128xf32, #tpu.memory_space<vmem_shared>>
        tpu.wait_indirect_dma semaphore(%run_scoped3A_124 : memref<!tpu.dma_semaphore, #tpu.memory_space<semaphore_mem>>) src(%dma_wait3A_138 : memref<128x128xf32, #tpu.memory_space<vmem>>) dst(%dma_wait3A_144 : memref<10112x128xf32, #tpu.memory_space<vmem_shared>>)
        tpu.yield
      }) : () -> ()
    }
    %scan3A_57 = arith.constant 20 : i32
    %barrier3A_58 = arith.constant 0 : index
    tpu.barrier barrier_id(%barrier3A_58)
    %add3A_59 = arith.constant 0 : i32
    %add3A_60 = arith.addi %mul3A_8, %add3A_59 : i32
    %add3A_61 = arith.constant 0 : i32
    %add3A_62 = arith.addi %mul3A_8, %add3A_61 : i32
    "tpu.region"() ({
      %run_scoped3A_79 = tpu.sem_alloc : memref<!tpu.dma_semaphore, #tpu.memory_space<semaphore_mem>>
      %dma_start3A_80 = arith.constant 0 : i32
      %dma_start3A_81 = tpu.memref_slice %arg5[%arg0, %add3A_62, %dma_start3A_80] : memref<2x10112x128xf32, #tpu.memory_space<hbm>> -> memref<1x128x128xf32, #tpu.memory_space<hbm>>
      %dma_start3A_82 = tpu.memref_squeeze %dma_start3A_81 : memref<1x128x128xf32, #tpu.memory_space<hbm>> -> memref<128x128xf32, #tpu.memory_space<hbm>>
      %dma_start3A_83 = arith.constant 0 : i32
      %dma_start3A_84 = tpu.memref_slice %arg9[%add3A_60, %dma_start3A_83] : memref<10112x128xf32, #tpu.memory_space<vmem_shared>> -> memref<128x128xf32, #tpu.memory_space<vmem_shared>>
      tpu.enqueue_dma source(%dma_start3A_84 : memref<128x128xf32, #tpu.memory_space<vmem_shared>>) target(%dma_start3A_82 : memref<128x128xf32, #tpu.memory_space<hbm>>) target_semaphore(%run_scoped3A_79 : memref<!tpu.dma_semaphore, #tpu.memory_space<semaphore_mem>>)
      %dma_wait3A = arith.constant 0 : i32
      %dma_wait3A_85 = tpu.memref_slice %arg5[%arg0, %add3A_62, %dma_wait3A] : memref<2x10112x128xf32, #tpu.memory_space<hbm>> -> memref<1x128x128xf32, #tpu.memory_space<hbm>>
      %dma_wait3A_86 = tpu.memref_squeeze %dma_wait3A_85 : memref<1x128x128xf32, #tpu.memory_space<hbm>> -> memref<128x128xf32, #tpu.memory_space<hbm>>
      %dma_wait3A_87 = arith.constant 0 : i32
      %dma_wait3A_88 = tpu.memref_slice %arg9[%add3A_60, %dma_wait3A_87] : memref<10112x128xf32, #tpu.memory_space<vmem_shared>> -> memref<128x128xf32, #tpu.memory_space<vmem_shared>>
      tpu.wait_dma2 semaphore(%run_scoped3A_79 : memref<!tpu.dma_semaphore, #tpu.memory_space<semaphore_mem>>) src(%dma_wait3A_88 : memref<128x128xf32, #tpu.memory_space<vmem_shared>>) dst(%dma_wait3A_86 : memref<128x128xf32, #tpu.memory_space<hbm>>)
      tpu.yield
    }) : () -> ()
    %add3A_63 = arith.constant 128 : i32
    %add3A_64 = arith.addi %mul3A_8, %add3A_63 : i32
    %add3A_65 = arith.constant 128 : i32
    %add3A_66 = arith.addi %mul3A_8, %add3A_65 : i32
    "tpu.region"() ({
      %run_scoped3A_79 = tpu.sem_alloc : memref<!tpu.dma_semaphore, #tpu.memory_space<semaphore_mem>>
      %dma_start3A_80 = arith.constant 0 : i32
      %dma_start3A_81 = tpu.memref_slice %arg5[%arg0, %add3A_66, %dma_start3A_80] : memref<2x10112x128xf32, #tpu.memory_space<hbm>> -> memref<1x128x128xf32, #tpu.memory_space<hbm>>
      %dma_start3A_82 = tpu.memref_squeeze %dma_start3A_81 : memref<1x128x128xf32, #tpu.memory_space<hbm>> -> memref<128x128xf32, #tpu.memory_space<hbm>>
      %dma_start3A_83 = arith.constant 0 : i32
      %dma_start3A_84 = tpu.memref_slice %arg9[%add3A_64, %dma_start3A_83] : memref<10112x128xf32, #tpu.memory_space<vmem_shared>> -> memref<128x128xf32, #tpu.memory_space<vmem_shared>>
      tpu.enqueue_dma source(%dma_start3A_84 : memref<128x128xf32, #tpu.memory_space<vmem_shared>>) target(%dma_start3A_82 : memref<128x128xf32, #tpu.memory_space<hbm>>) target_semaphore(%run_scoped3A_79 : memref<!tpu.dma_semaphore, #tpu.memory_space<semaphore_mem>>)
      %dma_wait3A = arith.constant 0 : i32
      %dma_wait3A_85 = tpu.memref_slice %arg5[%arg0, %add3A_66, %dma_wait3A] : memref<2x10112x128xf32, #tpu.memory_space<hbm>> -> memref<1x128x128xf32, #tpu.memory_space<hbm>>
      %dma_wait3A_86 = tpu.memref_squeeze %dma_wait3A_85 : memref<1x128x128xf32, #tpu.memory_space<hbm>> -> memref<128x128xf32, #tpu.memory_space<hbm>>
      %dma_wait3A_87 = arith.constant 0 : i32
      %dma_wait3A_88 = tpu.memref_slice %arg9[%add3A_64, %dma_wait3A_87] : memref<10112x128xf32, #tpu.memory_space<vmem_shared>> -> memref<128x128xf32, #tpu.memory_space<vmem_shared>>
      tpu.wait_dma2 semaphore(%run_scoped3A_79 : memref<!tpu.dma_semaphore, #tpu.memory_space<semaphore_mem>>) src(%dma_wait3A_88 : memref<128x128xf32, #tpu.memory_space<vmem_shared>>) dst(%dma_wait3A_86 : memref<128x128xf32, #tpu.memory_space<hbm>>)
      tpu.yield
    }) : () -> ()
    %add3A_67 = arith.constant 256 : i32
    %add3A_68 = arith.addi %mul3A_8, %add3A_67 : i32
    %add3A_69 = arith.constant 256 : i32
    %add3A_70 = arith.addi %mul3A_8, %add3A_69 : i32
    "tpu.region"() ({
      %run_scoped3A_79 = tpu.sem_alloc : memref<!tpu.dma_semaphore, #tpu.memory_space<semaphore_mem>>
      %dma_start3A_80 = arith.constant 0 : i32
      %dma_start3A_81 = tpu.memref_slice %arg5[%arg0, %add3A_70, %dma_start3A_80] : memref<2x10112x128xf32, #tpu.memory_space<hbm>> -> memref<1x128x128xf32, #tpu.memory_space<hbm>>
      %dma_start3A_82 = tpu.memref_squeeze %dma_start3A_81 : memref<1x128x128xf32, #tpu.memory_space<hbm>> -> memref<128x128xf32, #tpu.memory_space<hbm>>
      %dma_start3A_83 = arith.constant 0 : i32
      %dma_start3A_84 = tpu.memref_slice %arg9[%add3A_68, %dma_start3A_83] : memref<10112x128xf32, #tpu.memory_space<vmem_shared>> -> memref<128x128xf32, #tpu.memory_space<vmem_shared>>
      tpu.enqueue_dma source(%dma_start3A_84 : memref<128x128xf32, #tpu.memory_space<vmem_shared>>) target(%dma_start3A_82 : memref<128x128xf32, #tpu.memory_space<hbm>>) target_semaphore(%run_scoped3A_79 : memref<!tpu.dma_semaphore, #tpu.memory_space<semaphore_mem>>)
      %dma_wait3A = arith.constant 0 : i32
      %dma_wait3A_85 = tpu.memref_slice %arg5[%arg0, %add3A_70, %dma_wait3A] : memref<2x10112x128xf32, #tpu.memory_space<hbm>> -> memref<1x128x128xf32, #tpu.memory_space<hbm>>
      %dma_wait3A_86 = tpu.memref_squeeze %dma_wait3A_85 : memref<1x128x128xf32, #tpu.memory_space<hbm>> -> memref<128x128xf32, #tpu.memory_space<hbm>>
      %dma_wait3A_87 = arith.constant 0 : i32
      %dma_wait3A_88 = tpu.memref_slice %arg9[%add3A_68, %dma_wait3A_87] : memref<10112x128xf32, #tpu.memory_space<vmem_shared>> -> memref<128x128xf32, #tpu.memory_space<vmem_shared>>
      tpu.wait_dma2 semaphore(%run_scoped3A_79 : memref<!tpu.dma_semaphore, #tpu.memory_space<semaphore_mem>>) src(%dma_wait3A_88 : memref<128x128xf32, #tpu.memory_space<vmem_shared>>) dst(%dma_wait3A_86 : memref<128x128xf32, #tpu.memory_space<hbm>>)
      tpu.yield
    }) : () -> ()
    %add3A_71 = arith.constant 384 : i32
    %add3A_72 = arith.addi %mul3A_8, %add3A_71 : i32
    %add3A_73 = arith.constant 384 : i32
    %add3A_74 = arith.addi %mul3A_8, %add3A_73 : i32
    "tpu.region"() ({
      %run_scoped3A_79 = tpu.sem_alloc : memref<!tpu.dma_semaphore, #tpu.memory_space<semaphore_mem>>
      %dma_start3A_80 = arith.constant 0 : i32
      %dma_start3A_81 = tpu.memref_slice %arg5[%arg0, %add3A_74, %dma_start3A_80] : memref<2x10112x128xf32, #tpu.memory_space<hbm>> -> memref<1x128x128xf32, #tpu.memory_space<hbm>>
      %dma_start3A_82 = tpu.memref_squeeze %dma_start3A_81 : memref<1x128x128xf32, #tpu.memory_space<hbm>> -> memref<128x128xf32, #tpu.memory_space<hbm>>
      %dma_start3A_83 = arith.constant 0 : i32
      %dma_start3A_84 = tpu.memref_slice %arg9[%add3A_72, %dma_start3A_83] : memref<10112x128xf32, #tpu.memory_space<vmem_shared>> -> memref<128x128xf32, #tpu.memory_space<vmem_shared>>
      tpu.enqueue_dma source(%dma_start3A_84 : memref<128x128xf32, #tpu.memory_space<vmem_shared>>) target(%dma_start3A_82 : memref<128x128xf32, #tpu.memory_space<hbm>>) target_semaphore(%run_scoped3A_79 : memref<!tpu.dma_semaphore, #tpu.memory_space<semaphore_mem>>)
      %dma_wait3A = arith.constant 0 : i32
      %dma_wait3A_85 = tpu.memref_slice %arg5[%arg0, %add3A_74, %dma_wait3A] : memref<2x10112x128xf32, #tpu.memory_space<hbm>> -> memref<1x128x128xf32, #tpu.memory_space<hbm>>
      %dma_wait3A_86 = tpu.memref_squeeze %dma_wait3A_85 : memref<1x128x128xf32, #tpu.memory_space<hbm>> -> memref<128x128xf32, #tpu.memory_space<hbm>>
      %dma_wait3A_87 = arith.constant 0 : i32
      %dma_wait3A_88 = tpu.memref_slice %arg9[%add3A_72, %dma_wait3A_87] : memref<10112x128xf32, #tpu.memory_space<vmem_shared>> -> memref<128x128xf32, #tpu.memory_space<vmem_shared>>
      tpu.wait_dma2 semaphore(%run_scoped3A_79 : memref<!tpu.dma_semaphore, #tpu.memory_space<semaphore_mem>>) src(%dma_wait3A_88 : memref<128x128xf32, #tpu.memory_space<vmem_shared>>) dst(%dma_wait3A_86 : memref<128x128xf32, #tpu.memory_space<hbm>>)
      tpu.yield
    }) : () -> ()
    %add3A_75 = arith.constant 512 : i32
    %add3A_76 = arith.addi %mul3A_8, %add3A_75 : i32
    %add3A_77 = arith.constant 512 : i32
    %add3A_78 = arith.addi %mul3A_8, %add3A_77 : i32
    "tpu.region"() ({
      %run_scoped3A_79 = tpu.sem_alloc : memref<!tpu.dma_semaphore, #tpu.memory_space<semaphore_mem>>
      %dma_start3A_80 = arith.constant 0 : i32
      %dma_start3A_81 = tpu.memref_slice %arg5[%arg0, %add3A_78, %dma_start3A_80] : memref<2x10112x128xf32, #tpu.memory_space<hbm>> -> memref<1x120x128xf32, #tpu.memory_space<hbm>>
      %dma_start3A_82 = tpu.memref_squeeze %dma_start3A_81 : memref<1x120x128xf32, #tpu.memory_space<hbm>> -> memref<120x128xf32, #tpu.memory_space<hbm>>
      %dma_start3A_83 = arith.constant 0 : i32
      %dma_start3A_84 = tpu.memref_slice %arg9[%add3A_76, %dma_start3A_83] : memref<10112x128xf32, #tpu.memory_space<vmem_shared>> -> memref<120x128xf32, #tpu.memory_space<vmem_shared>>
      tpu.enqueue_dma source(%dma_start3A_84 : memref<120x128xf32, #tpu.memory_space<vmem_shared>>) target(%dma_start3A_82 : memref<120x128xf32, #tpu.memory_space<hbm>>) target_semaphore(%run_scoped3A_79 : memref<!tpu.dma_semaphore, #tpu.memory_space<semaphore_mem>>)
      %dma_wait3A = arith.constant 0 : i32
      %dma_wait3A_85 = tpu.memref_slice %arg5[%arg0, %add3A_78, %dma_wait3A] : memref<2x10112x128xf32, #tpu.memory_space<hbm>> -> memref<1x120x128xf32, #tpu.memory_space<hbm>>
      %dma_wait3A_86 = tpu.memref_squeeze %dma_wait3A_85 : memref<1x120x128xf32, #tpu.memory_space<hbm>> -> memref<120x128xf32, #tpu.memory_space<hbm>>
      %dma_wait3A_87 = arith.constant 0 : i32
      %dma_wait3A_88 = tpu.memref_slice %arg9[%add3A_76, %dma_wait3A_87] : memref<10112x128xf32, #tpu.memory_space<vmem_shared>> -> memref<120x128xf32, #tpu.memory_space<vmem_shared>>
      tpu.wait_dma2 semaphore(%run_scoped3A_79 : memref<!tpu.dma_semaphore, #tpu.memory_space<semaphore_mem>>) src(%dma_wait3A_88 : memref<120x128xf32, #tpu.memory_space<vmem_shared>>) dst(%dma_wait3A_86 : memref<120x128xf32, #tpu.memory_space<hbm>>)
      tpu.yield
    }) : () -> ()
    return
  }
}

module attributes {stable_mosaic.version = 14 : i64} {
  func.func @_tc_prep_body(%arg0: memref<10000x1xi32, #tpu.memory_space<vmem>>, %arg1: memref<28x128xf32, #tpu.memory_space<vmem>>, %arg2: memref<10000x2xf32, #tpu.memory_space<vmem>>, %arg3: memref<10000x128xf32, #tpu.memory_space<vmem>>, %arg4: memref<10112x128xf32, #tpu.memory_space<vmem>>) attributes {dimension_semantics = [], scalar_prefetch = 0 : i64, scratch_operands = 0 : i64, tpu.core_type = #tpu.core_type<tc>} {
    %get3A = arith.constant 0 : index
    %get3A_0 = arith.constant 0 : index
    %get3A_1 = vector.load %arg0[%get3A, %get3A_0] : memref<10000x1xi32, #tpu.memory_space<vmem>>, vector<10000x1xi32>
    %iota3A = tpu.iota {dimensions = array<i32: 1>} : vector<10000x28xi32>
    %eq3A = vector.broadcast %get3A_1 : vector<10000x1xi32> to vector<10000x28xi32>
    %eq3A_2 = arith.cmpi eq, %eq3A, %iota3A : vector<10000x28xi32>
    %convert_element_type3A = arith.extui %eq3A_2 : vector<10000x28xi1> to vector<10000x28xi32>
    %convert_element_type3A_3 = arith.sitofp %convert_element_type3A : vector<10000x28xi32> to vector<10000x28xf32>
    %get3A_4 = arith.constant 0 : index
    %get3A_5 = arith.constant 0 : index
    %get3A_6 = vector.load %arg1[%get3A_4, %get3A_5] : memref<28x128xf32, #tpu.memory_space<vmem>>, vector<28x128xf32>
    %dot_general3A = arith.constant dense<0.000000e+00> : vector<10000x128xf32>
    %dot_general3A_7 = tpu.matmul %convert_element_type3A_3, %get3A_6, %dot_general3A {dimension_numbers = #tpu.dot_dimension_numbers<[1], [0], [0], [1], [0, 0, 1, 1], [], []>, transpose_lhs_hint = false} : vector<10000x28xf32>, vector<28x128xf32>, vector<10000x128xf32> -> vector<10000x128xf32>
    %get3A_8 = arith.constant 0 : index
    %get3A_9 = arith.constant 0 : index
    %get3A_10 = vector.load %arg2[%get3A_8, %get3A_9] : memref<10000x2xf32, #tpu.memory_space<vmem>>, vector<10000x2xf32>
    %max3A = arith.constant 1.000000e+00 : f32
    %max3A_11 = vector.broadcast %max3A : f32 to vector<10000x2xf32>
    %max3A_12 = arith.maximumf %get3A_10, %max3A_11 : vector<10000x2xf32>
    %rsqrt3A = math.rsqrt %max3A_12 : vector<10000x2xf32>
    %swap3A = arith.constant 0 : index
    %swap3A_13 = arith.constant 0 : index
    %swap3A_14 = vector.load %arg3[%swap3A, %swap3A_13] : memref<10000x128xf32, #tpu.memory_space<vmem>>, vector<10000x128xf32>
    tpu.vector_store %arg3[%swap3A, %swap3A_13], %dot_general3A_7 {strides = array<i32>} : memref<10000x128xf32, #tpu.memory_space<vmem>>, vector<10000x128xf32>,
    %slice3A = vector.extract_strided_slice %rsqrt3A {offsets = [0, 0], sizes = [10000, 1], strides = [1, 1]} : vector<10000x2xf32> to vector<10000x1xf32>
    %mul3A = vector.broadcast %slice3A : vector<10000x1xf32> to vector<10000x128xf32>
    %mul3A_15 = arith.mulf %dot_general3A_7, %mul3A : vector<10000x128xf32>
    %swap3A_16 = arith.constant 0 : index
    %swap3A_17 = arith.constant 0 : index
    %swap3A_18 = vector.load %arg4[%swap3A_16, %swap3A_17] : memref<10112x128xf32, #tpu.memory_space<vmem>>, vector<10000x128xf32>
    tpu.vector_store %arg4[%swap3A_16, %swap3A_17], %mul3A_15 {strides = array<i32>} : memref<10112x128xf32, #tpu.memory_space<vmem>>, vector<10000x128xf32>,
    %broadcast_in_dim3A = arith.constant 0.000000e+00 : f32
    %broadcast_in_dim3A_19 = vector.broadcast %broadcast_in_dim3A : f32 to vector<112x128xf32>
    %swap3A_20 = arith.constant 10000 : index
    %swap3A_21 = arith.constant 0 : index
    %swap3A_22 = vector.load %arg4[%swap3A_20, %swap3A_21] : memref<10112x128xf32, #tpu.memory_space<vmem>>, vector<112x128xf32>
    tpu.vector_store %arg4[%swap3A_20, %swap3A_21], %broadcast_in_dim3A_19 {strides = array<i32>} : memref<10112x128xf32, #tpu.memory_space<vmem>>, vector<112x128xf32>,
    return
  }
}

module attributes {stable_mosaic.version = 14 : i64} {
  func.func @_tc_layer_body(%arg0: memref<2x10112x128xf32, #tpu.memory_space<vmem>>, %arg1: memref<10000x128xf32, #tpu.memory_space<vmem>>, %arg2: memref<10000x2xf32, #tpu.memory_space<vmem>>, %arg3: memref<128x128xf32, #tpu.memory_space<vmem>>, %arg4: memref<1x128xf32, #tpu.memory_space<vmem>>, %arg5: memref<1x128xf32, #tpu.memory_space<vmem>>, %arg6: memref<1x128xf32, #tpu.memory_space<vmem>>, %arg7: memref<10000x128xf32, #tpu.memory_space<vmem>>, %arg8: memref<10112x128xf32, #tpu.memory_space<vmem>>) attributes {dimension_semantics = [], scalar_prefetch = 0 : i64, scratch_operands = 0 : i64, tpu.core_type = #tpu.core_type<tc>} {
    %get3A = arith.constant 0 : index
    %get3A_0 = arith.constant 0 : index
    %get3A_1 = arith.constant 0 : index
    %get3A_2 = vector.load %arg0[%get3A, %get3A_0, %get3A_1] : memref<2x10112x128xf32, #tpu.memory_space<vmem>>, vector<1x10000x128xf32>
    %get3A_3 = vector.shape_cast %get3A_2 : vector<1x10000x128xf32> to vector<10000x128xf32>
    %get3A_4 = arith.constant 1 : index
    %get3A_5 = arith.constant 0 : index
    %get3A_6 = arith.constant 0 : index
    %get3A_7 = vector.load %arg0[%get3A_4, %get3A_5, %get3A_6] : memref<2x10112x128xf32, #tpu.memory_space<vmem>>, vector<1x10000x128xf32>
    %get3A_8 = vector.shape_cast %get3A_7 : vector<1x10000x128xf32> to vector<10000x128xf32>
    %add3A = arith.addf %get3A_3, %get3A_8 : vector<10000x128xf32>
    %get3A_9 = arith.constant 0 : index
    %get3A_10 = arith.constant 0 : index
    %get3A_11 = vector.load %arg2[%get3A_9, %get3A_10] : memref<10000x2xf32, #tpu.memory_space<vmem>>, vector<10000x2xf32>
    %max3A = arith.constant 1.000000e+00 : f32
    %max3A_12 = vector.broadcast %max3A : f32 to vector<10000x2xf32>
    %max3A_13 = arith.maximumf %get3A_11, %max3A_12 : vector<10000x2xf32>
    %rsqrt3A = math.rsqrt %max3A_13 : vector<10000x2xf32>
    %slice3A = vector.extract_strided_slice %rsqrt3A {offsets = [0, 1], sizes = [10000, 1], strides = [1, 1]} : vector<10000x2xf32> to vector<10000x1xf32>
    %mul3A = vector.broadcast %slice3A : vector<10000x1xf32> to vector<10000x128xf32>
    %mul3A_14 = arith.mulf %add3A, %mul3A : vector<10000x128xf32>
    %get3A_15 = arith.constant 0 : index
    %get3A_16 = arith.constant 0 : index
    %get3A_17 = vector.load %arg3[%get3A_15, %get3A_16] : memref<128x128xf32, #tpu.memory_space<vmem>>, vector<128x128xf32>
    %dot_general3A = arith.constant dense<0.000000e+00> : vector<10000x128xf32>
    %dot_general3A_18 = tpu.matmul %mul3A_14, %get3A_17, %dot_general3A {dimension_numbers = #tpu.dot_dimension_numbers<[1], [0], [0], [1], [0, 0, 1, 1], [], []>, transpose_lhs_hint = false} : vector<10000x128xf32>, vector<128x128xf32>, vector<10000x128xf32> -> vector<10000x128xf32>
    %get3A_19 = arith.constant 0 : index
    %get3A_20 = arith.constant 0 : index
    %get3A_21 = vector.load %arg4[%get3A_19, %get3A_20] : memref<1x128xf32, #tpu.memory_space<vmem>>, vector<1x128xf32>
    %add3A_22 = vector.broadcast %get3A_21 : vector<1x128xf32> to vector<10000x128xf32>
    %add3A_23 = arith.addf %dot_general3A_18, %add3A_22 : vector<10000x128xf32>
    %reduce_sum3A = arith.constant dense<0.000000e+00> : vector<128xf32>
    %reduce_sum3A_24 = vector.multi_reduction <add>, %add3A_23, %reduce_sum3A [0] : vector<10000x128xf32> to vector<128xf32>
    %broadcast_in_dim3A = vector.shape_cast %reduce_sum3A_24 : vector<128xf32> to vector<1x128xf32>
    %div3A = arith.constant 1.000000e+04 : f32
    %div3A_25 = vector.broadcast %div3A : f32 to vector<1x128xf32>
    %div3A_26 = arith.divf %broadcast_in_dim3A, %div3A_25 : vector<1x128xf32>
    %sub3A = vector.broadcast %div3A_26 : vector<1x128xf32> to vector<10000x128xf32>
    %sub3A_27 = arith.subf %add3A_23, %sub3A : vector<10000x128xf32>
    %mul3A_28 = arith.mulf %sub3A_27, %sub3A_27 : vector<10000x128xf32>
    %reduce_sum3A_29 = arith.constant dense<0.000000e+00> : vector<128xf32>
    %reduce_sum3A_30 = vector.multi_reduction <add>, %mul3A_28, %reduce_sum3A_29 [0] : vector<10000x128xf32> to vector<128xf32>
    %broadcast_in_dim3A_31 = vector.shape_cast %reduce_sum3A_30 : vector<128xf32> to vector<1x128xf32>
    %div3A_32 = arith.constant 1.000000e+04 : f32
    %div3A_33 = vector.broadcast %div3A_32 : f32 to vector<1x128xf32>
    %div3A_34 = arith.divf %broadcast_in_dim3A_31, %div3A_33 : vector<1x128xf32>
    %get3A_35 = arith.constant 0 : index
    %get3A_36 = arith.constant 0 : index
    %get3A_37 = vector.load %arg5[%get3A_35, %get3A_36] : memref<1x128xf32, #tpu.memory_space<vmem>>, vector<1x128xf32>
    %mul3A_38 = vector.broadcast %get3A_37 : vector<1x128xf32> to vector<10000x128xf32>
    %mul3A_39 = arith.mulf %mul3A_38, %sub3A_27 : vector<10000x128xf32>
    %add3A_40 = arith.constant 9.99999974E-6 : f32
    %add3A_41 = vector.broadcast %add3A_40 : f32 to vector<1x128xf32>
    %add3A_42 = arith.addf %div3A_34, %add3A_41 : vector<1x128xf32>
    %sqrt3A = math.sqrt %add3A_42 : vector<1x128xf32>
    %div3A_43 = vector.broadcast %sqrt3A : vector<1x128xf32> to vector<10000x128xf32>
    %div3A_44 = arith.divf %mul3A_39, %div3A_43 : vector<10000x128xf32>
    %get3A_45 = arith.constant 0 : index
    %get3A_46 = arith.constant 0 : index
    %get3A_47 = vector.load %arg6[%get3A_45, %get3A_46] : memref<1x128xf32, #tpu.memory_space<vmem>>, vector<1x128xf32>
    %add3A_48 = vector.broadcast %get3A_47 : vector<1x128xf32> to vector<10000x128xf32>
    %add3A_49 = arith.addf %div3A_44, %add3A_48 : vector<10000x128xf32>
    %get3A_50 = arith.constant 0 : index
    %get3A_51 = arith.constant 0 : index
    %get3A_52 = vector.load %arg1[%get3A_50, %get3A_51] : memref<10000x128xf32, #tpu.memory_space<vmem>>, vector<10000x128xf32>
    %max3A_53 = arith.constant 0.000000e+00 : f32
    %max3A_54 = vector.broadcast %max3A_53 : f32 to vector<10000x128xf32>
    %max3A_55 = arith.maximumf %add3A_49, %max3A_54 : vector<10000x128xf32>
    %add3A_56 = arith.addf %get3A_52, %max3A_55 : vector<10000x128xf32>
    %swap3A = arith.constant 0 : index
    %swap3A_57 = arith.constant 0 : index
    %swap3A_58 = vector.load %arg7[%swap3A, %swap3A_57] : memref<10000x128xf32, #tpu.memory_space<vmem>>, vector<10000x128xf32>
    tpu.vector_store %arg7[%swap3A, %swap3A_57], %add3A_56 {strides = array<i32>} : memref<10000x128xf32, #tpu.memory_space<vmem>>, vector<10000x128xf32>,
    %slice3A_59 = vector.extract_strided_slice %rsqrt3A {offsets = [0, 0], sizes = [10000, 1], strides = [1, 1]} : vector<10000x2xf32> to vector<10000x1xf32>
    %mul3A_60 = vector.broadcast %slice3A_59 : vector<10000x1xf32> to vector<10000x128xf32>
    %mul3A_61 = arith.mulf %add3A_56, %mul3A_60 : vector<10000x128xf32>
    %swap3A_62 = arith.constant 0 : index
    %swap3A_63 = arith.constant 0 : index
    %swap3A_64 = vector.load %arg8[%swap3A_62, %swap3A_63] : memref<10112x128xf32, #tpu.memory_space<vmem>>, vector<10000x128xf32>
    tpu.vector_store %arg8[%swap3A_62, %swap3A_63], %mul3A_61 {strides = array<i32>} : memref<10112x128xf32, #tpu.memory_space<vmem>>, vector<10000x128xf32>,
    %broadcast_in_dim3A_65 = arith.constant 0.000000e+00 : f32
    %broadcast_in_dim3A_66 = vector.broadcast %broadcast_in_dim3A_65 : f32 to vector<112x128xf32>
    %swap3A_67 = arith.constant 10000 : index
    %swap3A_68 = arith.constant 0 : index
    %swap3A_69 = vector.load %arg8[%swap3A_67, %swap3A_68] : memref<10112x128xf32, #tpu.memory_space<vmem>>, vector<112x128xf32>
    tpu.vector_store %arg8[%swap3A_67, %swap3A_68], %broadcast_in_dim3A_66 {strides = array<i32>} : memref<10112x128xf32, #tpu.memory_space<vmem>>, vector<112x128xf32>,
    return
  }
}

module attributes {stable_mosaic.version = 14 : i64} {
  func.func @_tc_layer_body(%arg0: memref<2x10112x128xf32, #tpu.memory_space<vmem>>, %arg1: memref<10000x128xf32, #tpu.memory_space<vmem>>, %arg2: memref<10000x2xf32, #tpu.memory_space<vmem>>, %arg3: memref<128x128xf32, #tpu.memory_space<vmem>>, %arg4: memref<1x128xf32, #tpu.memory_space<vmem>>, %arg5: memref<1x128xf32, #tpu.memory_space<vmem>>, %arg6: memref<1x128xf32, #tpu.memory_space<vmem>>, %arg7: memref<10000x128xf32, #tpu.memory_space<vmem>>, %arg8: memref<10112x128xf32, #tpu.memory_space<vmem>>) attributes {dimension_semantics = [], scalar_prefetch = 0 : i64, scratch_operands = 0 : i64, tpu.core_type = #tpu.core_type<tc>} {
    %get3A = arith.constant 0 : index
    %get3A_0 = arith.constant 0 : index
    %get3A_1 = arith.constant 0 : index
    %get3A_2 = vector.load %arg0[%get3A, %get3A_0, %get3A_1] : memref<2x10112x128xf32, #tpu.memory_space<vmem>>, vector<1x10000x128xf32>
    %get3A_3 = vector.shape_cast %get3A_2 : vector<1x10000x128xf32> to vector<10000x128xf32>
    %get3A_4 = arith.constant 1 : index
    %get3A_5 = arith.constant 0 : index
    %get3A_6 = arith.constant 0 : index
    %get3A_7 = vector.load %arg0[%get3A_4, %get3A_5, %get3A_6] : memref<2x10112x128xf32, #tpu.memory_space<vmem>>, vector<1x10000x128xf32>
    %get3A_8 = vector.shape_cast %get3A_7 : vector<1x10000x128xf32> to vector<10000x128xf32>
    %add3A = arith.addf %get3A_3, %get3A_8 : vector<10000x128xf32>
    %get3A_9 = arith.constant 0 : index
    %get3A_10 = arith.constant 0 : index
    %get3A_11 = vector.load %arg2[%get3A_9, %get3A_10] : memref<10000x2xf32, #tpu.memory_space<vmem>>, vector<10000x2xf32>
    %max3A = arith.constant 1.000000e+00 : f32
    %max3A_12 = vector.broadcast %max3A : f32 to vector<10000x2xf32>
    %max3A_13 = arith.maximumf %get3A_11, %max3A_12 : vector<10000x2xf32>
    %rsqrt3A = math.rsqrt %max3A_13 : vector<10000x2xf32>
    %slice3A = vector.extract_strided_slice %rsqrt3A {offsets = [0, 1], sizes = [10000, 1], strides = [1, 1]} : vector<10000x2xf32> to vector<10000x1xf32>
    %mul3A = vector.broadcast %slice3A : vector<10000x1xf32> to vector<10000x128xf32>
    %mul3A_14 = arith.mulf %add3A, %mul3A : vector<10000x128xf32>
    %get3A_15 = arith.constant 0 : index
    %get3A_16 = arith.constant 0 : index
    %get3A_17 = vector.load %arg3[%get3A_15, %get3A_16] : memref<128x128xf32, #tpu.memory_space<vmem>>, vector<128x128xf32>
    %dot_general3A = arith.constant dense<0.000000e+00> : vector<10000x128xf32>
    %dot_general3A_18 = tpu.matmul %mul3A_14, %get3A_17, %dot_general3A {dimension_numbers = #tpu.dot_dimension_numbers<[1], [0], [0], [1], [0, 0, 1, 1], [], []>, transpose_lhs_hint = false} : vector<10000x128xf32>, vector<128x128xf32>, vector<10000x128xf32> -> vector<10000x128xf32>
    %get3A_19 = arith.constant 0 : index
    %get3A_20 = arith.constant 0 : index
    %get3A_21 = vector.load %arg4[%get3A_19, %get3A_20] : memref<1x128xf32, #tpu.memory_space<vmem>>, vector<1x128xf32>
    %add3A_22 = vector.broadcast %get3A_21 : vector<1x128xf32> to vector<10000x128xf32>
    %add3A_23 = arith.addf %dot_general3A_18, %add3A_22 : vector<10000x128xf32>
    %reduce_sum3A = arith.constant dense<0.000000e+00> : vector<128xf32>
    %reduce_sum3A_24 = vector.multi_reduction <add>, %add3A_23, %reduce_sum3A [0] : vector<10000x128xf32> to vector<128xf32>
    %broadcast_in_dim3A = vector.shape_cast %reduce_sum3A_24 : vector<128xf32> to vector<1x128xf32>
    %div3A = arith.constant 1.000000e+04 : f32
    %div3A_25 = vector.broadcast %div3A : f32 to vector<1x128xf32>
    %div3A_26 = arith.divf %broadcast_in_dim3A, %div3A_25 : vector<1x128xf32>
    %sub3A = vector.broadcast %div3A_26 : vector<1x128xf32> to vector<10000x128xf32>
    %sub3A_27 = arith.subf %add3A_23, %sub3A : vector<10000x128xf32>
    %mul3A_28 = arith.mulf %sub3A_27, %sub3A_27 : vector<10000x128xf32>
    %reduce_sum3A_29 = arith.constant dense<0.000000e+00> : vector<128xf32>
    %reduce_sum3A_30 = vector.multi_reduction <add>, %mul3A_28, %reduce_sum3A_29 [0] : vector<10000x128xf32> to vector<128xf32>
    %broadcast_in_dim3A_31 = vector.shape_cast %reduce_sum3A_30 : vector<128xf32> to vector<1x128xf32>
    %div3A_32 = arith.constant 1.000000e+04 : f32
    %div3A_33 = vector.broadcast %div3A_32 : f32 to vector<1x128xf32>
    %div3A_34 = arith.divf %broadcast_in_dim3A_31, %div3A_33 : vector<1x128xf32>
    %get3A_35 = arith.constant 0 : index
    %get3A_36 = arith.constant 0 : index
    %get3A_37 = vector.load %arg5[%get3A_35, %get3A_36] : memref<1x128xf32, #tpu.memory_space<vmem>>, vector<1x128xf32>
    %mul3A_38 = vector.broadcast %get3A_37 : vector<1x128xf32> to vector<10000x128xf32>
    %mul3A_39 = arith.mulf %mul3A_38, %sub3A_27 : vector<10000x128xf32>
    %add3A_40 = arith.constant 9.99999974E-6 : f32
    %add3A_41 = vector.broadcast %add3A_40 : f32 to vector<1x128xf32>
    %add3A_42 = arith.addf %div3A_34, %add3A_41 : vector<1x128xf32>
    %sqrt3A = math.sqrt %add3A_42 : vector<1x128xf32>
    %div3A_43 = vector.broadcast %sqrt3A : vector<1x128xf32> to vector<10000x128xf32>
    %div3A_44 = arith.divf %mul3A_39, %div3A_43 : vector<10000x128xf32>
    %get3A_45 = arith.constant 0 : index
    %get3A_46 = arith.constant 0 : index
    %get3A_47 = vector.load %arg6[%get3A_45, %get3A_46] : memref<1x128xf32, #tpu.memory_space<vmem>>, vector<1x128xf32>
    %add3A_48 = vector.broadcast %get3A_47 : vector<1x128xf32> to vector<10000x128xf32>
    %add3A_49 = arith.addf %div3A_44, %add3A_48 : vector<10000x128xf32>
    %get3A_50 = arith.constant 0 : index
    %get3A_51 = arith.constant 0 : index
    %get3A_52 = vector.load %arg1[%get3A_50, %get3A_51] : memref<10000x128xf32, #tpu.memory_space<vmem>>, vector<10000x128xf32>
    %max3A_53 = arith.constant 0.000000e+00 : f32
    %max3A_54 = vector.broadcast %max3A_53 : f32 to vector<10000x128xf32>
    %max3A_55 = arith.maximumf %add3A_49, %max3A_54 : vector<10000x128xf32>
    %add3A_56 = arith.addf %get3A_52, %max3A_55 : vector<10000x128xf32>
    %swap3A = arith.constant 0 : index
    %swap3A_57 = arith.constant 0 : index
    %swap3A_58 = vector.load %arg7[%swap3A, %swap3A_57] : memref<10000x128xf32, #tpu.memory_space<vmem>>, vector<10000x128xf32>
    tpu.vector_store %arg7[%swap3A, %swap3A_57], %add3A_56 {strides = array<i32>} : memref<10000x128xf32, #tpu.memory_space<vmem>>, vector<10000x128xf32>,
    %slice3A_59 = vector.extract_strided_slice %rsqrt3A {offsets = [0, 0], sizes = [10000, 1], strides = [1, 1]} : vector<10000x2xf32> to vector<10000x1xf32>
    %mul3A_60 = vector.broadcast %slice3A_59 : vector<10000x1xf32> to vector<10000x128xf32>
    %mul3A_61 = arith.mulf %add3A_56, %mul3A_60 : vector<10000x128xf32>
    %swap3A_62 = arith.constant 0 : index
    %swap3A_63 = arith.constant 0 : index
    %swap3A_64 = vector.load %arg8[%swap3A_62, %swap3A_63] : memref<10112x128xf32, #tpu.memory_space<vmem>>, vector<10000x128xf32>
    tpu.vector_store %arg8[%swap3A_62, %swap3A_63], %mul3A_61 {strides = array<i32>} : memref<10112x128xf32, #tpu.memory_space<vmem>>, vector<10000x128xf32>,
    %broadcast_in_dim3A_65 = arith.constant 0.000000e+00 : f32
    %broadcast_in_dim3A_66 = vector.broadcast %broadcast_in_dim3A_65 : f32 to vector<112x128xf32>
    %swap3A_67 = arith.constant 10000 : index
    %swap3A_68 = arith.constant 0 : index
    %swap3A_69 = vector.load %arg8[%swap3A_67, %swap3A_68] : memref<10112x128xf32, #tpu.memory_space<vmem>>, vector<112x128xf32>
    tpu.vector_store %arg8[%swap3A_67, %swap3A_68], %broadcast_in_dim3A_66 {strides = array<i32>} : memref<10112x128xf32, #tpu.memory_space<vmem>>, vector<112x128xf32>,
    return
  }
}

module attributes {stable_mosaic.version = 14 : i64} {
  func.func @_tc_readout_body(%arg0: memref<10000x128xf32, #tpu.memory_space<vmem>>, %arg1: memref<128x64xf32, #tpu.memory_space<vmem>>, %arg2: memref<1x64xf32, #tpu.memory_space<vmem>>, %arg3: memref<64x32xf32, #tpu.memory_space<vmem>>, %arg4: memref<1x32xf32, #tpu.memory_space<vmem>>, %arg5: memref<32x1xf32, #tpu.memory_space<vmem>>, %arg6: memref<1x1xf32, #tpu.memory_space<vmem>>, %arg7: memref<1x1xf32, #tpu.memory_space<vmem>>) attributes {dimension_semantics = [], scalar_prefetch = 0 : i64, scratch_operands = 0 : i64, tpu.core_type = #tpu.core_type<tc>} {
    %get3A = arith.constant 0 : index
    %get3A_0 = arith.constant 0 : index
    %get3A_1 = vector.load %arg0[%get3A, %get3A_0] : memref<10000x128xf32, #tpu.memory_space<vmem>>, vector<10000x128xf32>
    %reduce_sum3A = arith.constant dense<0.000000e+00> : vector<128xf32>
    %reduce_sum3A_2 = vector.multi_reduction <add>, %get3A_1, %reduce_sum3A [0] : vector<10000x128xf32> to vector<128xf32>
    %broadcast_in_dim3A = vector.shape_cast %reduce_sum3A_2 : vector<128xf32> to vector<1x128xf32>
    %div3A = arith.constant 1.000000e+04 : f32
    %div3A_3 = vector.broadcast %div3A : f32 to vector<1x128xf32>
    %div3A_4 = arith.divf %broadcast_in_dim3A, %div3A_3 : vector<1x128xf32>
    %get3A_5 = arith.constant 0 : index
    %get3A_6 = arith.constant 0 : index
    %get3A_7 = vector.load %arg1[%get3A_5, %get3A_6] : memref<128x64xf32, #tpu.memory_space<vmem>>, vector<128x64xf32>
    %dot_general3A = arith.constant dense<0.000000e+00> : vector<1x64xf32>
    %dot_general3A_8 = tpu.matmul %div3A_4, %get3A_7, %dot_general3A {dimension_numbers = #tpu.dot_dimension_numbers<[1], [0], [0], [1], [0, 0, 1, 1], [], []>, transpose_lhs_hint = false} : vector<1x128xf32>, vector<128x64xf32>, vector<1x64xf32> -> vector<1x64xf32>
    %get3A_9 = arith.constant 0 : index
    %get3A_10 = arith.constant 0 : index
    %get3A_11 = vector.load %arg2[%get3A_9, %get3A_10] : memref<1x64xf32, #tpu.memory_space<vmem>>, vector<1x64xf32>
    %add3A = arith.addf %dot_general3A_8, %get3A_11 : vector<1x64xf32>
    %max3A = arith.constant 0.000000e+00 : f32
    %max3A_12 = vector.broadcast %max3A : f32 to vector<1x64xf32>
    %max3A_13 = arith.maximumf %add3A, %max3A_12 : vector<1x64xf32>
    %get3A_14 = arith.constant 0 : index
    %get3A_15 = arith.constant 0 : index
    %get3A_16 = vector.load %arg3[%get3A_14, %get3A_15] : memref<64x32xf32, #tpu.memory_space<vmem>>, vector<64x32xf32>
    %dot_general3A_17 = arith.constant dense<0.000000e+00> : vector<1x32xf32>
    %dot_general3A_18 = tpu.matmul %max3A_13, %get3A_16, %dot_general3A_17 {dimension_numbers = #tpu.dot_dimension_numbers<[1], [0], [0], [1], [0, 0, 1, 1], [], []>, transpose_lhs_hint = false} : vector<1x64xf32>, vector<64x32xf32>, vector<1x32xf32> -> vector<1x32xf32>
    %get3A_19 = arith.constant 0 : index
    %get3A_20 = arith.constant 0 : index
    %get3A_21 = vector.load %arg4[%get3A_19, %get3A_20] : memref<1x32xf32, #tpu.memory_space<vmem>>, vector<1x32xf32>
    %add3A_22 = arith.addf %dot_general3A_18, %get3A_21 : vector<1x32xf32>
    %max3A_23 = arith.constant 0.000000e+00 : f32
    %max3A_24 = vector.broadcast %max3A_23 : f32 to vector<1x32xf32>
    %max3A_25 = arith.maximumf %add3A_22, %max3A_24 : vector<1x32xf32>
    %get3A_26 = arith.constant 0 : index
    %get3A_27 = arith.constant 0 : index
    %get3A_28 = vector.load %arg5[%get3A_26, %get3A_27] : memref<32x1xf32, #tpu.memory_space<vmem>>, vector<32x1xf32>
    %dot_general3A_29 = arith.constant dense<0.000000e+00> : vector<1x1xf32>
    %dot_general3A_30 = tpu.matmul %max3A_25, %get3A_28, %dot_general3A_29 {dimension_numbers = #tpu.dot_dimension_numbers<[1], [0], [0], [1], [0, 0, 1, 1], [], []>, transpose_lhs_hint = false} : vector<1x32xf32>, vector<32x1xf32>, vector<1x1xf32> -> vector<1x1xf32>
    %get3A_31 = arith.constant 0 : index
    %get3A_32 = arith.constant 0 : index
    %get3A_33 = vector.load %arg6[%get3A_31, %get3A_32] : memref<1x1xf32, #tpu.memory_space<vmem>>, vector<1x1xf32>
    %add3A_34 = arith.addf %dot_general3A_30, %get3A_33 : vector<1x1xf32>
    %swap3A = arith.constant 0 : index
    %swap3A_35 = arith.constant 0 : index
    %swap3A_36 = vector.load %arg7[%swap3A, %swap3A_35] : memref<1x1xf32, #tpu.memory_space<vmem>>, vector<1x1xf32>
    tpu.vector_store %arg7[%swap3A, %swap3A_35], %add3A_34 {strides = array<i32>} : memref<1x1xf32, #tpu.memory_space<vmem>>, vector<1x1xf32>,
    return
  }
}

</mosaic_0001>

<sc_bundles>
// kernel: kernel.13.cloned.1.call-start
scs
__scs_entry_jumppad:
0x0: {  	(pc) =	sbr.rel $0x88, $3  }
0x1: {  	(tag) =	ssettag $0x0;
	lr =	simm.s32 $0x1  }
0x2: {  	[smem:$0x3F94] =	sst lr;
	_ =	strace $0xD0000000  }
0x3: {  	_ = 	snop  }
0x4: {  	_ = 	snop  }
0x5: {  	_ = 	snop  }
0x6: {  	_ = 	snop  }
0x7: {  	_ = 	snop  }
__scs_overlays_trampoline_lowered:
0x8: {  	[smem:$0x3FA3] =	sst s0  }
0x9: {  	[smem:$0x3FA4] =	sst s1  }
0xa: {  	[smem:$0x3FA5] =	sst s2  }
0xb: {  	[smem:$0x3FA6] =	sst s3  }
0xc: {  	[smem:$0x3FA7] =	sst s4  }
0xd: {  	[smem:$0x3FA8] =	sst s5  }
0xe: {  	[smem:$0x3FA9] =	sst s6  }
0xf: {  	[smem:$0x3FAA] =	sst s7  }
0x10: {  	[smem:$0x3FAB] =	sst s8  }
0x11: {  	[smem:$0x3FAC] =	sst s9;
	s0 =	simm.s32 @!p0 $0x0  }
0x12: {  	s1 =	sld [smem:$0x3F92];
	s0 =	simm.s32 @p0 $0x1  }
0x13: {  	[smem:$0x3FAD] =	sst s0;
	s0 =	simm.s32 @!p1 $0x0  }
0x14: {  	s2 =	sld [smem:$0x3F91];
	s0 =	simm.s32 @p1 $0x1  }
0x15: {  	[smem:$0x3FAE] =	sst s0;
	s0 =	simm.s32 @!p2 $0x0  }
0x16: {  	s3 =	sld [smem:$0x3FDB];
	s0 =	simm.s32 @p2 $0x1  }
0x17: {  	s4 =	simm.s32 $0x1BF5;
	[smem:$0x3FB0] =	sst s0  }
0x18: {  	s0 =	sld [smem:$0x3F93];
	_ =	swait.ge [sflag:s4], $0x0  }
0x19: {  	s7 =	sld [smem:$0x3F94]  }
0x1a: {  	s8 =	sadd.s32 $0xFFFFE003, lr  }
0x1b: {  	s9 =	sadd.s32 $0xFFFFFEF7, lr;
	s5 =	simm.s32 $0xFFFFFFFF;
	p2 =	slt.u32 s8, $0xFFFFF086  }
0x1c: {  	p1 =	slt.u32 s9, $0xF7A;
	s5 =	simm.s32 @!p2 $0x0  }
0x1d: {  	s5 =	simm.s32 @p1 $0x1;
	p0 =	seq.s32 s7, s2  }
0x1e: {  	s7 =	smul.u32 @!p0 $0xF7A, s2;
	p2 =	seq.s32 @!p0 s5, $0x0  }
0x1f: {  	s9 =	smul.u32 $0xF7A, s1;
	s8 =	simm.s32 @!p0 $0x1BF5;
	p2 =	por !p2, p0  }
0x20: {  	[sflag:s8] =	ssyncset.s32 @!p0 $0xFFFFF086;
	s6 =	sadd.s32 @!p0 s3, s7;
	s7 =	simm.s32 @!p0 $0x108  }
0x21: {  	s3 =	sadd.s32 s3, s9;
	s6 =	sadd.s32 @!p0 $0x88, s6;
	s7 =	simm.s32 @p2 $0x1082  }
0x22: {  	[simem:s7], [sflag:s8] =	dma.local @!p0 [hbm:s6], $0xF7A  }
0x23: {  	s9 =	sor.u32 $0xD0000000, s2;
	s6 =	simm.s32 $0x108;
	_ =	swait.ge @!p0 [sflag:s8], $0x0  }
0x24: {  	s3 =	sadd.s32 $0x88, s3;
	s6 =	simm.s32 @!p1 $0x1082;
	[sflag:s4] =	ssyncset.s32 $0xFFFFF086  }
0x25: {  	[simem:s6], [sflag:s4] =	dma.local [hbm:s3], $0xF7A  }
0x26: {  	[smem:$0x3F94] =	sst s1;
	(tag) =	ssettag s2;
	_ =	strace s9  }
0x27: {  	s1 =	sld [smem:$0x3FA4]  }
0x28: {  	s2 =	sld [smem:$0x3FA5]  }
0x29: {  	s4 =	sld [smem:$0x3FA7]  }
0x2a: {  	p0 =	seq.s32 s5, $0x0;
	s5 =	sld [smem:$0x3FA8]  }
0x2b: {  	s6 =	sld [smem:$0x3FA9]  }
0x2c: {  	s7 =	sld [smem:$0x3FAA]  }
0x2d: {  	s3 =	simm.s32 $0x108;
	s8 =	sld [smem:$0x3FAB]  }
0x2e: {  	s3 =	simm.s32 @!p0 $0x1082;
	s9 =	sld [smem:$0x3FAC]  }
0x2f: {  	lr =	sadd.s32 s0, s3;
	s0 =	sld [smem:$0x3FA3]  }
0x30: {  	s3 =	sld [smem:$0x3FA6]  }
0x31: {  	[smem:$0x3FAF] =	sst s10  }
0x32: {  	s10 =	sld [smem:$0x3FAD];
	_ =	sdelay $0x3  }
0x33: {  	p0 =	seq.s32 s10, $0x1;
	s10 =	sld [smem:$0x3FAF];
	_ =	sdelay $0x3  }
0x34: {  	[smem:$0x3FAF] =	sst s10  }
0x35: {  	s10 =	sld [smem:$0x3FAE];
	_ =	sdelay $0x3  }
0x36: {  	p1 =	seq.s32 s10, $0x1;
	s10 =	sld [smem:$0x3FAF];
	_ =	sdelay $0x3  }
0x37: {  	[smem:$0x3FAF] =	sst s10  }
0x38: {  	s10 =	sld [smem:$0x3FB0]  }
0x39: {  	_ = 	snop;
	(pc) =	sbr.ind lr, $3  }
0x3a: {  	_ = 	snop  }
0x3b: {  	_ = 	snop  }
0x3c: {  	p2 =	seq.s32 s10, $0x1;
	s10 =	sld [smem:$0x3FAF]  }
0x3d: {  	_ =	shalt  }
0x3e: {  	_ =	shalt  }
0x3f: {  	_ =	shalt  }
0x40: {  	_ =	shalt  }
0x41: {  	_ =	shalt  }
0x42: {  	_ =	shalt  }
0x43: {  	_ =	shalt  }
0x44: {  	_ =	shalt  }
0x45: {  	_ =	shalt  }
0x46: {  	_ =	shalt  }
0x47: {  	_ =	shalt  }
0x48: {  	_ =	shalt  }
0x49: {  	_ =	shalt  }
0x4a: {  	_ =	shalt  }
0x4b: {  	_ =	shalt  }
0x4c: {  	_ =	shalt  }
0x4d: {  	_ =	shalt  }
0x4e: {  	_ =	shalt  }
0x4f: {  	_ =	shalt  }
0x50: {  	_ =	shalt  }
0x51: {  	_ =	shalt  }
0x52: {  	_ =	shalt  }
0x53: {  	_ =	shalt  }
0x54: {  	_ =	shalt  }
0x55: {  	_ =	shalt  }
0x56: {  	_ =	shalt  }
0x57: {  	_ =	shalt  }
0x58: {  	_ =	shalt  }
0x59: {  	_ =	shalt  }
0x5a: {  	_ =	shalt  }
0x5b: {  	_ =	shalt  }
0x5c: {  	_ =	shalt  }
0x5d: {  	_ =	shalt  }
0x5e: {  	_ =	shalt  }
0x5f: {  	_ =	shalt  }
0x60: {  	_ =	shalt  }
0x61: {  	_ =	shalt  }
0x62: {  	_ =	shalt  }
0x63: {  	_ =	shalt  }
0x64: {  	_ =	shalt  }
0x65: {  	_ =	shalt  }
0x66: {  	_ =	shalt  }
0x67: {  	_ =	shalt  }
0x68: {  	_ =	shalt  }
0x69: {  	_ =	shalt  }
0x6a: {  	_ =	shalt  }
0x6b: {  	_ =	shalt  }
0x6c: {  	_ =	shalt  }
0x6d: {  	_ =	shalt  }
0x6e: {  	_ =	shalt  }
0x6f: {  	_ =	shalt  }
0x70: {  	_ =	shalt  }
0x71: {  	_ =	shalt  }
0x72: {  	_ =	shalt  }
0x73: {  	_ =	shalt  }
0x74: {  	_ =	shalt  }
0x75: {  	_ =	shalt  }
0x76: {  	_ =	shalt  }
0x77: {  	_ =	shalt  }
0x78: {  	_ =	shalt  }
0x79: {  	_ =	shalt  }
0x7a: {  	_ =	shalt  }
0x7b: {  	_ =	shalt  }
0x7c: {  	_ =	shalt  }
0x7d: {  	_ =	shalt  }
0x7e: {  	_ =	shalt  }
0x7f: {  	_ =	shalt  }
0x80: {  	_ =	shalt  }
0x81: {  	_ =	shalt  }
0x82: {  	_ =	shalt  }
0x83: {  	_ =	shalt  }
0x84: {  	_ =	shalt  }
0x85: {  	_ =	shalt  }
0x86: {  	_ =	shalt  }
0x87: {  	_ =	shalt  }
.Lfunc_end0:
.L_simem_size_0:
called_computation_lowered:
.L_overlay_start_0:
0x88: {  	s2 =	sld [smem:$0x3FD9]  }
0x89: {  	s3 =	sld [smem:$0x3FFE];
	_ =	sdelay $0x1  }
0x8a: {  	s1 =	srdreg.scid  }
0x8b: {  	s0 =	sand.u32 $0x1, s1  }
0x8c: {  	s16 =	sshll.u32 s0, $0xA;
	s2 =	sadd.s32 s3, s2  }
0x8d: {  	s2 =	sadd.s32 s2, s16  }
0x8e: {  	[smem:$0x3FBB] =	sst s2  }
0x8f: {  	_ = 	snop  }
0x90: {  	(tm) =	ssettm $0x1  }
0x91: {  	s17 =	sld [smem:$0x3FFB];
	_ =	sdelay $0x3  }
0x92: {  	_ =	strace s17  }
0x93: {  	s2 =	sld [smem:$0x3FFC];
	_ =	sdelay $0x3  }
0x94: {  	_ =	strace s2  }
0x95: {  	s2 =	sld [smem:$0x3FFD];
	_ =	sdelay $0x3  }
0x96: {  	_ =	strace s2  }
0x97: {  	_ =	strace $0x8FFFFFFF  }
0x98: {  	s18 =	sld [smem:$0x3FDB];
	_ =	sdelay $0x1  }
0x99: {  	s19 =	simm.s32 $_scs_section_size  }
0x9a: {  	s4 =	simm.s32 $_size__tile_overlayer_lowered;
	s5 =	simm.s32 $_tile_overlayer_lowered  }
0x9b: {  	s22 =	simm.s32 $0x1BFF;
	s21 =	sshll.u32 s5, $0x1;
	s2 =	sadd.s32 s19, s18  }
0x9c: {  	s6 =	simm.s32 $0x0;
	s20 =	sshll.u32 s4, $0x1;
	s4 =	sadd.s32 s21, s2  }
0x9d: {  	[timem:s6], [sflag:s22] =	dma.local [hbm:s4], s20  }
0x9e: {  	_ =	swait.ge [sflag:s22], s20  }
0x9f: {  	s3 =	ssub.s32 $0x0, s20;
	[sflag:s22] =	ssyncset.done $0x0  }
0xa0: {  	[sflag:s22] =	ssyncadd.s32 s3;
	_ =	sdelay $0x1  }
0xa1: {  	s23 =	simm.s32 $0x1B8B  }
0xa2: {  	_ =	swait.ge [sflag:s23], $0x1  }
0xa3: {  	[sflag:s23] =	ssyncset.done $0x0  }
0xa4: {  	s25 =	simm.s32 $0x1B8E;
	s24 =	sld [smem:$0x3FFE];
	[sflag:s23] =	ssyncadd.s32 $0xFFFFFFFF  }
0xa5: {  	s26 =	simm.s32 $execute0_lowered;
	[smem:$0x3FD2] =	sst s25  }
0xa6: {  	s4 =	sshll.u32 s26, $0x1;
	_ =	strace $0x80000046;
	[dreg:$0x1] =	wrdreg $0xFFFFFFFF  }
0xa7: {  	s28 =	simm.s32 $_size_execute0_lowered;
	s2 =	sadd.s32 s2, s4;
	[dreg:$0x0] =	wrdreg $0x0  }
0xa8: {  	s4 =	sshll.u32 s28, $0x1;
	[dreg:$0x2] =	wrdreg s2  }
0xa9: {  	[dreg:$0x3] =	wrdreg s4  }
0xaa: {  	[dreg:$0x4] =	wrdreg $0xC0  }
0xab: {  	_ =	task [dreg:s6], $0x5FFFF  }
0xac: {  	[dreg:$0x1] =	wrdreg $0xFFFFFFFF  }
0xad: {  	[dreg:$0x0] =	wrdreg $0x60  }
0xae: {  	[dreg:$0x2] =	wrdreg s24  }
0xaf: {  	[dreg:$0x3] =	wrdreg $0x50000  }
0xb0: {  	[dreg:$0x4] =	wrdreg $0x9  }
0xb1: {  	_ =	task.clear_ibuf [dreg:s6], $0x5FFFF;
	_ =	strace $0x90000046  }
0xb2: {  	s29 =	simm.s32 $0x9;
	_ =	strace $0x80000048  }
0xb3: {  	_ =	swait.ge [sflag:s29], $0x1  }
0xb4: {  	[sflag:s29] =	ssyncadd.s32 $0xFFFFFFFF  }
0xb5: {  	_ =	strace $0x90000048  }
0xb6: {  	_ =	sfence  }
0xb7: {  	s30 =	sld [smem:$0x0];
	_ =	sdelay $0x2  }
0xb8: {  	s31 =	sshll.u32 s1, $0xD;
	s1 =	sshrl.u32 s1, $0x2  }
0xb9: {  	s3 =	sand.u32 $0x4000, s31;
	s1 =	sadd.s32 s1, s30  }
0xba: {  	s0 =	sor.u32 s3, s0;
	s1 =	sshll.u32 s1, $0x11  }
0xbb: {  	s0 =	sor.u32 s1, s0  }
0xbc: {  	s0 =	sadd.s32 $0x8F2B, s0  }
0xbd: {  	[sflag:s0] =	ssyncadd.remote.s32 $0x1  }
0xbe: {  	_ =	sfence.sel $0xFFFF  }
0xbf: {  	[dreg:$0x0] =	wrdreg $0xFFFFFFFF;
	(pc) =	sbr.abs _section_cstart, $3  }
0xc0: {  	[dreg:$0x1] =	wrdreg $0xFFFFFFFF  }
0xc1: {  	_ =	task.clear_ibuf [dreg:s6], $0x2FFFF;
	_ =	strace $0x9FFFFFFF  }
0xc2: {  	(tm) =	ssettm $0x7FFFFFFF  }
0xc3: {  	_ =	shalt  }
tec
execute0_lowered:
.L_overlay_start_1:
0x0: {  	(tag) =	ssettag $0x1  }
0x1: {  	s3 =	rddreg [dreg:$0x0]  }
0x2: {  	s1 =	rddreg [dreg:$0x1]  }
0x3: {  	s0 =	rddreg [dreg:$0x2];
	s2 =	simm.s32 $0x0;
	s4 =	srdreg.scid  }
0x4: {  	s9 =	stileid.u32;
	[smem:$0x7FF] =	sst s2  }
0x5: {  	s4 =	sand.u32 $0x1, s4;
	s5 =	sadd.s32 $0x3A00, s3;
	s7 =	smul.u32 $0x2800, s9  }
0x6: {  	s8 =	sadd.s32 $0xDA00, s3;
	s11 =	smul.u32 $0x500, s9;
	p1 =	sne.s32 s9, $0x0  }
0x7: {  	s9 =	simm.s32 $0x2880;
	_ =	strace $0x80000047;
	s6 =	sshll.u32 s4, $0x4  }
0x8: {  	s29 =	ssub.s32 $0x2, s4;
	p0 =	seq.s32 s4, $0x1;
	s13 =	sshrl.u32 @!p1 s1, $0x3  }
.Ltmp0:
0x9: {  	s10 =	sadd.s32 s6, s3;
	s30 =	sshrl.u32 s29, $0x1;
	(pc) =	sbr.rel .LBB2_1-.Ltmp0, $4  }
0xa: {  	s7 =	sshrl.u32 s7, $0x3;
	s3 =	sadd.s32 s5, s11;
	s12 =	ssub.s32 s29, s30  }
0xb: {  	s31 =	sadd.s32 $0x5000, s7;
	s7 =	sadd.s32 $0x17A00, s10;
	s10 =	simm.s32 $0x1  }
0xc: {  	s4 =	sadd.s32 s5, s31;
	s5 =	sadd.s32 s8, s11;
	s6 =	sadd.s32 s8, s31  }
0xd: {  	v0 =	vimm.f32 $1.000000000e+00;
	v1 =	vimm.f32 $0.0e+00;
	s8 =	smax.u32 s12, $0x1;
	s11 =	simm.s32 $0x80;
	s12 =	simm.s32 $0x2800  }
.LBB2_15:
0xe: {  	[sflag:s10] =	ssyncadd.s32 $0xFFFFFF80  }
.LBB2_16:
0xf: {  	[bflag:$0x0] =	sbarrier.arrive $0xFFFF;
	s2 =	sadd.s32 $0x1, s2  }
0x10: {  	s14 =	simm.s32 @!p1 $0x1;
	s15 =	simm.s32 @!p1 $0x20;
	p2 =	sne.s32 s2, s8  }
.Ltmp1:
0x11: {  	s16 =	simm.s32 @!p1 $0x10;
	s17 =	simm.s32 @!p1 $0x1C01;
	(pc) =	sbr.rel @!p2 .LBB2_17-.Ltmp1, $4  }
0x12: {  	[hbm:s7@s15], [sflag:s17] =	dma.strided @!p1 [spmem:s13@s16], $0x4F0, s14, $0x10   }
0x13: {  	_ =	swait.ge @!p1 [sflag:s14], $0x4F0  }
0x14: {  	[sflag:s14] =	ssyncset.done @!p1 $0x0  }
0x15: {  	[sflag:s14] =	ssyncadd.s32 @!p1 $0xFFFFFB10  }
.LBB2_1:
0x16: {  	[tilespmem:$0x2800] =	vst v0  }
0x17: {  	[tilespmem:$0x2810] =	vst v0  }
0x18: {  	[tilespmem:$0x2820] =	vst v0  }
.Ltmp2:
0x19: {  	[tilespmem:$0x2830] =	vst v0;
	(pc) =	sbr.rel @p1 .LBB2_5-.Ltmp2, $4  }
0x1a: {  	[tilespmem:$0x2840] =	vst v0  }
0x1b: {  	[tilespmem:$0x2850] =	vst v0  }
0x1c: {  	[tilespmem:$0x2860] =	vst v0  }
0x1d: {  	[tilespmem:$0x2870] =	vst v0  }
0x1e: {  	s14 =	simm.s32 $0x40;
	s15 =	simm.s32 $0x0  }
.LBB2_3:
0x1f: {  	p2 =	sne.s32 s14, $0x9DC0;
	[tilespmem:s15+$0x2880] =	vst v1;
	s15 =	smov.u32 s14;
	s14 =	sadd.s32 $0x40, s14  }
.Ltmp3:
0x20: {  	(pc) =	sbr.rel @p2 .LBB2_3-.Ltmp3, $2  }
0x21: {  	_ =	sdelay $0x2  }
0x22: {  	s15 =	sshra.s32 s15, $0x2  }
0x23: {  	[tilespmem:s15+$0x2880] =	vst v1  }
0x24: {  	[spmem:s1] =	stream.linear.scatter [tilespmem:s9], [sflag:$0x1], $0x2780, $0x38;
	[tilespmem:$0x5278] =	vst v63  }
0x25: {  	_ =	swait.ge [sflag:s10], $0x2780  }
0x26: {  	[sflag:s10] =	ssyncset.done $0x0  }
0x27: {  	[sflag:s10] =	ssyncadd.s32 $0xFFFFD880  }
.LBB2_5:
.Ltmp4:
0x28: {  	(pc) =	sbr.rel @!p0 .LBB2_6-.Ltmp4, $3  }
0x29: {  	_ =	sdelay $0x1  }
0x2a: {  	[bflag:$0x0] =	sbarrier.arrive $0xFFFF  }
0x2b: {  	s14 =	simm.s32 $0x0  }
0x2c: {  	[tilespmem:s14], [sflag:$0x1] =	stream.linear.gather [hbm4b:s5+s14], $0x2800, $0x38;
	[tilespmem:$0x5278] =	vst v63  }
0x2d: {  	_ =	swait.ge [sflag:s10], $0x2800  }
0x2e: {  	[sflag:s10] =	ssyncset.done $0x0  }
0x2f: {  	s31 =	simm.s32 $0x0;
	[sflag:s10] =	ssyncadd.s32 $0xFFFFD800  }
0x30: {  	[spmem:s1] =	stream.indirect.scatter.add.f32 [tilespmem:s12], [sflag:$0x1], $0x1, s31, s11, $0xb8;
	[tilespmem:$0x5278] =	vst v63  }
0x31: {  	_ =	swait.ge [sflag:s10], $0x80  }
0x32: {  	s14 =	simm.s32 $0x200;
	[sflag:s10] =	ssyncset.done $0x0  }
.LBB2_12:
0x33: {  	s15 =	sshra.s32 s14, $0x2;
	[sflag:s10] =	ssyncadd.s32 $0xFFFFFF80;
	p2 =	sne.s32 s14, $0x9E00  }
0x34: {  	[spmem:s1] =	stream.indirect.scatter.add.f32 [tilespmem:s12], [sflag:$0x1], $0x1, s15, s11, $0xb8;
	[tilespmem:$0x5278] =	vst v63  }
.Ltmp5:
0x35: {  	_ = 	snop;
	(pc) =	sbr.rel @p2 .LBB2_12-.Ltmp5, $4  }
0x36: {  	_ = 	snop  }
0x37: {  	s14 =	sadd.s32 $0x200, s14  }
0x38: {  	_ =	swait.ge [sflag:s10], $0x80  }
0x39: {  	[sflag:s10] =	ssyncset.done $0x0  }
0x3a: {  	[sflag:s10] =	ssyncadd.s32 $0xFFFFFF80;
	s14 =	simm.s32 $0x0  }
0x3b: {  	[tilespmem:s14], [sflag:$0x1] =	stream.linear.gather [hbm4b:s6+s14], $0x2800, $0x38;
	[tilespmem:$0x5278] =	vst v63  }
0x3c: {  	_ =	swait.ge [sflag:s10], $0x2800  }
0x3d: {  	[sflag:s10] =	ssyncset.done $0x0  }
0x3e: {  	s31 =	simm.s32 $0x0;
	[sflag:s10] =	ssyncadd.s32 $0xFFFFD800  }
0x3f: {  	[spmem:s1] =	stream.indirect.scatter.add.f32 [tilespmem:s12], [sflag:$0x1], $0x1, s31, s11, $0xb8;
	[tilespmem:$0x5278] =	vst v63  }
0x40: {  	_ =	swait.ge [sflag:s10], $0x80  }
0x41: {  	s14 =	simm.s32 $0x200;
	[sflag:s10] =	ssyncset.done $0x0  }
.LBB2_14:
0x42: {  	s15 =	sshra.s32 s14, $0x2;
	[sflag:s10] =	ssyncadd.s32 $0xFFFFFF80;
	p2 =	sne.s32 s14, $0x9E00  }
0x43: {  	[spmem:s1] =	stream.indirect.scatter.add.f32 [tilespmem:s12], [sflag:$0x1], $0x1, s15, s11, $0xb8;
	[tilespmem:$0x5278] =	vst v63  }
.Ltmp6:
0x44: {  	_ = 	snop;
	(pc) =	sbr.rel @p2 .LBB2_14-.Ltmp6, $4  }
0x45: {  	_ = 	snop  }
0x46: {  	s14 =	sadd.s32 $0x200, s14  }
0x47: {  	_ =	swait.ge [sflag:s10], $0x80  }
0x48: {  	[sflag:s10] =	ssyncset.done $0x0  }
.Ltmp7:
0x49: {  	_ = 	snop;
	(pc) =	sbr.rel .LBB2_15-.Ltmp7, $1  }
0x4a: {  	_ =	sdelay $0x3  }
.LBB2_6:
0x4b: {  	[tilespmem:s14], [sflag:$0x1] =	stream.linear.gather [hbm4b:s3+s14], $0x2800, $0x38;
	[tilespmem:$0x5278] =	vst v63  }
0x4c: {  	_ =	swait.ge [sflag:s10], $0x2800  }
0x4d: {  	[sflag:s10] =	ssyncset.done $0x0  }
0x4e: {  	s31 =	simm.s32 $0x0;
	[sflag:s10] =	ssyncadd.s32 $0xFFFFD800  }
0x4f: {  	[spmem:s1] =	stream.indirect.scatter.add.f32 [tilespmem:s12], [sflag:$0x1], $0x1, s31, s11, $0xb8;
	[tilespmem:$0x5278] =	vst v63  }
0x50: {  	_ =	swait.ge [sflag:s10], $0x80  }
0x51: {  	s14 =	simm.s32 $0x200;
	[sflag:s10] =	ssyncset.done $0x0  }
.LBB2_7:
0x52: {  	s15 =	sshra.s32 s14, $0x2;
	[sflag:s10] =	ssyncadd.s32 $0xFFFFFF80;
	p2 =	sne.s32 s14, $0x9E00  }
0x53: {  	[spmem:s1] =	stream.indirect.scatter.add.f32 [tilespmem:s12], [sflag:$0x1], $0x1, s15, s11, $0xb8;
	[tilespmem:$0x5278] =	vst v63  }
.Ltmp8:
0x54: {  	_ = 	snop;
	(pc) =	sbr.rel @p2 .LBB2_7-.Ltmp8, $4  }
0x55: {  	_ = 	snop  }
0x56: {  	s14 =	sadd.s32 $0x200, s14  }
0x57: {  	_ =	swait.ge [sflag:s10], $0x80  }
0x58: {  	[sflag:s10] =	ssyncset.done $0x0  }
0x59: {  	[sflag:s10] =	ssyncadd.s32 $0xFFFFFF80;
	s14 =	simm.s32 $0x0  }
0x5a: {  	[tilespmem:s14], [sflag:$0x1] =	stream.linear.gather [hbm4b:s4+s14], $0x2800, $0x38;
	[tilespmem:$0x5278] =	vst v63  }
0x5b: {  	_ =	swait.ge [sflag:s10], $0x2800  }
0x5c: {  	[sflag:s10] =	ssyncset.done $0x0  }
0x5d: {  	s31 =	simm.s32 $0x0;
	[sflag:s10] =	ssyncadd.s32 $0xFFFFD800  }
0x5e: {  	[spmem:s1] =	stream.indirect.scatter.add.f32 [tilespmem:s12], [sflag:$0x1], $0x1, s31, s11, $0xb8;
	[tilespmem:$0x5278] =	vst v63  }
0x5f: {  	_ =	swait.ge [sflag:s10], $0x80  }
0x60: {  	s14 =	simm.s32 $0x200;
	[sflag:s10] =	ssyncset.done $0x0  }
.LBB2_9:
0x61: {  	s15 =	sshra.s32 s14, $0x2;
	[sflag:s10] =	ssyncadd.s32 $0xFFFFFF80;
	p2 =	seq.s32 s14, $0x9E00  }
0x62: {  	[spmem:s1] =	stream.indirect.scatter.add.f32 [tilespmem:s12], [sflag:$0x1], $0x1, s15, s11, $0xb8;
	[tilespmem:$0x5278] =	vst v63  }
.Ltmp9:
0x63: {  	_ = 	snop;
	(pc) =	sbr.rel @!p2 .LBB2_9-.Ltmp9, $4  }
0x64: {  	_ = 	snop  }
0x65: {  	s14 =	sadd.s32 $0x200, s14  }
0x66: {  	_ =	swait.ge [sflag:s10], $0x80  }
0x67: {  	[sflag:s10] =	ssyncset.done $0x0  }
.Ltmp10:
0x68: {  	(pc) =	sbr.rel .LBB2_16-.Ltmp10, $2  }
0x69: {  	_ =	sdelay $0x2  }
0x6a: {  	[sflag:s10] =	ssyncadd.s32 $0xFFFFFF80  }
.LBB2_17:
0x6b: {  	_ =	sfence.sel $0x180000  }
0x6c: {  	[bflag:$0x0] =	sbarrier.arrive $0xFFFF  }
0x6d: {  	_ =	strace $0x90000047  }
0x6e: {  	s0 =	sadd.s32 @!p1 $0x100000, s0;
	[bflag:$0x2] =	sbarrier.arrive $0xFFFF  }
0x6f: {  	[sflag:s0] =	ssyncadd.tile.s32 @!p1 $0x1;
	_ =	shalt  }
.Lfunc_end2:
_tile_overlayer_lowered:
.L_overlay_start_2:
0x70: {  	(tag) =	ssettag $0x2  }
0x71: {  	s0 =	rddreg [dreg:$0x0];
	s2 =	stileid.u32  }
0x72: {  	s1 =	rddreg [dreg:$0x1];
	p0 =	sne.s32 s2, $0x0  }
0x73: {  	s3 =	rddreg [dreg:$0x2];
	[bflag:$0x3] =	sbarrier.arrive $0xFFFF;
	s2 =	simm.s32 @!p0 $0x1C01  }
0x74: {  	[timem:s3], [sflag:s2] =	dma.local @!p0 [hbm:s0], s1  }
0x75: {  	s0 =	simm.s32 @!p0 $0x1  }
0x76: {  	_ =	swait.ge @!p0 [sflag:s0], s1  }
0x77: {  	s1 =	ssub.s32 @!p0 $0x0, s1;
	[sflag:s0] =	ssyncset.done @!p0 $0x0  }
0x78: {  	[sflag:s0] =	ssyncadd.s32 @!p0 s1  }
0x79: {  	[bflag:$0x3] =	sbarrier.arrive $0xFFFF  }
0x7a: {  	_ =	shalt  }

// kernel: kernel.16.cloned.1.call-start
scs
__scs_entry_jumppad:
0x0: {  	(pc) =	sbr.rel $0x88, $3  }
0x1: {  	(tag) =	ssettag $0x0;
	lr =	simm.s32 $0x1  }
0x2: {  	[smem:$0x3F94] =	sst lr;
	_ =	strace $0xD0000000  }
0x3: {  	_ = 	snop  }
0x4: {  	_ = 	snop  }
0x5: {  	_ = 	snop  }
0x6: {  	_ = 	snop  }
0x7: {  	_ = 	snop  }
__scs_overlays_trampoline_lowered:
0x8: {  	[smem:$0x3FA3] =	sst s0  }
0x9: {  	[smem:$0x3FA4] =	sst s1  }
0xa: {  	[smem:$0x3FA5] =	sst s2  }
0xb: {  	[smem:$0x3FA6] =	sst s3  }
0xc: {  	[smem:$0x3FA7] =	sst s4  }
0xd: {  	[smem:$0x3FA8] =	sst s5  }
0xe: {  	[smem:$0x3FA9] =	sst s6  }
0xf: {  	[smem:$0x3FAA] =	sst s7  }
0x10: {  	[smem:$0x3FAB] =	sst s8  }
0x11: {  	[smem:$0x3FAC] =	sst s9;
	s0 =	simm.s32 @!p0 $0x0  }
0x12: {  	s1 =	sld [smem:$0x3F92];
	s0 =	simm.s32 @p0 $0x1  }
0x13: {  	[smem:$0x3FAD] =	sst s0;
	s0 =	simm.s32 @!p1 $0x0  }
0x14: {  	s2 =	sld [smem:$0x3F91];
	s0 =	simm.s32 @p1 $0x1  }
0x15: {  	[smem:$0x3FAE] =	sst s0;
	s0 =	simm.s32 @!p2 $0x0  }
0x16: {  	s3 =	sld [smem:$0x3FDB];
	s0 =	simm.s32 @p2 $0x1  }
0x17: {  	s4 =	simm.s32 $0x1BF5;
	[smem:$0x3FB0] =	sst s0  }
0x18: {  	s0 =	sld [smem:$0x3F93];
	_ =	swait.ge [sflag:s4], $0x0  }
0x19: {  	s7 =	sld [smem:$0x3F94]  }
0x1a: {  	s8 =	sadd.s32 $0xFFFFE003, lr  }
0x1b: {  	s9 =	sadd.s32 $0xFFFFFEF7, lr;
	s5 =	simm.s32 $0xFFFFFFFF;
	p2 =	slt.u32 s8, $0xFFFFF086  }
0x1c: {  	p1 =	slt.u32 s9, $0xF7A;
	s5 =	simm.s32 @!p2 $0x0  }
0x1d: {  	s5 =	simm.s32 @p1 $0x1;
	p0 =	seq.s32 s7, s2  }
0x1e: {  	s7 =	smul.u32 @!p0 $0xF7A, s2;
	p2 =	seq.s32 @!p0 s5, $0x0  }
0x1f: {  	s9 =	smul.u32 $0xF7A, s1;
	s8 =	simm.s32 @!p0 $0x1BF5;
	p2 =	por !p2, p0  }
0x20: {  	[sflag:s8] =	ssyncset.s32 @!p0 $0xFFFFF086;
	s6 =	sadd.s32 @!p0 s3, s7;
	s7 =	simm.s32 @!p0 $0x108  }
0x21: {  	s3 =	sadd.s32 s3, s9;
	s6 =	sadd.s32 @!p0 $0x88, s6;
	s7 =	simm.s32 @p2 $0x1082  }
0x22: {  	[simem:s7], [sflag:s8] =	dma.local @!p0 [hbm:s6], $0xF7A  }
0x23: {  	s9 =	sor.u32 $0xD0000000, s2;
	s6 =	simm.s32 $0x108;
	_ =	swait.ge @!p0 [sflag:s8], $0x0  }
0x24: {  	s3 =	sadd.s32 $0x88, s3;
	s6 =	simm.s32 @!p1 $0x1082;
	[sflag:s4] =	ssyncset.s32 $0xFFFFF086  }
0x25: {  	[simem:s6], [sflag:s4] =	dma.local [hbm:s3], $0xF7A  }
0x26: {  	[smem:$0x3F94] =	sst s1;
	(tag) =	ssettag s2;
	_ =	strace s9  }
0x27: {  	s1 =	sld [smem:$0x3FA4]  }
0x28: {  	s2 =	sld [smem:$0x3FA5]  }
0x29: {  	s4 =	sld [smem:$0x3FA7]  }
0x2a: {  	p0 =	seq.s32 s5, $0x0;
	s5 =	sld [smem:$0x3FA8]  }
0x2b: {  	s6 =	sld [smem:$0x3FA9]  }
0x2c: {  	s7 =	sld [smem:$0x3FAA]  }
0x2d: {  	s3 =	simm.s32 $0x108;
	s8 =	sld [smem:$0x3FAB]  }
0x2e: {  	s3 =	simm.s32 @!p0 $0x1082;
	s9 =	sld [smem:$0x3FAC]  }
0x2f: {  	lr =	sadd.s32 s0, s3;
	s0 =	sld [smem:$0x3FA3]  }
0x30: {  	s3 =	sld [smem:$0x3FA6]  }
0x31: {  	[smem:$0x3FAF] =	sst s10  }
0x32: {  	s10 =	sld [smem:$0x3FAD];
	_ =	sdelay $0x3  }
0x33: {  	p0 =	seq.s32 s10, $0x1;
	s10 =	sld [smem:$0x3FAF];
	_ =	sdelay $0x3  }
0x34: {  	[smem:$0x3FAF] =	sst s10  }
0x35: {  	s10 =	sld [smem:$0x3FAE];
	_ =	sdelay $0x3  }
0x36: {  	p1 =	seq.s32 s10, $0x1;
	s10 =	sld [smem:$0x3FAF];
	_ =	sdelay $0x3  }
0x37: {  	[smem:$0x3FAF] =	sst s10  }
0x38: {  	s10 =	sld [smem:$0x3FB0]  }
0x39: {  	_ = 	snop;
	(pc) =	sbr.ind lr, $3  }
0x3a: {  	_ = 	snop  }
0x3b: {  	_ = 	snop  }
0x3c: {  	p2 =	seq.s32 s10, $0x1;
	s10 =	sld [smem:$0x3FAF]  }
0x3d: {  	_ =	shalt  }
0x3e: {  	_ =	shalt  }
0x3f: {  	_ =	shalt  }
0x40: {  	_ =	shalt  }
0x41: {  	_ =	shalt  }
0x42: {  	_ =	shalt  }
0x43: {  	_ =	shalt  }
0x44: {  	_ =	shalt  }
0x45: {  	_ =	shalt  }
0x46: {  	_ =	shalt  }
0x47: {  	_ =	shalt  }
0x48: {  	_ =	shalt  }
0x49: {  	_ =	shalt  }
0x4a: {  	_ =	shalt  }
0x4b: {  	_ =	shalt  }
0x4c: {  	_ =	shalt  }
0x4d: {  	_ =	shalt  }
0x4e: {  	_ =	shalt  }
0x4f: {  	_ =	shalt  }
0x50: {  	_ =	shalt  }
0x51: {  	_ =	shalt  }
0x52: {  	_ =	shalt  }
0x53: {  	_ =	shalt  }
0x54: {  	_ =	shalt  }
0x55: {  	_ =	shalt  }
0x56: {  	_ =	shalt  }
0x57: {  	_ =	shalt  }
0x58: {  	_ =	shalt  }
0x59: {  	_ =	shalt  }
0x5a: {  	_ =	shalt  }
0x5b: {  	_ =	shalt  }
0x5c: {  	_ =	shalt  }
0x5d: {  	_ =	shalt  }
0x5e: {  	_ =	shalt  }
0x5f: {  	_ =	shalt  }
0x60: {  	_ =	shalt  }
0x61: {  	_ =	shalt  }
0x62: {  	_ =	shalt  }
0x63: {  	_ =	shalt  }
0x64: {  	_ =	shalt  }
0x65: {  	_ =	shalt  }
0x66: {  	_ =	shalt  }
0x67: {  	_ =	shalt  }
0x68: {  	_ =	shalt  }
0x69: {  	_ =	shalt  }
0x6a: {  	_ =	shalt  }
0x6b: {  	_ =	shalt  }
0x6c: {  	_ =	shalt  }
0x6d: {  	_ =	shalt  }
0x6e: {  	_ =	shalt  }
0x6f: {  	_ =	shalt  }
0x70: {  	_ =	shalt  }
0x71: {  	_ =	shalt  }
0x72: {  	_ =	shalt  }
0x73: {  	_ =	shalt  }
0x74: {  	_ =	shalt  }
0x75: {  	_ =	shalt  }
0x76: {  	_ =	shalt  }
0x77: {  	_ =	shalt  }
0x78: {  	_ =	shalt  }
0x79: {  	_ =	shalt  }
0x7a: {  	_ =	shalt  }
0x7b: {  	_ =	shalt  }
0x7c: {  	_ =	shalt  }
0x7d: {  	_ =	shalt  }
0x7e: {  	_ =	shalt  }
0x7f: {  	_ =	shalt  }
0x80: {  	_ =	shalt  }
0x81: {  	_ =	shalt  }
0x82: {  	_ =	shalt  }
0x83: {  	_ =	shalt  }
0x84: {  	_ =	shalt  }
0x85: {  	_ =	shalt  }
0x86: {  	_ =	shalt  }
0x87: {  	_ =	shalt  }
.Lfunc_end0:
.L_simem_size_0:
called_computation.1_lowered:
.L_overlay_start_0:
0x88: {  	s2 =	sld [smem:$0x3FD9]  }
0x89: {  	s3 =	sld [smem:$0x3FFE];
	_ =	sdelay $0x1  }
0x8a: {  	s1 =	srdreg.scid  }
0x8b: {  	s0 =	sand.u32 $0x1, s1  }
0x8c: {  	s16 =	sshll.u32 s0, $0xA;
	s2 =	sadd.s32 s3, s2  }
0x8d: {  	s2 =	sadd.s32 s2, s16  }
0x8e: {  	[smem:$0x3FBB] =	sst s2  }
0x8f: {  	_ = 	snop  }
0x90: {  	(tm) =	ssettm $0x1  }
0x91: {  	s17 =	sld [smem:$0x3FFB];
	_ =	sdelay $0x3  }
0x92: {  	_ =	strace s17  }
0x93: {  	s2 =	sld [smem:$0x3FFC];
	_ =	sdelay $0x3  }
0x94: {  	_ =	strace s2  }
0x95: {  	s2 =	sld [smem:$0x3FFD];
	_ =	sdelay $0x3  }
0x96: {  	_ =	strace s2  }
0x97: {  	_ =	strace $0x8FFFFFFF  }
0x98: {  	s18 =	sld [smem:$0x3FDB];
	_ =	sdelay $0x1  }
0x99: {  	s19 =	simm.s32 $_scs_section_size  }
0x9a: {  	s4 =	simm.s32 $_size__tile_overlayer_lowered;
	s5 =	simm.s32 $_tile_overlayer_lowered  }
0x9b: {  	s22 =	simm.s32 $0x1BFF;
	s21 =	sshll.u32 s5, $0x1;
	s2 =	sadd.s32 s19, s18  }
0x9c: {  	s6 =	simm.s32 $0x0;
	s20 =	sshll.u32 s4, $0x1;
	s4 =	sadd.s32 s21, s2  }
0x9d: {  	[timem:s6], [sflag:s22] =	dma.local [hbm:s4], s20  }
0x9e: {  	_ =	swait.ge [sflag:s22], s20  }
0x9f: {  	s3 =	ssub.s32 $0x0, s20;
	[sflag:s22] =	ssyncset.done $0x0  }
0xa0: {  	[sflag:s22] =	ssyncadd.s32 s3;
	_ =	sdelay $0x1  }
0xa1: {  	s23 =	simm.s32 $0x1B8B  }
0xa2: {  	_ =	swait.ge [sflag:s23], $0x1  }
0xa3: {  	[sflag:s23] =	ssyncset.done $0x0  }
0xa4: {  	s25 =	simm.s32 $0x1B8E;
	s24 =	sld [smem:$0x3FFE];
	[sflag:s23] =	ssyncadd.s32 $0xFFFFFFFF  }
0xa5: {  	s26 =	simm.s32 $execute0_lowered;
	[smem:$0x3FD2] =	sst s25  }
0xa6: {  	s4 =	sshll.u32 s26, $0x1;
	_ =	strace $0x80000049;
	[dreg:$0x1] =	wrdreg $0xFFFFFFFF  }
0xa7: {  	s28 =	simm.s32 $_size_execute0_lowered;
	s2 =	sadd.s32 s2, s4;
	[dreg:$0x0] =	wrdreg $0x0  }
0xa8: {  	s4 =	sshll.u32 s28, $0x1;
	[dreg:$0x2] =	wrdreg s2  }
0xa9: {  	[dreg:$0x3] =	wrdreg s4  }
0xaa: {  	[dreg:$0x4] =	wrdreg $0xC0  }
0xab: {  	_ =	task [dreg:s6], $0x5FFFF  }
0xac: {  	[dreg:$0x1] =	wrdreg $0xFFFFFFFF  }
0xad: {  	[dreg:$0x0] =	wrdreg $0x60  }
0xae: {  	[dreg:$0x2] =	wrdreg s24  }
0xaf: {  	[dreg:$0x3] =	wrdreg $0xA8000  }
0xb0: {  	[dreg:$0x4] =	wrdreg $0x9  }
0xb1: {  	_ =	task.clear_ibuf [dreg:s6], $0x5FFFF;
	_ =	strace $0x90000049  }
0xb2: {  	s29 =	simm.s32 $0x9;
	_ =	strace $0x8000004B  }
0xb3: {  	_ =	swait.ge [sflag:s29], $0x1  }
0xb4: {  	[sflag:s29] =	ssyncadd.s32 $0xFFFFFFFF  }
0xb5: {  	_ =	strace $0x9000004B  }
0xb6: {  	_ =	sfence  }
0xb7: {  	s30 =	sld [smem:$0x0];
	_ =	sdelay $0x2  }
0xb8: {  	s31 =	sshll.u32 s1, $0xD;
	s1 =	sshrl.u32 s1, $0x2  }
0xb9: {  	s3 =	sand.u32 $0x4000, s31;
	s1 =	sadd.s32 s1, s30  }
0xba: {  	s0 =	sor.u32 s3, s0;
	s1 =	sshll.u32 s1, $0x11  }
0xbb: {  	s0 =	sor.u32 s1, s0  }
0xbc: {  	s0 =	sadd.s32 $0x8F2B, s0  }
0xbd: {  	[sflag:s0] =	ssyncadd.remote.s32 $0x1  }
0xbe: {  	_ =	sfence.sel $0xFFFF  }
0xbf: {  	[dreg:$0x0] =	wrdreg $0xFFFFFFFF;
	(pc) =	sbr.abs _section_cstart, $3  }
0xc0: {  	[dreg:$0x1] =	wrdreg $0xFFFFFFFF  }
0xc1: {  	_ =	task.clear_ibuf [dreg:s6], $0x2FFFF;
	_ =	strace $0x9FFFFFFF  }
0xc2: {  	(tm) =	ssettm $0x7FFFFFFF  }
0xc3: {  	_ =	shalt  }
tec
execute0_lowered:
.L_overlay_start_1:
0x0: {  	(tag) =	ssettag $0x1  }
0x1: {  	s0 =	rddreg [dreg:$0x0]  }
0x2: {  	s1 =	rddreg [dreg:$0x1];
	s2 =	simm.s32 $0x0  }
0x3: {  	s3 =	srdreg.scid;
	s26 =	stileid.u32;
	s21 =	simm.s32 $0x2  }
0x4: {  	s22 =	simm.s32 $0x1400;
	s23 =	simm.s32 $0x80;
	s24 =	simm.s32 $0x1  }
0x5: {  	s25 =	simm.s32 $0x6800;
	s28 =	simm.s32 $0x2700;
	s29 =	simm.s32 $0x2780  }
0x6: {  	s30 =	simm.s32 $0x0;
	[smem:$0x7FF] =	sst s2;
	s4 =	sadd.s32 $0x17A00, s0  }
0x7: {  	s3 =	sand.u32 $0x1, s3;
	s12 =	sadd.s32 $0x3A00, s0;
	s6 =	smul.u32 $0x4F000, s26  }
0x8: {  	s13 =	sadd.s32 $0xDA00, s0;
	s0 =	sadd.s32 $0x3F200, s0;
	s14 =	smul.u32 $0x13C00, s26  }
0x9: {  	_ =	strace $0x8000004A;
	s5 =	ssub.s32 $0x2, s3;
	s8 =	sshll.u32 s3, $0x4  }
0xa: {  	s3 =	smul.u32 $0x13C000, s3;
	s7 =	sshrl.u32 s5, $0x1;
	s6 =	sshrl.u32 s6, $0x2  }
0xb: {  	s31 =	sor.u32 s26, s8;
	s15 =	sadd.s32 $0x4000, s14;
	s16 =	sadd.s32 $0x8000, s14  }
0xc: {  	s17 =	sadd.s32 $0xC000, s14;
	s18 =	sadd.s32 $0x10000, s14;
	s26 =	simm.s32 $0x1380  }
0xd: {  	s19 =	ssub.s32 s5, s7;
	s5 =	sadd.s32 s6, s1;
	s8 =	smul.u32 $0x2800, s31  }
0xe: {  	s6 =	sadd.s32 s15, s1;
	s7 =	sadd.s32 s16, s1;
	s9 =	sadd.s32 s18, s1  }
0xf: {  	s14 =	sadd.s32 s14, s3;
	s15 =	sadd.s32 s3, s15;
	s16 =	sadd.s32 s3, s16  }
0x10: {  	s14 =	sshrl.u32 s14, $0x3;
	s15 =	sshrl.u32 s15, $0x3;
	s16 =	sshrl.u32 s16, $0x3  }
0x11: {  	s19 =	smax.u32 s19, $0x1;
	s20 =	sshrl.u32 s8, $0x3;
	s8 =	sadd.s32 s17, s1  }
0x12: {  	s14 =	sadd.s32 s0, s14;
	s15 =	sadd.s32 s0, s15;
	s17 =	sadd.s32 s3, s17  }
0x13: {  	s3 =	sadd.s32 s3, s18;
	s16 =	sadd.s32 s0, s16;
	s10 =	sadd.s32 s12, s20  }
0x14: {  	s11 =	sadd.s32 s13, s20;
	s20 =	sadd.s32 $0x280, s20;
	s17 =	sshrl.u32 s17, $0x3  }
0x15: {  	s3 =	sshrl.u32 s3, $0x3;
	s12 =	sadd.s32 s12, s20;
	s13 =	sadd.s32 s13, s20  }
0x16: {  	v0 =	vimm.f32 $0.0e+00;
	s17 =	sadd.s32 s0, s17;
	s18 =	sadd.s32 s0, s3;
	s20 =	simm.s32 $0x2800  }
.LBB2_1:
0x17: {  	s2 =	simm.s32 $0x0  }
0x18: {  	s0 =	sand.u32 $0xFE00, s2  }
0x19: {  	s3 =	sand.u32 $0x70, s2;
	s0 =	sshrl.u32 s0, $0x2  }
0x1a: {  	s31 =	simm.s32 $0x40;
	s3 =	sor.u32 s3, s0;
	s0 =	simm.s32 $0x0  }
.LBB2_2:
0x1b: {  	p0 =	sne.s32 s31, $0xFFC0  }
0x1c: {  	[tilespmem:s3+$0x2800] =	vst v0;
	s0 =	sadd.s32 $0x10, s0;
	s3 =	smov.u32 s31;
	s31 =	sadd.s32 $0x40, s31  }
.Ltmp0:
0x1d: {  	(pc) =	sbr.rel @p0 .LBB2_2-.Ltmp0, $4  }
0x1e: {  	_ = 	snop  }
0x1f: {  	s3 =	sand.u32 $0xFE00, s3  }
0x20: {  	s2 =	sand.u32 $0x70, s0;
	s3 =	sshrl.u32 s3, $0x2  }
0x21: {  	s3 =	sor.u32 s2, s3  }
0x22: {  	[tilespmem:s3+$0x2800] =	vst v0  }
0x23: {  	[spmem:s5] =	stream.linear.scatter [tilespmem:s20], [sflag:$0x2], $0x4000, $0x38;
	[tilespmem:$0x1E400] =	vst v63  }
0x24: {  	_ =	swait.ge [sflag:s21], $0x4000  }
0x25: {  	[sflag:s21] =	ssyncset.done $0x0  }
0x26: {  	[sflag:s21] =	ssyncadd.s32 $0xFFFFC000  }
0x27: {  	[spmem:s6] =	stream.linear.scatter [tilespmem:s20], [sflag:$0x2], $0x4000, $0x38;
	[tilespmem:$0x1E400] =	vst v63  }
0x28: {  	_ =	swait.ge [sflag:s21], $0x4000  }
0x29: {  	[sflag:s21] =	ssyncset.done $0x0  }
0x2a: {  	[sflag:s21] =	ssyncadd.s32 $0xFFFFC000  }
0x2b: {  	[spmem:s7] =	stream.linear.scatter [tilespmem:s20], [sflag:$0x2], $0x4000, $0x38;
	[tilespmem:$0x1E400] =	vst v63  }
0x2c: {  	_ =	swait.ge [sflag:s21], $0x4000  }
0x2d: {  	[sflag:s21] =	ssyncset.done $0x0  }
0x2e: {  	[sflag:s21] =	ssyncadd.s32 $0xFFFFC000  }
0x2f: {  	[spmem:s8] =	stream.linear.scatter [tilespmem:s20], [sflag:$0x2], $0x4000, $0x38;
	[tilespmem:$0x1E400] =	vst v63  }
0x30: {  	_ =	swait.ge [sflag:s21], $0x4000  }
0x31: {  	[sflag:s21] =	ssyncset.done $0x0  }
0x32: {  	[sflag:s21] =	ssyncadd.s32 $0xFFFFC000  }
0x33: {  	[spmem:s9] =	stream.linear.scatter [tilespmem:s20], [sflag:$0x2], $0x3C00, $0x38;
	[tilespmem:$0x1E400] =	vst v63  }
0x34: {  	_ =	swait.ge [sflag:s21], $0x3C00  }
0x35: {  	[sflag:s21] =	ssyncset.done $0x0  }
0x36: {  	[sflag:s21] =	ssyncadd.s32 $0xFFFFC400  }
0x37: {  	s0 =	simm.s32 $0x0;
	[bflag:$0x0] =	sbarrier.arrive $0xFFFF  }
0x38: {  	[tilespmem:s0], [sflag:$0x2] =	stream.linear.gather [hbm4b:s10+s0], $0x1400, $0x38;
	[tilespmem:$0x1E400] =	vst v63  }
0x39: {  	_ =	swait.ge [sflag:s21], $0x1400  }
0x3a: {  	[sflag:s21] =	ssyncset.done $0x0  }
0x3b: {  	[sflag:s21] =	ssyncadd.s32 $0xFFFFEC00  }
0x3c: {  	[tilespmem:s22], [sflag:$0x2] =	stream.linear.gather [hbm4b:s11+s0], $0x1400, $0x38;
	[tilespmem:$0x1E400] =	vst v63  }
0x3d: {  	_ =	swait.ge [sflag:s21], $0x1400  }
0x3e: {  	[sflag:s21] =	ssyncset.done $0x0  }
0x3f: {  	[sflag:s21] =	ssyncadd.s32 $0xFFFFEC00  }
0x40: {  	[tilespmem:s20], [sflag:$0x1] =	stream.indirect.gather [hbm4b:s4+s23], $0x80, s0, s23, $0xb8;
	[tilespmem:$0x1E400] =	vst v63  }
0x41: {  	_ =	swait.ge [sflag:s24], $0x4000  }
0x42: {  	[sflag:s24] =	ssyncset.done $0x0  }
0x43: {  	s2 =	simm.s32 $0x80;
	[sflag:s24] =	ssyncadd.s32 $0xFFFFC000  }
0x44: {  	[tilespmem:s25], [sflag:$0x1] =	stream.indirect.gather [hbm4b:s4+s23], $0x80, s2, s23, $0xb8;
	[tilespmem:$0x1E400] =	vst v63  }
0x45: {  	s3 =	simm.s32 $0x1400  }
0x46: {  	[spmem:s1] =	stream.indirect.scatter.add.f32 [tilespmem:s20], [sflag:$0x2], $0x80, s3, s23, $0xb8;
	[tilespmem:$0x1E400] =	vst v63  }
0x47: {  	_ =	swait.ge [sflag:s21], $0x4000  }
0x48: {  	[sflag:s21] =	ssyncset.done $0x0  }
0x49: {  	[sflag:s21] =	ssyncadd.s32 $0xFFFFC000  }
0x4a: {  	_ =	swait.ge [sflag:s24], $0x4000  }
0x4b: {  	[sflag:s24] =	ssyncset.done $0x0  }
0x4c: {  	s2 =	simm.s32 $0x100;
	[sflag:s24] =	ssyncadd.s32 $0xFFFFC000  }
0x4d: {  	[tilespmem:s20], [sflag:$0x1] =	stream.indirect.gather [hbm4b:s4+s23], $0x80, s2, s23, $0xb8;
	[tilespmem:$0x1E400] =	vst v63  }
0x4e: {  	s3 =	simm.s32 $0x1480  }
0x4f: {  	[spmem:s1] =	stream.indirect.scatter.add.f32 [tilespmem:s25], [sflag:$0x2], $0x80, s3, s23, $0xb8;
	[tilespmem:$0x1E400] =	vst v63  }
0x50: {  	_ =	swait.ge [sflag:s21], $0x4000  }
0x51: {  	s31 =	simm.s32 $0x400;
	[sflag:s21] =	ssyncset.done $0x0  }
.LBB2_4:
0x52: {  	p0 =	sne.s32 s31, $0x4800  }
0x53: {  	[sflag:s21] =	ssyncadd.s32 $0xFFFFC000;
	s0 =	smov.u32 s31;
	s31 =	sadd.s32 $0x400, s31  }
0x54: {  	_ = 	snop  }
0x55: {  	_ =	swait.ge [sflag:s24], $0x4000  }
0x56: {  	s0 =	sshra.s32 s0, $0x2;
	[sflag:s24] =	ssyncset.done $0x0  }
0x57: {  	s2 =	sadd.s32 $0x80, s0;
	[sflag:s24] =	ssyncadd.s32 $0xFFFFC000  }
0x58: {  	[tilespmem:s25], [sflag:$0x1] =	stream.indirect.gather [hbm4b:s4+s23], $0x80, s2, s23, $0xb8;
	[tilespmem:$0x1E400] =	vst v63  }
0x59: {  	s2 =	sadd.s32 $0x1400, s0  }
0x5a: {  	[spmem:s1] =	stream.indirect.scatter.add.f32 [tilespmem:s20], [sflag:$0x2], $0x80, s2, s23, $0xb8;
	[tilespmem:$0x1E400] =	vst v63  }
0x5b: {  	_ =	swait.ge [sflag:s21], $0x4000  }
0x5c: {  	[sflag:s21] =	ssyncset.done $0x0  }
0x5d: {  	[sflag:s21] =	ssyncadd.s32 $0xFFFFC000  }
0x5e: {  	_ =	swait.ge [sflag:s24], $0x4000  }
0x5f: {  	[sflag:s24] =	ssyncset.done $0x0  }
0x60: {  	s2 =	sadd.s32 $0x100, s0;
	[sflag:s24] =	ssyncadd.s32 $0xFFFFC000  }
0x61: {  	[tilespmem:s20], [sflag:$0x1] =	stream.indirect.gather [hbm4b:s4+s23], $0x80, s2, s23, $0xb8;
	[tilespmem:$0x1E400] =	vst v63  }
.Ltmp1:
0x62: {  	_ = 	snop;
	(pc) =	sbr.rel @p0 .LBB2_4-.Ltmp1, $4  }
0x63: {  	s0 =	sadd.s32 $0x1480, s0  }
0x64: {  	[spmem:s1] =	stream.indirect.scatter.add.f32 [tilespmem:s25], [sflag:$0x2], $0x80, s0, s23, $0xb8;
	[tilespmem:$0x1E400] =	vst v63  }
0x65: {  	_ =	swait.ge [sflag:s21], $0x4000  }
0x66: {  	[sflag:s21] =	ssyncset.done $0x0  }
0x67: {  	[sflag:s21] =	ssyncadd.s32 $0xFFFFC000  }
0x68: {  	_ =	swait.ge [sflag:s24], $0x4000  }
0x69: {  	[sflag:s24] =	ssyncset.done $0x0  }
0x6a: {  	[sflag:s24] =	ssyncadd.s32 $0xFFFFC000  }
0x6b: {  	[tilespmem:s25], [sflag:$0x1] =	stream.indirect.gather [hbm4b:s4+s23], $0x80, s26, s23, $0xb8;
	[tilespmem:$0x1E400] =	vst v63  }
0x6c: {  	_ = 	snop  }
0x6d: {  	[spmem:s1] =	stream.indirect.scatter.add.f32 [tilespmem:s20], [sflag:$0x2], $0x80, s28, s23, $0xb8;
	[tilespmem:$0x1E400] =	vst v63  }
0x6e: {  	_ =	swait.ge [sflag:s21], $0x4000  }
0x6f: {  	[sflag:s21] =	ssyncset.done $0x0  }
0x70: {  	[sflag:s21] =	ssyncadd.s32 $0xFFFFC000  }
0x71: {  	_ =	swait.ge [sflag:s24], $0x4000  }
0x72: {  	[sflag:s24] =	ssyncset.done $0x0  }
0x73: {  	[sflag:s24] =	ssyncadd.s32 $0xFFFFC000  }
0x74: {  	[spmem:s1] =	stream.indirect.scatter.add.f32 [tilespmem:s25], [sflag:$0x2], $0x80, s29, s23, $0xb8;
	[tilespmem:$0x1E400] =	vst v63  }
0x75: {  	_ =	swait.ge [sflag:s21], $0x4000  }
0x76: {  	[sflag:s21] =	ssyncset.done $0x0  }
0x77: {  	s0 =	simm.s32 $0x0;
	[sflag:s21] =	ssyncadd.s32 $0xFFFFC000  }
0x78: {  	[tilespmem:s0], [sflag:$0x2] =	stream.linear.gather [hbm4b:s12+s0], $0x1400, $0x38;
	[tilespmem:$0x1E400] =	vst v63  }
0x79: {  	_ =	swait.ge [sflag:s21], $0x1400  }
0x7a: {  	[sflag:s21] =	ssyncset.done $0x0  }
0x7b: {  	[sflag:s21] =	ssyncadd.s32 $0xFFFFEC00  }
0x7c: {  	[tilespmem:s22], [sflag:$0x2] =	stream.linear.gather [hbm4b:s13+s0], $0x1400, $0x38;
	[tilespmem:$0x1E400] =	vst v63  }
0x7d: {  	_ =	swait.ge [sflag:s21], $0x1400  }
0x7e: {  	[sflag:s21] =	ssyncset.done $0x0  }
0x7f: {  	[sflag:s21] =	ssyncadd.s32 $0xFFFFEC00  }
0x80: {  	[tilespmem:s20], [sflag:$0x1] =	stream.indirect.gather [hbm4b:s4+s23], $0x80, s0, s23, $0xb8;
	[tilespmem:$0x1E400] =	vst v63  }
0x81: {  	_ =	swait.ge [sflag:s24], $0x4000  }
0x82: {  	[sflag:s24] =	ssyncset.done $0x0  }
0x83: {  	s2 =	simm.s32 $0x80;
	[sflag:s24] =	ssyncadd.s32 $0xFFFFC000  }
0x84: {  	[tilespmem:s25], [sflag:$0x1] =	stream.indirect.gather [hbm4b:s4+s23], $0x80, s2, s23, $0xb8;
	[tilespmem:$0x1E400] =	vst v63  }
0x85: {  	s3 =	simm.s32 $0x1400  }
0x86: {  	[spmem:s1] =	stream.indirect.scatter.add.f32 [tilespmem:s20], [sflag:$0x2], $0x80, s3, s23, $0xb8;
	[tilespmem:$0x1E400] =	vst v63  }
0x87: {  	_ =	swait.ge [sflag:s21], $0x4000  }
0x88: {  	[sflag:s21] =	ssyncset.done $0x0  }
0x89: {  	[sflag:s21] =	ssyncadd.s32 $0xFFFFC000  }
0x8a: {  	_ =	swait.ge [sflag:s24], $0x4000  }
0x8b: {  	[sflag:s24] =	ssyncset.done $0x0  }
0x8c: {  	s2 =	simm.s32 $0x100;
	[sflag:s24] =	ssyncadd.s32 $0xFFFFC000  }
0x8d: {  	[tilespmem:s20], [sflag:$0x1] =	stream.indirect.gather [hbm4b:s4+s23], $0x80, s2, s23, $0xb8;
	[tilespmem:$0x1E400] =	vst v63  }
0x8e: {  	s3 =	simm.s32 $0x1480  }
0x8f: {  	[spmem:s1] =	stream.indirect.scatter.add.f32 [tilespmem:s25], [sflag:$0x2], $0x80, s3, s23, $0xb8;
	[tilespmem:$0x1E400] =	vst v63  }
0x90: {  	_ =	swait.ge [sflag:s21], $0x4000  }
0x91: {  	s31 =	simm.s32 $0x400;
	[sflag:s21] =	ssyncset.done $0x0  }
.LBB2_6:
0x92: {  	p0 =	sne.s32 s31, $0x4800  }
0x93: {  	[sflag:s21] =	ssyncadd.s32 $0xFFFFC000;
	s0 =	smov.u32 s31;
	s31 =	sadd.s32 $0x400, s31  }
0x94: {  	_ = 	snop  }
0x95: {  	_ =	swait.ge [sflag:s24], $0x4000  }
0x96: {  	s0 =	sshra.s32 s0, $0x2;
	[sflag:s24] =	ssyncset.done $0x0  }
0x97: {  	s2 =	sadd.s32 $0x80, s0;
	[sflag:s24] =	ssyncadd.s32 $0xFFFFC000  }
0x98: {  	[tilespmem:s25], [sflag:$0x1] =	stream.indirect.gather [hbm4b:s4+s23], $0x80, s2, s23, $0xb8;
	[tilespmem:$0x1E400] =	vst v63  }
0x99: {  	s2 =	sadd.s32 $0x1400, s0  }
0x9a: {  	[spmem:s1] =	stream.indirect.scatter.add.f32 [tilespmem:s20], [sflag:$0x2], $0x80, s2, s23, $0xb8;
	[tilespmem:$0x1E400] =	vst v63  }
0x9b: {  	_ =	swait.ge [sflag:s21], $0x4000  }
0x9c: {  	[sflag:s21] =	ssyncset.done $0x0  }
0x9d: {  	[sflag:s21] =	ssyncadd.s32 $0xFFFFC000  }
0x9e: {  	_ =	swait.ge [sflag:s24], $0x4000  }
0x9f: {  	[sflag:s24] =	ssyncset.done $0x0  }
0xa0: {  	s2 =	sadd.s32 $0x100, s0;
	[sflag:s24] =	ssyncadd.s32 $0xFFFFC000  }
0xa1: {  	[tilespmem:s20], [sflag:$0x1] =	stream.indirect.gather [hbm4b:s4+s23], $0x80, s2, s23, $0xb8;
	[tilespmem:$0x1E400] =	vst v63  }
.Ltmp2:
0xa2: {  	_ = 	snop;
	(pc) =	sbr.rel @p0 .LBB2_6-.Ltmp2, $4  }
0xa3: {  	s0 =	sadd.s32 $0x1480, s0  }
0xa4: {  	[spmem:s1] =	stream.indirect.scatter.add.f32 [tilespmem:s25], [sflag:$0x2], $0x80, s0, s23, $0xb8;
	[tilespmem:$0x1E400] =	vst v63  }
0xa5: {  	_ =	swait.ge [sflag:s21], $0x4000  }
0xa6: {  	[sflag:s21] =	ssyncset.done $0x0  }
0xa7: {  	[sflag:s21] =	ssyncadd.s32 $0xFFFFC000  }
0xa8: {  	_ =	swait.ge [sflag:s24], $0x4000  }
0xa9: {  	[sflag:s24] =	ssyncset.done $0x0  }
0xaa: {  	[sflag:s24] =	ssyncadd.s32 $0xFFFFC000  }
0xab: {  	[tilespmem:s25], [sflag:$0x1] =	stream.indirect.gather [hbm4b:s4+s23], $0x80, s26, s23, $0xb8;
	[tilespmem:$0x1E400] =	vst v63  }
0xac: {  	_ = 	snop  }
0xad: {  	[spmem:s1] =	stream.indirect.scatter.add.f32 [tilespmem:s20], [sflag:$0x2], $0x80, s28, s23, $0xb8;
	[tilespmem:$0x1E400] =	vst v63  }
0xae: {  	_ =	swait.ge [sflag:s21], $0x4000  }
0xaf: {  	[sflag:s21] =	ssyncset.done $0x0  }
0xb0: {  	[sflag:s21] =	ssyncadd.s32 $0xFFFFC000  }
0xb1: {  	_ =	swait.ge [sflag:s24], $0x4000  }
0xb2: {  	[sflag:s24] =	ssyncset.done $0x0  }
0xb3: {  	[sflag:s24] =	ssyncadd.s32 $0xFFFFC000  }
0xb4: {  	[spmem:s1] =	stream.indirect.scatter.add.f32 [tilespmem:s25], [sflag:$0x2], $0x80, s29, s23, $0xb8;
	[tilespmem:$0x1E400] =	vst v63  }
0xb5: {  	_ =	swait.ge [sflag:s21], $0x4000  }
0xb6: {  	s0 =	stileid.u32;
	[sflag:s21] =	ssyncset.done $0x0  }
0xb7: {  	s0 =	sshll.u32 s0, $0x6;
	[sflag:s21] =	ssyncadd.s32 $0xFFFFC000  }
0xb8: {  	s2 =	sshrl.u32 s5, $0x3;
	s0 =	sor.u32 $0x1C02, s0;
	[bflag:$0x0] =	sbarrier.arrive $0xFFFF  }
0xb9: {  	[hbm:s14], [sflag:s0] =	dma.local [spmem:s2], $0x800  }
0xba: {  	_ =	swait.ge [sflag:s21], $0x800  }
0xbb: {  	[sflag:s21] =	ssyncset.done $0x0  }
0xbc: {  	s3 =	sshrl.u32 s6, $0x3;
	[sflag:s21] =	ssyncadd.s32 $0xFFFFF800  }
0xbd: {  	[hbm:s15], [sflag:s0] =	dma.local [spmem:s3], $0x800  }
0xbe: {  	_ =	swait.ge [sflag:s21], $0x800  }
0xbf: {  	[sflag:s21] =	ssyncset.done $0x0  }
0xc0: {  	s31 =	sshrl.u32 s7, $0x3;
	[sflag:s21] =	ssyncadd.s32 $0xFFFFF800  }
0xc1: {  	[hbm:s16], [sflag:s0] =	dma.local [spmem:s31], $0x800  }
0xc2: {  	_ =	swait.ge [sflag:s21], $0x800  }
0xc3: {  	[sflag:s21] =	ssyncset.done $0x0  }
0xc4: {  	s3 =	sshrl.u32 s8, $0x3;
	[sflag:s21] =	ssyncadd.s32 $0xFFFFF800  }
0xc5: {  	[hbm:s17], [sflag:s0] =	dma.local [spmem:s3], $0x800  }
0xc6: {  	s30 =	sadd.s32 $0x1, s30;
	_ =	swait.ge [sflag:s21], $0x800  }
0xc7: {  	p0 =	sne.s32 s30, s19;
	[sflag:s21] =	ssyncset.done $0x0  }
.Ltmp3:
0xc8: {  	s31 =	sshrl.u32 s9, $0x3;
	[sflag:s21] =	ssyncadd.s32 $0xFFFFF800;
	(pc) =	sbr.rel @p0 .LBB2_1-.Ltmp3, $4  }
0xc9: {  	[hbm:s18], [sflag:s0] =	dma.local [spmem:s31], $0x780  }
0xca: {  	_ =	swait.ge [sflag:s21], $0x780  }
0xcb: {  	[sflag:s21] =	ssyncset.done $0x0  }
0xcc: {  	[sflag:s21] =	ssyncadd.s32 $0xFFFFF880  }
0xcd: {  	_ =	sfence.sel $0x180000  }
0xce: {  	[bflag:$0x0] =	sbarrier.arrive $0xFFFF  }
0xcf: {  	_ =	strace $0x9000004A  }
0xd0: {  	s0 =	stileid.u32;
	[bflag:$0x2] =	sbarrier.arrive $0xFFFF  }
0xd1: {  	p0 =	sne.s32 s0, $0x0;
	s0 =	rddreg [dreg:$0x2]  }
0xd2: {  	s0 =	sadd.s32 @!p0 $0x100000, s0  }
0xd3: {  	[sflag:s0] =	ssyncadd.tile.s32 @!p0 $0x1;
	_ =	shalt  }
.Lfunc_end2:
_tile_overlayer_lowered:
.L_overlay_start_2:
0xd4: {  	(tag) =	ssettag $0x2  }
0xd5: {  	s0 =	rddreg [dreg:$0x0];
	s2 =	stileid.u32  }
0xd6: {  	s1 =	rddreg [dreg:$0x1];
	p0 =	sne.s32 s2, $0x0  }
0xd7: {  	s3 =	rddreg [dreg:$0x2];
	[bflag:$0x3] =	sbarrier.arrive $0xFFFF;
	s2 =	simm.s32 @!p0 $0x1C02  }
0xd8: {  	[timem:s3], [sflag:s2] =	dma.local @!p0 [hbm:s0], s1  }
0xd9: {  	s0 =	simm.s32 @!p0 $0x2  }
0xda: {  	_ =	swait.ge @!p0 [sflag:s0], s1  }
0xdb: {  	s1 =	ssub.s32 @!p0 $0x0, s1;
	[sflag:s0] =	ssyncset.done @!p0 $0x0  }
0xdc: {  	[sflag:s0] =	ssyncadd.s32 @!p0 s1  }
0xdd: {  	[bflag:$0x3] =	sbarrier.arrive $0xFFFF  }
0xde: {  	_ =	shalt  }

// kernel: kernel.19.cloned.1.call-start
scs
__scs_entry_jumppad:
0x0: {  	(pc) =	sbr.rel $0x88, $3  }
0x1: {  	(tag) =	ssettag $0x0;
	lr =	simm.s32 $0x1  }
0x2: {  	[smem:$0x3F94] =	sst lr;
	_ =	strace $0xD0000000  }
0x3: {  	_ = 	snop  }
0x4: {  	_ = 	snop  }
0x5: {  	_ = 	snop  }
0x6: {  	_ = 	snop  }
0x7: {  	_ = 	snop  }
__scs_overlays_trampoline_lowered:
0x8: {  	[smem:$0x3FA3] =	sst s0  }
0x9: {  	[smem:$0x3FA4] =	sst s1  }
0xa: {  	[smem:$0x3FA5] =	sst s2  }
0xb: {  	[smem:$0x3FA6] =	sst s3  }
0xc: {  	[smem:$0x3FA7] =	sst s4  }
0xd: {  	[smem:$0x3FA8] =	sst s5  }
0xe: {  	[smem:$0x3FA9] =	sst s6  }
0xf: {  	[smem:$0x3FAA] =	sst s7  }
0x10: {  	[smem:$0x3FAB] =	sst s8  }
0x11: {  	[smem:$0x3FAC] =	sst s9;
	s0 =	simm.s32 @!p0 $0x0  }
0x12: {  	s1 =	sld [smem:$0x3F92];
	s0 =	simm.s32 @p0 $0x1  }
0x13: {  	[smem:$0x3FAD] =	sst s0;
	s0 =	simm.s32 @!p1 $0x0  }
0x14: {  	s2 =	sld [smem:$0x3F91];
	s0 =	simm.s32 @p1 $0x1  }
0x15: {  	[smem:$0x3FAE] =	sst s0;
	s0 =	simm.s32 @!p2 $0x0  }
0x16: {  	s3 =	sld [smem:$0x3FDB];
	s0 =	simm.s32 @p2 $0x1  }
0x17: {  	s4 =	simm.s32 $0x1BF5;
	[smem:$0x3FB0] =	sst s0  }
0x18: {  	s0 =	sld [smem:$0x3F93];
	_ =	swait.ge [sflag:s4], $0x0  }
0x19: {  	s7 =	sld [smem:$0x3F94]  }
0x1a: {  	s8 =	sadd.s32 $0xFFFFE003, lr  }
0x1b: {  	s9 =	sadd.s32 $0xFFFFFEF7, lr;
	s5 =	simm.s32 $0xFFFFFFFF;
	p2 =	slt.u32 s8, $0xFFFFF086  }
0x1c: {  	p1 =	slt.u32 s9, $0xF7A;
	s5 =	simm.s32 @!p2 $0x0  }
0x1d: {  	s5 =	simm.s32 @p1 $0x1;
	p0 =	seq.s32 s7, s2  }
0x1e: {  	s7 =	smul.u32 @!p0 $0xF7A, s2;
	p2 =	seq.s32 @!p0 s5, $0x0  }
0x1f: {  	s9 =	smul.u32 $0xF7A, s1;
	s8 =	simm.s32 @!p0 $0x1BF5;
	p2 =	por !p2, p0  }
0x20: {  	[sflag:s8] =	ssyncset.s32 @!p0 $0xFFFFF086;
	s6 =	sadd.s32 @!p0 s3, s7;
	s7 =	simm.s32 @!p0 $0x108  }
0x21: {  	s3 =	sadd.s32 s3, s9;
	s6 =	sadd.s32 @!p0 $0x88, s6;
	s7 =	simm.s32 @p2 $0x1082  }
0x22: {  	[simem:s7], [sflag:s8] =	dma.local @!p0 [hbm:s6], $0xF7A  }
0x23: {  	s9 =	sor.u32 $0xD0000000, s2;
	s6 =	simm.s32 $0x108;
	_ =	swait.ge @!p0 [sflag:s8], $0x0  }
0x24: {  	s3 =	sadd.s32 $0x88, s3;
	s6 =	simm.s32 @!p1 $0x1082;
	[sflag:s4] =	ssyncset.s32 $0xFFFFF086  }
0x25: {  	[simem:s6], [sflag:s4] =	dma.local [hbm:s3], $0xF7A  }
0x26: {  	[smem:$0x3F94] =	sst s1;
	(tag) =	ssettag s2;
	_ =	strace s9  }
0x27: {  	s1 =	sld [smem:$0x3FA4]  }
0x28: {  	s2 =	sld [smem:$0x3FA5]  }
0x29: {  	s4 =	sld [smem:$0x3FA7]  }
0x2a: {  	p0 =	seq.s32 s5, $0x0;
	s5 =	sld [smem:$0x3FA8]  }
0x2b: {  	s6 =	sld [smem:$0x3FA9]  }
0x2c: {  	s7 =	sld [smem:$0x3FAA]  }
0x2d: {  	s3 =	simm.s32 $0x108;
	s8 =	sld [smem:$0x3FAB]  }
0x2e: {  	s3 =	simm.s32 @!p0 $0x1082;
	s9 =	sld [smem:$0x3FAC]  }
0x2f: {  	lr =	sadd.s32 s0, s3;
	s0 =	sld [smem:$0x3FA3]  }
0x30: {  	s3 =	sld [smem:$0x3FA6]  }
0x31: {  	[smem:$0x3FAF] =	sst s10  }
0x32: {  	s10 =	sld [smem:$0x3FAD];
	_ =	sdelay $0x3  }
0x33: {  	p0 =	seq.s32 s10, $0x1;
	s10 =	sld [smem:$0x3FAF];
	_ =	sdelay $0x3  }
0x34: {  	[smem:$0x3FAF] =	sst s10  }
0x35: {  	s10 =	sld [smem:$0x3FAE];
	_ =	sdelay $0x3  }
0x36: {  	p1 =	seq.s32 s10, $0x1;
	s10 =	sld [smem:$0x3FAF];
	_ =	sdelay $0x3  }
0x37: {  	[smem:$0x3FAF] =	sst s10  }
0x38: {  	s10 =	sld [smem:$0x3FB0]  }
0x39: {  	_ = 	snop;
	(pc) =	sbr.ind lr, $3  }
0x3a: {  	_ = 	snop  }
0x3b: {  	_ = 	snop  }
0x3c: {  	p2 =	seq.s32 s10, $0x1;
	s10 =	sld [smem:$0x3FAF]  }
0x3d: {  	_ =	shalt  }
0x3e: {  	_ =	shalt  }
0x3f: {  	_ =	shalt  }
0x40: {  	_ =	shalt  }
0x41: {  	_ =	shalt  }
0x42: {  	_ =	shalt  }
0x43: {  	_ =	shalt  }
0x44: {  	_ =	shalt  }
0x45: {  	_ =	shalt  }
0x46: {  	_ =	shalt  }
0x47: {  	_ =	shalt  }
0x48: {  	_ =	shalt  }
0x49: {  	_ =	shalt  }
0x4a: {  	_ =	shalt  }
0x4b: {  	_ =	shalt  }
0x4c: {  	_ =	shalt  }
0x4d: {  	_ =	shalt  }
0x4e: {  	_ =	shalt  }
0x4f: {  	_ =	shalt  }
0x50: {  	_ =	shalt  }
0x51: {  	_ =	shalt  }
0x52: {  	_ =	shalt  }
0x53: {  	_ =	shalt  }
0x54: {  	_ =	shalt  }
0x55: {  	_ =	shalt  }
0x56: {  	_ =	shalt  }
0x57: {  	_ =	shalt  }
0x58: {  	_ =	shalt  }
0x59: {  	_ =	shalt  }
0x5a: {  	_ =	shalt  }
0x5b: {  	_ =	shalt  }
0x5c: {  	_ =	shalt  }
0x5d: {  	_ =	shalt  }
0x5e: {  	_ =	shalt  }
0x5f: {  	_ =	shalt  }
0x60: {  	_ =	shalt  }
0x61: {  	_ =	shalt  }
0x62: {  	_ =	shalt  }
0x63: {  	_ =	shalt  }
0x64: {  	_ =	shalt  }
0x65: {  	_ =	shalt  }
0x66: {  	_ =	shalt  }
0x67: {  	_ =	shalt  }
0x68: {  	_ =	shalt  }
0x69: {  	_ =	shalt  }
0x6a: {  	_ =	shalt  }
0x6b: {  	_ =	shalt  }
0x6c: {  	_ =	shalt  }
0x6d: {  	_ =	shalt  }
0x6e: {  	_ =	shalt  }
0x6f: {  	_ =	shalt  }
0x70: {  	_ =	shalt  }
0x71: {  	_ =	shalt  }
0x72: {  	_ =	shalt  }
0x73: {  	_ =	shalt  }
0x74: {  	_ =	shalt  }
0x75: {  	_ =	shalt  }
0x76: {  	_ =	shalt  }
0x77: {  	_ =	shalt  }
0x78: {  	_ =	shalt  }
0x79: {  	_ =	shalt  }
0x7a: {  	_ =	shalt  }
0x7b: {  	_ =	shalt  }
0x7c: {  	_ =	shalt  }
0x7d: {  	_ =	shalt  }
0x7e: {  	_ =	shalt  }
0x7f: {  	_ =	shalt  }
0x80: {  	_ =	shalt  }
0x81: {  	_ =	shalt  }
0x82: {  	_ =	shalt  }
0x83: {  	_ =	shalt  }
0x84: {  	_ =	shalt  }
0x85: {  	_ =	shalt  }
0x86: {  	_ =	shalt  }
0x87: {  	_ =	shalt  }
.Lfunc_end0:
.L_simem_size_0:
called_computation.2_lowered:
.L_overlay_start_0:
0x88: {  	s2 =	sld [smem:$0x3FD9]  }
0x89: {  	s3 =	sld [smem:$0x3FFE];
	_ =	sdelay $0x1  }
0x8a: {  	s1 =	srdreg.scid  }
0x8b: {  	s0 =	sand.u32 $0x1, s1  }
0x8c: {  	s16 =	sshll.u32 s0, $0xA;
	s2 =	sadd.s32 s3, s2  }
0x8d: {  	s2 =	sadd.s32 s2, s16  }
0x8e: {  	[smem:$0x3FBB] =	sst s2  }
0x8f: {  	_ = 	snop  }
0x90: {  	(tm) =	ssettm $0x1  }
0x91: {  	s17 =	sld [smem:$0x3FFB];
	_ =	sdelay $0x3  }
0x92: {  	_ =	strace s17  }
0x93: {  	s2 =	sld [smem:$0x3FFC];
	_ =	sdelay $0x3  }
0x94: {  	_ =	strace s2  }
0x95: {  	s2 =	sld [smem:$0x3FFD];
	_ =	sdelay $0x3  }
0x96: {  	_ =	strace s2  }
0x97: {  	_ =	strace $0x8FFFFFFF  }
0x98: {  	s18 =	sld [smem:$0x3FDB];
	_ =	sdelay $0x1  }
0x99: {  	s19 =	simm.s32 $_scs_section_size  }
0x9a: {  	s4 =	simm.s32 $_size__tile_overlayer_lowered;
	s5 =	simm.s32 $_tile_overlayer_lowered  }
0x9b: {  	s22 =	simm.s32 $0x1BFF;
	s21 =	sshll.u32 s5, $0x1;
	s2 =	sadd.s32 s19, s18  }
0x9c: {  	s6 =	simm.s32 $0x0;
	s20 =	sshll.u32 s4, $0x1;
	s4 =	sadd.s32 s21, s2  }
0x9d: {  	[timem:s6], [sflag:s22] =	dma.local [hbm:s4], s20  }
0x9e: {  	_ =	swait.ge [sflag:s22], s20  }
0x9f: {  	s3 =	ssub.s32 $0x0, s20;
	[sflag:s22] =	ssyncset.done $0x0  }
0xa0: {  	[sflag:s22] =	ssyncadd.s32 s3;
	_ =	sdelay $0x1  }
0xa1: {  	s23 =	simm.s32 $0x1B8B  }
0xa2: {  	_ =	swait.ge [sflag:s23], $0x1  }
0xa3: {  	[sflag:s23] =	ssyncset.done $0x0  }
0xa4: {  	s25 =	simm.s32 $0x1B8E;
	s24 =	sld [smem:$0x3FFE];
	[sflag:s23] =	ssyncadd.s32 $0xFFFFFFFF  }
0xa5: {  	s26 =	simm.s32 $execute0_lowered;
	[smem:$0x3FD2] =	sst s25  }
0xa6: {  	s4 =	sshll.u32 s26, $0x1;
	_ =	strace $0x8000004C;
	[dreg:$0x1] =	wrdreg $0xFFFFFFFF  }
0xa7: {  	s28 =	simm.s32 $_size_execute0_lowered;
	s2 =	sadd.s32 s2, s4;
	[dreg:$0x0] =	wrdreg $0x0  }
0xa8: {  	s4 =	sshll.u32 s28, $0x1;
	[dreg:$0x2] =	wrdreg s2  }
0xa9: {  	[dreg:$0x3] =	wrdreg s4  }
0xaa: {  	[dreg:$0x4] =	wrdreg $0xC0  }
0xab: {  	_ =	task [dreg:s6], $0x5FFFF  }
0xac: {  	[dreg:$0x1] =	wrdreg $0xFFFFFFFF  }
0xad: {  	[dreg:$0x0] =	wrdreg $0x60  }
0xae: {  	[dreg:$0x2] =	wrdreg s24  }
0xaf: {  	[dreg:$0x3] =	wrdreg $0xA8000  }
0xb0: {  	[dreg:$0x4] =	wrdreg $0x9  }
0xb1: {  	_ =	task.clear_ibuf [dreg:s6], $0x5FFFF;
	_ =	strace $0x9000004C  }
0xb2: {  	s29 =	simm.s32 $0x9;
	_ =	strace $0x8000004E  }
0xb3: {  	_ =	swait.ge [sflag:s29], $0x1  }
0xb4: {  	[sflag:s29] =	ssyncadd.s32 $0xFFFFFFFF  }
0xb5: {  	_ =	strace $0x9000004E  }
0xb6: {  	_ =	sfence  }
0xb7: {  	s30 =	sld [smem:$0x0];
	_ =	sdelay $0x2  }
0xb8: {  	s31 =	sshll.u32 s1, $0xD;
	s1 =	sshrl.u32 s1, $0x2  }
0xb9: {  	s3 =	sand.u32 $0x4000, s31;
	s1 =	sadd.s32 s1, s30  }
0xba: {  	s0 =	sor.u32 s3, s0;
	s1 =	sshll.u32 s1, $0x11  }
0xbb: {  	s0 =	sor.u32 s1, s0  }
0xbc: {  	s0 =	sadd.s32 $0x8F2B, s0  }
0xbd: {  	[sflag:s0] =	ssyncadd.remote.s32 $0x1  }
0xbe: {  	_ =	sfence.sel $0xFFFF  }
0xbf: {  	[dreg:$0x0] =	wrdreg $0xFFFFFFFF;
	(pc) =	sbr.abs _section_cstart, $3  }
0xc0: {  	[dreg:$0x1] =	wrdreg $0xFFFFFFFF  }
0xc1: {  	_ =	task.clear_ibuf [dreg:s6], $0x2FFFF;
	_ =	strace $0x9FFFFFFF  }
0xc2: {  	(tm) =	ssettm $0x7FFFFFFF  }
0xc3: {  	_ =	shalt  }
tec
execute0_lowered:
.L_overlay_start_1:
0x0: {  	(tag) =	ssettag $0x1  }
0x1: {  	s0 =	rddreg [dreg:$0x0]  }
0x2: {  	s1 =	rddreg [dreg:$0x1];
	s2 =	simm.s32 $0x0  }
0x3: {  	s3 =	srdreg.scid;
	s26 =	stileid.u32;
	s21 =	simm.s32 $0x2  }
0x4: {  	s22 =	simm.s32 $0x1400;
	s23 =	simm.s32 $0x80;
	s24 =	simm.s32 $0x1  }
0x5: {  	s25 =	simm.s32 $0x6800;
	s28 =	simm.s32 $0x2700;
	s29 =	simm.s32 $0x2780  }
0x6: {  	s30 =	simm.s32 $0x0;
	[smem:$0x7FF] =	sst s2;
	s4 =	sadd.s32 $0x17A00, s0  }
0x7: {  	s3 =	sand.u32 $0x1, s3;
	s12 =	sadd.s32 $0x3A00, s0;
	s6 =	smul.u32 $0x4F000, s26  }
0x8: {  	s13 =	sadd.s32 $0xDA00, s0;
	s0 =	sadd.s32 $0x3F200, s0;
	s14 =	smul.u32 $0x13C00, s26  }
0x9: {  	_ =	strace $0x8000004D;
	s5 =	ssub.s32 $0x2, s3;
	s8 =	sshll.u32 s3, $0x4  }
0xa: {  	s3 =	smul.u32 $0x13C000, s3;
	s7 =	sshrl.u32 s5, $0x1;
	s6 =	sshrl.u32 s6, $0x2  }
0xb: {  	s31 =	sor.u32 s26, s8;
	s15 =	sadd.s32 $0x4000, s14;
	s16 =	sadd.s32 $0x8000, s14  }
0xc: {  	s17 =	sadd.s32 $0xC000, s14;
	s18 =	sadd.s32 $0x10000, s14;
	s26 =	simm.s32 $0x1380  }
0xd: {  	s19 =	ssub.s32 s5, s7;
	s5 =	sadd.s32 s6, s1;
	s8 =	smul.u32 $0x2800, s31  }
0xe: {  	s6 =	sadd.s32 s15, s1;
	s7 =	sadd.s32 s16, s1;
	s9 =	sadd.s32 s18, s1  }
0xf: {  	s14 =	sadd.s32 s14, s3;
	s15 =	sadd.s32 s3, s15;
	s16 =	sadd.s32 s3, s16  }
0x10: {  	s14 =	sshrl.u32 s14, $0x3;
	s15 =	sshrl.u32 s15, $0x3;
	s16 =	sshrl.u32 s16, $0x3  }
0x11: {  	s19 =	smax.u32 s19, $0x1;
	s20 =	sshrl.u32 s8, $0x3;
	s8 =	sadd.s32 s17, s1  }
0x12: {  	s14 =	sadd.s32 s0, s14;
	s15 =	sadd.s32 s0, s15;
	s17 =	sadd.s32 s3, s17  }
0x13: {  	s3 =	sadd.s32 s3, s18;
	s16 =	sadd.s32 s0, s16;
	s10 =	sadd.s32 s12, s20  }
0x14: {  	s11 =	sadd.s32 s13, s20;
	s20 =	sadd.s32 $0x280, s20;
	s17 =	sshrl.u32 s17, $0x3  }
0x15: {  	s3 =	sshrl.u32 s3, $0x3;
	s12 =	sadd.s32 s12, s20;
	s13 =	sadd.s32 s13, s20  }
0x16: {  	v0 =	vimm.f32 $0.0e+00;
	s17 =	sadd.s32 s0, s17;
	s18 =	sadd.s32 s0, s3;
	s20 =	simm.s32 $0x2800  }
.LBB2_1:
0x17: {  	s2 =	simm.s32 $0x0  }
0x18: {  	s0 =	sand.u32 $0xFE00, s2  }
0x19: {  	s3 =	sand.u32 $0x70, s2;
	s0 =	sshrl.u32 s0, $0x2  }
0x1a: {  	s31 =	simm.s32 $0x40;
	s3 =	sor.u32 s3, s0;
	s0 =	simm.s32 $0x0  }
.LBB2_2:
0x1b: {  	p0 =	sne.s32 s31, $0xFFC0  }
0x1c: {  	[tilespmem:s3+$0x2800] =	vst v0;
	s0 =	sadd.s32 $0x10, s0;
	s3 =	smov.u32 s31;
	s31 =	sadd.s32 $0x40, s31  }
.Ltmp0:
0x1d: {  	(pc) =	sbr.rel @p0 .LBB2_2-.Ltmp0, $4  }
0x1e: {  	_ = 	snop  }
0x1f: {  	s3 =	sand.u32 $0xFE00, s3  }
0x20: {  	s2 =	sand.u32 $0x70, s0;
	s3 =	sshrl.u32 s3, $0x2  }
0x21: {  	s3 =	sor.u32 s2, s3  }
0x22: {  	[tilespmem:s3+$0x2800] =	vst v0  }
0x23: {  	[spmem:s5] =	stream.linear.scatter [tilespmem:s20], [sflag:$0x2], $0x4000, $0x38;
	[tilespmem:$0x1E400] =	vst v63  }
0x24: {  	_ =	swait.ge [sflag:s21], $0x4000  }
0x25: {  	[sflag:s21] =	ssyncset.done $0x0  }
0x26: {  	[sflag:s21] =	ssyncadd.s32 $0xFFFFC000  }
0x27: {  	[spmem:s6] =	stream.linear.scatter [tilespmem:s20], [sflag:$0x2], $0x4000, $0x38;
	[tilespmem:$0x1E400] =	vst v63  }
0x28: {  	_ =	swait.ge [sflag:s21], $0x4000  }
0x29: {  	[sflag:s21] =	ssyncset.done $0x0  }
0x2a: {  	[sflag:s21] =	ssyncadd.s32 $0xFFFFC000  }
0x2b: {  	[spmem:s7] =	stream.linear.scatter [tilespmem:s20], [sflag:$0x2], $0x4000, $0x38;
	[tilespmem:$0x1E400] =	vst v63  }
0x2c: {  	_ =	swait.ge [sflag:s21], $0x4000  }
0x2d: {  	[sflag:s21] =	ssyncset.done $0x0  }
0x2e: {  	[sflag:s21] =	ssyncadd.s32 $0xFFFFC000  }
0x2f: {  	[spmem:s8] =	stream.linear.scatter [tilespmem:s20], [sflag:$0x2], $0x4000, $0x38;
	[tilespmem:$0x1E400] =	vst v63  }
0x30: {  	_ =	swait.ge [sflag:s21], $0x4000  }
0x31: {  	[sflag:s21] =	ssyncset.done $0x0  }
0x32: {  	[sflag:s21] =	ssyncadd.s32 $0xFFFFC000  }
0x33: {  	[spmem:s9] =	stream.linear.scatter [tilespmem:s20], [sflag:$0x2], $0x3C00, $0x38;
	[tilespmem:$0x1E400] =	vst v63  }
0x34: {  	_ =	swait.ge [sflag:s21], $0x3C00  }
0x35: {  	[sflag:s21] =	ssyncset.done $0x0  }
0x36: {  	[sflag:s21] =	ssyncadd.s32 $0xFFFFC400  }
0x37: {  	s0 =	simm.s32 $0x0;
	[bflag:$0x0] =	sbarrier.arrive $0xFFFF  }
0x38: {  	[tilespmem:s0], [sflag:$0x2] =	stream.linear.gather [hbm4b:s10+s0], $0x1400, $0x38;
	[tilespmem:$0x1E400] =	vst v63  }
0x39: {  	_ =	swait.ge [sflag:s21], $0x1400  }
0x3a: {  	[sflag:s21] =	ssyncset.done $0x0  }
0x3b: {  	[sflag:s21] =	ssyncadd.s32 $0xFFFFEC00  }
0x3c: {  	[tilespmem:s22], [sflag:$0x2] =	stream.linear.gather [hbm4b:s11+s0], $0x1400, $0x38;
	[tilespmem:$0x1E400] =	vst v63  }
0x3d: {  	_ =	swait.ge [sflag:s21], $0x1400  }
0x3e: {  	[sflag:s21] =	ssyncset.done $0x0  }
0x3f: {  	[sflag:s21] =	ssyncadd.s32 $0xFFFFEC00  }
0x40: {  	[tilespmem:s20], [sflag:$0x1] =	stream.indirect.gather [hbm4b:s4+s23], $0x80, s0, s23, $0xb8;
	[tilespmem:$0x1E400] =	vst v63  }
0x41: {  	_ =	swait.ge [sflag:s24], $0x4000  }
0x42: {  	[sflag:s24] =	ssyncset.done $0x0  }
0x43: {  	s2 =	simm.s32 $0x80;
	[sflag:s24] =	ssyncadd.s32 $0xFFFFC000  }
0x44: {  	[tilespmem:s25], [sflag:$0x1] =	stream.indirect.gather [hbm4b:s4+s23], $0x80, s2, s23, $0xb8;
	[tilespmem:$0x1E400] =	vst v63  }
0x45: {  	s3 =	simm.s32 $0x1400  }
0x46: {  	[spmem:s1] =	stream.indirect.scatter.add.f32 [tilespmem:s20], [sflag:$0x2], $0x80, s3, s23, $0xb8;
	[tilespmem:$0x1E400] =	vst v63  }
0x47: {  	_ =	swait.ge [sflag:s21], $0x4000  }
0x48: {  	[sflag:s21] =	ssyncset.done $0x0  }
0x49: {  	[sflag:s21] =	ssyncadd.s32 $0xFFFFC000  }
0x4a: {  	_ =	swait.ge [sflag:s24], $0x4000  }
0x4b: {  	[sflag:s24] =	ssyncset.done $0x0  }
0x4c: {  	s2 =	simm.s32 $0x100;
	[sflag:s24] =	ssyncadd.s32 $0xFFFFC000  }
0x4d: {  	[tilespmem:s20], [sflag:$0x1] =	stream.indirect.gather [hbm4b:s4+s23], $0x80, s2, s23, $0xb8;
	[tilespmem:$0x1E400] =	vst v63  }
0x4e: {  	s3 =	simm.s32 $0x1480  }
0x4f: {  	[spmem:s1] =	stream.indirect.scatter.add.f32 [tilespmem:s25], [sflag:$0x2], $0x80, s3, s23, $0xb8;
	[tilespmem:$0x1E400] =	vst v63  }
0x50: {  	_ =	swait.ge [sflag:s21], $0x4000  }
0x51: {  	s31 =	simm.s32 $0x400;
	[sflag:s21] =	ssyncset.done $0x0  }
.LBB2_4:
0x52: {  	p0 =	sne.s32 s31, $0x4800  }
0x53: {  	[sflag:s21] =	ssyncadd.s32 $0xFFFFC000;
	s0 =	smov.u32 s31;
	s31 =	sadd.s32 $0x400, s31  }
0x54: {  	_ = 	snop  }
0x55: {  	_ =	swait.ge [sflag:s24], $0x4000  }
0x56: {  	s0 =	sshra.s32 s0, $0x2;
	[sflag:s24] =	ssyncset.done $0x0  }
0x57: {  	s2 =	sadd.s32 $0x80, s0;
	[sflag:s24] =	ssyncadd.s32 $0xFFFFC000  }
0x58: {  	[tilespmem:s25], [sflag:$0x1] =	stream.indirect.gather [hbm4b:s4+s23], $0x80, s2, s23, $0xb8;
	[tilespmem:$0x1E400] =	vst v63  }
0x59: {  	s2 =	sadd.s32 $0x1400, s0  }
0x5a: {  	[spmem:s1] =	stream.indirect.scatter.add.f32 [tilespmem:s20], [sflag:$0x2], $0x80, s2, s23, $0xb8;
	[tilespmem:$0x1E400] =	vst v63  }
0x5b: {  	_ =	swait.ge [sflag:s21], $0x4000  }
0x5c: {  	[sflag:s21] =	ssyncset.done $0x0  }
0x5d: {  	[sflag:s21] =	ssyncadd.s32 $0xFFFFC000  }
0x5e: {  	_ =	swait.ge [sflag:s24], $0x4000  }
0x5f: {  	[sflag:s24] =	ssyncset.done $0x0  }
0x60: {  	s2 =	sadd.s32 $0x100, s0;
	[sflag:s24] =	ssyncadd.s32 $0xFFFFC000  }
0x61: {  	[tilespmem:s20], [sflag:$0x1] =	stream.indirect.gather [hbm4b:s4+s23], $0x80, s2, s23, $0xb8;
	[tilespmem:$0x1E400] =	vst v63  }
.Ltmp1:
0x62: {  	_ = 	snop;
	(pc) =	sbr.rel @p0 .LBB2_4-.Ltmp1, $4  }
0x63: {  	s0 =	sadd.s32 $0x1480, s0  }
0x64: {  	[spmem:s1] =	stream.indirect.scatter.add.f32 [tilespmem:s25], [sflag:$0x2], $0x80, s0, s23, $0xb8;
	[tilespmem:$0x1E400] =	vst v63  }
0x65: {  	_ =	swait.ge [sflag:s21], $0x4000  }
0x66: {  	[sflag:s21] =	ssyncset.done $0x0  }
0x67: {  	[sflag:s21] =	ssyncadd.s32 $0xFFFFC000  }
0x68: {  	_ =	swait.ge [sflag:s24], $0x4000  }
0x69: {  	[sflag:s24] =	ssyncset.done $0x0  }
0x6a: {  	[sflag:s24] =	ssyncadd.s32 $0xFFFFC000  }
0x6b: {  	[tilespmem:s25], [sflag:$0x1] =	stream.indirect.gather [hbm4b:s4+s23], $0x80, s26, s23, $0xb8;
	[tilespmem:$0x1E400] =	vst v63  }
0x6c: {  	_ = 	snop  }
0x6d: {  	[spmem:s1] =	stream.indirect.scatter.add.f32 [tilespmem:s20], [sflag:$0x2], $0x80, s28, s23, $0xb8;
	[tilespmem:$0x1E400] =	vst v63  }
0x6e: {  	_ =	swait.ge [sflag:s21], $0x4000  }
0x6f: {  	[sflag:s21] =	ssyncset.done $0x0  }
0x70: {  	[sflag:s21] =	ssyncadd.s32 $0xFFFFC000  }
0x71: {  	_ =	swait.ge [sflag:s24], $0x4000  }
0x72: {  	[sflag:s24] =	ssyncset.done $0x0  }
0x73: {  	[sflag:s24] =	ssyncadd.s32 $0xFFFFC000  }
0x74: {  	[spmem:s1] =	stream.indirect.scatter.add.f32 [tilespmem:s25], [sflag:$0x2], $0x80, s29, s23, $0xb8;
	[tilespmem:$0x1E400] =	vst v63  }
0x75: {  	_ =	swait.ge [sflag:s21], $0x4000  }
0x76: {  	[sflag:s21] =	ssyncset.done $0x0  }
0x77: {  	s0 =	simm.s32 $0x0;
	[sflag:s21] =	ssyncadd.s32 $0xFFFFC000  }
0x78: {  	[tilespmem:s0], [sflag:$0x2] =	stream.linear.gather [hbm4b:s12+s0], $0x1400, $0x38;
	[tilespmem:$0x1E400] =	vst v63  }
0x79: {  	_ =	swait.ge [sflag:s21], $0x1400  }
0x7a: {  	[sflag:s21] =	ssyncset.done $0x0  }
0x7b: {  	[sflag:s21] =	ssyncadd.s32 $0xFFFFEC00  }
0x7c: {  	[tilespmem:s22], [sflag:$0x2] =	stream.linear.gather [hbm4b:s13+s0], $0x1400, $0x38;
	[tilespmem:$0x1E400] =	vst v63  }
0x7d: {  	_ =	swait.ge [sflag:s21], $0x1400  }
0x7e: {  	[sflag:s21] =	ssyncset.done $0x0  }
0x7f: {  	[sflag:s21] =	ssyncadd.s32 $0xFFFFEC00  }
0x80: {  	[tilespmem:s20], [sflag:$0x1] =	stream.indirect.gather [hbm4b:s4+s23], $0x80, s0, s23, $0xb8;
	[tilespmem:$0x1E400] =	vst v63  }
0x81: {  	_ =	swait.ge [sflag:s24], $0x4000  }
0x82: {  	[sflag:s24] =	ssyncset.done $0x0  }
0x83: {  	s2 =	simm.s32 $0x80;
	[sflag:s24] =	ssyncadd.s32 $0xFFFFC000  }
0x84: {  	[tilespmem:s25], [sflag:$0x1] =	stream.indirect.gather [hbm4b:s4+s23], $0x80, s2, s23, $0xb8;
	[tilespmem:$0x1E400] =	vst v63  }
0x85: {  	s3 =	simm.s32 $0x1400  }
0x86: {  	[spmem:s1] =	stream.indirect.scatter.add.f32 [tilespmem:s20], [sflag:$0x2], $0x80, s3, s23, $0xb8;
	[tilespmem:$0x1E400] =	vst v63  }
0x87: {  	_ =	swait.ge [sflag:s21], $0x4000  }
0x88: {  	[sflag:s21] =	ssyncset.done $0x0  }
0x89: {  	[sflag:s21] =	ssyncadd.s32 $0xFFFFC000  }
0x8a: {  	_ =	swait.ge [sflag:s24], $0x4000  }
0x8b: {  	[sflag:s24] =	ssyncset.done $0x0  }
0x8c: {  	s2 =	simm.s32 $0x100;
	[sflag:s24] =	ssyncadd.s32 $0xFFFFC000  }
0x8d: {  	[tilespmem:s20], [sflag:$0x1] =	stream.indirect.gather [hbm4b:s4+s23], $0x80, s2, s23, $0xb8;
	[tilespmem:$0x1E400] =	vst v63  }
0x8e: {  	s3 =	simm.s32 $0x1480  }
0x8f: {  	[spmem:s1] =	stream.indirect.scatter.add.f32 [tilespmem:s25], [sflag:$0x2], $0x80, s3, s23, $0xb8;
	[tilespmem:$0x1E400] =	vst v63  }
0x90: {  	_ =	swait.ge [sflag:s21], $0x4000  }
0x91: {  	s31 =	simm.s32 $0x400;
	[sflag:s21] =	ssyncset.done $0x0  }
.LBB2_6:
0x92: {  	p0 =	sne.s32 s31, $0x4800  }
0x93: {  	[sflag:s21] =	ssyncadd.s32 $0xFFFFC000;
	s0 =	smov.u32 s31;
	s31 =	sadd.s32 $0x400, s31  }
0x94: {  	_ = 	snop  }
0x95: {  	_ =	swait.ge [sflag:s24], $0x4000  }
0x96: {  	s0 =	sshra.s32 s0, $0x2;
	[sflag:s24] =	ssyncset.done $0x0  }
0x97: {  	s2 =	sadd.s32 $0x80, s0;
	[sflag:s24] =	ssyncadd.s32 $0xFFFFC000  }
0x98: {  	[tilespmem:s25], [sflag:$0x1] =	stream.indirect.gather [hbm4b:s4+s23], $0x80, s2, s23, $0xb8;
	[tilespmem:$0x1E400] =	vst v63  }
0x99: {  	s2 =	sadd.s32 $0x1400, s0  }
0x9a: {  	[spmem:s1] =	stream.indirect.scatter.add.f32 [tilespmem:s20], [sflag:$0x2], $0x80, s2, s23, $0xb8;
	[tilespmem:$0x1E400] =	vst v63  }
0x9b: {  	_ =	swait.ge [sflag:s21], $0x4000  }
0x9c: {  	[sflag:s21] =	ssyncset.done $0x0  }
0x9d: {  	[sflag:s21] =	ssyncadd.s32 $0xFFFFC000  }
0x9e: {  	_ =	swait.ge [sflag:s24], $0x4000  }
0x9f: {  	[sflag:s24] =	ssyncset.done $0x0  }
0xa0: {  	s2 =	sadd.s32 $0x100, s0;
	[sflag:s24] =	ssyncadd.s32 $0xFFFFC000  }
0xa1: {  	[tilespmem:s20], [sflag:$0x1] =	stream.indirect.gather [hbm4b:s4+s23], $0x80, s2, s23, $0xb8;
	[tilespmem:$0x1E400] =	vst v63  }
.Ltmp2:
0xa2: {  	_ = 	snop;
	(pc) =	sbr.rel @p0 .LBB2_6-.Ltmp2, $4  }
0xa3: {  	s0 =	sadd.s32 $0x1480, s0  }
0xa4: {  	[spmem:s1] =	stream.indirect.scatter.add.f32 [tilespmem:s25], [sflag:$0x2], $0x80, s0, s23, $0xb8;
	[tilespmem:$0x1E400] =	vst v63  }
0xa5: {  	_ =	swait.ge [sflag:s21], $0x4000  }
0xa6: {  	[sflag:s21] =	ssyncset.done $0x0  }
0xa7: {  	[sflag:s21] =	ssyncadd.s32 $0xFFFFC000  }
0xa8: {  	_ =	swait.ge [sflag:s24], $0x4000  }
0xa9: {  	[sflag:s24] =	ssyncset.done $0x0  }
0xaa: {  	[sflag:s24] =	ssyncadd.s32 $0xFFFFC000  }
0xab: {  	[tilespmem:s25], [sflag:$0x1] =	stream.indirect.gather [hbm4b:s4+s23], $0x80, s26, s23, $0xb8;
	[tilespmem:$0x1E400] =	vst v63  }
0xac: {  	_ = 	snop  }
0xad: {  	[spmem:s1] =	stream.indirect.scatter.add.f32 [tilespmem:s20], [sflag:$0x2], $0x80, s28, s23, $0xb8;
	[tilespmem:$0x1E400] =	vst v63  }
0xae: {  	_ =	swait.ge [sflag:s21], $0x4000  }
0xaf: {  	[sflag:s21] =	ssyncset.done $0x0  }
0xb0: {  	[sflag:s21] =	ssyncadd.s32 $0xFFFFC000  }
0xb1: {  	_ =	swait.ge [sflag:s24], $0x4000  }
0xb2: {  	[sflag:s24] =	ssyncset.done $0x0  }
0xb3: {  	[sflag:s24] =	ssyncadd.s32 $0xFFFFC000  }
0xb4: {  	[spmem:s1] =	stream.indirect.scatter.add.f32 [tilespmem:s25], [sflag:$0x2], $0x80, s29, s23, $0xb8;
	[tilespmem:$0x1E400] =	vst v63  }
0xb5: {  	_ =	swait.ge [sflag:s21], $0x4000  }
0xb6: {  	s0 =	stileid.u32;
	[sflag:s21] =	ssyncset.done $0x0  }
0xb7: {  	s0 =	sshll.u32 s0, $0x6;
	[sflag:s21] =	ssyncadd.s32 $0xFFFFC000  }
0xb8: {  	s2 =	sshrl.u32 s5, $0x3;
	s0 =	sor.u32 $0x1C02, s0;
	[bflag:$0x0] =	sbarrier.arrive $0xFFFF  }
0xb9: {  	[hbm:s14], [sflag:s0] =	dma.local [spmem:s2], $0x800  }
0xba: {  	_ =	swait.ge [sflag:s21], $0x800  }
0xbb: {  	[sflag:s21] =	ssyncset.done $0x0  }
0xbc: {  	s3 =	sshrl.u32 s6, $0x3;
	[sflag:s21] =	ssyncadd.s32 $0xFFFFF800  }
0xbd: {  	[hbm:s15], [sflag:s0] =	dma.local [spmem:s3], $0x800  }
0xbe: {  	_ =	swait.ge [sflag:s21], $0x800  }
0xbf: {  	[sflag:s21] =	ssyncset.done $0x0  }
0xc0: {  	s31 =	sshrl.u32 s7, $0x3;
	[sflag:s21] =	ssyncadd.s32 $0xFFFFF800  }
0xc1: {  	[hbm:s16], [sflag:s0] =	dma.local [spmem:s31], $0x800  }
0xc2: {  	_ =	swait.ge [sflag:s21], $0x800  }
0xc3: {  	[sflag:s21] =	ssyncset.done $0x0  }
0xc4: {  	s3 =	sshrl.u32 s8, $0x3;
	[sflag:s21] =	ssyncadd.s32 $0xFFFFF800  }
0xc5: {  	[hbm:s17], [sflag:s0] =	dma.local [spmem:s3], $0x800  }
0xc6: {  	s30 =	sadd.s32 $0x1, s30;
	_ =	swait.ge [sflag:s21], $0x800  }
0xc7: {  	p0 =	sne.s32 s30, s19;
	[sflag:s21] =	ssyncset.done $0x0  }
.Ltmp3:
0xc8: {  	s31 =	sshrl.u32 s9, $0x3;
	[sflag:s21] =	ssyncadd.s32 $0xFFFFF800;
	(pc) =	sbr.rel @p0 .LBB2_1-.Ltmp3, $4  }
0xc9: {  	[hbm:s18], [sflag:s0] =	dma.local [spmem:s31], $0x780  }
0xca: {  	_ =	swait.ge [sflag:s21], $0x780  }
0xcb: {  	[sflag:s21] =	ssyncset.done $0x0  }
0xcc: {  	[sflag:s21] =	ssyncadd.s32 $0xFFFFF880  }
0xcd: {  	_ =	sfence.sel $0x180000  }
0xce: {  	[bflag:$0x0] =	sbarrier.arrive $0xFFFF  }
0xcf: {  	_ =	strace $0x9000004D  }
0xd0: {  	s0 =	stileid.u32;
	[bflag:$0x2] =	sbarrier.arrive $0xFFFF  }
0xd1: {  	p0 =	sne.s32 s0, $0x0;
	s0 =	rddreg [dreg:$0x2]  }
0xd2: {  	s0 =	sadd.s32 @!p0 $0x100000, s0  }
0xd3: {  	[sflag:s0] =	ssyncadd.tile.s32 @!p0 $0x1;
	_ =	shalt  }
.Lfunc_end2:
_tile_overlayer_lowered:
.L_overlay_start_2:
0xd4: {  	(tag) =	ssettag $0x2  }
0xd5: {  	s0 =	rddreg [dreg:$0x0];
	s2 =	stileid.u32  }
0xd6: {  	s1 =	rddreg [dreg:$0x1];
	p0 =	sne.s32 s2, $0x0  }
0xd7: {  	s3 =	rddreg [dreg:$0x2];
	[bflag:$0x3] =	sbarrier.arrive $0xFFFF;
	s2 =	simm.s32 @!p0 $0x1C02  }
0xd8: {  	[timem:s3], [sflag:s2] =	dma.local @!p0 [hbm:s0], s1  }
0xd9: {  	s0 =	simm.s32 @!p0 $0x2  }
0xda: {  	_ =	swait.ge @!p0 [sflag:s0], s1  }
0xdb: {  	s1 =	ssub.s32 @!p0 $0x0, s1;
	[sflag:s0] =	ssyncset.done @!p0 $0x0  }
0xdc: {  	[sflag:s0] =	ssyncadd.s32 @!p0 s1  }
0xdd: {  	[bflag:$0x3] =	sbarrier.arrive $0xFFFF  }
0xde: {  	_ =	shalt  }

// kernel: kernel.22.cloned.1.call-start
scs
__scs_entry_jumppad:
0x0: {  	(pc) =	sbr.rel $0x88, $3  }
0x1: {  	(tag) =	ssettag $0x0;
	lr =	simm.s32 $0x1  }
0x2: {  	[smem:$0x3F94] =	sst lr;
	_ =	strace $0xD0000000  }
0x3: {  	_ = 	snop  }
0x4: {  	_ = 	snop  }
0x5: {  	_ = 	snop  }
0x6: {  	_ = 	snop  }
0x7: {  	_ = 	snop  }
__scs_overlays_trampoline_lowered:
0x8: {  	[smem:$0x3FA3] =	sst s0  }
0x9: {  	[smem:$0x3FA4] =	sst s1  }
0xa: {  	[smem:$0x3FA5] =	sst s2  }
0xb: {  	[smem:$0x3FA6] =	sst s3  }
0xc: {  	[smem:$0x3FA7] =	sst s4  }
0xd: {  	[smem:$0x3FA8] =	sst s5  }
0xe: {  	[smem:$0x3FA9] =	sst s6  }
0xf: {  	[smem:$0x3FAA] =	sst s7  }
0x10: {  	[smem:$0x3FAB] =	sst s8  }
0x11: {  	[smem:$0x3FAC] =	sst s9;
	s0 =	simm.s32 @!p0 $0x0  }
0x12: {  	s1 =	sld [smem:$0x3F92];
	s0 =	simm.s32 @p0 $0x1  }
0x13: {  	[smem:$0x3FAD] =	sst s0;
	s0 =	simm.s32 @!p1 $0x0  }
0x14: {  	s2 =	sld [smem:$0x3F91];
	s0 =	simm.s32 @p1 $0x1  }
0x15: {  	[smem:$0x3FAE] =	sst s0;
	s0 =	simm.s32 @!p2 $0x0  }
0x16: {  	s3 =	sld [smem:$0x3FDB];
	s0 =	simm.s32 @p2 $0x1  }
0x17: {  	s4 =	simm.s32 $0x1BF5;
	[smem:$0x3FB0] =	sst s0  }
0x18: {  	s0 =	sld [smem:$0x3F93];
	_ =	swait.ge [sflag:s4], $0x0  }
0x19: {  	s7 =	sld [smem:$0x3F94]  }
0x1a: {  	s8 =	sadd.s32 $0xFFFFE003, lr  }
0x1b: {  	s9 =	sadd.s32 $0xFFFFFEF7, lr;
	s5 =	simm.s32 $0xFFFFFFFF;
	p2 =	slt.u32 s8, $0xFFFFF086  }
0x1c: {  	p1 =	slt.u32 s9, $0xF7A;
	s5 =	simm.s32 @!p2 $0x0  }
0x1d: {  	s5 =	simm.s32 @p1 $0x1;
	p0 =	seq.s32 s7, s2  }
0x1e: {  	s7 =	smul.u32 @!p0 $0xF7A, s2;
	p2 =	seq.s32 @!p0 s5, $0x0  }
0x1f: {  	s9 =	smul.u32 $0xF7A, s1;
	s8 =	simm.s32 @!p0 $0x1BF5;
	p2 =	por !p2, p0  }
0x20: {  	[sflag:s8] =	ssyncset.s32 @!p0 $0xFFFFF086;
	s6 =	sadd.s32 @!p0 s3, s7;
	s7 =	simm.s32 @!p0 $0x108  }
0x21: {  	s3 =	sadd.s32 s3, s9;
	s6 =	sadd.s32 @!p0 $0x88, s6;
	s7 =	simm.s32 @p2 $0x1082  }
0x22: {  	[simem:s7], [sflag:s8] =	dma.local @!p0 [hbm:s6], $0xF7A  }
0x23: {  	s9 =	sor.u32 $0xD0000000, s2;
	s6 =	simm.s32 $0x108;
	_ =	swait.ge @!p0 [sflag:s8], $0x0  }
0x24: {  	s3 =	sadd.s32 $0x88, s3;
	s6 =	simm.s32 @!p1 $0x1082;
	[sflag:s4] =	ssyncset.s32 $0xFFFFF086  }
0x25: {  	[simem:s6], [sflag:s4] =	dma.local [hbm:s3], $0xF7A  }
0x26: {  	[smem:$0x3F94] =	sst s1;
	(tag) =	ssettag s2;
	_ =	strace s9  }
0x27: {  	s1 =	sld [smem:$0x3FA4]  }
0x28: {  	s2 =	sld [smem:$0x3FA5]  }
0x29: {  	s4 =	sld [smem:$0x3FA7]  }
0x2a: {  	p0 =	seq.s32 s5, $0x0;
	s5 =	sld [smem:$0x3FA8]  }
0x2b: {  	s6 =	sld [smem:$0x3FA9]  }
0x2c: {  	s7 =	sld [smem:$0x3FAA]  }
0x2d: {  	s3 =	simm.s32 $0x108;
	s8 =	sld [smem:$0x3FAB]  }
0x2e: {  	s3 =	simm.s32 @!p0 $0x1082;
	s9 =	sld [smem:$0x3FAC]  }
0x2f: {  	lr =	sadd.s32 s0, s3;
	s0 =	sld [smem:$0x3FA3]  }
0x30: {  	s3 =	sld [smem:$0x3FA6]  }
0x31: {  	[smem:$0x3FAF] =	sst s10  }
0x32: {  	s10 =	sld [smem:$0x3FAD];
	_ =	sdelay $0x3  }
0x33: {  	p0 =	seq.s32 s10, $0x1;
	s10 =	sld [smem:$0x3FAF];
	_ =	sdelay $0x3  }
0x34: {  	[smem:$0x3FAF] =	sst s10  }
0x35: {  	s10 =	sld [smem:$0x3FAE];
	_ =	sdelay $0x3  }
0x36: {  	p1 =	seq.s32 s10, $0x1;
	s10 =	sld [smem:$0x3FAF];
	_ =	sdelay $0x3  }
0x37: {  	[smem:$0x3FAF] =	sst s10  }
0x38: {  	s10 =	sld [smem:$0x3FB0]  }
0x39: {  	_ = 	snop;
	(pc) =	sbr.ind lr, $3  }
0x3a: {  	_ = 	snop  }
0x3b: {  	_ = 	snop  }
0x3c: {  	p2 =	seq.s32 s10, $0x1;
	s10 =	sld [smem:$0x3FAF]  }
0x3d: {  	_ =	shalt  }
0x3e: {  	_ =	shalt  }
0x3f: {  	_ =	shalt  }
0x40: {  	_ =	shalt  }
0x41: {  	_ =	shalt  }
0x42: {  	_ =	shalt  }
0x43: {  	_ =	shalt  }
0x44: {  	_ =	shalt  }
0x45: {  	_ =	shalt  }
0x46: {  	_ =	shalt  }
0x47: {  	_ =	shalt  }
0x48: {  	_ =	shalt  }
0x49: {  	_ =	shalt  }
0x4a: {  	_ =	shalt  }
0x4b: {  	_ =	shalt  }
0x4c: {  	_ =	shalt  }
0x4d: {  	_ =	shalt  }
0x4e: {  	_ =	shalt  }
0x4f: {  	_ =	shalt  }
0x50: {  	_ =	shalt  }
0x51: {  	_ =	shalt  }
0x52: {  	_ =	shalt  }
0x53: {  	_ =	shalt  }
0x54: {  	_ =	shalt  }
0x55: {  	_ =	shalt  }
0x56: {  	_ =	shalt  }
0x57: {  	_ =	shalt  }
0x58: {  	_ =	shalt  }
0x59: {  	_ =	shalt  }
0x5a: {  	_ =	shalt  }
0x5b: {  	_ =	shalt  }
0x5c: {  	_ =	shalt  }
0x5d: {  	_ =	shalt  }
0x5e: {  	_ =	shalt  }
0x5f: {  	_ =	shalt  }
0x60: {  	_ =	shalt  }
0x61: {  	_ =	shalt  }
0x62: {  	_ =	shalt  }
0x63: {  	_ =	shalt  }
0x64: {  	_ =	shalt  }
0x65: {  	_ =	shalt  }
0x66: {  	_ =	shalt  }
0x67: {  	_ =	shalt  }
0x68: {  	_ =	shalt  }
0x69: {  	_ =	shalt  }
0x6a: {  	_ =	shalt  }
0x6b: {  	_ =	shalt  }
0x6c: {  	_ =	shalt  }
0x6d: {  	_ =	shalt  }
0x6e: {  	_ =	shalt  }
0x6f: {  	_ =	shalt  }
0x70: {  	_ =	shalt  }
0x71: {  	_ =	shalt  }
0x72: {  	_ =	shalt  }
0x73: {  	_ =	shalt  }
0x74: {  	_ =	shalt  }
0x75: {  	_ =	shalt  }
0x76: {  	_ =	shalt  }
0x77: {  	_ =	shalt  }
0x78: {  	_ =	shalt  }
0x79: {  	_ =	shalt  }
0x7a: {  	_ =	shalt  }
0x7b: {  	_ =	shalt  }
0x7c: {  	_ =	shalt  }
0x7d: {  	_ =	shalt  }
0x7e: {  	_ =	shalt  }
0x7f: {  	_ =	shalt  }
0x80: {  	_ =	shalt  }
0x81: {  	_ =	shalt  }
0x82: {  	_ =	shalt  }
0x83: {  	_ =	shalt  }
0x84: {  	_ =	shalt  }
0x85: {  	_ =	shalt  }
0x86: {  	_ =	shalt  }
0x87: {  	_ =	shalt  }
.Lfunc_end0:
.L_simem_size_0:
called_computation.3_lowered:
.L_overlay_start_0:
0x88: {  	s2 =	sld [smem:$0x3FD9]  }
0x89: {  	s3 =	sld [smem:$0x3FFE];
	_ =	sdelay $0x1  }
0x8a: {  	s1 =	srdreg.scid  }
0x8b: {  	s0 =	sand.u32 $0x1, s1  }
0x8c: {  	s16 =	sshll.u32 s0, $0xA;
	s2 =	sadd.s32 s3, s2  }
0x8d: {  	s2 =	sadd.s32 s2, s16  }
0x8e: {  	[smem:$0x3FBB] =	sst s2  }
0x8f: {  	_ = 	snop  }
0x90: {  	(tm) =	ssettm $0x1  }
0x91: {  	s17 =	sld [smem:$0x3FFB];
	_ =	sdelay $0x3  }
0x92: {  	_ =	strace s17  }
0x93: {  	s2 =	sld [smem:$0x3FFC];
	_ =	sdelay $0x3  }
0x94: {  	_ =	strace s2  }
0x95: {  	s2 =	sld [smem:$0x3FFD];
	_ =	sdelay $0x3  }
0x96: {  	_ =	strace s2  }
0x97: {  	_ =	strace $0x8FFFFFFF  }
0x98: {  	s18 =	sld [smem:$0x3FDB];
	_ =	sdelay $0x1  }
0x99: {  	s19 =	simm.s32 $_scs_section_size  }
0x9a: {  	s4 =	simm.s32 $_size__tile_overlayer_lowered;
	s5 =	simm.s32 $_tile_overlayer_lowered  }
0x9b: {  	s22 =	simm.s32 $0x1BFF;
	s21 =	sshll.u32 s5, $0x1;
	s2 =	sadd.s32 s19, s18  }
0x9c: {  	s6 =	simm.s32 $0x0;
	s20 =	sshll.u32 s4, $0x1;
	s4 =	sadd.s32 s21, s2  }
0x9d: {  	[timem:s6], [sflag:s22] =	dma.local [hbm:s4], s20  }
0x9e: {  	_ =	swait.ge [sflag:s22], s20  }
0x9f: {  	s3 =	ssub.s32 $0x0, s20;
	[sflag:s22] =	ssyncset.done $0x0  }
0xa0: {  	[sflag:s22] =	ssyncadd.s32 s3;
	_ =	sdelay $0x1  }
0xa1: {  	s23 =	simm.s32 $0x1B8B  }
0xa2: {  	_ =	swait.ge [sflag:s23], $0x1  }
0xa3: {  	[sflag:s23] =	ssyncset.done $0x0  }
0xa4: {  	s25 =	simm.s32 $0x1B8E;
	s24 =	sld [smem:$0x3FFE];
	[sflag:s23] =	ssyncadd.s32 $0xFFFFFFFF  }
0xa5: {  	s26 =	simm.s32 $execute0_lowered;
	[smem:$0x3FD2] =	sst s25  }
0xa6: {  	s4 =	sshll.u32 s26, $0x1;
	_ =	strace $0x8000004F;
	[dreg:$0x1] =	wrdreg $0xFFFFFFFF  }
0xa7: {  	s28 =	simm.s32 $_size_execute0_lowered;
	s2 =	sadd.s32 s2, s4;
	[dreg:$0x0] =	wrdreg $0x0  }
0xa8: {  	s4 =	sshll.u32 s28, $0x1;
	[dreg:$0x2] =	wrdreg s2  }
0xa9: {  	[dreg:$0x3] =	wrdreg s4  }
0xaa: {  	[dreg:$0x4] =	wrdreg $0xC0  }
0xab: {  	_ =	task [dreg:s6], $0x5FFFF  }
0xac: {  	[dreg:$0x1] =	wrdreg $0xFFFFFFFF  }
0xad: {  	[dreg:$0x0] =	wrdreg $0x60  }
0xae: {  	[dreg:$0x2] =	wrdreg s24  }
0xaf: {  	[dreg:$0x3] =	wrdreg $0xA8000  }
0xb0: {  	[dreg:$0x4] =	wrdreg $0x9  }
0xb1: {  	_ =	task.clear_ibuf [dreg:s6], $0x5FFFF;
	_ =	strace $0x9000004F  }
0xb2: {  	s29 =	simm.s32 $0x9;
	_ =	strace $0x80000051  }
0xb3: {  	_ =	swait.ge [sflag:s29], $0x1  }
0xb4: {  	[sflag:s29] =	ssyncadd.s32 $0xFFFFFFFF  }
0xb5: {  	_ =	strace $0x90000051  }
0xb6: {  	_ =	sfence  }
0xb7: {  	s30 =	sld [smem:$0x0];
	_ =	sdelay $0x2  }
0xb8: {  	s31 =	sshll.u32 s1, $0xD;
	s1 =	sshrl.u32 s1, $0x2  }
0xb9: {  	s3 =	sand.u32 $0x4000, s31;
	s1 =	sadd.s32 s1, s30  }
0xba: {  	s0 =	sor.u32 s3, s0;
	s1 =	sshll.u32 s1, $0x11  }
0xbb: {  	s0 =	sor.u32 s1, s0  }
0xbc: {  	s0 =	sadd.s32 $0x8F2B, s0  }
0xbd: {  	[sflag:s0] =	ssyncadd.remote.s32 $0x1  }
0xbe: {  	_ =	sfence.sel $0xFFFF  }
0xbf: {  	[dreg:$0x0] =	wrdreg $0xFFFFFFFF;
	(pc) =	sbr.abs _section_cstart, $3  }
0xc0: {  	[dreg:$0x1] =	wrdreg $0xFFFFFFFF  }
0xc1: {  	_ =	task.clear_ibuf [dreg:s6], $0x2FFFF;
	_ =	strace $0x9FFFFFFF  }
0xc2: {  	(tm) =	ssettm $0x7FFFFFFF  }
0xc3: {  	_ =	shalt  }
tec
execute0_lowered:
.L_overlay_start_1:
0x0: {  	(tag) =	ssettag $0x1  }
0x1: {  	s0 =	rddreg [dreg:$0x0]  }
0x2: {  	s1 =	rddreg [dreg:$0x1];
	s2 =	simm.s32 $0x0  }
0x3: {  	s3 =	srdreg.scid;
	s26 =	stileid.u32;
	s21 =	simm.s32 $0x2  }
0x4: {  	s22 =	simm.s32 $0x1400;
	s23 =	simm.s32 $0x80;
	s24 =	simm.s32 $0x1  }
0x5: {  	s25 =	simm.s32 $0x6800;
	s28 =	simm.s32 $0x2700;
	s29 =	simm.s32 $0x2780  }
0x6: {  	s30 =	simm.s32 $0x0;
	[smem:$0x7FF] =	sst s2;
	s4 =	sadd.s32 $0x17A00, s0  }
0x7: {  	s3 =	sand.u32 $0x1, s3;
	s12 =	sadd.s32 $0x3A00, s0;
	s6 =	smul.u32 $0x4F000, s26  }
0x8: {  	s13 =	sadd.s32 $0xDA00, s0;
	s0 =	sadd.s32 $0x3F200, s0;
	s14 =	smul.u32 $0x13C00, s26  }
0x9: {  	_ =	strace $0x80000050;
	s5 =	ssub.s32 $0x2, s3;
	s8 =	sshll.u32 s3, $0x4  }
0xa: {  	s3 =	smul.u32 $0x13C000, s3;
	s7 =	sshrl.u32 s5, $0x1;
	s6 =	sshrl.u32 s6, $0x2  }
0xb: {  	s31 =	sor.u32 s26, s8;
	s15 =	sadd.s32 $0x4000, s14;
	s16 =	sadd.s32 $0x8000, s14  }
0xc: {  	s17 =	sadd.s32 $0xC000, s14;
	s18 =	sadd.s32 $0x10000, s14;
	s26 =	simm.s32 $0x1380  }
0xd: {  	s19 =	ssub.s32 s5, s7;
	s5 =	sadd.s32 s6, s1;
	s8 =	smul.u32 $0x2800, s31  }
0xe: {  	s6 =	sadd.s32 s15, s1;
	s7 =	sadd.s32 s16, s1;
	s9 =	sadd.s32 s18, s1  }
0xf: {  	s14 =	sadd.s32 s14, s3;
	s15 =	sadd.s32 s3, s15;
	s16 =	sadd.s32 s3, s16  }
0x10: {  	s14 =	sshrl.u32 s14, $0x3;
	s15 =	sshrl.u32 s15, $0x3;
	s16 =	sshrl.u32 s16, $0x3  }
0x11: {  	s19 =	smax.u32 s19, $0x1;
	s20 =	sshrl.u32 s8, $0x3;
	s8 =	sadd.s32 s17, s1  }
0x12: {  	s14 =	sadd.s32 s0, s14;
	s15 =	sadd.s32 s0, s15;
	s17 =	sadd.s32 s3, s17  }
0x13: {  	s3 =	sadd.s32 s3, s18;
	s16 =	sadd.s32 s0, s16;
	s10 =	sadd.s32 s12, s20  }
0x14: {  	s11 =	sadd.s32 s13, s20;
	s20 =	sadd.s32 $0x280, s20;
	s17 =	sshrl.u32 s17, $0x3  }
0x15: {  	s3 =	sshrl.u32 s3, $0x3;
	s12 =	sadd.s32 s12, s20;
	s13 =	sadd.s32 s13, s20  }
0x16: {  	v0 =	vimm.f32 $0.0e+00;
	s17 =	sadd.s32 s0, s17;
	s18 =	sadd.s32 s0, s3;
	s20 =	simm.s32 $0x2800  }
.LBB2_1:
0x17: {  	s2 =	simm.s32 $0x0  }
0x18: {  	s0 =	sand.u32 $0xFE00, s2  }
0x19: {  	s3 =	sand.u32 $0x70, s2;
	s0 =	sshrl.u32 s0, $0x2  }
0x1a: {  	s31 =	simm.s32 $0x40;
	s3 =	sor.u32 s3, s0;
	s0 =	simm.s32 $0x0  }
.LBB2_2:
0x1b: {  	p0 =	sne.s32 s31, $0xFFC0  }
0x1c: {  	[tilespmem:s3+$0x2800] =	vst v0;
	s0 =	sadd.s32 $0x10, s0;
	s3 =	smov.u32 s31;
	s31 =	sadd.s32 $0x40, s31  }
.Ltmp0:
0x1d: {  	(pc) =	sbr.rel @p0 .LBB2_2-.Ltmp0, $4  }
0x1e: {  	_ = 	snop  }
0x1f: {  	s3 =	sand.u32 $0xFE00, s3  }
0x20: {  	s2 =	sand.u32 $0x70, s0;
	s3 =	sshrl.u32 s3, $0x2  }
0x21: {  	s3 =	sor.u32 s2, s3  }
0x22: {  	[tilespmem:s3+$0x2800] =	vst v0  }
0x23: {  	[spmem:s5] =	stream.linear.scatter [tilespmem:s20], [sflag:$0x2], $0x4000, $0x38;
	[tilespmem:$0x1E400] =	vst v63  }
0x24: {  	_ =	swait.ge [sflag:s21], $0x4000  }
0x25: {  	[sflag:s21] =	ssyncset.done $0x0  }
0x26: {  	[sflag:s21] =	ssyncadd.s32 $0xFFFFC000  }
0x27: {  	[spmem:s6] =	stream.linear.scatter [tilespmem:s20], [sflag:$0x2], $0x4000, $0x38;
	[tilespmem:$0x1E400] =	vst v63  }
0x28: {  	_ =	swait.ge [sflag:s21], $0x4000  }
0x29: {  	[sflag:s21] =	ssyncset.done $0x0  }
0x2a: {  	[sflag:s21] =	ssyncadd.s32 $0xFFFFC000  }
0x2b: {  	[spmem:s7] =	stream.linear.scatter [tilespmem:s20], [sflag:$0x2], $0x4000, $0x38;
	[tilespmem:$0x1E400] =	vst v63  }
0x2c: {  	_ =	swait.ge [sflag:s21], $0x4000  }
0x2d: {  	[sflag:s21] =	ssyncset.done $0x0  }
0x2e: {  	[sflag:s21] =	ssyncadd.s32 $0xFFFFC000  }
0x2f: {  	[spmem:s8] =	stream.linear.scatter [tilespmem:s20], [sflag:$0x2], $0x4000, $0x38;
	[tilespmem:$0x1E400] =	vst v63  }
0x30: {  	_ =	swait.ge [sflag:s21], $0x4000  }
0x31: {  	[sflag:s21] =	ssyncset.done $0x0  }
0x32: {  	[sflag:s21] =	ssyncadd.s32 $0xFFFFC000  }
0x33: {  	[spmem:s9] =	stream.linear.scatter [tilespmem:s20], [sflag:$0x2], $0x3C00, $0x38;
	[tilespmem:$0x1E400] =	vst v63  }
0x34: {  	_ =	swait.ge [sflag:s21], $0x3C00  }
0x35: {  	[sflag:s21] =	ssyncset.done $0x0  }
0x36: {  	[sflag:s21] =	ssyncadd.s32 $0xFFFFC400  }
0x37: {  	s0 =	simm.s32 $0x0;
	[bflag:$0x0] =	sbarrier.arrive $0xFFFF  }
0x38: {  	[tilespmem:s0], [sflag:$0x2] =	stream.linear.gather [hbm4b:s10+s0], $0x1400, $0x38;
	[tilespmem:$0x1E400] =	vst v63  }
0x39: {  	_ =	swait.ge [sflag:s21], $0x1400  }
0x3a: {  	[sflag:s21] =	ssyncset.done $0x0  }
0x3b: {  	[sflag:s21] =	ssyncadd.s32 $0xFFFFEC00  }
0x3c: {  	[tilespmem:s22], [sflag:$0x2] =	stream.linear.gather [hbm4b:s11+s0], $0x1400, $0x38;
	[tilespmem:$0x1E400] =	vst v63  }
0x3d: {  	_ =	swait.ge [sflag:s21], $0x1400  }
0x3e: {  	[sflag:s21] =	ssyncset.done $0x0  }
0x3f: {  	[sflag:s21] =	ssyncadd.s32 $0xFFFFEC00  }
0x40: {  	[tilespmem:s20], [sflag:$0x1] =	stream.indirect.gather [hbm4b:s4+s23], $0x80, s0, s23, $0xb8;
	[tilespmem:$0x1E400] =	vst v63  }
0x41: {  	_ =	swait.ge [sflag:s24], $0x4000  }
0x42: {  	[sflag:s24] =	ssyncset.done $0x0  }
0x43: {  	s2 =	simm.s32 $0x80;
	[sflag:s24] =	ssyncadd.s32 $0xFFFFC000  }
0x44: {  	[tilespmem:s25], [sflag:$0x1] =	stream.indirect.gather [hbm4b:s4+s23], $0x80, s2, s23, $0xb8;
	[tilespmem:$0x1E400] =	vst v63  }
0x45: {  	s3 =	simm.s32 $0x1400  }
0x46: {  	[spmem:s1] =	stream.indirect.scatter.add.f32 [tilespmem:s20], [sflag:$0x2], $0x80, s3, s23, $0xb8;
	[tilespmem:$0x1E400] =	vst v63  }
0x47: {  	_ =	swait.ge [sflag:s21], $0x4000  }
0x48: {  	[sflag:s21] =	ssyncset.done $0x0  }
0x49: {  	[sflag:s21] =	ssyncadd.s32 $0xFFFFC000  }
0x4a: {  	_ =	swait.ge [sflag:s24], $0x4000  }
0x4b: {  	[sflag:s24] =	ssyncset.done $0x0  }
0x4c: {  	s2 =	simm.s32 $0x100;
	[sflag:s24] =	ssyncadd.s32 $0xFFFFC000  }
0x4d: {  	[tilespmem:s20], [sflag:$0x1] =	stream.indirect.gather [hbm4b:s4+s23], $0x80, s2, s23, $0xb8;
	[tilespmem:$0x1E400] =	vst v63  }
0x4e: {  	s3 =	simm.s32 $0x1480  }
0x4f: {  	[spmem:s1] =	stream.indirect.scatter.add.f32 [tilespmem:s25], [sflag:$0x2], $0x80, s3, s23, $0xb8;
	[tilespmem:$0x1E400] =	vst v63  }
0x50: {  	_ =	swait.ge [sflag:s21], $0x4000  }
0x51: {  	s31 =	simm.s32 $0x400;
	[sflag:s21] =	ssyncset.done $0x0  }
.LBB2_4:
0x52: {  	p0 =	sne.s32 s31, $0x4800  }
0x53: {  	[sflag:s21] =	ssyncadd.s32 $0xFFFFC000;
	s0 =	smov.u32 s31;
	s31 =	sadd.s32 $0x400, s31  }
0x54: {  	_ = 	snop  }
0x55: {  	_ =	swait.ge [sflag:s24], $0x4000  }
0x56: {  	s0 =	sshra.s32 s0, $0x2;
	[sflag:s24] =	ssyncset.done $0x0  }
0x57: {  	s2 =	sadd.s32 $0x80, s0;
	[sflag:s24] =	ssyncadd.s32 $0xFFFFC000  }
0x58: {  	[tilespmem:s25], [sflag:$0x1] =	stream.indirect.gather [hbm4b:s4+s23], $0x80, s2, s23, $0xb8;
	[tilespmem:$0x1E400] =	vst v63  }
0x59: {  	s2 =	sadd.s32 $0x1400, s0  }
0x5a: {  	[spmem:s1] =	stream.indirect.scatter.add.f32 [tilespmem:s20], [sflag:$0x2], $0x80, s2, s23, $0xb8;
	[tilespmem:$0x1E400] =	vst v63  }
0x5b: {  	_ =	swait.ge [sflag:s21], $0x4000  }
0x5c: {  	[sflag:s21] =	ssyncset.done $0x0  }
0x5d: {  	[sflag:s21] =	ssyncadd.s32 $0xFFFFC000  }
0x5e: {  	_ =	swait.ge [sflag:s24], $0x4000  }
0x5f: {  	[sflag:s24] =	ssyncset.done $0x0  }
0x60: {  	s2 =	sadd.s32 $0x100, s0;
	[sflag:s24] =	ssyncadd.s32 $0xFFFFC000  }
0x61: {  	[tilespmem:s20], [sflag:$0x1] =	stream.indirect.gather [hbm4b:s4+s23], $0x80, s2, s23, $0xb8;
	[tilespmem:$0x1E400] =	vst v63  }
.Ltmp1:
0x62: {  	_ = 	snop;
	(pc) =	sbr.rel @p0 .LBB2_4-.Ltmp1, $4  }
0x63: {  	s0 =	sadd.s32 $0x1480, s0  }
0x64: {  	[spmem:s1] =	stream.indirect.scatter.add.f32 [tilespmem:s25], [sflag:$0x2], $0x80, s0, s23, $0xb8;
	[tilespmem:$0x1E400] =	vst v63  }
0x65: {  	_ =	swait.ge [sflag:s21], $0x4000  }
0x66: {  	[sflag:s21] =	ssyncset.done $0x0  }
0x67: {  	[sflag:s21] =	ssyncadd.s32 $0xFFFFC000  }
0x68: {  	_ =	swait.ge [sflag:s24], $0x4000  }
0x69: {  	[sflag:s24] =	ssyncset.done $0x0  }
0x6a: {  	[sflag:s24] =	ssyncadd.s32 $0xFFFFC000  }
0x6b: {  	[tilespmem:s25], [sflag:$0x1] =	stream.indirect.gather [hbm4b:s4+s23], $0x80, s26, s23, $0xb8;
	[tilespmem:$0x1E400] =	vst v63  }
0x6c: {  	_ = 	snop  }
0x6d: {  	[spmem:s1] =	stream.indirect.scatter.add.f32 [tilespmem:s20], [sflag:$0x2], $0x80, s28, s23, $0xb8;
	[tilespmem:$0x1E400] =	vst v63  }
0x6e: {  	_ =	swait.ge [sflag:s21], $0x4000  }
0x6f: {  	[sflag:s21] =	ssyncset.done $0x0  }
0x70: {  	[sflag:s21] =	ssyncadd.s32 $0xFFFFC000  }
0x71: {  	_ =	swait.ge [sflag:s24], $0x4000  }
0x72: {  	[sflag:s24] =	ssyncset.done $0x0  }
0x73: {  	[sflag:s24] =	ssyncadd.s32 $0xFFFFC000  }
0x74: {  	[spmem:s1] =	stream.indirect.scatter.add.f32 [tilespmem:s25], [sflag:$0x2], $0x80, s29, s23, $0xb8;
	[tilespmem:$0x1E400] =	vst v63  }
0x75: {  	_ =	swait.ge [sflag:s21], $0x4000  }
0x76: {  	[sflag:s21] =	ssyncset.done $0x0  }
0x77: {  	s0 =	simm.s32 $0x0;
	[sflag:s21] =	ssyncadd.s32 $0xFFFFC000  }
0x78: {  	[tilespmem:s0], [sflag:$0x2] =	stream.linear.gather [hbm4b:s12+s0], $0x1400, $0x38;
	[tilespmem:$0x1E400] =	vst v63  }
0x79: {  	_ =	swait.ge [sflag:s21], $0x1400  }
0x7a: {  	[sflag:s21] =	ssyncset.done $0x0  }
0x7b: {  	[sflag:s21] =	ssyncadd.s32 $0xFFFFEC00  }
0x7c: {  	[tilespmem:s22], [sflag:$0x2] =	stream.linear.gather [hbm4b:s13+s0], $0x1400, $0x38;
	[tilespmem:$0x1E400] =	vst v63  }
0x7d: {  	_ =	swait.ge [sflag:s21], $0x1400  }
0x7e: {  	[sflag:s21] =	ssyncset.done $0x0  }
0x7f: {  	[sflag:s21] =	ssyncadd.s32 $0xFFFFEC00  }
0x80: {  	[tilespmem:s20], [sflag:$0x1] =	stream.indirect.gather [hbm4b:s4+s23], $0x80, s0, s23, $0xb8;
	[tilespmem:$0x1E400] =	vst v63  }
0x81: {  	_ =	swait.ge [sflag:s24], $0x4000  }
0x82: {  	[sflag:s24] =	ssyncset.done $0x0  }
0x83: {  	s2 =	simm.s32 $0x80;
	[sflag:s24] =	ssyncadd.s32 $0xFFFFC000  }
0x84: {  	[tilespmem:s25], [sflag:$0x1] =	stream.indirect.gather [hbm4b:s4+s23], $0x80, s2, s23, $0xb8;
	[tilespmem:$0x1E400] =	vst v63  }
0x85: {  	s3 =	simm.s32 $0x1400  }
0x86: {  	[spmem:s1] =	stream.indirect.scatter.add.f32 [tilespmem:s20], [sflag:$0x2], $0x80, s3, s23, $0xb8;
	[tilespmem:$0x1E400] =	vst v63  }
0x87: {  	_ =	swait.ge [sflag:s21], $0x4000  }
0x88: {  	[sflag:s21] =	ssyncset.done $0x0  }
0x89: {  	[sflag:s21] =	ssyncadd.s32 $0xFFFFC000  }
0x8a: {  	_ =	swait.ge [sflag:s24], $0x4000  }
0x8b: {  	[sflag:s24] =	ssyncset.done $0x0  }
0x8c: {  	s2 =	simm.s32 $0x100;
	[sflag:s24] =	ssyncadd.s32 $0xFFFFC000  }
0x8d: {  	[tilespmem:s20], [sflag:$0x1] =	stream.indirect.gather [hbm4b:s4+s23], $0x80, s2, s23, $0xb8;
	[tilespmem:$0x1E400] =	vst v63  }
0x8e: {  	s3 =	simm.s32 $0x1480  }
0x8f: {  	[spmem:s1] =	stream.indirect.scatter.add.f32 [tilespmem:s25], [sflag:$0x2], $0x80, s3, s23, $0xb8;
	[tilespmem:$0x1E400] =	vst v63  }
0x90: {  	_ =	swait.ge [sflag:s21], $0x4000  }
0x91: {  	s31 =	simm.s32 $0x400;
	[sflag:s21] =	ssyncset.done $0x0  }
.LBB2_6:
0x92: {  	p0 =	sne.s32 s31, $0x4800  }
0x93: {  	[sflag:s21] =	ssyncadd.s32 $0xFFFFC000;
	s0 =	smov.u32 s31;
	s31 =	sadd.s32 $0x400, s31  }
0x94: {  	_ = 	snop  }
0x95: {  	_ =	swait.ge [sflag:s24], $0x4000  }
0x96: {  	s0 =	sshra.s32 s0, $0x2;
	[sflag:s24] =	ssyncset.done $0x0  }
0x97: {  	s2 =	sadd.s32 $0x80, s0;
	[sflag:s24] =	ssyncadd.s32 $0xFFFFC000  }
0x98: {  	[tilespmem:s25], [sflag:$0x1] =	stream.indirect.gather [hbm4b:s4+s23], $0x80, s2, s23, $0xb8;
	[tilespmem:$0x1E400] =	vst v63  }
0x99: {  	s2 =	sadd.s32 $0x1400, s0  }
0x9a: {  	[spmem:s1] =	stream.indirect.scatter.add.f32 [tilespmem:s20], [sflag:$0x2], $0x80, s2, s23, $0xb8;
	[tilespmem:$0x1E400] =	vst v63  }
0x9b: {  	_ =	swait.ge [sflag:s21], $0x4000  }
0x9c: {  	[sflag:s21] =	ssyncset.done $0x0  }
0x9d: {  	[sflag:s21] =	ssyncadd.s32 $0xFFFFC000  }
0x9e: {  	_ =	swait.ge [sflag:s24], $0x4000  }
0x9f: {  	[sflag:s24] =	ssyncset.done $0x0  }
0xa0: {  	s2 =	sadd.s32 $0x100, s0;
	[sflag:s24] =	ssyncadd.s32 $0xFFFFC000  }
0xa1: {  	[tilespmem:s20], [sflag:$0x1] =	stream.indirect.gather [hbm4b:s4+s23], $0x80, s2, s23, $0xb8;
	[tilespmem:$0x1E400] =	vst v63  }
.Ltmp2:
0xa2: {  	_ = 	snop;
	(pc) =	sbr.rel @p0 .LBB2_6-.Ltmp2, $4  }
0xa3: {  	s0 =	sadd.s32 $0x1480, s0  }
0xa4: {  	[spmem:s1] =	stream.indirect.scatter.add.f32 [tilespmem:s25], [sflag:$0x2], $0x80, s0, s23, $0xb8;
	[tilespmem:$0x1E400] =	vst v63  }
0xa5: {  	_ =	swait.ge [sflag:s21], $0x4000  }
0xa6: {  	[sflag:s21] =	ssyncset.done $0x0  }
0xa7: {  	[sflag:s21] =	ssyncadd.s32 $0xFFFFC000  }
0xa8: {  	_ =	swait.ge [sflag:s24], $0x4000  }
0xa9: {  	[sflag:s24] =	ssyncset.done $0x0  }
0xaa: {  	[sflag:s24] =	ssyncadd.s32 $0xFFFFC000  }
0xab: {  	[tilespmem:s25], [sflag:$0x1] =	stream.indirect.gather [hbm4b:s4+s23], $0x80, s26, s23, $0xb8;
	[tilespmem:$0x1E400] =	vst v63  }
0xac: {  	_ = 	snop  }
0xad: {  	[spmem:s1] =	stream.indirect.scatter.add.f32 [tilespmem:s20], [sflag:$0x2], $0x80, s28, s23, $0xb8;
	[tilespmem:$0x1E400] =	vst v63  }
0xae: {  	_ =	swait.ge [sflag:s21], $0x4000  }
0xaf: {  	[sflag:s21] =	ssyncset.done $0x0  }
0xb0: {  	[sflag:s21] =	ssyncadd.s32 $0xFFFFC000  }
0xb1: {  	_ =	swait.ge [sflag:s24], $0x4000  }
0xb2: {  	[sflag:s24] =	ssyncset.done $0x0  }
0xb3: {  	[sflag:s24] =	ssyncadd.s32 $0xFFFFC000  }
0xb4: {  	[spmem:s1] =	stream.indirect.scatter.add.f32 [tilespmem:s25], [sflag:$0x2], $0x80, s29, s23, $0xb8;
	[tilespmem:$0x1E400] =	vst v63  }
0xb5: {  	_ =	swait.ge [sflag:s21], $0x4000  }
0xb6: {  	s0 =	stileid.u32;
	[sflag:s21] =	ssyncset.done $0x0  }
0xb7: {  	s0 =	sshll.u32 s0, $0x6;
	[sflag:s21] =	ssyncadd.s32 $0xFFFFC000  }
0xb8: {  	s2 =	sshrl.u32 s5, $0x3;
	s0 =	sor.u32 $0x1C02, s0;
	[bflag:$0x0] =	sbarrier.arrive $0xFFFF  }
0xb9: {  	[hbm:s14], [sflag:s0] =	dma.local [spmem:s2], $0x800  }
0xba: {  	_ =	swait.ge [sflag:s21], $0x800  }
0xbb: {  	[sflag:s21] =	ssyncset.done $0x0  }
0xbc: {  	s3 =	sshrl.u32 s6, $0x3;
	[sflag:s21] =	ssyncadd.s32 $0xFFFFF800  }
0xbd: {  	[hbm:s15], [sflag:s0] =	dma.local [spmem:s3], $0x800  }
0xbe: {  	_ =	swait.ge [sflag:s21], $0x800  }
0xbf: {  	[sflag:s21] =	ssyncset.done $0x0  }
0xc0: {  	s31 =	sshrl.u32 s7, $0x3;
	[sflag:s21] =	ssyncadd.s32 $0xFFFFF800  }
0xc1: {  	[hbm:s16], [sflag:s0] =	dma.local [spmem:s31], $0x800  }
0xc2: {  	_ =	swait.ge [sflag:s21], $0x800  }
0xc3: {  	[sflag:s21] =	ssyncset.done $0x0  }
0xc4: {  	s3 =	sshrl.u32 s8, $0x3;
	[sflag:s21] =	ssyncadd.s32 $0xFFFFF800  }
0xc5: {  	[hbm:s17], [sflag:s0] =	dma.local [spmem:s3], $0x800  }
0xc6: {  	s30 =	sadd.s32 $0x1, s30;
	_ =	swait.ge [sflag:s21], $0x800  }
0xc7: {  	p0 =	sne.s32 s30, s19;
	[sflag:s21] =	ssyncset.done $0x0  }
.Ltmp3:
0xc8: {  	s31 =	sshrl.u32 s9, $0x3;
	[sflag:s21] =	ssyncadd.s32 $0xFFFFF800;
	(pc) =	sbr.rel @p0 .LBB2_1-.Ltmp3, $4  }
0xc9: {  	[hbm:s18], [sflag:s0] =	dma.local [spmem:s31], $0x780  }
0xca: {  	_ =	swait.ge [sflag:s21], $0x780  }
0xcb: {  	[sflag:s21] =	ssyncset.done $0x0  }
0xcc: {  	[sflag:s21] =	ssyncadd.s32 $0xFFFFF880  }
0xcd: {  	_ =	sfence.sel $0x180000  }
0xce: {  	[bflag:$0x0] =	sbarrier.arrive $0xFFFF  }
0xcf: {  	_ =	strace $0x90000050  }
0xd0: {  	s0 =	stileid.u32;
	[bflag:$0x2] =	sbarrier.arrive $0xFFFF  }
0xd1: {  	p0 =	sne.s32 s0, $0x0;
	s0 =	rddreg [dreg:$0x2]  }
0xd2: {  	s0 =	sadd.s32 @!p0 $0x100000, s0  }
0xd3: {  	[sflag:s0] =	ssyncadd.tile.s32 @!p0 $0x1;
	_ =	shalt  }
.Lfunc_end2:
_tile_overlayer_lowered:
.L_overlay_start_2:
0xd4: {  	(tag) =	ssettag $0x2  }
0xd5: {  	s0 =	rddreg [dreg:$0x0];
	s2 =	stileid.u32  }
0xd6: {  	s1 =	rddreg [dreg:$0x1];
	p0 =	sne.s32 s2, $0x0  }
0xd7: {  	s3 =	rddreg [dreg:$0x2];
	[bflag:$0x3] =	sbarrier.arrive $0xFFFF;
	s2 =	simm.s32 @!p0 $0x1C02  }
0xd8: {  	[timem:s3], [sflag:s2] =	dma.local @!p0 [hbm:s0], s1  }
0xd9: {  	s0 =	simm.s32 @!p0 $0x2  }
0xda: {  	_ =	swait.ge @!p0 [sflag:s0], s1  }
0xdb: {  	s1 =	ssub.s32 @!p0 $0x0, s1;
	[sflag:s0] =	ssyncset.done @!p0 $0x0  }
0xdc: {  	[sflag:s0] =	ssyncadd.s32 @!p0 s1  }
0xdd: {  	[bflag:$0x3] =	sbarrier.arrive $0xFFFF  }
0xde: {  	_ =	shalt  }

// kernel: kernel.25.cloned.1.call-start
scs
__scs_entry_jumppad:
0x0: {  	(pc) =	sbr.rel $0x88, $3  }
0x1: {  	(tag) =	ssettag $0x0;
	lr =	simm.s32 $0x1  }
0x2: {  	[smem:$0x3F94] =	sst lr;
	_ =	strace $0xD0000000  }
0x3: {  	_ = 	snop  }
0x4: {  	_ = 	snop  }
0x5: {  	_ = 	snop  }
0x6: {  	_ = 	snop  }
0x7: {  	_ = 	snop  }
__scs_overlays_trampoline_lowered:
0x8: {  	[smem:$0x3FA3] =	sst s0  }
0x9: {  	[smem:$0x3FA4] =	sst s1  }
0xa: {  	[smem:$0x3FA5] =	sst s2  }
0xb: {  	[smem:$0x3FA6] =	sst s3  }
0xc: {  	[smem:$0x3FA7] =	sst s4  }
0xd: {  	[smem:$0x3FA8] =	sst s5  }
0xe: {  	[smem:$0x3FA9] =	sst s6  }
0xf: {  	[smem:$0x3FAA] =	sst s7  }
0x10: {  	[smem:$0x3FAB] =	sst s8  }
0x11: {  	[smem:$0x3FAC] =	sst s9;
	s0 =	simm.s32 @!p0 $0x0  }
0x12: {  	s1 =	sld [smem:$0x3F92];
	s0 =	simm.s32 @p0 $0x1  }
0x13: {  	[smem:$0x3FAD] =	sst s0;
	s0 =	simm.s32 @!p1 $0x0  }
0x14: {  	s2 =	sld [smem:$0x3F91];
	s0 =	simm.s32 @p1 $0x1  }
0x15: {  	[smem:$0x3FAE] =	sst s0;
	s0 =	simm.s32 @!p2 $0x0  }
0x16: {  	s3 =	sld [smem:$0x3FDB];
	s0 =	simm.s32 @p2 $0x1  }
0x17: {  	s4 =	simm.s32 $0x1BF5;
	[smem:$0x3FB0] =	sst s0  }
0x18: {  	s0 =	sld [smem:$0x3F93];
	_ =	swait.ge [sflag:s4], $0x0  }
0x19: {  	s7 =	sld [smem:$0x3F94]  }
0x1a: {  	s8 =	sadd.s32 $0xFFFFE003, lr  }
0x1b: {  	s9 =	sadd.s32 $0xFFFFFEF7, lr;
	s5 =	simm.s32 $0xFFFFFFFF;
	p2 =	slt.u32 s8, $0xFFFFF086  }
0x1c: {  	p1 =	slt.u32 s9, $0xF7A;
	s5 =	simm.s32 @!p2 $0x0  }
0x1d: {  	s5 =	simm.s32 @p1 $0x1;
	p0 =	seq.s32 s7, s2  }
0x1e: {  	s7 =	smul.u32 @!p0 $0xF7A, s2;
	p2 =	seq.s32 @!p0 s5, $0x0  }
0x1f: {  	s9 =	smul.u32 $0xF7A, s1;
	s8 =	simm.s32 @!p0 $0x1BF5;
	p2 =	por !p2, p0  }
0x20: {  	[sflag:s8] =	ssyncset.s32 @!p0 $0xFFFFF086;
	s6 =	sadd.s32 @!p0 s3, s7;
	s7 =	simm.s32 @!p0 $0x108  }
0x21: {  	s3 =	sadd.s32 s3, s9;
	s6 =	sadd.s32 @!p0 $0x88, s6;
	s7 =	simm.s32 @p2 $0x1082  }
0x22: {  	[simem:s7], [sflag:s8] =	dma.local @!p0 [hbm:s6], $0xF7A  }
0x23: {  	s9 =	sor.u32 $0xD0000000, s2;
	s6 =	simm.s32 $0x108;
	_ =	swait.ge @!p0 [sflag:s8], $0x0  }
0x24: {  	s3 =	sadd.s32 $0x88, s3;
	s6 =	simm.s32 @!p1 $0x1082;
	[sflag:s4] =	ssyncset.s32 $0xFFFFF086  }
0x25: {  	[simem:s6], [sflag:s4] =	dma.local [hbm:s3], $0xF7A  }
0x26: {  	[smem:$0x3F94] =	sst s1;
	(tag) =	ssettag s2;
	_ =	strace s9  }
0x27: {  	s1 =	sld [smem:$0x3FA4]  }
0x28: {  	s2 =	sld [smem:$0x3FA5]  }
0x29: {  	s4 =	sld [smem:$0x3FA7]  }
0x2a: {  	p0 =	seq.s32 s5, $0x0;
	s5 =	sld [smem:$0x3FA8]  }
0x2b: {  	s6 =	sld [smem:$0x3FA9]  }
0x2c: {  	s7 =	sld [smem:$0x3FAA]  }
0x2d: {  	s3 =	simm.s32 $0x108;
	s8 =	sld [smem:$0x3FAB]  }
0x2e: {  	s3 =	simm.s32 @!p0 $0x1082;
	s9 =	sld [smem:$0x3FAC]  }
0x2f: {  	lr =	sadd.s32 s0, s3;
	s0 =	sld [smem:$0x3FA3]  }
0x30: {  	s3 =	sld [smem:$0x3FA6]  }
0x31: {  	[smem:$0x3FAF] =	sst s10  }
0x32: {  	s10 =	sld [smem:$0x3FAD];
	_ =	sdelay $0x3  }
0x33: {  	p0 =	seq.s32 s10, $0x1;
	s10 =	sld [smem:$0x3FAF];
	_ =	sdelay $0x3  }
0x34: {  	[smem:$0x3FAF] =	sst s10  }
0x35: {  	s10 =	sld [smem:$0x3FAE];
	_ =	sdelay $0x3  }
0x36: {  	p1 =	seq.s32 s10, $0x1;
	s10 =	sld [smem:$0x3FAF];
	_ =	sdelay $0x3  }
0x37: {  	[smem:$0x3FAF] =	sst s10  }
0x38: {  	s10 =	sld [smem:$0x3FB0]  }
0x39: {  	_ = 	snop;
	(pc) =	sbr.ind lr, $3  }
0x3a: {  	_ = 	snop  }
0x3b: {  	_ = 	snop  }
0x3c: {  	p2 =	seq.s32 s10, $0x1;
	s10 =	sld [smem:$0x3FAF]  }
0x3d: {  	_ =	shalt  }
0x3e: {  	_ =	shalt  }
0x3f: {  	_ =	shalt  }
0x40: {  	_ =	shalt  }
0x41: {  	_ =	shalt  }
0x42: {  	_ =	shalt  }
0x43: {  	_ =	shalt  }
0x44: {  	_ =	shalt  }
0x45: {  	_ =	shalt  }
0x46: {  	_ =	shalt  }
0x47: {  	_ =	shalt  }
0x48: {  	_ =	shalt  }
0x49: {  	_ =	shalt  }
0x4a: {  	_ =	shalt  }
0x4b: {  	_ =	shalt  }
0x4c: {  	_ =	shalt  }
0x4d: {  	_ =	shalt  }
0x4e: {  	_ =	shalt  }
0x4f: {  	_ =	shalt  }
0x50: {  	_ =	shalt  }
0x51: {  	_ =	shalt  }
0x52: {  	_ =	shalt  }
0x53: {  	_ =	shalt  }
0x54: {  	_ =	shalt  }
0x55: {  	_ =	shalt  }
0x56: {  	_ =	shalt  }
0x57: {  	_ =	shalt  }
0x58: {  	_ =	shalt  }
0x59: {  	_ =	shalt  }
0x5a: {  	_ =	shalt  }
0x5b: {  	_ =	shalt  }
0x5c: {  	_ =	shalt  }
0x5d: {  	_ =	shalt  }
0x5e: {  	_ =	shalt  }
0x5f: {  	_ =	shalt  }
0x60: {  	_ =	shalt  }
0x61: {  	_ =	shalt  }
0x62: {  	_ =	shalt  }
0x63: {  	_ =	shalt  }
0x64: {  	_ =	shalt  }
0x65: {  	_ =	shalt  }
0x66: {  	_ =	shalt  }
0x67: {  	_ =	shalt  }
0x68: {  	_ =	shalt  }
0x69: {  	_ =	shalt  }
0x6a: {  	_ =	shalt  }
0x6b: {  	_ =	shalt  }
0x6c: {  	_ =	shalt  }
0x6d: {  	_ =	shalt  }
0x6e: {  	_ =	shalt  }
0x6f: {  	_ =	shalt  }
0x70: {  	_ =	shalt  }
0x71: {  	_ =	shalt  }
0x72: {  	_ =	shalt  }
0x73: {  	_ =	shalt  }
0x74: {  	_ =	shalt  }
0x75: {  	_ =	shalt  }
0x76: {  	_ =	shalt  }
0x77: {  	_ =	shalt  }
0x78: {  	_ =	shalt  }
0x79: {  	_ =	shalt  }
0x7a: {  	_ =	shalt  }
0x7b: {  	_ =	shalt  }
0x7c: {  	_ =	shalt  }
0x7d: {  	_ =	shalt  }
0x7e: {  	_ =	shalt  }
0x7f: {  	_ =	shalt  }
0x80: {  	_ =	shalt  }
0x81: {  	_ =	shalt  }
0x82: {  	_ =	shalt  }
0x83: {  	_ =	shalt  }
0x84: {  	_ =	shalt  }
0x85: {  	_ =	shalt  }
0x86: {  	_ =	shalt  }
0x87: {  	_ =	shalt  }
.Lfunc_end0:
.L_simem_size_0:
called_computation.4_lowered:
.L_overlay_start_0:
0x88: {  	s2 =	sld [smem:$0x3FD9]  }
0x89: {  	s3 =	sld [smem:$0x3FFE];
	_ =	sdelay $0x1  }
0x8a: {  	s1 =	srdreg.scid  }
0x8b: {  	s0 =	sand.u32 $0x1, s1  }
0x8c: {  	s16 =	sshll.u32 s0, $0xA;
	s2 =	sadd.s32 s3, s2  }
0x8d: {  	s2 =	sadd.s32 s2, s16  }
0x8e: {  	[smem:$0x3FBB] =	sst s2  }
0x8f: {  	_ = 	snop  }
0x90: {  	(tm) =	ssettm $0x1  }
0x91: {  	s17 =	sld [smem:$0x3FFB];
	_ =	sdelay $0x3  }
0x92: {  	_ =	strace s17  }
0x93: {  	s2 =	sld [smem:$0x3FFC];
	_ =	sdelay $0x3  }
0x94: {  	_ =	strace s2  }
0x95: {  	s2 =	sld [smem:$0x3FFD];
	_ =	sdelay $0x3  }
0x96: {  	_ =	strace s2  }
0x97: {  	_ =	strace $0x8FFFFFFF  }
0x98: {  	s18 =	sld [smem:$0x3FDB];
	_ =	sdelay $0x1  }
0x99: {  	s19 =	simm.s32 $_scs_section_size  }
0x9a: {  	s4 =	simm.s32 $_size__tile_overlayer_lowered;
	s5 =	simm.s32 $_tile_overlayer_lowered  }
0x9b: {  	s22 =	simm.s32 $0x1BFF;
	s21 =	sshll.u32 s5, $0x1;
	s2 =	sadd.s32 s19, s18  }
0x9c: {  	s6 =	simm.s32 $0x0;
	s20 =	sshll.u32 s4, $0x1;
	s4 =	sadd.s32 s21, s2  }
0x9d: {  	[timem:s6], [sflag:s22] =	dma.local [hbm:s4], s20  }
0x9e: {  	_ =	swait.ge [sflag:s22], s20  }
0x9f: {  	s3 =	ssub.s32 $0x0, s20;
	[sflag:s22] =	ssyncset.done $0x0  }
0xa0: {  	[sflag:s22] =	ssyncadd.s32 s3;
	_ =	sdelay $0x1  }
0xa1: {  	s23 =	simm.s32 $0x1B8B  }
0xa2: {  	_ =	swait.ge [sflag:s23], $0x1  }
0xa3: {  	[sflag:s23] =	ssyncset.done $0x0  }
0xa4: {  	s25 =	simm.s32 $0x1B8E;
	s24 =	sld [smem:$0x3FFE];
	[sflag:s23] =	ssyncadd.s32 $0xFFFFFFFF  }
0xa5: {  	s26 =	simm.s32 $execute0_lowered;
	[smem:$0x3FD2] =	sst s25  }
0xa6: {  	s4 =	sshll.u32 s26, $0x1;
	_ =	strace $0x80000052;
	[dreg:$0x1] =	wrdreg $0xFFFFFFFF  }
0xa7: {  	s28 =	simm.s32 $_size_execute0_lowered;
	s2 =	sadd.s32 s2, s4;
	[dreg:$0x0] =	wrdreg $0x0  }
0xa8: {  	s4 =	sshll.u32 s28, $0x1;
	[dreg:$0x2] =	wrdreg s2  }
0xa9: {  	[dreg:$0x3] =	wrdreg s4  }
0xaa: {  	[dreg:$0x4] =	wrdreg $0xC0  }
0xab: {  	_ =	task [dreg:s6], $0x5FFFF  }
0xac: {  	[dreg:$0x1] =	wrdreg $0xFFFFFFFF  }
0xad: {  	[dreg:$0x0] =	wrdreg $0x60  }
0xae: {  	[dreg:$0x2] =	wrdreg s24  }
0xaf: {  	[dreg:$0x3] =	wrdreg $0xA8000  }
0xb0: {  	[dreg:$0x4] =	wrdreg $0x9  }
0xb1: {  	_ =	task.clear_ibuf [dreg:s6], $0x5FFFF;
	_ =	strace $0x90000052  }
0xb2: {  	s29 =	simm.s32 $0x9;
	_ =	strace $0x80000054  }
0xb3: {  	_ =	swait.ge [sflag:s29], $0x1  }
0xb4: {  	[sflag:s29] =	ssyncadd.s32 $0xFFFFFFFF  }
0xb5: {  	_ =	strace $0x90000054  }
0xb6: {  	_ =	sfence  }
0xb7: {  	s30 =	sld [smem:$0x0];
	_ =	sdelay $0x2  }
0xb8: {  	s31 =	sshll.u32 s1, $0xD;
	s1 =	sshrl.u32 s1, $0x2  }
0xb9: {  	s3 =	sand.u32 $0x4000, s31;
	s1 =	sadd.s32 s1, s30  }
0xba: {  	s0 =	sor.u32 s3, s0;
	s1 =	sshll.u32 s1, $0x11  }
0xbb: {  	s0 =	sor.u32 s1, s0  }
0xbc: {  	s0 =	sadd.s32 $0x8F2B, s0  }
0xbd: {  	[sflag:s0] =	ssyncadd.remote.s32 $0x1  }
0xbe: {  	_ =	sfence.sel $0xFFFF  }
0xbf: {  	[dreg:$0x0] =	wrdreg $0xFFFFFFFF;
	(pc) =	sbr.abs _section_cstart, $3  }
0xc0: {  	[dreg:$0x1] =	wrdreg $0xFFFFFFFF  }
0xc1: {  	_ =	task.clear_ibuf [dreg:s6], $0x2FFFF;
	_ =	strace $0x9FFFFFFF  }
0xc2: {  	(tm) =	ssettm $0x7FFFFFFF  }
0xc3: {  	_ =	shalt  }
tec
execute0_lowered:
.L_overlay_start_1:
0x0: {  	(tag) =	ssettag $0x1  }
0x1: {  	s0 =	rddreg [dreg:$0x0]  }
0x2: {  	s1 =	rddreg [dreg:$0x1];
	s2 =	simm.s32 $0x0  }
0x3: {  	s3 =	srdreg.scid;
	s26 =	stileid.u32;
	s21 =	simm.s32 $0x2  }
0x4: {  	s22 =	simm.s32 $0x1400;
	s23 =	simm.s32 $0x80;
	s24 =	simm.s32 $0x1  }
0x5: {  	s25 =	simm.s32 $0x6800;
	s28 =	simm.s32 $0x2700;
	s29 =	simm.s32 $0x2780  }
0x6: {  	s30 =	simm.s32 $0x0;
	[smem:$0x7FF] =	sst s2;
	s4 =	sadd.s32 $0x17A00, s0  }
0x7: {  	s3 =	sand.u32 $0x1, s3;
	s12 =	sadd.s32 $0x3A00, s0;
	s6 =	smul.u32 $0x4F000, s26  }
0x8: {  	s13 =	sadd.s32 $0xDA00, s0;
	s0 =	sadd.s32 $0x3F200, s0;
	s14 =	smul.u32 $0x13C00, s26  }
0x9: {  	_ =	strace $0x80000053;
	s5 =	ssub.s32 $0x2, s3;
	s8 =	sshll.u32 s3, $0x4  }
0xa: {  	s3 =	smul.u32 $0x13C000, s3;
	s7 =	sshrl.u32 s5, $0x1;
	s6 =	sshrl.u32 s6, $0x2  }
0xb: {  	s31 =	sor.u32 s26, s8;
	s15 =	sadd.s32 $0x4000, s14;
	s16 =	sadd.s32 $0x8000, s14  }
0xc: {  	s17 =	sadd.s32 $0xC000, s14;
	s18 =	sadd.s32 $0x10000, s14;
	s26 =	simm.s32 $0x1380  }
0xd: {  	s19 =	ssub.s32 s5, s7;
	s5 =	sadd.s32 s6, s1;
	s8 =	smul.u32 $0x2800, s31  }
0xe: {  	s6 =	sadd.s32 s15, s1;
	s7 =	sadd.s32 s16, s1;
	s9 =	sadd.s32 s18, s1  }
0xf: {  	s14 =	sadd.s32 s14, s3;
	s15 =	sadd.s32 s3, s15;
	s16 =	sadd.s32 s3, s16  }
0x10: {  	s14 =	sshrl.u32 s14, $0x3;
	s15 =	sshrl.u32 s15, $0x3;
	s16 =	sshrl.u32 s16, $0x3  }
0x11: {  	s19 =	smax.u32 s19, $0x1;
	s20 =	sshrl.u32 s8, $0x3;
	s8 =	sadd.s32 s17, s1  }
0x12: {  	s14 =	sadd.s32 s0, s14;
	s15 =	sadd.s32 s0, s15;
	s17 =	sadd.s32 s3, s17  }
0x13: {  	s3 =	sadd.s32 s3, s18;
	s16 =	sadd.s32 s0, s16;
	s10 =	sadd.s32 s12, s20  }
0x14: {  	s11 =	sadd.s32 s13, s20;
	s20 =	sadd.s32 $0x280, s20;
	s17 =	sshrl.u32 s17, $0x3  }
0x15: {  	s3 =	sshrl.u32 s3, $0x3;
	s12 =	sadd.s32 s12, s20;
	s13 =	sadd.s32 s13, s20  }
0x16: {  	v0 =	vimm.f32 $0.0e+00;
	s17 =	sadd.s32 s0, s17;
	s18 =	sadd.s32 s0, s3;
	s20 =	simm.s32 $0x2800  }
.LBB2_1:
0x17: {  	s2 =	simm.s32 $0x0  }
0x18: {  	s0 =	sand.u32 $0xFE00, s2  }
0x19: {  	s3 =	sand.u32 $0x70, s2;
	s0 =	sshrl.u32 s0, $0x2  }
0x1a: {  	s31 =	simm.s32 $0x40;
	s3 =	sor.u32 s3, s0;
	s0 =	simm.s32 $0x0  }
.LBB2_2:
0x1b: {  	p0 =	sne.s32 s31, $0xFFC0  }
0x1c: {  	[tilespmem:s3+$0x2800] =	vst v0;
	s0 =	sadd.s32 $0x10, s0;
	s3 =	smov.u32 s31;
	s31 =	sadd.s32 $0x40, s31  }
.Ltmp0:
0x1d: {  	(pc) =	sbr.rel @p0 .LBB2_2-.Ltmp0, $4  }
0x1e: {  	_ = 	snop  }
0x1f: {  	s3 =	sand.u32 $0xFE00, s3  }
0x20: {  	s2 =	sand.u32 $0x70, s0;
	s3 =	sshrl.u32 s3, $0x2  }
0x21: {  	s3 =	sor.u32 s2, s3  }
0x22: {  	[tilespmem:s3+$0x2800] =	vst v0  }
0x23: {  	[spmem:s5] =	stream.linear.scatter [tilespmem:s20], [sflag:$0x2], $0x4000, $0x38;
	[tilespmem:$0x1E400] =	vst v63  }
0x24: {  	_ =	swait.ge [sflag:s21], $0x4000  }
0x25: {  	[sflag:s21] =	ssyncset.done $0x0  }
0x26: {  	[sflag:s21] =	ssyncadd.s32 $0xFFFFC000  }
0x27: {  	[spmem:s6] =	stream.linear.scatter [tilespmem:s20], [sflag:$0x2], $0x4000, $0x38;
	[tilespmem:$0x1E400] =	vst v63  }
0x28: {  	_ =	swait.ge [sflag:s21], $0x4000  }
0x29: {  	[sflag:s21] =	ssyncset.done $0x0  }
0x2a: {  	[sflag:s21] =	ssyncadd.s32 $0xFFFFC000  }
0x2b: {  	[spmem:s7] =	stream.linear.scatter [tilespmem:s20], [sflag:$0x2], $0x4000, $0x38;
	[tilespmem:$0x1E400] =	vst v63  }
0x2c: {  	_ =	swait.ge [sflag:s21], $0x4000  }
0x2d: {  	[sflag:s21] =	ssyncset.done $0x0  }
0x2e: {  	[sflag:s21] =	ssyncadd.s32 $0xFFFFC000  }
0x2f: {  	[spmem:s8] =	stream.linear.scatter [tilespmem:s20], [sflag:$0x2], $0x4000, $0x38;
	[tilespmem:$0x1E400] =	vst v63  }
0x30: {  	_ =	swait.ge [sflag:s21], $0x4000  }
0x31: {  	[sflag:s21] =	ssyncset.done $0x0  }
0x32: {  	[sflag:s21] =	ssyncadd.s32 $0xFFFFC000  }
0x33: {  	[spmem:s9] =	stream.linear.scatter [tilespmem:s20], [sflag:$0x2], $0x3C00, $0x38;
	[tilespmem:$0x1E400] =	vst v63  }
0x34: {  	_ =	swait.ge [sflag:s21], $0x3C00  }
0x35: {  	[sflag:s21] =	ssyncset.done $0x0  }
0x36: {  	[sflag:s21] =	ssyncadd.s32 $0xFFFFC400  }
0x37: {  	s0 =	simm.s32 $0x0;
	[bflag:$0x0] =	sbarrier.arrive $0xFFFF  }
0x38: {  	[tilespmem:s0], [sflag:$0x2] =	stream.linear.gather [hbm4b:s10+s0], $0x1400, $0x38;
	[tilespmem:$0x1E400] =	vst v63  }
0x39: {  	_ =	swait.ge [sflag:s21], $0x1400  }
0x3a: {  	[sflag:s21] =	ssyncset.done $0x0  }
0x3b: {  	[sflag:s21] =	ssyncadd.s32 $0xFFFFEC00  }
0x3c: {  	[tilespmem:s22], [sflag:$0x2] =	stream.linear.gather [hbm4b:s11+s0], $0x1400, $0x38;
	[tilespmem:$0x1E400] =	vst v63  }
0x3d: {  	_ =	swait.ge [sflag:s21], $0x1400  }
0x3e: {  	[sflag:s21] =	ssyncset.done $0x0  }
0x3f: {  	[sflag:s21] =	ssyncadd.s32 $0xFFFFEC00  }
0x40: {  	[tilespmem:s20], [sflag:$0x1] =	stream.indirect.gather [hbm4b:s4+s23], $0x80, s0, s23, $0xb8;
	[tilespmem:$0x1E400] =	vst v63  }
0x41: {  	_ =	swait.ge [sflag:s24], $0x4000  }
0x42: {  	[sflag:s24] =	ssyncset.done $0x0  }
0x43: {  	s2 =	simm.s32 $0x80;
	[sflag:s24] =	ssyncadd.s32 $0xFFFFC000  }
0x44: {  	[tilespmem:s25], [sflag:$0x1] =	stream.indirect.gather [hbm4b:s4+s23], $0x80, s2, s23, $0xb8;
	[tilespmem:$0x1E400] =	vst v63  }
0x45: {  	s3 =	simm.s32 $0x1400  }
0x46: {  	[spmem:s1] =	stream.indirect.scatter.add.f32 [tilespmem:s20], [sflag:$0x2], $0x80, s3, s23, $0xb8;
	[tilespmem:$0x1E400] =	vst v63  }
0x47: {  	_ =	swait.ge [sflag:s21], $0x4000  }
0x48: {  	[sflag:s21] =	ssyncset.done $0x0  }
0x49: {  	[sflag:s21] =	ssyncadd.s32 $0xFFFFC000  }
0x4a: {  	_ =	swait.ge [sflag:s24], $0x4000  }
0x4b: {  	[sflag:s24] =	ssyncset.done $0x0  }
0x4c: {  	s2 =	simm.s32 $0x100;
	[sflag:s24] =	ssyncadd.s32 $0xFFFFC000  }
0x4d: {  	[tilespmem:s20], [sflag:$0x1] =	stream.indirect.gather [hbm4b:s4+s23], $0x80, s2, s23, $0xb8;
	[tilespmem:$0x1E400] =	vst v63  }
0x4e: {  	s3 =	simm.s32 $0x1480  }
0x4f: {  	[spmem:s1] =	stream.indirect.scatter.add.f32 [tilespmem:s25], [sflag:$0x2], $0x80, s3, s23, $0xb8;
	[tilespmem:$0x1E400] =	vst v63  }
0x50: {  	_ =	swait.ge [sflag:s21], $0x4000  }
0x51: {  	s31 =	simm.s32 $0x400;
	[sflag:s21] =	ssyncset.done $0x0  }
.LBB2_4:
0x52: {  	p0 =	sne.s32 s31, $0x4800  }
0x53: {  	[sflag:s21] =	ssyncadd.s32 $0xFFFFC000;
	s0 =	smov.u32 s31;
	s31 =	sadd.s32 $0x400, s31  }
0x54: {  	_ = 	snop  }
0x55: {  	_ =	swait.ge [sflag:s24], $0x4000  }
0x56: {  	s0 =	sshra.s32 s0, $0x2;
	[sflag:s24] =	ssyncset.done $0x0  }
0x57: {  	s2 =	sadd.s32 $0x80, s0;
	[sflag:s24] =	ssyncadd.s32 $0xFFFFC000  }
0x58: {  	[tilespmem:s25], [sflag:$0x1] =	stream.indirect.gather [hbm4b:s4+s23], $0x80, s2, s23, $0xb8;
	[tilespmem:$0x1E400] =	vst v63  }
0x59: {  	s2 =	sadd.s32 $0x1400, s0  }
0x5a: {  	[spmem:s1] =	stream.indirect.scatter.add.f32 [tilespmem:s20], [sflag:$0x2], $0x80, s2, s23, $0xb8;
	[tilespmem:$0x1E400] =	vst v63  }
0x5b: {  	_ =	swait.ge [sflag:s21], $0x4000  }
0x5c: {  	[sflag:s21] =	ssyncset.done $0x0  }
0x5d: {  	[sflag:s21] =	ssyncadd.s32 $0xFFFFC000  }
0x5e: {  	_ =	swait.ge [sflag:s24], $0x4000  }
0x5f: {  	[sflag:s24] =	ssyncset.done $0x0  }
0x60: {  	s2 =	sadd.s32 $0x100, s0;
	[sflag:s24] =	ssyncadd.s32 $0xFFFFC000  }
0x61: {  	[tilespmem:s20], [sflag:$0x1] =	stream.indirect.gather [hbm4b:s4+s23], $0x80, s2, s23, $0xb8;
	[tilespmem:$0x1E400] =	vst v63  }
.Ltmp1:
0x62: {  	_ = 	snop;
	(pc) =	sbr.rel @p0 .LBB2_4-.Ltmp1, $4  }
0x63: {  	s0 =	sadd.s32 $0x1480, s0  }
0x64: {  	[spmem:s1] =	stream.indirect.scatter.add.f32 [tilespmem:s25], [sflag:$0x2], $0x80, s0, s23, $0xb8;
	[tilespmem:$0x1E400] =	vst v63  }
0x65: {  	_ =	swait.ge [sflag:s21], $0x4000  }
0x66: {  	[sflag:s21] =	ssyncset.done $0x0  }
0x67: {  	[sflag:s21] =	ssyncadd.s32 $0xFFFFC000  }
0x68: {  	_ =	swait.ge [sflag:s24], $0x4000  }
0x69: {  	[sflag:s24] =	ssyncset.done $0x0  }
0x6a: {  	[sflag:s24] =	ssyncadd.s32 $0xFFFFC000  }
0x6b: {  	[tilespmem:s25], [sflag:$0x1] =	stream.indirect.gather [hbm4b:s4+s23], $0x80, s26, s23, $0xb8;
	[tilespmem:$0x1E400] =	vst v63  }
0x6c: {  	_ = 	snop  }
0x6d: {  	[spmem:s1] =	stream.indirect.scatter.add.f32 [tilespmem:s20], [sflag:$0x2], $0x80, s28, s23, $0xb8;
	[tilespmem:$0x1E400] =	vst v63  }
0x6e: {  	_ =	swait.ge [sflag:s21], $0x4000  }
0x6f: {  	[sflag:s21] =	ssyncset.done $0x0  }
0x70: {  	[sflag:s21] =	ssyncadd.s32 $0xFFFFC000  }
0x71: {  	_ =	swait.ge [sflag:s24], $0x4000  }
0x72: {  	[sflag:s24] =	ssyncset.done $0x0  }
0x73: {  	[sflag:s24] =	ssyncadd.s32 $0xFFFFC000  }
0x74: {  	[spmem:s1] =	stream.indirect.scatter.add.f32 [tilespmem:s25], [sflag:$0x2], $0x80, s29, s23, $0xb8;
	[tilespmem:$0x1E400] =	vst v63  }
0x75: {  	_ =	swait.ge [sflag:s21], $0x4000  }
0x76: {  	[sflag:s21] =	ssyncset.done $0x0  }
0x77: {  	s0 =	simm.s32 $0x0;
	[sflag:s21] =	ssyncadd.s32 $0xFFFFC000  }
0x78: {  	[tilespmem:s0], [sflag:$0x2] =	stream.linear.gather [hbm4b:s12+s0], $0x1400, $0x38;
	[tilespmem:$0x1E400] =	vst v63  }
0x79: {  	_ =	swait.ge [sflag:s21], $0x1400  }
0x7a: {  	[sflag:s21] =	ssyncset.done $0x0  }
0x7b: {  	[sflag:s21] =	ssyncadd.s32 $0xFFFFEC00  }
0x7c: {  	[tilespmem:s22], [sflag:$0x2] =	stream.linear.gather [hbm4b:s13+s0], $0x1400, $0x38;
	[tilespmem:$0x1E400] =	vst v63  }
0x7d: {  	_ =	swait.ge [sflag:s21], $0x1400  }
0x7e: {  	[sflag:s21] =	ssyncset.done $0x0  }
0x7f: {  	[sflag:s21] =	ssyncadd.s32 $0xFFFFEC00  }
0x80: {  	[tilespmem:s20], [sflag:$0x1] =	stream.indirect.gather [hbm4b:s4+s23], $0x80, s0, s23, $0xb8;
	[tilespmem:$0x1E400] =	vst v63  }
0x81: {  	_ =	swait.ge [sflag:s24], $0x4000  }
0x82: {  	[sflag:s24] =	ssyncset.done $0x0  }
0x83: {  	s2 =	simm.s32 $0x80;
	[sflag:s24] =	ssyncadd.s32 $0xFFFFC000  }
0x84: {  	[tilespmem:s25], [sflag:$0x1] =	stream.indirect.gather [hbm4b:s4+s23], $0x80, s2, s23, $0xb8;
	[tilespmem:$0x1E400] =	vst v63  }
0x85: {  	s3 =	simm.s32 $0x1400  }
0x86: {  	[spmem:s1] =	stream.indirect.scatter.add.f32 [tilespmem:s20], [sflag:$0x2], $0x80, s3, s23, $0xb8;
	[tilespmem:$0x1E400] =	vst v63  }
0x87: {  	_ =	swait.ge [sflag:s21], $0x4000  }
0x88: {  	[sflag:s21] =	ssyncset.done $0x0  }
0x89: {  	[sflag:s21] =	ssyncadd.s32 $0xFFFFC000  }
0x8a: {  	_ =	swait.ge [sflag:s24], $0x4000  }
0x8b: {  	[sflag:s24] =	ssyncset.done $0x0  }
0x8c: {  	s2 =	simm.s32 $0x100;
	[sflag:s24] =	ssyncadd.s32 $0xFFFFC000  }
0x8d: {  	[tilespmem:s20], [sflag:$0x1] =	stream.indirect.gather [hbm4b:s4+s23], $0x80, s2, s23, $0xb8;
	[tilespmem:$0x1E400] =	vst v63  }
0x8e: {  	s3 =	simm.s32 $0x1480  }
0x8f: {  	[spmem:s1] =	stream.indirect.scatter.add.f32 [tilespmem:s25], [sflag:$0x2], $0x80, s3, s23, $0xb8;
	[tilespmem:$0x1E400] =	vst v63  }
0x90: {  	_ =	swait.ge [sflag:s21], $0x4000  }
0x91: {  	s31 =	simm.s32 $0x400;
	[sflag:s21] =	ssyncset.done $0x0  }
.LBB2_6:
0x92: {  	p0 =	sne.s32 s31, $0x4800  }
0x93: {  	[sflag:s21] =	ssyncadd.s32 $0xFFFFC000;
	s0 =	smov.u32 s31;
	s31 =	sadd.s32 $0x400, s31  }
0x94: {  	_ = 	snop  }
0x95: {  	_ =	swait.ge [sflag:s24], $0x4000  }
0x96: {  	s0 =	sshra.s32 s0, $0x2;
	[sflag:s24] =	ssyncset.done $0x0  }
0x97: {  	s2 =	sadd.s32 $0x80, s0;
	[sflag:s24] =	ssyncadd.s32 $0xFFFFC000  }
0x98: {  	[tilespmem:s25], [sflag:$0x1] =	stream.indirect.gather [hbm4b:s4+s23], $0x80, s2, s23, $0xb8;
	[tilespmem:$0x1E400] =	vst v63  }
0x99: {  	s2 =	sadd.s32 $0x1400, s0  }
0x9a: {  	[spmem:s1] =	stream.indirect.scatter.add.f32 [tilespmem:s20], [sflag:$0x2], $0x80, s2, s23, $0xb8;
	[tilespmem:$0x1E400] =	vst v63  }
0x9b: {  	_ =	swait.ge [sflag:s21], $0x4000  }
0x9c: {  	[sflag:s21] =	ssyncset.done $0x0  }
0x9d: {  	[sflag:s21] =	ssyncadd.s32 $0xFFFFC000  }
0x9e: {  	_ =	swait.ge [sflag:s24], $0x4000  }
0x9f: {  	[sflag:s24] =	ssyncset.done $0x0  }
0xa0: {  	s2 =	sadd.s32 $0x100, s0;
	[sflag:s24] =	ssyncadd.s32 $0xFFFFC000  }
0xa1: {  	[tilespmem:s20], [sflag:$0x1] =	stream.indirect.gather [hbm4b:s4+s23], $0x80, s2, s23, $0xb8;
	[tilespmem:$0x1E400] =	vst v63  }
.Ltmp2:
0xa2: {  	_ = 	snop;
	(pc) =	sbr.rel @p0 .LBB2_6-.Ltmp2, $4  }
0xa3: {  	s0 =	sadd.s32 $0x1480, s0  }
0xa4: {  	[spmem:s1] =	stream.indirect.scatter.add.f32 [tilespmem:s25], [sflag:$0x2], $0x80, s0, s23, $0xb8;
	[tilespmem:$0x1E400] =	vst v63  }
0xa5: {  	_ =	swait.ge [sflag:s21], $0x4000  }
0xa6: {  	[sflag:s21] =	ssyncset.done $0x0  }
0xa7: {  	[sflag:s21] =	ssyncadd.s32 $0xFFFFC000  }
0xa8: {  	_ =	swait.ge [sflag:s24], $0x4000  }
0xa9: {  	[sflag:s24] =	ssyncset.done $0x0  }
0xaa: {  	[sflag:s24] =	ssyncadd.s32 $0xFFFFC000  }
0xab: {  	[tilespmem:s25], [sflag:$0x1] =	stream.indirect.gather [hbm4b:s4+s23], $0x80, s26, s23, $0xb8;
	[tilespmem:$0x1E400] =	vst v63  }
0xac: {  	_ = 	snop  }
0xad: {  	[spmem:s1] =	stream.indirect.scatter.add.f32 [tilespmem:s20], [sflag:$0x2], $0x80, s28, s23, $0xb8;
	[tilespmem:$0x1E400] =	vst v63  }
0xae: {  	_ =	swait.ge [sflag:s21], $0x4000  }
0xaf: {  	[sflag:s21] =	ssyncset.done $0x0  }
0xb0: {  	[sflag:s21] =	ssyncadd.s32 $0xFFFFC000  }
0xb1: {  	_ =	swait.ge [sflag:s24], $0x4000  }
0xb2: {  	[sflag:s24] =	ssyncset.done $0x0  }
0xb3: {  	[sflag:s24] =	ssyncadd.s32 $0xFFFFC000  }
0xb4: {  	[spmem:s1] =	stream.indirect.scatter.add.f32 [tilespmem:s25], [sflag:$0x2], $0x80, s29, s23, $0xb8;
	[tilespmem:$0x1E400] =	vst v63  }
0xb5: {  	_ =	swait.ge [sflag:s21], $0x4000  }
0xb6: {  	s0 =	stileid.u32;
	[sflag:s21] =	ssyncset.done $0x0  }
0xb7: {  	s0 =	sshll.u32 s0, $0x6;
	[sflag:s21] =	ssyncadd.s32 $0xFFFFC000  }
0xb8: {  	s2 =	sshrl.u32 s5, $0x3;
	s0 =	sor.u32 $0x1C02, s0;
	[bflag:$0x0] =	sbarrier.arrive $0xFFFF  }
0xb9: {  	[hbm:s14], [sflag:s0] =	dma.local [spmem:s2], $0x800  }
0xba: {  	_ =	swait.ge [sflag:s21], $0x800  }
0xbb: {  	[sflag:s21] =	ssyncset.done $0x0  }
0xbc: {  	s3 =	sshrl.u32 s6, $0x3;
	[sflag:s21] =	ssyncadd.s32 $0xFFFFF800  }
0xbd: {  	[hbm:s15], [sflag:s0] =	dma.local [spmem:s3], $0x800  }
0xbe: {  	_ =	swait.ge [sflag:s21], $0x800  }
0xbf: {  	[sflag:s21] =	ssyncset.done $0x0  }
0xc0: {  	s31 =	sshrl.u32 s7, $0x3;
	[sflag:s21] =	ssyncadd.s32 $0xFFFFF800  }
0xc1: {  	[hbm:s16], [sflag:s0] =	dma.local [spmem:s31], $0x800  }
0xc2: {  	_ =	swait.ge [sflag:s21], $0x800  }
0xc3: {  	[sflag:s21] =	ssyncset.done $0x0  }
0xc4: {  	s3 =	sshrl.u32 s8, $0x3;
	[sflag:s21] =	ssyncadd.s32 $0xFFFFF800  }
0xc5: {  	[hbm:s17], [sflag:s0] =	dma.local [spmem:s3], $0x800  }
0xc6: {  	s30 =	sadd.s32 $0x1, s30;
	_ =	swait.ge [sflag:s21], $0x800  }
0xc7: {  	p0 =	sne.s32 s30, s19;
	[sflag:s21] =	ssyncset.done $0x0  }
.Ltmp3:
0xc8: {  	s31 =	sshrl.u32 s9, $0x3;
	[sflag:s21] =	ssyncadd.s32 $0xFFFFF800;
	(pc) =	sbr.rel @p0 .LBB2_1-.Ltmp3, $4  }
0xc9: {  	[hbm:s18], [sflag:s0] =	dma.local [spmem:s31], $0x780  }
0xca: {  	_ =	swait.ge [sflag:s21], $0x780  }
0xcb: {  	[sflag:s21] =	ssyncset.done $0x0  }
0xcc: {  	[sflag:s21] =	ssyncadd.s32 $0xFFFFF880  }
0xcd: {  	_ =	sfence.sel $0x180000  }
0xce: {  	[bflag:$0x0] =	sbarrier.arrive $0xFFFF  }
0xcf: {  	_ =	strace $0x90000053  }
0xd0: {  	s0 =	stileid.u32;
	[bflag:$0x2] =	sbarrier.arrive $0xFFFF  }
0xd1: {  	p0 =	sne.s32 s0, $0x0;
	s0 =	rddreg [dreg:$0x2]  }
0xd2: {  	s0 =	sadd.s32 @!p0 $0x100000, s0  }
0xd3: {  	[sflag:s0] =	ssyncadd.tile.s32 @!p0 $0x1;
	_ =	shalt  }
.Lfunc_end2:
_tile_overlayer_lowered:
.L_overlay_start_2:
0xd4: {  	(tag) =	ssettag $0x2  }
0xd5: {  	s0 =	rddreg [dreg:$0x0];
	s2 =	stileid.u32  }
0xd6: {  	s1 =	rddreg [dreg:$0x1];
	p0 =	sne.s32 s2, $0x0  }
0xd7: {  	s3 =	rddreg [dreg:$0x2];
	[bflag:$0x3] =	sbarrier.arrive $0xFFFF;
	s2 =	simm.s32 @!p0 $0x1C02  }
0xd8: {  	[timem:s3], [sflag:s2] =	dma.local @!p0 [hbm:s0], s1  }
0xd9: {  	s0 =	simm.s32 @!p0 $0x2  }
0xda: {  	_ =	swait.ge @!p0 [sflag:s0], s1  }
0xdb: {  	s1 =	ssub.s32 @!p0 $0x0, s1;
	[sflag:s0] =	ssyncset.done @!p0 $0x0  }
0xdc: {  	[sflag:s0] =	ssyncadd.s32 @!p0 s1  }
0xdd: {  	[bflag:$0x3] =	sbarrier.arrive $0xFFFF  }
0xde: {  	_ =	shalt  }

</sc_bundles>
